<compile_context>
chip_gen: v7x
topology: tpu7x:2x2x1
jax: 0.10.2.dev20260603
libtpu: 0.0.44.dev20260713+nightly
codegen_flags: <defaults>
</compile_context>

<pallas_src>
import jax
import jax.numpy as jnp
from jax import lax
from jax.experimental import pallas as pl
from jax.experimental.pallas import tpu as pltpu
from jax.experimental.pallas import tpu_sc as plsc

N = 10000
E = 320000
D = 128

NC = 2
NS = 16
NW = NC * NS
EPW = E // NW
K = 128
NCH = 80
EPWP = NCH * K
EPAD = NW * EPWP
NP = 10112
RPT = NP // NS

_mesh = plsc.VectorSubcoreMesh(core_axis_name="c", subcore_axis_name="s")


def _sc_deg_body(dst4_hbm, degp_hbm, idx, ones, zb, acc):
    c = lax.axis_index("c")
    s = lax.axis_index("s")
    wid = c * NS + s

    pltpu.sync_copy(dst4_hbm.at[wid], idx)

    def _fill_z(i, _):
        zb[i] = jnp.zeros((16,), jnp.float32)
        return 0

    lax.fori_loop(0, 16, _fill_z, 0)

    def _fill_1(i, _):
        ones[i] = jnp.ones((16,), jnp.float32)
        return 0

    lax.fori_loop(0, K, _fill_1, 0)
    for q in range(RPT // 16):
        pltpu.sync_copy(zb, acc.at[pl.ds(s * RPT + q * 16, 16)])
    pltpu.sync_copy(zb.at[pl.ds(0, 8)],
                    acc.at[pl.ds(s * RPT + (RPT // 16) * 16, 8)])
    plsc.subcore_barrier()

    def _chunk(j, _):
        pltpu.sync_copy(ones, acc.at[idx.at[j, 0]], add=True)
        return 0

    lax.fori_loop(0, NCH, _chunk, 0)
    plsc.subcore_barrier()
    pltpu.sync_copy(acc.at[pl.ds(s * RPT, RPT)],
                    degp_hbm.at[c, pl.ds(s * RPT, RPT)])


def _sc_deg(dst4):
    return pl.kernel(
        _sc_deg_body,
        out_type=jax.ShapeDtypeStruct((NC, NP, 16), jnp.float32),
        mesh=_mesh,
        scratch_types=[
            pltpu.VMEM((NCH, 1, K), jnp.int32),
            pltpu.VMEM((K, 16), jnp.float32),
            pltpu.VMEM((16, 16), jnp.float32),
            pltpu.VMEM_SHARED((NP, 16), jnp.float32),
        ],
    )(dst4)


def _sc_prop_body(g_hbm, ids_hbm, outp_hbm,
                  i0, i1, i2, i3, bufa, bufb, acc,
                  sema, semb, sem0, sem1, sem2, sem3):
    c = lax.axis_index("c")
    s = lax.axis_index("s")
    wid = c * NS + s

    def _fill(i, _):
        for k in range(D // 16):
            bufa[i, pl.ds(k * 16, 16)] = jnp.zeros((16,), jnp.float32)
        return 0

    lax.fori_loop(0, K, _fill, 0)
    for q in range(4):
        pltpu.sync_copy(bufa, acc.at[pl.ds(s * RPT + q * 128, 128)])
    pltpu.sync_copy(bufa.at[pl.ds(0, 120)],
                    acc.at[pl.ds(s * RPT + 512, 120)])
    plsc.subcore_barrier()

    def _ldidx(j, buf, sem):
        pltpu.async_copy(ids_hbm.at[wid, j], buf, sem)

    def _widx(j, buf, sem):
        pltpu.make_async_copy(ids_hbm.at[wid, j], buf, sem).wait()

    def _issue(ibuf, buf, sem):
        pltpu.async_copy(g_hbm.at[ibuf.at[0]], buf, sem)

    def _wait(ibuf, buf, sem):
        pltpu.make_async_copy(g_hbm.at[ibuf.at[0]], buf, sem).wait()

    def _scat(ibuf, buf):
        pltpu.sync_copy(buf, acc.at[ibuf.at[1]], add=True)

    _ldidx(0, i0, sem0)
    _ldidx(1, i1, sem1)
    _widx(0, i0, sem0)
    _issue(i0, bufa, sema)
    _widx(1, i1, sem1)
    _issue(i1, bufb, semb)
    _ldidx(2, i2, sem2)
    _ldidx(3, i3, sem3)

    def _quad(t, _):
        j0 = 4 * t
        _wait(i0, bufa, sema)
        _scat(i0, bufa)
        _ldidx(j0 + 4, i0, sem0)
        _widx(j0 + 2, i2, sem2)
        _issue(i2, bufa, sema)
        _wait(i1, bufb, semb)
        _scat(i1, bufb)
        _ldidx(j0 + 5, i1, sem1)
        _widx(j0 + 3, i3, sem3)
        _issue(i3, bufb, semb)
        _wait(i2, bufa, sema)
        _scat(i2, bufa)
        _ldidx(j0 + 6, i2, sem2)
        _widx(j0 + 4, i0, sem0)
        _issue(i0, bufa, sema)
        _wait(i3, bufb, semb)
        _scat(i3, bufb)
        _ldidx(j0 + 7, i3, sem3)
        _widx(j0 + 5, i1, sem1)
        _issue(i1, bufb, semb)
        return 0

    lax.fori_loop(0, NCH // 4 - 1, _quad, 0)
    _wait(i0, bufa, sema)
    _scat(i0, bufa)
    _widx(NCH - 2, i2, sem2)
    _issue(i2, bufa, sema)
    _wait(i1, bufb, semb)
    _scat(i1, bufb)
    _widx(NCH - 1, i3, sem3)
    _issue(i3, bufb, semb)
    _wait(i2, bufa, sema)
    _scat(i2, bufa)
    _wait(i3, bufb, semb)
    _scat(i3, bufb)

    plsc.subcore_barrier()
    pltpu.sync_copy(acc.at[pl.ds(s * RPT, RPT)],
                    outp_hbm.at[c, pl.ds(s * RPT, RPT)])


def _sc_prop(g, ids):
    return pl.kernel(
        _sc_prop_body,
        out_type=jax.ShapeDtypeStruct((NC, NP, D), jnp.float32),
        mesh=_mesh,
        scratch_types=[
            pltpu.VMEM((2, K), jnp.int32),
            pltpu.VMEM((2, K), jnp.int32),
            pltpu.VMEM((2, K), jnp.int32),
            pltpu.VMEM((2, K), jnp.int32),
            pltpu.VMEM((K, D), jnp.float32),
            pltpu.VMEM((K, D), jnp.float32),
            pltpu.VMEM_SHARED((NP, D), jnp.float32),
            pltpu.SemaphoreType.DMA,
            pltpu.SemaphoreType.DMA,
            pltpu.SemaphoreType.DMA,
            pltpu.SemaphoreType.DMA,
            pltpu.SemaphoreType.DMA,
            pltpu.SemaphoreType.DMA,
        ],
    )(g, ids)


_TCR = 1000


def _dinv_of(degp_blk):
    deg = degp_blk[0] + degp_blk[1] + 1.0
    return lax.rsqrt(deg)[:, 0:1]


def _tc1_body(degp, x, w, g_out):
    dinv = _dinv_of(degp[...])
    g_out[...] = jnp.dot(x[...], w[...],
                         preferred_element_type=jnp.float32) * dinv


def _tc_mid_body(degp, p, g, b, w, a_out, gn_out):
    dinv = _dinv_of(degp[...])
    pv = p[...]
    a = jnp.maximum((pv[0] + pv[1] + g[...]) * dinv + b[...], 0.0)
    a_out[...] = a
    gn_out[...] = jnp.dot(a, w[...], preferred_element_type=jnp.float32) * dinv


def _tc_fin_body(degp, p, g, b, a0, a1, wjk, bjk, out):
    dinv = _dinv_of(degp[...])
    pv = p[...]
    a2 = jnp.maximum((pv[0] + pv[1] + g[...]) * dinv + b[...], 0.0)
    jk = (a0[...] + a1[...] + a2) * (1.0 / 3.0)
    out[...] = jnp.dot(jk, wjk[...], preferred_element_type=jnp.float32) + bjk[...]


_GRID = N // _TCR
_bs_rows = pl.BlockSpec((_TCR, D), lambda i: (i, 0))
_bs_degp = pl.BlockSpec((NC, _TCR, 16), lambda i: (0, i, 0))
_bs_part = pl.BlockSpec((NC, _TCR, D), lambda i: (0, i, 0))
_bs_w = pl.BlockSpec((D, D), lambda i: (0, 0))
_bs_b = pl.BlockSpec((1, D), lambda i: (0, 0))


def _tc1(degp, x, w):
    return pl.pallas_call(
        _tc1_body,
        grid=(_GRID,),
        in_specs=[_bs_degp, _bs_rows, _bs_w],
        out_specs=_bs_rows,
        out_shape=jax.ShapeDtypeStruct((N, D), jnp.float32),
    )(degp, x, w)


def _tc_mid(degp, p, g, b, w):
    return pl.pallas_call(
        _tc_mid_body,
        grid=(_GRID,),
        in_specs=[_bs_degp, _bs_part, _bs_rows, _bs_b, _bs_w],
        out_specs=[_bs_rows, _bs_rows],
        out_shape=[jax.ShapeDtypeStruct((N, D), jnp.float32),
                   jax.ShapeDtypeStruct((N, D), jnp.float32)],
    )(degp, p, g, b, w)


def _tc_fin(degp, p, g, b, a0, a1, wjk, bjk):
    return pl.pallas_call(
        _tc_fin_body,
        grid=(_GRID,),
        in_specs=[_bs_degp, _bs_part, _bs_rows, _bs_b, _bs_rows, _bs_rows,
                  _bs_w, _bs_b],
        out_specs=_bs_rows,
        out_shape=jax.ShapeDtypeStruct((N, D), jnp.float32),
    )(degp, p, g, b, a0, a1, wjk, bjk)


def kernel(x, edge_index, W0, b0, W1, b1, W2, b2, Wjk, bjk):
    npad = EPAD - E
    pad_src = (jnp.arange(npad, dtype=jnp.int32) % N)
    pad_dst = N + (jnp.arange(npad, dtype=jnp.int32) % (NP - N))
    src = jnp.concatenate([edge_index[0].astype(jnp.int32), pad_src]
                          ).reshape(NW, NCH, 1, K)
    dst = jnp.concatenate([edge_index[1].astype(jnp.int32), pad_dst]
                          ).reshape(NW, NCH, 1, K)
    ids = jnp.concatenate([src, dst], axis=2)
    dst4 = dst
    b0r = b0.reshape(1, D)
    b1r = b1.reshape(1, D)
    b2r = b2.reshape(1, D)
    bjkr = bjk.reshape(1, D)

    degp = _sc_deg(dst4)
    g0 = _tc1(degp, x, W0)
    p0 = _sc_prop(g0, ids)
    a0, g1 = _tc_mid(degp, p0, g0, b0r, W1)
    p1 = _sc_prop(g1, ids)
    a1, g2 = _tc_mid(degp, p1, g1, b1r, W2)
    p2 = _sc_prop(g2, ids)
    return _tc_fin(degp, p2, g2, b2r, a0, a1, Wjk, bjkr)

# --- scband reference (transcript-rebuilt; emitter-appended) ---
"""Pipeline reference for scband-gcn-with-jk-24120536334778 (READ-ONLY COPY).

The authoritative reference and input builder live on the scoring server;
editing this copy changes nothing except your own understanding.
"""

import jax, jax.numpy as jnp
import numpy as np

N = 10000
E = 320000
D = 128
H = 128
O = 128


def setup_inputs(seed: int = 0) -> dict:
    key = jax.random.key(seed)
    ks = jax.random.split(key, 12)
    x = jax.random.normal(ks[0], (N, D), dtype=jnp.float32)
    edge_index = jax.random.randint(ks[1], (2, E), 0, N, dtype=jnp.int64)
    s = 1.0 / np.sqrt(D)
    W0 = jax.random.uniform(ks[2], (D, H), jnp.float32, -s, s)
    b0 = jnp.zeros((H,), jnp.float32)
    W1 = jax.random.uniform(ks[3], (H, H), jnp.float32, -s, s)
    b1 = jnp.zeros((H,), jnp.float32)
    W2 = jax.random.uniform(ks[4], (H, H), jnp.float32, -s, s)
    b2 = jnp.zeros((H,), jnp.float32)
    Wjk = jax.random.uniform(ks[5], (H, O), jnp.float32, -s, s)
    bjk = jnp.zeros((O,), jnp.float32)
    return {"x": x, "edge_index": edge_index, "W0": W0, "b0": b0, "W1": W1, "b1": b1, "W2": W2, "b2": b2, "Wjk": Wjk, "bjk": bjk}


def _gcn_layer(h, src, dst, norm, n_nodes, W, b):
    h = h @ W
    msg = h[src] * norm[:, None]
    out = jnp.zeros((n_nodes, W.shape[1]), h.dtype).at[dst].add(msg)
    return out + b


def reference(x, edge_index, W0, b0, W1, b1, W2, b2, Wjk, bjk):
    n_nodes = x.shape[0]
    loop = jnp.arange(n_nodes, dtype=edge_index.dtype)
    src = jnp.concatenate([edge_index[0], loop])
    dst = jnp.concatenate([edge_index[1], loop])
    # symmetric GCN normalization with self-loops
    deg = jnp.zeros((n_nodes,), jnp.float32).at[dst].add(1.0)
    dinv = jax.lax.rsqrt(jnp.maximum(deg, 1.0))
    norm = dinv[src] * dinv[dst]
    h = x
    layer_outs = []
    for W, b in ((W0, b0), (W1, b1), (W2, b2)):
        h = _gcn_layer(h, src, dst, norm, n_nodes, W, b)
        h = jax.nn.relu(h)
        layer_outs.append(h)
    # Jumping Knowledge aggregation, mode='mean'
    jk = jnp.mean(jnp.stack(layer_outs, axis=0), axis=0)
    return jk @ Wjk + bjk

if __name__ == "__main__":
    import jax
    _d = setup_inputs()
    print(jax.jit(kernel)(*tuple(_d.values())))

</pallas_src>

<mosaic_0001>
#map = affine_map<(d0, d1) -> (0, 0)>
#map1 = affine_map<(d0, d1) -> (0, 0, 0, 0)>
#map2 = affine_map<(d0, d1) -> (0, 0, 0)>
module attributes {stable_mosaic.version = 14 : i64} {
  func.func @_sc_prop_body(%arg0: i32, %arg1: i32, %arg2: memref<10000x128xf32, #tpu.memory_space<hbm>>, %arg3: memref<32x80x2x128xi32, #tpu.memory_space<hbm>>, %arg4: memref<2x10112x128xf32, #tpu.memory_space<hbm>>, %arg5: memref<2x128xi32, #tpu.memory_space<vmem>>, %arg6: memref<2x128xi32, #tpu.memory_space<vmem>>, %arg7: memref<2x128xi32, #tpu.memory_space<vmem>>, %arg8: memref<2x128xi32, #tpu.memory_space<vmem>>, %arg9: memref<128x128xf32, #tpu.memory_space<vmem>>, %arg10: memref<128x128xf32, #tpu.memory_space<vmem>>, %arg11: memref<10112x128xf32, #tpu.memory_space<vmem_shared>>, %arg12: memref<!tpu.dma_semaphore, #tpu.memory_space<semaphore_mem>>, %arg13: memref<!tpu.dma_semaphore, #tpu.memory_space<semaphore_mem>>, %arg14: memref<!tpu.dma_semaphore, #tpu.memory_space<semaphore_mem>>, %arg15: memref<!tpu.dma_semaphore, #tpu.memory_space<semaphore_mem>>, %arg16: memref<!tpu.dma_semaphore, #tpu.memory_space<semaphore_mem>>, %arg17: memref<!tpu.dma_semaphore, #tpu.memory_space<semaphore_mem>>) attributes {dimension_semantics = [#tpu.dimension_semantics<core_parallel>, #tpu.dimension_semantics<subcore_parallel>], iteration_bounds = array<i64: 2, 16>, scalar_prefetch = 0 : i64, scratch_operands = 13 : i64, tpu.core_type = #tpu.core_type<sc_vector_subcore>, window_params = [{transform_indices = #map}, {transform_indices = #map1}, {transform_indices = #map2}]} {
    %mul3A = arith.constant 16 : i32
    %mul3A_0 = arith.muli %arg0, %mul3A : i32
    %add3A = arith.addi %mul3A_0, %arg1 : i32
    %scan3A = arith.constant 0 : i32
    %scan3A_1 = arith.constant 0 : i32
    %scan3A_2 = arith.constant 128 : i32
    %scan3A_3 = arith.addi %scan3A_1, %scan3A_2 : i32
    %scan3A_4 = arith.constant 1 : i32
    %scan3A_5 = scf.for %scan3A_168 = %scan3A_1 to %scan3A_3 step %scan3A_4 iter_args(%scan3A_169 = %scan3A) -> (i32)  : i32 {
      %broadcast_in_dim3A = arith.constant 0.000000e+00 : f32
      %broadcast_in_dim3A_170 = vector.broadcast %broadcast_in_dim3A : f32 to vector<16xf32>
      %swap3A = arith.index_cast %scan3A_168 : i32 to index
      %swap3A_171 = arith.constant 0 : index
      %swap3A_172 = tpu.vector_load %arg9[%swap3A, %swap3A_171] {strides = array<i32>} : memref<128x128xf32, #tpu.memory_space<vmem>>, vector<1x16xf32>,
      %swap3A_173 = vector.shape_cast %swap3A_172 : vector<1x16xf32> to vector<16xf32>
      %swap3A_174 = vector.shape_cast %broadcast_in_dim3A_170 : vector<16xf32> to vector<1x16xf32>
      tpu.vector_store %arg9[%swap3A, %swap3A_171], %swap3A_174 {strides = array<i32>} : memref<128x128xf32, #tpu.memory_space<vmem>>, vector<1x16xf32>,
      %broadcast_in_dim3A_175 = arith.constant 0.000000e+00 : f32
      %broadcast_in_dim3A_176 = vector.broadcast %broadcast_in_dim3A_175 : f32 to vector<16xf32>
      %swap3A_177 = arith.index_cast %scan3A_168 : i32 to index
      %swap3A_178 = arith.constant 16 : index
      %swap3A_179 = tpu.vector_load %arg9[%swap3A_177, %swap3A_178] {strides = array<i32>} : memref<128x128xf32, #tpu.memory_space<vmem>>, vector<1x16xf32>,
      %swap3A_180 = vector.shape_cast %swap3A_179 : vector<1x16xf32> to vector<16xf32>
      %swap3A_181 = vector.shape_cast %broadcast_in_dim3A_176 : vector<16xf32> to vector<1x16xf32>
      tpu.vector_store %arg9[%swap3A_177, %swap3A_178], %swap3A_181 {strides = array<i32>} : memref<128x128xf32, #tpu.memory_space<vmem>>, vector<1x16xf32>,
      %broadcast_in_dim3A_182 = arith.constant 0.000000e+00 : f32
      %broadcast_in_dim3A_183 = vector.broadcast %broadcast_in_dim3A_182 : f32 to vector<16xf32>
      %swap3A_184 = arith.index_cast %scan3A_168 : i32 to index
      %swap3A_185 = arith.constant 32 : index
      %swap3A_186 = tpu.vector_load %arg9[%swap3A_184, %swap3A_185] {strides = array<i32>} : memref<128x128xf32, #tpu.memory_space<vmem>>, vector<1x16xf32>,
      %swap3A_187 = vector.shape_cast %swap3A_186 : vector<1x16xf32> to vector<16xf32>
      %swap3A_188 = vector.shape_cast %broadcast_in_dim3A_183 : vector<16xf32> to vector<1x16xf32>
      tpu.vector_store %arg9[%swap3A_184, %swap3A_185], %swap3A_188 {strides = array<i32>} : memref<128x128xf32, #tpu.memory_space<vmem>>, vector<1x16xf32>,
      %broadcast_in_dim3A_189 = arith.constant 0.000000e+00 : f32
      %broadcast_in_dim3A_190 = vector.broadcast %broadcast_in_dim3A_189 : f32 to vector<16xf32>
      %swap3A_191 = arith.index_cast %scan3A_168 : i32 to index
      %swap3A_192 = arith.constant 48 : index
      %swap3A_193 = tpu.vector_load %arg9[%swap3A_191, %swap3A_192] {strides = array<i32>} : memref<128x128xf32, #tpu.memory_space<vmem>>, vector<1x16xf32>,
      %swap3A_194 = vector.shape_cast %swap3A_193 : vector<1x16xf32> to vector<16xf32>
      %swap3A_195 = vector.shape_cast %broadcast_in_dim3A_190 : vector<16xf32> to vector<1x16xf32>
      tpu.vector_store %arg9[%swap3A_191, %swap3A_192], %swap3A_195 {strides = array<i32>} : memref<128x128xf32, #tpu.memory_space<vmem>>, vector<1x16xf32>,
      %broadcast_in_dim3A_196 = arith.constant 0.000000e+00 : f32
      %broadcast_in_dim3A_197 = vector.broadcast %broadcast_in_dim3A_196 : f32 to vector<16xf32>
      %swap3A_198 = arith.index_cast %scan3A_168 : i32 to index
      %swap3A_199 = arith.constant 64 : index
      %swap3A_200 = tpu.vector_load %arg9[%swap3A_198, %swap3A_199] {strides = array<i32>} : memref<128x128xf32, #tpu.memory_space<vmem>>, vector<1x16xf32>,
      %swap3A_201 = vector.shape_cast %swap3A_200 : vector<1x16xf32> to vector<16xf32>
      %swap3A_202 = vector.shape_cast %broadcast_in_dim3A_197 : vector<16xf32> to vector<1x16xf32>
      tpu.vector_store %arg9[%swap3A_198, %swap3A_199], %swap3A_202 {strides = array<i32>} : memref<128x128xf32, #tpu.memory_space<vmem>>, vector<1x16xf32>,
      %broadcast_in_dim3A_203 = arith.constant 0.000000e+00 : f32
      %broadcast_in_dim3A_204 = vector.broadcast %broadcast_in_dim3A_203 : f32 to vector<16xf32>
      %swap3A_205 = arith.index_cast %scan3A_168 : i32 to index
      %swap3A_206 = arith.constant 80 : index
      %swap3A_207 = tpu.vector_load %arg9[%swap3A_205, %swap3A_206] {strides = array<i32>} : memref<128x128xf32, #tpu.memory_space<vmem>>, vector<1x16xf32>,
      %swap3A_208 = vector.shape_cast %swap3A_207 : vector<1x16xf32> to vector<16xf32>
      %swap3A_209 = vector.shape_cast %broadcast_in_dim3A_204 : vector<16xf32> to vector<1x16xf32>
      tpu.vector_store %arg9[%swap3A_205, %swap3A_206], %swap3A_209 {strides = array<i32>} : memref<128x128xf32, #tpu.memory_space<vmem>>, vector<1x16xf32>,
      %broadcast_in_dim3A_210 = arith.constant 0.000000e+00 : f32
      %broadcast_in_dim3A_211 = vector.broadcast %broadcast_in_dim3A_210 : f32 to vector<16xf32>
      %swap3A_212 = arith.index_cast %scan3A_168 : i32 to index
      %swap3A_213 = arith.constant 96 : index
      %swap3A_214 = tpu.vector_load %arg9[%swap3A_212, %swap3A_213] {strides = array<i32>} : memref<128x128xf32, #tpu.memory_space<vmem>>, vector<1x16xf32>,
      %swap3A_215 = vector.shape_cast %swap3A_214 : vector<1x16xf32> to vector<16xf32>
      %swap3A_216 = vector.shape_cast %broadcast_in_dim3A_211 : vector<16xf32> to vector<1x16xf32>
      tpu.vector_store %arg9[%swap3A_212, %swap3A_213], %swap3A_216 {strides = array<i32>} : memref<128x128xf32, #tpu.memory_space<vmem>>, vector<1x16xf32>,
      %broadcast_in_dim3A_217 = arith.constant 0.000000e+00 : f32
      %broadcast_in_dim3A_218 = vector.broadcast %broadcast_in_dim3A_217 : f32 to vector<16xf32>
      %swap3A_219 = arith.index_cast %scan3A_168 : i32 to index
      %swap3A_220 = arith.constant 112 : index
      %swap3A_221 = tpu.vector_load %arg9[%swap3A_219, %swap3A_220] {strides = array<i32>} : memref<128x128xf32, #tpu.memory_space<vmem>>, vector<1x16xf32>,
      %swap3A_222 = vector.shape_cast %swap3A_221 : vector<1x16xf32> to vector<16xf32>
      %swap3A_223 = vector.shape_cast %broadcast_in_dim3A_218 : vector<16xf32> to vector<1x16xf32>
      tpu.vector_store %arg9[%swap3A_219, %swap3A_220], %swap3A_223 {strides = array<i32>} : memref<128x128xf32, #tpu.memory_space<vmem>>, vector<1x16xf32>,
      %scan3A_224 = arith.constant 0 : i32
      scf.yield %scan3A_224 : i32
    }
    %scan3A_6 = arith.constant 128 : i32
    %mul3A_7 = arith.constant 632 : i32
    %mul3A_8 = arith.muli %arg1, %mul3A_7 : i32
    %add3A_9 = arith.constant 0 : i32
    %add3A_10 = arith.addi %mul3A_8, %add3A_9 : i32
    "tpu.region"() ({
      %run_scoped3A_168 = tpu.sem_alloc : memref<!tpu.dma_semaphore, #tpu.memory_space<semaphore_mem>>
      %dma_start3A_169 = arith.constant 0 : i32
      %dma_start3A_170 = tpu.memref_slice %arg11[%add3A_10, %dma_start3A_169] : memref<10112x128xf32, #tpu.memory_space<vmem_shared>> -> memref<128x128xf32, #tpu.memory_space<vmem_shared>>
      %dma_start3A_171 = arith.constant 0 : i32
      %dma_start3A_172 = tpu.memref_slice %arg11[%add3A_10, %dma_start3A_171] : memref<10112x128xf32, #tpu.memory_space<vmem_shared>> -> memref<128x128xf32, #tpu.memory_space<vmem_shared>>
      tpu.enqueue_dma source(%arg9 : memref<128x128xf32, #tpu.memory_space<vmem>>) target(%dma_start3A_172 : memref<128x128xf32, #tpu.memory_space<vmem_shared>>) target_semaphore(%run_scoped3A_168 : memref<!tpu.dma_semaphore, #tpu.memory_space<semaphore_mem>>)
      %dma_wait3A_173 = arith.constant 0 : i32
      %dma_wait3A_174 = tpu.memref_slice %arg11[%add3A_10, %dma_wait3A_173] : memref<10112x128xf32, #tpu.memory_space<vmem_shared>> -> memref<128x128xf32, #tpu.memory_space<vmem_shared>>
      %dma_wait3A_175 = arith.constant 0 : i32
      %dma_wait3A_176 = tpu.memref_slice %arg11[%add3A_10, %dma_wait3A_175] : memref<10112x128xf32, #tpu.memory_space<vmem_shared>> -> memref<128x128xf32, #tpu.memory_space<vmem_shared>>
      tpu.wait_dma2 semaphore(%run_scoped3A_168 : memref<!tpu.dma_semaphore, #tpu.memory_space<semaphore_mem>>) src(%arg9 : memref<128x128xf32, #tpu.memory_space<vmem>>) dst(%dma_wait3A_176 : memref<128x128xf32, #tpu.memory_space<vmem_shared>>)
      tpu.yield
    }) : () -> ()
    %mul3A_11 = arith.constant 632 : i32
    %mul3A_12 = arith.muli %arg1, %mul3A_11 : i32
    %add3A_13 = arith.constant 128 : i32
    %add3A_14 = arith.addi %mul3A_12, %add3A_13 : i32
    "tpu.region"() ({
      %run_scoped3A_168 = tpu.sem_alloc : memref<!tpu.dma_semaphore, #tpu.memory_space<semaphore_mem>>
      %dma_start3A_169 = arith.constant 0 : i32
      %dma_start3A_170 = tpu.memref_slice %arg11[%add3A_14, %dma_start3A_169] : memref<10112x128xf32, #tpu.memory_space<vmem_shared>> -> memref<128x128xf32, #tpu.memory_space<vmem_shared>>
      %dma_start3A_171 = arith.constant 0 : i32
      %dma_start3A_172 = tpu.memref_slice %arg11[%add3A_14, %dma_start3A_171] : memref<10112x128xf32, #tpu.memory_space<vmem_shared>> -> memref<128x128xf32, #tpu.memory_space<vmem_shared>>
      tpu.enqueue_dma source(%arg9 : memref<128x128xf32, #tpu.memory_space<vmem>>) target(%dma_start3A_172 : memref<128x128xf32, #tpu.memory_space<vmem_shared>>) target_semaphore(%run_scoped3A_168 : memref<!tpu.dma_semaphore, #tpu.memory_space<semaphore_mem>>)
      %dma_wait3A_173 = arith.constant 0 : i32
      %dma_wait3A_174 = tpu.memref_slice %arg11[%add3A_14, %dma_wait3A_173] : memref<10112x128xf32, #tpu.memory_space<vmem_shared>> -> memref<128x128xf32, #tpu.memory_space<vmem_shared>>
      %dma_wait3A_175 = arith.constant 0 : i32
      %dma_wait3A_176 = tpu.memref_slice %arg11[%add3A_14, %dma_wait3A_175] : memref<10112x128xf32, #tpu.memory_space<vmem_shared>> -> memref<128x128xf32, #tpu.memory_space<vmem_shared>>
      tpu.wait_dma2 semaphore(%run_scoped3A_168 : memref<!tpu.dma_semaphore, #tpu.memory_space<semaphore_mem>>) src(%arg9 : memref<128x128xf32, #tpu.memory_space<vmem>>) dst(%dma_wait3A_176 : memref<128x128xf32, #tpu.memory_space<vmem_shared>>)
      tpu.yield
    }) : () -> ()
    %mul3A_15 = arith.constant 632 : i32
    %mul3A_16 = arith.muli %arg1, %mul3A_15 : i32
    %add3A_17 = arith.constant 256 : i32
    %add3A_18 = arith.addi %mul3A_16, %add3A_17 : i32
    "tpu.region"() ({
      %run_scoped3A_168 = tpu.sem_alloc : memref<!tpu.dma_semaphore, #tpu.memory_space<semaphore_mem>>
      %dma_start3A_169 = arith.constant 0 : i32
      %dma_start3A_170 = tpu.memref_slice %arg11[%add3A_18, %dma_start3A_169] : memref<10112x128xf32, #tpu.memory_space<vmem_shared>> -> memref<128x128xf32, #tpu.memory_space<vmem_shared>>
      %dma_start3A_171 = arith.constant 0 : i32
      %dma_start3A_172 = tpu.memref_slice %arg11[%add3A_18, %dma_start3A_171] : memref<10112x128xf32, #tpu.memory_space<vmem_shared>> -> memref<128x128xf32, #tpu.memory_space<vmem_shared>>
      tpu.enqueue_dma source(%arg9 : memref<128x128xf32, #tpu.memory_space<vmem>>) target(%dma_start3A_172 : memref<128x128xf32, #tpu.memory_space<vmem_shared>>) target_semaphore(%run_scoped3A_168 : memref<!tpu.dma_semaphore, #tpu.memory_space<semaphore_mem>>)
      %dma_wait3A_173 = arith.constant 0 : i32
      %dma_wait3A_174 = tpu.memref_slice %arg11[%add3A_18, %dma_wait3A_173] : memref<10112x128xf32, #tpu.memory_space<vmem_shared>> -> memref<128x128xf32, #tpu.memory_space<vmem_shared>>
      %dma_wait3A_175 = arith.constant 0 : i32
      %dma_wait3A_176 = tpu.memref_slice %arg11[%add3A_18, %dma_wait3A_175] : memref<10112x128xf32, #tpu.memory_space<vmem_shared>> -> memref<128x128xf32, #tpu.memory_space<vmem_shared>>
      tpu.wait_dma2 semaphore(%run_scoped3A_168 : memref<!tpu.dma_semaphore, #tpu.memory_space<semaphore_mem>>) src(%arg9 : memref<128x128xf32, #tpu.memory_space<vmem>>) dst(%dma_wait3A_176 : memref<128x128xf32, #tpu.memory_space<vmem_shared>>)
      tpu.yield
    }) : () -> ()
    %mul3A_19 = arith.constant 632 : i32
    %mul3A_20 = arith.muli %arg1, %mul3A_19 : i32
    %add3A_21 = arith.constant 384 : i32
    %add3A_22 = arith.addi %mul3A_20, %add3A_21 : i32
    "tpu.region"() ({
      %run_scoped3A_168 = tpu.sem_alloc : memref<!tpu.dma_semaphore, #tpu.memory_space<semaphore_mem>>
      %dma_start3A_169 = arith.constant 0 : i32
      %dma_start3A_170 = tpu.memref_slice %arg11[%add3A_22, %dma_start3A_169] : memref<10112x128xf32, #tpu.memory_space<vmem_shared>> -> memref<128x128xf32, #tpu.memory_space<vmem_shared>>
      %dma_start3A_171 = arith.constant 0 : i32
      %dma_start3A_172 = tpu.memref_slice %arg11[%add3A_22, %dma_start3A_171] : memref<10112x128xf32, #tpu.memory_space<vmem_shared>> -> memref<128x128xf32, #tpu.memory_space<vmem_shared>>
      tpu.enqueue_dma source(%arg9 : memref<128x128xf32, #tpu.memory_space<vmem>>) target(%dma_start3A_172 : memref<128x128xf32, #tpu.memory_space<vmem_shared>>) target_semaphore(%run_scoped3A_168 : memref<!tpu.dma_semaphore, #tpu.memory_space<semaphore_mem>>)
      %dma_wait3A_173 = arith.constant 0 : i32
      %dma_wait3A_174 = tpu.memref_slice %arg11[%add3A_22, %dma_wait3A_173] : memref<10112x128xf32, #tpu.memory_space<vmem_shared>> -> memref<128x128xf32, #tpu.memory_space<vmem_shared>>
      %dma_wait3A_175 = arith.constant 0 : i32
      %dma_wait3A_176 = tpu.memref_slice %arg11[%add3A_22, %dma_wait3A_175] : memref<10112x128xf32, #tpu.memory_space<vmem_shared>> -> memref<128x128xf32, #tpu.memory_space<vmem_shared>>
      tpu.wait_dma2 semaphore(%run_scoped3A_168 : memref<!tpu.dma_semaphore, #tpu.memory_space<semaphore_mem>>) src(%arg9 : memref<128x128xf32, #tpu.memory_space<vmem>>) dst(%dma_wait3A_176 : memref<128x128xf32, #tpu.memory_space<vmem_shared>>)
      tpu.yield
    }) : () -> ()
    %mul3A_23 = arith.constant 632 : i32
    %mul3A_24 = arith.muli %arg1, %mul3A_23 : i32
    %add3A_25 = arith.constant 512 : i32
    %add3A_26 = arith.addi %mul3A_24, %add3A_25 : i32
    "tpu.region"() ({
      %run_scoped3A_168 = tpu.sem_alloc : memref<!tpu.dma_semaphore, #tpu.memory_space<semaphore_mem>>
      %dma_start3A_169 = arith.constant 0 : i32
      %dma_start3A_170 = arith.constant 0 : i32
      %dma_start3A_171 = tpu.memref_slice %arg9[%dma_start3A_169, %dma_start3A_170] : memref<128x128xf32, #tpu.memory_space<vmem>> -> memref<120x128xf32, #tpu.memory_space<vmem>>
      %dma_start3A_172 = arith.constant 0 : i32
      %dma_start3A_173 = tpu.memref_slice %arg11[%add3A_26, %dma_start3A_172] : memref<10112x128xf32, #tpu.memory_space<vmem_shared>> -> memref<120x128xf32, #tpu.memory_space<vmem_shared>>
      %dma_start3A_174 = arith.constant 0 : i32
      %dma_start3A_175 = tpu.memref_slice %arg11[%add3A_26, %dma_start3A_174] : memref<10112x128xf32, #tpu.memory_space<vmem_shared>> -> memref<120x128xf32, #tpu.memory_space<vmem_shared>>
      %dma_start3A_176 = arith.constant 0 : i32
      %dma_start3A_177 = arith.constant 0 : i32
      %dma_start3A_178 = tpu.memref_slice %arg9[%dma_start3A_176, %dma_start3A_177] : memref<128x128xf32, #tpu.memory_space<vmem>> -> memref<120x128xf32, #tpu.memory_space<vmem>>
      tpu.enqueue_dma source(%dma_start3A_178 : memref<120x128xf32, #tpu.memory_space<vmem>>) target(%dma_start3A_175 : memref<120x128xf32, #tpu.memory_space<vmem_shared>>) target_semaphore(%run_scoped3A_168 : memref<!tpu.dma_semaphore, #tpu.memory_space<semaphore_mem>>)
      %dma_wait3A_179 = arith.constant 0 : i32
      %dma_wait3A_180 = arith.constant 0 : i32
      %dma_wait3A_181 = tpu.memref_slice %arg9[%dma_wait3A_179, %dma_wait3A_180] : memref<128x128xf32, #tpu.memory_space<vmem>> -> memref<120x128xf32, #tpu.memory_space<vmem>>
      %dma_wait3A_182 = arith.constant 0 : i32
      %dma_wait3A_183 = tpu.memref_slice %arg11[%add3A_26, %dma_wait3A_182] : memref<10112x128xf32, #tpu.memory_space<vmem_shared>> -> memref<120x128xf32, #tpu.memory_space<vmem_shared>>
      %dma_wait3A_184 = arith.constant 0 : i32
      %dma_wait3A_185 = tpu.memref_slice %arg11[%add3A_26, %dma_wait3A_184] : memref<10112x128xf32, #tpu.memory_space<vmem_shared>> -> memref<120x128xf32, #tpu.memory_space<vmem_shared>>
      %dma_wait3A_186 = arith.constant 0 : i32
      %dma_wait3A_187 = arith.constant 0 : i32
      %dma_wait3A_188 = tpu.memref_slice %arg9[%dma_wait3A_186, %dma_wait3A_187] : memref<128x128xf32, #tpu.memory_space<vmem>> -> memref<120x128xf32, #tpu.memory_space<vmem>>
      tpu.wait_dma2 semaphore(%run_scoped3A_168 : memref<!tpu.dma_semaphore, #tpu.memory_space<semaphore_mem>>) src(%dma_wait3A_188 : memref<120x128xf32, #tpu.memory_space<vmem>>) dst(%dma_wait3A_185 : memref<120x128xf32, #tpu.memory_space<vmem_shared>>)
      tpu.yield
    }) : () -> ()
    %barrier3A = arith.constant 0 : index
    tpu.barrier barrier_id(%barrier3A)
    %dma_start3A = arith.constant 0 : i32
    %dma_start3A_27 = arith.constant 0 : i32
    %dma_start3A_28 = arith.constant 0 : i32
    %dma_start3A_29 = tpu.memref_slice %arg3[%add3A, %dma_start3A, %dma_start3A_27, %dma_start3A_28] : memref<32x80x2x128xi32, #tpu.memory_space<hbm>> -> memref<1x1x2x128xi32, #tpu.memory_space<hbm>>
    %dma_start3A_30 = tpu.memref_squeeze %dma_start3A_29 : memref<1x1x2x128xi32, #tpu.memory_space<hbm>> -> memref<2x128xi32, #tpu.memory_space<hbm>>
    %dma_start3A_31 = arith.constant 0 : i32
    %dma_start3A_32 = arith.constant 0 : i32
    %dma_start3A_33 = tpu.memref_slice %arg3[%add3A, %dma_start3A, %dma_start3A_31, %dma_start3A_32] : memref<32x80x2x128xi32, #tpu.memory_space<hbm>> -> memref<1x1x2x128xi32, #tpu.memory_space<hbm>>
    %dma_start3A_34 = tpu.memref_squeeze %dma_start3A_33 : memref<1x1x2x128xi32, #tpu.memory_space<hbm>> -> memref<2x128xi32, #tpu.memory_space<hbm>>
    tpu.enqueue_dma source(%dma_start3A_34 : memref<2x128xi32, #tpu.memory_space<hbm>>) target(%arg5 : memref<2x128xi32, #tpu.memory_space<vmem>>) target_semaphore(%arg14 : memref<!tpu.dma_semaphore, #tpu.memory_space<semaphore_mem>>)
    %dma_start3A_35 = arith.constant 1 : i32
    %dma_start3A_36 = arith.constant 0 : i32
    %dma_start3A_37 = arith.constant 0 : i32
    %dma_start3A_38 = tpu.memref_slice %arg3[%add3A, %dma_start3A_35, %dma_start3A_36, %dma_start3A_37] : memref<32x80x2x128xi32, #tpu.memory_space<hbm>> -> memref<1x1x2x128xi32, #tpu.memory_space<hbm>>
    %dma_start3A_39 = tpu.memref_squeeze %dma_start3A_38 : memref<1x1x2x128xi32, #tpu.memory_space<hbm>> -> memref<2x128xi32, #tpu.memory_space<hbm>>
    %dma_start3A_40 = arith.constant 0 : i32
    %dma_start3A_41 = arith.constant 0 : i32
    %dma_start3A_42 = tpu.memref_slice %arg3[%add3A, %dma_start3A_35, %dma_start3A_40, %dma_start3A_41] : memref<32x80x2x128xi32, #tpu.memory_space<hbm>> -> memref<1x1x2x128xi32, #tpu.memory_space<hbm>>
    %dma_start3A_43 = tpu.memref_squeeze %dma_start3A_42 : memref<1x1x2x128xi32, #tpu.memory_space<hbm>> -> memref<2x128xi32, #tpu.memory_space<hbm>>
    tpu.enqueue_dma source(%dma_start3A_43 : memref<2x128xi32, #tpu.memory_space<hbm>>) target(%arg6 : memref<2x128xi32, #tpu.memory_space<vmem>>) target_semaphore(%arg15 : memref<!tpu.dma_semaphore, #tpu.memory_space<semaphore_mem>>)
    %dma_wait3A = arith.constant 0 : i32
    %dma_wait3A_44 = arith.constant 0 : i32
    %dma_wait3A_45 = arith.constant 0 : i32
    %dma_wait3A_46 = tpu.memref_slice %arg3[%add3A, %dma_wait3A, %dma_wait3A_44, %dma_wait3A_45] : memref<32x80x2x128xi32, #tpu.memory_space<hbm>> -> memref<1x1x2x128xi32, #tpu.memory_space<hbm>>
    %dma_wait3A_47 = tpu.memref_squeeze %dma_wait3A_46 : memref<1x1x2x128xi32, #tpu.memory_space<hbm>> -> memref<2x128xi32, #tpu.memory_space<hbm>>
    %dma_wait3A_48 = arith.constant 0 : i32
    %dma_wait3A_49 = arith.constant 0 : i32
    %dma_wait3A_50 = tpu.memref_slice %arg3[%add3A, %dma_wait3A, %dma_wait3A_48, %dma_wait3A_49] : memref<32x80x2x128xi32, #tpu.memory_space<hbm>> -> memref<1x1x2x128xi32, #tpu.memory_space<hbm>>
    %dma_wait3A_51 = tpu.memref_squeeze %dma_wait3A_50 : memref<1x1x2x128xi32, #tpu.memory_space<hbm>> -> memref<2x128xi32, #tpu.memory_space<hbm>>
    tpu.wait_dma2 semaphore(%arg14 : memref<!tpu.dma_semaphore, #tpu.memory_space<semaphore_mem>>) src(%dma_wait3A_51 : memref<2x128xi32, #tpu.memory_space<hbm>>) dst(%arg5 : memref<2x128xi32, #tpu.memory_space<vmem>>)
    %dma_start3A_52 = arith.constant 0 : i32
    %dma_start3A_53 = arith.constant 0 : i32
    %dma_start3A_54 = tpu.memref_slice %arg5[%dma_start3A_52, %dma_start3A_53] : memref<2x128xi32, #tpu.memory_space<vmem>> -> memref<1x128xi32, #tpu.memory_space<vmem>>
    %dma_start3A_55 = tpu.memref_squeeze %dma_start3A_54 : memref<1x128xi32, #tpu.memory_space<vmem>> -> memref<128xi32, #tpu.memory_space<vmem>>
    %dma_start3A_56 = arith.constant 0 : i32
    %dma_start3A_57 = arith.constant 0 : i32
    %dma_start3A_58 = tpu.memref_slice %arg2[%dma_start3A_56, %dma_start3A_57] : memref<10000x128xf32, #tpu.memory_space<hbm>> -> memref<10000x128xf32, #tpu.memory_space<hbm>>
    tpu.enqueue_indirect_dma source(%dma_start3A_58 : memref<10000x128xf32, #tpu.memory_space<hbm>>) target(%arg9 : memref<128x128xf32, #tpu.memory_space<vmem>>) offsets(%dma_start3A_55 : memref<128xi32, #tpu.memory_space<vmem>>) semaphore(%arg12 : memref<!tpu.dma_semaphore, #tpu.memory_space<semaphore_mem>>)
    %dma_wait3A_59 = arith.constant 1 : i32
    %dma_wait3A_60 = arith.constant 0 : i32
    %dma_wait3A_61 = arith.constant 0 : i32
    %dma_wait3A_62 = tpu.memref_slice %arg3[%add3A, %dma_wait3A_59, %dma_wait3A_60, %dma_wait3A_61] : memref<32x80x2x128xi32, #tpu.memory_space<hbm>> -> memref<1x1x2x128xi32, #tpu.memory_space<hbm>>
    %dma_wait3A_63 = tpu.memref_squeeze %dma_wait3A_62 : memref<1x1x2x128xi32, #tpu.memory_space<hbm>> -> memref<2x128xi32, #tpu.memory_space<hbm>>
    %dma_wait3A_64 = arith.constant 0 : i32
    %dma_wait3A_65 = arith.constant 0 : i32
    %dma_wait3A_66 = tpu.memref_slice %arg3[%add3A, %dma_wait3A_59, %dma_wait3A_64, %dma_wait3A_65] : memref<32x80x2x128xi32, #tpu.memory_space<hbm>> -> memref<1x1x2x128xi32, #tpu.memory_space<hbm>>
    %dma_wait3A_67 = tpu.memref_squeeze %dma_wait3A_66 : memref<1x1x2x128xi32, #tpu.memory_space<hbm>> -> memref<2x128xi32, #tpu.memory_space<hbm>>
    tpu.wait_dma2 semaphore(%arg15 : memref<!tpu.dma_semaphore, #tpu.memory_space<semaphore_mem>>) src(%dma_wait3A_67 : memref<2x128xi32, #tpu.memory_space<hbm>>) dst(%arg6 : memref<2x128xi32, #tpu.memory_space<vmem>>)
    %dma_start3A_68 = arith.constant 0 : i32
    %dma_start3A_69 = arith.constant 0 : i32
    %dma_start3A_70 = tpu.memref_slice %arg6[%dma_start3A_68, %dma_start3A_69] : memref<2x128xi32, #tpu.memory_space<vmem>> -> memref<1x128xi32, #tpu.memory_space<vmem>>
    %dma_start3A_71 = tpu.memref_squeeze %dma_start3A_70 : memref<1x128xi32, #tpu.memory_space<vmem>> -> memref<128xi32, #tpu.memory_space<vmem>>
    %dma_start3A_72 = arith.constant 0 : i32
    %dma_start3A_73 = arith.constant 0 : i32
    %dma_start3A_74 = tpu.memref_slice %arg2[%dma_start3A_72, %dma_start3A_73] : memref<10000x128xf32, #tpu.memory_space<hbm>> -> memref<10000x128xf32, #tpu.memory_space<hbm>>
    tpu.enqueue_indirect_dma source(%dma_start3A_74 : memref<10000x128xf32, #tpu.memory_space<hbm>>) target(%arg10 : memref<128x128xf32, #tpu.memory_space<vmem>>) offsets(%dma_start3A_71 : memref<128xi32, #tpu.memory_space<vmem>>) semaphore(%arg13 : memref<!tpu.dma_semaphore, #tpu.memory_space<semaphore_mem>>)
    %dma_start3A_75 = arith.constant 2 : i32
    %dma_start3A_76 = arith.constant 0 : i32
    %dma_start3A_77 = arith.constant 0 : i32
    %dma_start3A_78 = tpu.memref_slice %arg3[%add3A, %dma_start3A_75, %dma_start3A_76, %dma_start3A_77] : memref<32x80x2x128xi32, #tpu.memory_space<hbm>> -> memref<1x1x2x128xi32, #tpu.memory_space<hbm>>
    %dma_start3A_79 = tpu.memref_squeeze %dma_start3A_78 : memref<1x1x2x128xi32, #tpu.memory_space<hbm>> -> memref<2x128xi32, #tpu.memory_space<hbm>>
    %dma_start3A_80 = arith.constant 0 : i32
    %dma_start3A_81 = arith.constant 0 : i32
    %dma_start3A_82 = tpu.memref_slice %arg3[%add3A, %dma_start3A_75, %dma_start3A_80, %dma_start3A_81] : memref<32x80x2x128xi32, #tpu.memory_space<hbm>> -> memref<1x1x2x128xi32, #tpu.memory_space<hbm>>
    %dma_start3A_83 = tpu.memref_squeeze %dma_start3A_82 : memref<1x1x2x128xi32, #tpu.memory_space<hbm>> -> memref<2x128xi32, #tpu.memory_space<hbm>>
    tpu.enqueue_dma source(%dma_start3A_83 : memref<2x128xi32, #tpu.memory_space<hbm>>) target(%arg7 : memref<2x128xi32, #tpu.memory_space<vmem>>) target_semaphore(%arg16 : memref<!tpu.dma_semaphore, #tpu.memory_space<semaphore_mem>>)
    %dma_start3A_84 = arith.constant 3 : i32
    %dma_start3A_85 = arith.constant 0 : i32
    %dma_start3A_86 = arith.constant 0 : i32
    %dma_start3A_87 = tpu.memref_slice %arg3[%add3A, %dma_start3A_84, %dma_start3A_85, %dma_start3A_86] : memref<32x80x2x128xi32, #tpu.memory_space<hbm>> -> memref<1x1x2x128xi32, #tpu.memory_space<hbm>>
    %dma_start3A_88 = tpu.memref_squeeze %dma_start3A_87 : memref<1x1x2x128xi32, #tpu.memory_space<hbm>> -> memref<2x128xi32, #tpu.memory_space<hbm>>
    %dma_start3A_89 = arith.constant 0 : i32
    %dma_start3A_90 = arith.constant 0 : i32
    %dma_start3A_91 = tpu.memref_slice %arg3[%add3A, %dma_start3A_84, %dma_start3A_89, %dma_start3A_90] : memref<32x80x2x128xi32, #tpu.memory_space<hbm>> -> memref<1x1x2x128xi32, #tpu.memory_space<hbm>>
    %dma_start3A_92 = tpu.memref_squeeze %dma_start3A_91 : memref<1x1x2x128xi32, #tpu.memory_space<hbm>> -> memref<2x128xi32, #tpu.memory_space<hbm>>
    tpu.enqueue_dma source(%dma_start3A_92 : memref<2x128xi32, #tpu.memory_space<hbm>>) target(%arg8 : memref<2x128xi32, #tpu.memory_space<vmem>>) target_semaphore(%arg17 : memref<!tpu.dma_semaphore, #tpu.memory_space<semaphore_mem>>)
    %scan3A_93 = arith.constant 0 : i32
    %scan3A_94 = arith.constant 0 : i32
    %scan3A_95 = arith.constant 19 : i32
    %scan3A_96 = arith.addi %scan3A_94, %scan3A_95 : i32
    %scan3A_97 = arith.constant 1 : i32
    %scan3A_98 = scf.for %scan3A_168 = %scan3A_94 to %scan3A_96 step %scan3A_97 iter_args(%scan3A_169 = %scan3A_93) -> (i32)  : i32 {
      %mul3A_170 = arith.constant 4 : i32
      %mul3A_171 = arith.muli %mul3A_170, %scan3A_168 : i32
      %dma_wait3A_172 = arith.constant 0 : i32
      %dma_wait3A_173 = arith.constant 0 : i32
      %dma_wait3A_174 = tpu.memref_slice %arg5[%dma_wait3A_172, %dma_wait3A_173] : memref<2x128xi32, #tpu.memory_space<vmem>> -> memref<1x128xi32, #tpu.memory_space<vmem>>
      %dma_wait3A_175 = tpu.memref_squeeze %dma_wait3A_174 : memref<1x128xi32, #tpu.memory_space<vmem>> -> memref<128xi32, #tpu.memory_space<vmem>>
      %dma_wait3A_176 = arith.constant 0 : i32
      %dma_wait3A_177 = arith.constant 0 : i32
      %dma_wait3A_178 = tpu.memref_slice %arg2[%dma_wait3A_176, %dma_wait3A_177] : memref<10000x128xf32, #tpu.memory_space<hbm>> -> memref<10000x128xf32, #tpu.memory_space<hbm>>
      tpu.wait_indirect_dma semaphore(%arg12 : memref<!tpu.dma_semaphore, #tpu.memory_space<semaphore_mem>>) src(%dma_wait3A_178 : memref<10000x128xf32, #tpu.memory_space<hbm>>) dst(%arg9 : memref<128x128xf32, #tpu.memory_space<vmem>>)
      %run_scoped3A_179 = arith.constant 1 : i32
      "tpu.region"() ({
        %run_scoped3A_313 = tpu.sem_alloc : memref<!tpu.dma_semaphore, #tpu.memory_space<semaphore_mem>>
        %dma_start3A_314 = arith.constant 0 : i32
        %dma_start3A_315 = tpu.memref_slice %arg5[%run_scoped3A_179, %dma_start3A_314] : memref<2x128xi32, #tpu.memory_space<vmem>> -> memref<1x128xi32, #tpu.memory_space<vmem>>
        %dma_start3A_316 = tpu.memref_squeeze %dma_start3A_315 : memref<1x128xi32, #tpu.memory_space<vmem>> -> memref<128xi32, #tpu.memory_space<vmem>>
        %dma_start3A_317 = arith.constant 0 : i32
        %dma_start3A_318 = arith.constant 0 : i32
        %dma_start3A_319 = tpu.memref_slice %arg11[%dma_start3A_317, %dma_start3A_318] : memref<10112x128xf32, #tpu.memory_space<vmem_shared>> -> memref<10112x128xf32, #tpu.memory_space<vmem_shared>>
        tpu.enqueue_indirect_dma source(%arg9 : memref<128x128xf32, #tpu.memory_space<vmem>>) target(%dma_start3A_319 : memref<10112x128xf32, #tpu.memory_space<vmem_shared>>) offsets(%dma_start3A_316 : memref<128xi32, #tpu.memory_space<vmem>>) semaphore(%run_scoped3A_313 : memref<!tpu.dma_semaphore, #tpu.memory_space<semaphore_mem>>) {add = true}
        %dma_wait3A_320 = arith.constant 0 : i32
        %dma_wait3A_321 = tpu.memref_slice %arg5[%run_scoped3A_179, %dma_wait3A_320] : memref<2x128xi32, #tpu.memory_space<vmem>> -> memref<1x128xi32, #tpu.memory_space<vmem>>
        %dma_wait3A_322 = tpu.memref_squeeze %dma_wait3A_321 : memref<1x128xi32, #tpu.memory_space<vmem>> -> memref<128xi32, #tpu.memory_space<vmem>>
        %dma_wait3A_323 = arith.constant 0 : i32
        %dma_wait3A_324 = arith.constant 0 : i32
        %dma_wait3A_325 = tpu.memref_slice %arg11[%dma_wait3A_323, %dma_wait3A_324] : memref<10112x128xf32, #tpu.memory_space<vmem_shared>> -> memref<10112x128xf32, #tpu.memory_space<vmem_shared>>
        tpu.wait_indirect_dma semaphore(%run_scoped3A_313 : memref<!tpu.dma_semaphore, #tpu.memory_space<semaphore_mem>>) src(%arg9 : memref<128x128xf32, #tpu.memory_space<vmem>>) dst(%dma_wait3A_325 : memref<10112x128xf32, #tpu.memory_space<vmem_shared>>)
        tpu.yield
      }) : () -> ()
      %add3A_180 = arith.constant 4 : i32
      %add3A_181 = arith.addi %mul3A_171, %add3A_180 : i32
      %dma_start3A_182 = arith.constant 0 : i32
      %dma_start3A_183 = arith.constant 0 : i32
      %dma_start3A_184 = tpu.memref_slice %arg3[%add3A, %add3A_181, %dma_start3A_182, %dma_start3A_183] : memref<32x80x2x128xi32, #tpu.memory_space<hbm>> -> memref<1x1x2x128xi32, #tpu.memory_space<hbm>>
      %dma_start3A_185 = tpu.memref_squeeze %dma_start3A_184 : memref<1x1x2x128xi32, #tpu.memory_space<hbm>> -> memref<2x128xi32, #tpu.memory_space<hbm>>
      %dma_start3A_186 = arith.constant 0 : i32
      %dma_start3A_187 = arith.constant 0 : i32
      %dma_start3A_188 = tpu.memref_slice %arg3[%add3A, %add3A_181, %dma_start3A_186, %dma_start3A_187] : memref<32x80x2x128xi32, #tpu.memory_space<hbm>> -> memref<1x1x2x128xi32, #tpu.memory_space<hbm>>
      %dma_start3A_189 = tpu.memref_squeeze %dma_start3A_188 : memref<1x1x2x128xi32, #tpu.memory_space<hbm>> -> memref<2x128xi32, #tpu.memory_space<hbm>>
      tpu.enqueue_dma source(%dma_start3A_189 : memref<2x128xi32, #tpu.memory_space<hbm>>) target(%arg5 : memref<2x128xi32, #tpu.memory_space<vmem>>) target_semaphore(%arg14 : memref<!tpu.dma_semaphore, #tpu.memory_space<semaphore_mem>>)
      %add3A_190 = arith.constant 2 : i32
      %add3A_191 = arith.addi %mul3A_171, %add3A_190 : i32
      %dma_wait3A_192 = arith.constant 0 : i32
      %dma_wait3A_193 = arith.constant 0 : i32
      %dma_wait3A_194 = tpu.memref_slice %arg3[%add3A, %add3A_191, %dma_wait3A_192, %dma_wait3A_193] : memref<32x80x2x128xi32, #tpu.memory_space<hbm>> -> memref<1x1x2x128xi32, #tpu.memory_space<hbm>>
      %dma_wait3A_195 = tpu.memref_squeeze %dma_wait3A_194 : memref<1x1x2x128xi32, #tpu.memory_space<hbm>> -> memref<2x128xi32, #tpu.memory_space<hbm>>
      %dma_wait3A_196 = arith.constant 0 : i32
      %dma_wait3A_197 = arith.constant 0 : i32
      %dma_wait3A_198 = tpu.memref_slice %arg3[%add3A, %add3A_191, %dma_wait3A_196, %dma_wait3A_197] : memref<32x80x2x128xi32, #tpu.memory_space<hbm>> -> memref<1x1x2x128xi32, #tpu.memory_space<hbm>>
      %dma_wait3A_199 = tpu.memref_squeeze %dma_wait3A_198 : memref<1x1x2x128xi32, #tpu.memory_space<hbm>> -> memref<2x128xi32, #tpu.memory_space<hbm>>
      tpu.wait_dma2 semaphore(%arg16 : memref<!tpu.dma_semaphore, #tpu.memory_space<semaphore_mem>>) src(%dma_wait3A_199 : memref<2x128xi32, #tpu.memory_space<hbm>>) dst(%arg7 : memref<2x128xi32, #tpu.memory_space<vmem>>)
      %dma_start3A_200 = arith.constant 0 : i32
      %dma_start3A_201 = arith.constant 0 : i32
      %dma_start3A_202 = tpu.memref_slice %arg7[%dma_start3A_200, %dma_start3A_201] : memref<2x128xi32, #tpu.memory_space<vmem>> -> memref<1x128xi32, #tpu.memory_space<vmem>>
      %dma_start3A_203 = tpu.memref_squeeze %dma_start3A_202 : memref<1x128xi32, #tpu.memory_space<vmem>> -> memref<128xi32, #tpu.memory_space<vmem>>
      %dma_start3A_204 = arith.constant 0 : i32
      %dma_start3A_205 = arith.constant 0 : i32
      %dma_start3A_206 = tpu.memref_slice %arg2[%dma_start3A_204, %dma_start3A_205] : memref<10000x128xf32, #tpu.memory_space<hbm>> -> memref<10000x128xf32, #tpu.memory_space<hbm>>
      tpu.enqueue_indirect_dma source(%dma_start3A_206 : memref<10000x128xf32, #tpu.memory_space<hbm>>) target(%arg9 : memref<128x128xf32, #tpu.memory_space<vmem>>) offsets(%dma_start3A_203 : memref<128xi32, #tpu.memory_space<vmem>>) semaphore(%arg12 : memref<!tpu.dma_semaphore, #tpu.memory_space<semaphore_mem>>)
      %dma_wait3A_207 = arith.constant 0 : i32
      %dma_wait3A_208 = arith.constant 0 : i32
      %dma_wait3A_209 = tpu.memref_slice %arg6[%dma_wait3A_207, %dma_wait3A_208] : memref<2x128xi32, #tpu.memory_space<vmem>> -> memref<1x128xi32, #tpu.memory_space<vmem>>
      %dma_wait3A_210 = tpu.memref_squeeze %dma_wait3A_209 : memref<1x128xi32, #tpu.memory_space<vmem>> -> memref<128xi32, #tpu.memory_space<vmem>>
      %dma_wait3A_211 = arith.constant 0 : i32
      %dma_wait3A_212 = arith.constant 0 : i32
      %dma_wait3A_213 = tpu.memref_slice %arg2[%dma_wait3A_211, %dma_wait3A_212] : memref<10000x128xf32, #tpu.memory_space<hbm>> -> memref<10000x128xf32, #tpu.memory_space<hbm>>
      tpu.wait_indirect_dma semaphore(%arg13 : memref<!tpu.dma_semaphore, #tpu.memory_space<semaphore_mem>>) src(%dma_wait3A_213 : memref<10000x128xf32, #tpu.memory_space<hbm>>) dst(%arg10 : memref<128x128xf32, #tpu.memory_space<vmem>>)
      %run_scoped3A_214 = arith.constant 1 : i32
      "tpu.region"() ({
        %run_scoped3A_313 = tpu.sem_alloc : memref<!tpu.dma_semaphore, #tpu.memory_space<semaphore_mem>>
        %dma_start3A_314 = arith.constant 0 : i32
        %dma_start3A_315 = tpu.memref_slice %arg6[%run_scoped3A_214, %dma_start3A_314] : memref<2x128xi32, #tpu.memory_space<vmem>> -> memref<1x128xi32, #tpu.memory_space<vmem>>
        %dma_start3A_316 = tpu.memref_squeeze %dma_start3A_315 : memref<1x128xi32, #tpu.memory_space<vmem>> -> memref<128xi32, #tpu.memory_space<vmem>>
        %dma_start3A_317 = arith.constant 0 : i32
        %dma_start3A_318 = arith.constant 0 : i32
        %dma_start3A_319 = tpu.memref_slice %arg11[%dma_start3A_317, %dma_start3A_318] : memref<10112x128xf32, #tpu.memory_space<vmem_shared>> -> memref<10112x128xf32, #tpu.memory_space<vmem_shared>>
        tpu.enqueue_indirect_dma source(%arg10 : memref<128x128xf32, #tpu.memory_space<vmem>>) target(%dma_start3A_319 : memref<10112x128xf32, #tpu.memory_space<vmem_shared>>) offsets(%dma_start3A_316 : memref<128xi32, #tpu.memory_space<vmem>>) semaphore(%run_scoped3A_313 : memref<!tpu.dma_semaphore, #tpu.memory_space<semaphore_mem>>) {add = true}
        %dma_wait3A_320 = arith.constant 0 : i32
        %dma_wait3A_321 = tpu.memref_slice %arg6[%run_scoped3A_214, %dma_wait3A_320] : memref<2x128xi32, #tpu.memory_space<vmem>> -> memref<1x128xi32, #tpu.memory_space<vmem>>
        %dma_wait3A_322 = tpu.memref_squeeze %dma_wait3A_321 : memref<1x128xi32, #tpu.memory_space<vmem>> -> memref<128xi32, #tpu.memory_space<vmem>>
        %dma_wait3A_323 = arith.constant 0 : i32
        %dma_wait3A_324 = arith.constant 0 : i32
        %dma_wait3A_325 = tpu.memref_slice %arg11[%dma_wait3A_323, %dma_wait3A_324] : memref<10112x128xf32, #tpu.memory_space<vmem_shared>> -> memref<10112x128xf32, #tpu.memory_space<vmem_shared>>
        tpu.wait_indirect_dma semaphore(%run_scoped3A_313 : memref<!tpu.dma_semaphore, #tpu.memory_space<semaphore_mem>>) src(%arg10 : memref<128x128xf32, #tpu.memory_space<vmem>>) dst(%dma_wait3A_325 : memref<10112x128xf32, #tpu.memory_space<vmem_shared>>)
        tpu.yield
      }) : () -> ()
      %add3A_215 = arith.constant 5 : i32
      %add3A_216 = arith.addi %mul3A_171, %add3A_215 : i32
      %dma_start3A_217 = arith.constant 0 : i32
      %dma_start3A_218 = arith.constant 0 : i32
      %dma_start3A_219 = tpu.memref_slice %arg3[%add3A, %add3A_216, %dma_start3A_217, %dma_start3A_218] : memref<32x80x2x128xi32, #tpu.memory_space<hbm>> -> memref<1x1x2x128xi32, #tpu.memory_space<hbm>>
      %dma_start3A_220 = tpu.memref_squeeze %dma_start3A_219 : memref<1x1x2x128xi32, #tpu.memory_space<hbm>> -> memref<2x128xi32, #tpu.memory_space<hbm>>
      %dma_start3A_221 = arith.constant 0 : i32
      %dma_start3A_222 = arith.constant 0 : i32
      %dma_start3A_223 = tpu.memref_slice %arg3[%add3A, %add3A_216, %dma_start3A_221, %dma_start3A_222] : memref<32x80x2x128xi32, #tpu.memory_space<hbm>> -> memref<1x1x2x128xi32, #tpu.memory_space<hbm>>
      %dma_start3A_224 = tpu.memref_squeeze %dma_start3A_223 : memref<1x1x2x128xi32, #tpu.memory_space<hbm>> -> memref<2x128xi32, #tpu.memory_space<hbm>>
      tpu.enqueue_dma source(%dma_start3A_224 : memref<2x128xi32, #tpu.memory_space<hbm>>) target(%arg6 : memref<2x128xi32, #tpu.memory_space<vmem>>) target_semaphore(%arg15 : memref<!tpu.dma_semaphore, #tpu.memory_space<semaphore_mem>>)
      %add3A_225 = arith.constant 3 : i32
      %add3A_226 = arith.addi %mul3A_171, %add3A_225 : i32
      %dma_wait3A_227 = arith.constant 0 : i32
      %dma_wait3A_228 = arith.constant 0 : i32
      %dma_wait3A_229 = tpu.memref_slice %arg3[%add3A, %add3A_226, %dma_wait3A_227, %dma_wait3A_228] : memref<32x80x2x128xi32, #tpu.memory_space<hbm>> -> memref<1x1x2x128xi32, #tpu.memory_space<hbm>>
      %dma_wait3A_230 = tpu.memref_squeeze %dma_wait3A_229 : memref<1x1x2x128xi32, #tpu.memory_space<hbm>> -> memref<2x128xi32, #tpu.memory_space<hbm>>
      %dma_wait3A_231 = arith.constant 0 : i32
      %dma_wait3A_232 = arith.constant 0 : i32
      %dma_wait3A_233 = tpu.memref_slice %arg3[%add3A, %add3A_226, %dma_wait3A_231, %dma_wait3A_232] : memref<32x80x2x128xi32, #tpu.memory_space<hbm>> -> memref<1x1x2x128xi32, #tpu.memory_space<hbm>>
      %dma_wait3A_234 = tpu.memref_squeeze %dma_wait3A_233 : memref<1x1x2x128xi32, #tpu.memory_space<hbm>> -> memref<2x128xi32, #tpu.memory_space<hbm>>
      tpu.wait_dma2 semaphore(%arg17 : memref<!tpu.dma_semaphore, #tpu.memory_space<semaphore_mem>>) src(%dma_wait3A_234 : memref<2x128xi32, #tpu.memory_space<hbm>>) dst(%arg8 : memref<2x128xi32, #tpu.memory_space<vmem>>)
      %dma_start3A_235 = arith.constant 0 : i32
      %dma_start3A_236 = arith.constant 0 : i32
      %dma_start3A_237 = tpu.memref_slice %arg8[%dma_start3A_235, %dma_start3A_236] : memref<2x128xi32, #tpu.memory_space<vmem>> -> memref<1x128xi32, #tpu.memory_space<vmem>>
      %dma_start3A_238 = tpu.memref_squeeze %dma_start3A_237 : memref<1x128xi32, #tpu.memory_space<vmem>> -> memref<128xi32, #tpu.memory_space<vmem>>
      %dma_start3A_239 = arith.constant 0 : i32
      %dma_start3A_240 = arith.constant 0 : i32
      %dma_start3A_241 = tpu.memref_slice %arg2[%dma_start3A_239, %dma_start3A_240] : memref<10000x128xf32, #tpu.memory_space<hbm>> -> memref<10000x128xf32, #tpu.memory_space<hbm>>
      tpu.enqueue_indirect_dma source(%dma_start3A_241 : memref<10000x128xf32, #tpu.memory_space<hbm>>) target(%arg10 : memref<128x128xf32, #tpu.memory_space<vmem>>) offsets(%dma_start3A_238 : memref<128xi32, #tpu.memory_space<vmem>>) semaphore(%arg13 : memref<!tpu.dma_semaphore, #tpu.memory_space<semaphore_mem>>)
      %dma_wait3A_242 = arith.constant 0 : i32
      %dma_wait3A_243 = arith.constant 0 : i32
      %dma_wait3A_244 = tpu.memref_slice %arg7[%dma_wait3A_242, %dma_wait3A_243] : memref<2x128xi32, #tpu.memory_space<vmem>> -> memref<1x128xi32, #tpu.memory_space<vmem>>
      %dma_wait3A_245 = tpu.memref_squeeze %dma_wait3A_244 : memref<1x128xi32, #tpu.memory_space<vmem>> -> memref<128xi32, #tpu.memory_space<vmem>>
      %dma_wait3A_246 = arith.constant 0 : i32
      %dma_wait3A_247 = arith.constant 0 : i32
      %dma_wait3A_248 = tpu.memref_slice %arg2[%dma_wait3A_246, %dma_wait3A_247] : memref<10000x128xf32, #tpu.memory_space<hbm>> -> memref<10000x128xf32, #tpu.memory_space<hbm>>
      tpu.wait_indirect_dma semaphore(%arg12 : memref<!tpu.dma_semaphore, #tpu.memory_space<semaphore_mem>>) src(%dma_wait3A_248 : memref<10000x128xf32, #tpu.memory_space<hbm>>) dst(%arg9 : memref<128x128xf32, #tpu.memory_space<vmem>>)
      %run_scoped3A_249 = arith.constant 1 : i32
      "tpu.region"() ({
        %run_scoped3A_313 = tpu.sem_alloc : memref<!tpu.dma_semaphore, #tpu.memory_space<semaphore_mem>>
        %dma_start3A_314 = arith.constant 0 : i32
        %dma_start3A_315 = tpu.memref_slice %arg7[%run_scoped3A_249, %dma_start3A_314] : memref<2x128xi32, #tpu.memory_space<vmem>> -> memref<1x128xi32, #tpu.memory_space<vmem>>
        %dma_start3A_316 = tpu.memref_squeeze %dma_start3A_315 : memref<1x128xi32, #tpu.memory_space<vmem>> -> memref<128xi32, #tpu.memory_space<vmem>>
        %dma_start3A_317 = arith.constant 0 : i32
        %dma_start3A_318 = arith.constant 0 : i32
        %dma_start3A_319 = tpu.memref_slice %arg11[%dma_start3A_317, %dma_start3A_318] : memref<10112x128xf32, #tpu.memory_space<vmem_shared>> -> memref<10112x128xf32, #tpu.memory_space<vmem_shared>>
        tpu.enqueue_indirect_dma source(%arg9 : memref<128x128xf32, #tpu.memory_space<vmem>>) target(%dma_start3A_319 : memref<10112x128xf32, #tpu.memory_space<vmem_shared>>) offsets(%dma_start3A_316 : memref<128xi32, #tpu.memory_space<vmem>>) semaphore(%run_scoped3A_313 : memref<!tpu.dma_semaphore, #tpu.memory_space<semaphore_mem>>) {add = true}
        %dma_wait3A_320 = arith.constant 0 : i32
        %dma_wait3A_321 = tpu.memref_slice %arg7[%run_scoped3A_249, %dma_wait3A_320] : memref<2x128xi32, #tpu.memory_space<vmem>> -> memref<1x128xi32, #tpu.memory_space<vmem>>
        %dma_wait3A_322 = tpu.memref_squeeze %dma_wait3A_321 : memref<1x128xi32, #tpu.memory_space<vmem>> -> memref<128xi32, #tpu.memory_space<vmem>>
        %dma_wait3A_323 = arith.constant 0 : i32
        %dma_wait3A_324 = arith.constant 0 : i32
        %dma_wait3A_325 = tpu.memref_slice %arg11[%dma_wait3A_323, %dma_wait3A_324] : memref<10112x128xf32, #tpu.memory_space<vmem_shared>> -> memref<10112x128xf32, #tpu.memory_space<vmem_shared>>
        tpu.wait_indirect_dma semaphore(%run_scoped3A_313 : memref<!tpu.dma_semaphore, #tpu.memory_space<semaphore_mem>>) src(%arg9 : memref<128x128xf32, #tpu.memory_space<vmem>>) dst(%dma_wait3A_325 : memref<10112x128xf32, #tpu.memory_space<vmem_shared>>)
        tpu.yield
      }) : () -> ()
      %add3A_250 = arith.constant 6 : i32
      %add3A_251 = arith.addi %mul3A_171, %add3A_250 : i32
      %dma_start3A_252 = arith.constant 0 : i32
      %dma_start3A_253 = arith.constant 0 : i32
      %dma_start3A_254 = tpu.memref_slice %arg3[%add3A, %add3A_251, %dma_start3A_252, %dma_start3A_253] : memref<32x80x2x128xi32, #tpu.memory_space<hbm>> -> memref<1x1x2x128xi32, #tpu.memory_space<hbm>>
      %dma_start3A_255 = tpu.memref_squeeze %dma_start3A_254 : memref<1x1x2x128xi32, #tpu.memory_space<hbm>> -> memref<2x128xi32, #tpu.memory_space<hbm>>
      %dma_start3A_256 = arith.constant 0 : i32
      %dma_start3A_257 = arith.constant 0 : i32
      %dma_start3A_258 = tpu.memref_slice %arg3[%add3A, %add3A_251, %dma_start3A_256, %dma_start3A_257] : memref<32x80x2x128xi32, #tpu.memory_space<hbm>> -> memref<1x1x2x128xi32, #tpu.memory_space<hbm>>
      %dma_start3A_259 = tpu.memref_squeeze %dma_start3A_258 : memref<1x1x2x128xi32, #tpu.memory_space<hbm>> -> memref<2x128xi32, #tpu.memory_space<hbm>>
      tpu.enqueue_dma source(%dma_start3A_259 : memref<2x128xi32, #tpu.memory_space<hbm>>) target(%arg7 : memref<2x128xi32, #tpu.memory_space<vmem>>) target_semaphore(%arg16 : memref<!tpu.dma_semaphore, #tpu.memory_space<semaphore_mem>>)
      %add3A_260 = arith.constant 4 : i32
      %add3A_261 = arith.addi %mul3A_171, %add3A_260 : i32
      %dma_wait3A_262 = arith.constant 0 : i32
      %dma_wait3A_263 = arith.constant 0 : i32
      %dma_wait3A_264 = tpu.memref_slice %arg3[%add3A, %add3A_261, %dma_wait3A_262, %dma_wait3A_263] : memref<32x80x2x128xi32, #tpu.memory_space<hbm>> -> memref<1x1x2x128xi32, #tpu.memory_space<hbm>>
      %dma_wait3A_265 = tpu.memref_squeeze %dma_wait3A_264 : memref<1x1x2x128xi32, #tpu.memory_space<hbm>> -> memref<2x128xi32, #tpu.memory_space<hbm>>
      %dma_wait3A_266 = arith.constant 0 : i32
      %dma_wait3A_267 = arith.constant 0 : i32
      %dma_wait3A_268 = tpu.memref_slice %arg3[%add3A, %add3A_261, %dma_wait3A_266, %dma_wait3A_267] : memref<32x80x2x128xi32, #tpu.memory_space<hbm>> -> memref<1x1x2x128xi32, #tpu.memory_space<hbm>>
      %dma_wait3A_269 = tpu.memref_squeeze %dma_wait3A_268 : memref<1x1x2x128xi32, #tpu.memory_space<hbm>> -> memref<2x128xi32, #tpu.memory_space<hbm>>
      tpu.wait_dma2 semaphore(%arg14 : memref<!tpu.dma_semaphore, #tpu.memory_space<semaphore_mem>>) src(%dma_wait3A_269 : memref<2x128xi32, #tpu.memory_space<hbm>>) dst(%arg5 : memref<2x128xi32, #tpu.memory_space<vmem>>)
      %dma_start3A_270 = arith.constant 0 : i32
      %dma_start3A_271 = arith.constant 0 : i32
      %dma_start3A_272 = tpu.memref_slice %arg5[%dma_start3A_270, %dma_start3A_271] : memref<2x128xi32, #tpu.memory_space<vmem>> -> memref<1x128xi32, #tpu.memory_space<vmem>>
      %dma_start3A_273 = tpu.memref_squeeze %dma_start3A_272 : memref<1x128xi32, #tpu.memory_space<vmem>> -> memref<128xi32, #tpu.memory_space<vmem>>
      %dma_start3A_274 = arith.constant 0 : i32
      %dma_start3A_275 = arith.constant 0 : i32
      %dma_start3A_276 = tpu.memref_slice %arg2[%dma_start3A_274, %dma_start3A_275] : memref<10000x128xf32, #tpu.memory_space<hbm>> -> memref<10000x128xf32, #tpu.memory_space<hbm>>
      tpu.enqueue_indirect_dma source(%dma_start3A_276 : memref<10000x128xf32, #tpu.memory_space<hbm>>) target(%arg9 : memref<128x128xf32, #tpu.memory_space<vmem>>) offsets(%dma_start3A_273 : memref<128xi32, #tpu.memory_space<vmem>>) semaphore(%arg12 : memref<!tpu.dma_semaphore, #tpu.memory_space<semaphore_mem>>)
      %dma_wait3A_277 = arith.constant 0 : i32
      %dma_wait3A_278 = arith.constant 0 : i32
      %dma_wait3A_279 = tpu.memref_slice %arg8[%dma_wait3A_277, %dma_wait3A_278] : memref<2x128xi32, #tpu.memory_space<vmem>> -> memref<1x128xi32, #tpu.memory_space<vmem>>
      %dma_wait3A_280 = tpu.memref_squeeze %dma_wait3A_279 : memref<1x128xi32, #tpu.memory_space<vmem>> -> memref<128xi32, #tpu.memory_space<vmem>>
      %dma_wait3A_281 = arith.constant 0 : i32
      %dma_wait3A_282 = arith.constant 0 : i32
      %dma_wait3A_283 = tpu.memref_slice %arg2[%dma_wait3A_281, %dma_wait3A_282] : memref<10000x128xf32, #tpu.memory_space<hbm>> -> memref<10000x128xf32, #tpu.memory_space<hbm>>
      tpu.wait_indirect_dma semaphore(%arg13 : memref<!tpu.dma_semaphore, #tpu.memory_space<semaphore_mem>>) src(%dma_wait3A_283 : memref<10000x128xf32, #tpu.memory_space<hbm>>) dst(%arg10 : memref<128x128xf32, #tpu.memory_space<vmem>>)
      %run_scoped3A_284 = arith.constant 1 : i32
      "tpu.region"() ({
        %run_scoped3A_313 = tpu.sem_alloc : memref<!tpu.dma_semaphore, #tpu.memory_space<semaphore_mem>>
        %dma_start3A_314 = arith.constant 0 : i32
        %dma_start3A_315 = tpu.memref_slice %arg8[%run_scoped3A_284, %dma_start3A_314] : memref<2x128xi32, #tpu.memory_space<vmem>> -> memref<1x128xi32, #tpu.memory_space<vmem>>
        %dma_start3A_316 = tpu.memref_squeeze %dma_start3A_315 : memref<1x128xi32, #tpu.memory_space<vmem>> -> memref<128xi32, #tpu.memory_space<vmem>>
        %dma_start3A_317 = arith.constant 0 : i32
        %dma_start3A_318 = arith.constant 0 : i32
        %dma_start3A_319 = tpu.memref_slice %arg11[%dma_start3A_317, %dma_start3A_318] : memref<10112x128xf32, #tpu.memory_space<vmem_shared>> -> memref<10112x128xf32, #tpu.memory_space<vmem_shared>>
        tpu.enqueue_indirect_dma source(%arg10 : memref<128x128xf32, #tpu.memory_space<vmem>>) target(%dma_start3A_319 : memref<10112x128xf32, #tpu.memory_space<vmem_shared>>) offsets(%dma_start3A_316 : memref<128xi32, #tpu.memory_space<vmem>>) semaphore(%run_scoped3A_313 : memref<!tpu.dma_semaphore, #tpu.memory_space<semaphore_mem>>) {add = true}
        %dma_wait3A_320 = arith.constant 0 : i32
        %dma_wait3A_321 = tpu.memref_slice %arg8[%run_scoped3A_284, %dma_wait3A_320] : memref<2x128xi32, #tpu.memory_space<vmem>> -> memref<1x128xi32, #tpu.memory_space<vmem>>
        %dma_wait3A_322 = tpu.memref_squeeze %dma_wait3A_321 : memref<1x128xi32, #tpu.memory_space<vmem>> -> memref<128xi32, #tpu.memory_space<vmem>>
        %dma_wait3A_323 = arith.constant 0 : i32
        %dma_wait3A_324 = arith.constant 0 : i32
        %dma_wait3A_325 = tpu.memref_slice %arg11[%dma_wait3A_323, %dma_wait3A_324] : memref<10112x128xf32, #tpu.memory_space<vmem_shared>> -> memref<10112x128xf32, #tpu.memory_space<vmem_shared>>
        tpu.wait_indirect_dma semaphore(%run_scoped3A_313 : memref<!tpu.dma_semaphore, #tpu.memory_space<semaphore_mem>>) src(%arg10 : memref<128x128xf32, #tpu.memory_space<vmem>>) dst(%dma_wait3A_325 : memref<10112x128xf32, #tpu.memory_space<vmem_shared>>)
        tpu.yield
      }) : () -> ()
      %add3A_285 = arith.constant 7 : i32
      %add3A_286 = arith.addi %mul3A_171, %add3A_285 : i32
      %dma_start3A_287 = arith.constant 0 : i32
      %dma_start3A_288 = arith.constant 0 : i32
      %dma_start3A_289 = tpu.memref_slice %arg3[%add3A, %add3A_286, %dma_start3A_287, %dma_start3A_288] : memref<32x80x2x128xi32, #tpu.memory_space<hbm>> -> memref<1x1x2x128xi32, #tpu.memory_space<hbm>>
      %dma_start3A_290 = tpu.memref_squeeze %dma_start3A_289 : memref<1x1x2x128xi32, #tpu.memory_space<hbm>> -> memref<2x128xi32, #tpu.memory_space<hbm>>
      %dma_start3A_291 = arith.constant 0 : i32
      %dma_start3A_292 = arith.constant 0 : i32
      %dma_start3A_293 = tpu.memref_slice %arg3[%add3A, %add3A_286, %dma_start3A_291, %dma_start3A_292] : memref<32x80x2x128xi32, #tpu.memory_space<hbm>> -> memref<1x1x2x128xi32, #tpu.memory_space<hbm>>
      %dma_start3A_294 = tpu.memref_squeeze %dma_start3A_293 : memref<1x1x2x128xi32, #tpu.memory_space<hbm>> -> memref<2x128xi32, #tpu.memory_space<hbm>>
      tpu.enqueue_dma source(%dma_start3A_294 : memref<2x128xi32, #tpu.memory_space<hbm>>) target(%arg8 : memref<2x128xi32, #tpu.memory_space<vmem>>) target_semaphore(%arg17 : memref<!tpu.dma_semaphore, #tpu.memory_space<semaphore_mem>>)
      %add3A_295 = arith.constant 5 : i32
      %add3A_296 = arith.addi %mul3A_171, %add3A_295 : i32
      %dma_wait3A_297 = arith.constant 0 : i32
      %dma_wait3A_298 = arith.constant 0 : i32
      %dma_wait3A_299 = tpu.memref_slice %arg3[%add3A, %add3A_296, %dma_wait3A_297, %dma_wait3A_298] : memref<32x80x2x128xi32, #tpu.memory_space<hbm>> -> memref<1x1x2x128xi32, #tpu.memory_space<hbm>>
      %dma_wait3A_300 = tpu.memref_squeeze %dma_wait3A_299 : memref<1x1x2x128xi32, #tpu.memory_space<hbm>> -> memref<2x128xi32, #tpu.memory_space<hbm>>
      %dma_wait3A_301 = arith.constant 0 : i32
      %dma_wait3A_302 = arith.constant 0 : i32
      %dma_wait3A_303 = tpu.memref_slice %arg3[%add3A, %add3A_296, %dma_wait3A_301, %dma_wait3A_302] : memref<32x80x2x128xi32, #tpu.memory_space<hbm>> -> memref<1x1x2x128xi32, #tpu.memory_space<hbm>>
      %dma_wait3A_304 = tpu.memref_squeeze %dma_wait3A_303 : memref<1x1x2x128xi32, #tpu.memory_space<hbm>> -> memref<2x128xi32, #tpu.memory_space<hbm>>
      tpu.wait_dma2 semaphore(%arg15 : memref<!tpu.dma_semaphore, #tpu.memory_space<semaphore_mem>>) src(%dma_wait3A_304 : memref<2x128xi32, #tpu.memory_space<hbm>>) dst(%arg6 : memref<2x128xi32, #tpu.memory_space<vmem>>)
      %dma_start3A_305 = arith.constant 0 : i32
      %dma_start3A_306 = arith.constant 0 : i32
      %dma_start3A_307 = tpu.memref_slice %arg6[%dma_start3A_305, %dma_start3A_306] : memref<2x128xi32, #tpu.memory_space<vmem>> -> memref<1x128xi32, #tpu.memory_space<vmem>>
      %dma_start3A_308 = tpu.memref_squeeze %dma_start3A_307 : memref<1x128xi32, #tpu.memory_space<vmem>> -> memref<128xi32, #tpu.memory_space<vmem>>
      %dma_start3A_309 = arith.constant 0 : i32
      %dma_start3A_310 = arith.constant 0 : i32
      %dma_start3A_311 = tpu.memref_slice %arg2[%dma_start3A_309, %dma_start3A_310] : memref<10000x128xf32, #tpu.memory_space<hbm>> -> memref<10000x128xf32, #tpu.memory_space<hbm>>
      tpu.enqueue_indirect_dma source(%dma_start3A_311 : memref<10000x128xf32, #tpu.memory_space<hbm>>) target(%arg10 : memref<128x128xf32, #tpu.memory_space<vmem>>) offsets(%dma_start3A_308 : memref<128xi32, #tpu.memory_space<vmem>>) semaphore(%arg13 : memref<!tpu.dma_semaphore, #tpu.memory_space<semaphore_mem>>)
      %scan3A_312 = arith.constant 0 : i32
      scf.yield %scan3A_312 : i32
    }
    %scan3A_99 = arith.constant 19 : i32
    %dma_wait3A_100 = arith.constant 0 : i32
    %dma_wait3A_101 = arith.constant 0 : i32
    %dma_wait3A_102 = tpu.memref_slice %arg5[%dma_wait3A_100, %dma_wait3A_101] : memref<2x128xi32, #tpu.memory_space<vmem>> -> memref<1x128xi32, #tpu.memory_space<vmem>>
    %dma_wait3A_103 = tpu.memref_squeeze %dma_wait3A_102 : memref<1x128xi32, #tpu.memory_space<vmem>> -> memref<128xi32, #tpu.memory_space<vmem>>
    %dma_wait3A_104 = arith.constant 0 : i32
    %dma_wait3A_105 = arith.constant 0 : i32
    %dma_wait3A_106 = tpu.memref_slice %arg2[%dma_wait3A_104, %dma_wait3A_105] : memref<10000x128xf32, #tpu.memory_space<hbm>> -> memref<10000x128xf32, #tpu.memory_space<hbm>>
    tpu.wait_indirect_dma semaphore(%arg12 : memref<!tpu.dma_semaphore, #tpu.memory_space<semaphore_mem>>) src(%dma_wait3A_106 : memref<10000x128xf32, #tpu.memory_space<hbm>>) dst(%arg9 : memref<128x128xf32, #tpu.memory_space<vmem>>)
    %run_scoped3A = arith.constant 1 : i32
    "tpu.region"() ({
      %run_scoped3A_168 = tpu.sem_alloc : memref<!tpu.dma_semaphore, #tpu.memory_space<semaphore_mem>>
      %dma_start3A_169 = arith.constant 0 : i32
      %dma_start3A_170 = tpu.memref_slice %arg5[%run_scoped3A, %dma_start3A_169] : memref<2x128xi32, #tpu.memory_space<vmem>> -> memref<1x128xi32, #tpu.memory_space<vmem>>
      %dma_start3A_171 = tpu.memref_squeeze %dma_start3A_170 : memref<1x128xi32, #tpu.memory_space<vmem>> -> memref<128xi32, #tpu.memory_space<vmem>>
      %dma_start3A_172 = arith.constant 0 : i32
      %dma_start3A_173 = arith.constant 0 : i32
      %dma_start3A_174 = tpu.memref_slice %arg11[%dma_start3A_172, %dma_start3A_173] : memref<10112x128xf32, #tpu.memory_space<vmem_shared>> -> memref<10112x128xf32, #tpu.memory_space<vmem_shared>>
      tpu.enqueue_indirect_dma source(%arg9 : memref<128x128xf32, #tpu.memory_space<vmem>>) target(%dma_start3A_174 : memref<10112x128xf32, #tpu.memory_space<vmem_shared>>) offsets(%dma_start3A_171 : memref<128xi32, #tpu.memory_space<vmem>>) semaphore(%run_scoped3A_168 : memref<!tpu.dma_semaphore, #tpu.memory_space<semaphore_mem>>) {add = true}
      %dma_wait3A_175 = arith.constant 0 : i32
      %dma_wait3A_176 = tpu.memref_slice %arg5[%run_scoped3A, %dma_wait3A_175] : memref<2x128xi32, #tpu.memory_space<vmem>> -> memref<1x128xi32, #tpu.memory_space<vmem>>
      %dma_wait3A_177 = tpu.memref_squeeze %dma_wait3A_176 : memref<1x128xi32, #tpu.memory_space<vmem>> -> memref<128xi32, #tpu.memory_space<vmem>>
      %dma_wait3A_178 = arith.constant 0 : i32
      %dma_wait3A_179 = arith.constant 0 : i32
      %dma_wait3A_180 = tpu.memref_slice %arg11[%dma_wait3A_178, %dma_wait3A_179] : memref<10112x128xf32, #tpu.memory_space<vmem_shared>> -> memref<10112x128xf32, #tpu.memory_space<vmem_shared>>
      tpu.wait_indirect_dma semaphore(%run_scoped3A_168 : memref<!tpu.dma_semaphore, #tpu.memory_space<semaphore_mem>>) src(%arg9 : memref<128x128xf32, #tpu.memory_space<vmem>>) dst(%dma_wait3A_180 : memref<10112x128xf32, #tpu.memory_space<vmem_shared>>)
      tpu.yield
    }) : () -> ()
    %dma_wait3A_107 = arith.constant 78 : i32
    %dma_wait3A_108 = arith.constant 0 : i32
    %dma_wait3A_109 = arith.constant 0 : i32
    %dma_wait3A_110 = tpu.memref_slice %arg3[%add3A, %dma_wait3A_107, %dma_wait3A_108, %dma_wait3A_109] : memref<32x80x2x128xi32, #tpu.memory_space<hbm>> -> memref<1x1x2x128xi32, #tpu.memory_space<hbm>>
    %dma_wait3A_111 = tpu.memref_squeeze %dma_wait3A_110 : memref<1x1x2x128xi32, #tpu.memory_space<hbm>> -> memref<2x128xi32, #tpu.memory_space<hbm>>
    %dma_wait3A_112 = arith.constant 0 : i32
    %dma_wait3A_113 = arith.constant 0 : i32
    %dma_wait3A_114 = tpu.memref_slice %arg3[%add3A, %dma_wait3A_107, %dma_wait3A_112, %dma_wait3A_113] : memref<32x80x2x128xi32, #tpu.memory_space<hbm>> -> memref<1x1x2x128xi32, #tpu.memory_space<hbm>>
    %dma_wait3A_115 = tpu.memref_squeeze %dma_wait3A_114 : memref<1x1x2x128xi32, #tpu.memory_space<hbm>> -> memref<2x128xi32, #tpu.memory_space<hbm>>
    tpu.wait_dma2 semaphore(%arg16 : memref<!tpu.dma_semaphore, #tpu.memory_space<semaphore_mem>>) src(%dma_wait3A_115 : memref<2x128xi32, #tpu.memory_space<hbm>>) dst(%arg7 : memref<2x128xi32, #tpu.memory_space<vmem>>)
    %dma_start3A_116 = arith.constant 0 : i32
    %dma_start3A_117 = arith.constant 0 : i32
    %dma_start3A_118 = tpu.memref_slice %arg7[%dma_start3A_116, %dma_start3A_117] : memref<2x128xi32, #tpu.memory_space<vmem>> -> memref<1x128xi32, #tpu.memory_space<vmem>>
    %dma_start3A_119 = tpu.memref_squeeze %dma_start3A_118 : memref<1x128xi32, #tpu.memory_space<vmem>> -> memref<128xi32, #tpu.memory_space<vmem>>
    %dma_start3A_120 = arith.constant 0 : i32
    %dma_start3A_121 = arith.constant 0 : i32
    %dma_start3A_122 = tpu.memref_slice %arg2[%dma_start3A_120, %dma_start3A_121] : memref<10000x128xf32, #tpu.memory_space<hbm>> -> memref<10000x128xf32, #tpu.memory_space<hbm>>
    tpu.enqueue_indirect_dma source(%dma_start3A_122 : memref<10000x128xf32, #tpu.memory_space<hbm>>) target(%arg9 : memref<128x128xf32, #tpu.memory_space<vmem>>) offsets(%dma_start3A_119 : memref<128xi32, #tpu.memory_space<vmem>>) semaphore(%arg12 : memref<!tpu.dma_semaphore, #tpu.memory_space<semaphore_mem>>)
    %dma_wait3A_123 = arith.constant 0 : i32
    %dma_wait3A_124 = arith.constant 0 : i32
    %dma_wait3A_125 = tpu.memref_slice %arg6[%dma_wait3A_123, %dma_wait3A_124] : memref<2x128xi32, #tpu.memory_space<vmem>> -> memref<1x128xi32, #tpu.memory_space<vmem>>
    %dma_wait3A_126 = tpu.memref_squeeze %dma_wait3A_125 : memref<1x128xi32, #tpu.memory_space<vmem>> -> memref<128xi32, #tpu.memory_space<vmem>>
    %dma_wait3A_127 = arith.constant 0 : i32
    %dma_wait3A_128 = arith.constant 0 : i32
    %dma_wait3A_129 = tpu.memref_slice %arg2[%dma_wait3A_127, %dma_wait3A_128] : memref<10000x128xf32, #tpu.memory_space<hbm>> -> memref<10000x128xf32, #tpu.memory_space<hbm>>
    tpu.wait_indirect_dma semaphore(%arg13 : memref<!tpu.dma_semaphore, #tpu.memory_space<semaphore_mem>>) src(%dma_wait3A_129 : memref<10000x128xf32, #tpu.memory_space<hbm>>) dst(%arg10 : memref<128x128xf32, #tpu.memory_space<vmem>>)
    %run_scoped3A_130 = arith.constant 1 : i32
    "tpu.region"() ({
      %run_scoped3A_168 = tpu.sem_alloc : memref<!tpu.dma_semaphore, #tpu.memory_space<semaphore_mem>>
      %dma_start3A_169 = arith.constant 0 : i32
      %dma_start3A_170 = tpu.memref_slice %arg6[%run_scoped3A_130, %dma_start3A_169] : memref<2x128xi32, #tpu.memory_space<vmem>> -> memref<1x128xi32, #tpu.memory_space<vmem>>
      %dma_start3A_171 = tpu.memref_squeeze %dma_start3A_170 : memref<1x128xi32, #tpu.memory_space<vmem>> -> memref<128xi32, #tpu.memory_space<vmem>>
      %dma_start3A_172 = arith.constant 0 : i32
      %dma_start3A_173 = arith.constant 0 : i32
      %dma_start3A_174 = tpu.memref_slice %arg11[%dma_start3A_172, %dma_start3A_173] : memref<10112x128xf32, #tpu.memory_space<vmem_shared>> -> memref<10112x128xf32, #tpu.memory_space<vmem_shared>>
      tpu.enqueue_indirect_dma source(%arg10 : memref<128x128xf32, #tpu.memory_space<vmem>>) target(%dma_start3A_174 : memref<10112x128xf32, #tpu.memory_space<vmem_shared>>) offsets(%dma_start3A_171 : memref<128xi32, #tpu.memory_space<vmem>>) semaphore(%run_scoped3A_168 : memref<!tpu.dma_semaphore, #tpu.memory_space<semaphore_mem>>) {add = true}
      %dma_wait3A_175 = arith.constant 0 : i32
      %dma_wait3A_176 = tpu.memref_slice %arg6[%run_scoped3A_130, %dma_wait3A_175] : memref<2x128xi32, #tpu.memory_space<vmem>> -> memref<1x128xi32, #tpu.memory_space<vmem>>
      %dma_wait3A_177 = tpu.memref_squeeze %dma_wait3A_176 : memref<1x128xi32, #tpu.memory_space<vmem>> -> memref<128xi32, #tpu.memory_space<vmem>>
      %dma_wait3A_178 = arith.constant 0 : i32
      %dma_wait3A_179 = arith.constant 0 : i32
      %dma_wait3A_180 = tpu.memref_slice %arg11[%dma_wait3A_178, %dma_wait3A_179] : memref<10112x128xf32, #tpu.memory_space<vmem_shared>> -> memref<10112x128xf32, #tpu.memory_space<vmem_shared>>
      tpu.wait_indirect_dma semaphore(%run_scoped3A_168 : memref<!tpu.dma_semaphore, #tpu.memory_space<semaphore_mem>>) src(%arg10 : memref<128x128xf32, #tpu.memory_space<vmem>>) dst(%dma_wait3A_180 : memref<10112x128xf32, #tpu.memory_space<vmem_shared>>)
      tpu.yield
    }) : () -> ()
    %dma_wait3A_131 = arith.constant 79 : i32
    %dma_wait3A_132 = arith.constant 0 : i32
    %dma_wait3A_133 = arith.constant 0 : i32
    %dma_wait3A_134 = tpu.memref_slice %arg3[%add3A, %dma_wait3A_131, %dma_wait3A_132, %dma_wait3A_133] : memref<32x80x2x128xi32, #tpu.memory_space<hbm>> -> memref<1x1x2x128xi32, #tpu.memory_space<hbm>>
    %dma_wait3A_135 = tpu.memref_squeeze %dma_wait3A_134 : memref<1x1x2x128xi32, #tpu.memory_space<hbm>> -> memref<2x128xi32, #tpu.memory_space<hbm>>
    %dma_wait3A_136 = arith.constant 0 : i32
    %dma_wait3A_137 = arith.constant 0 : i32
    %dma_wait3A_138 = tpu.memref_slice %arg3[%add3A, %dma_wait3A_131, %dma_wait3A_136, %dma_wait3A_137] : memref<32x80x2x128xi32, #tpu.memory_space<hbm>> -> memref<1x1x2x128xi32, #tpu.memory_space<hbm>>
    %dma_wait3A_139 = tpu.memref_squeeze %dma_wait3A_138 : memref<1x1x2x128xi32, #tpu.memory_space<hbm>> -> memref<2x128xi32, #tpu.memory_space<hbm>>
    tpu.wait_dma2 semaphore(%arg17 : memref<!tpu.dma_semaphore, #tpu.memory_space<semaphore_mem>>) src(%dma_wait3A_139 : memref<2x128xi32, #tpu.memory_space<hbm>>) dst(%arg8 : memref<2x128xi32, #tpu.memory_space<vmem>>)
    %dma_start3A_140 = arith.constant 0 : i32
    %dma_start3A_141 = arith.constant 0 : i32
    %dma_start3A_142 = tpu.memref_slice %arg8[%dma_start3A_140, %dma_start3A_141] : memref<2x128xi32, #tpu.memory_space<vmem>> -> memref<1x128xi32, #tpu.memory_space<vmem>>
    %dma_start3A_143 = tpu.memref_squeeze %dma_start3A_142 : memref<1x128xi32, #tpu.memory_space<vmem>> -> memref<128xi32, #tpu.memory_space<vmem>>
    %dma_start3A_144 = arith.constant 0 : i32
    %dma_start3A_145 = arith.constant 0 : i32
    %dma_start3A_146 = tpu.memref_slice %arg2[%dma_start3A_144, %dma_start3A_145] : memref<10000x128xf32, #tpu.memory_space<hbm>> -> memref<10000x128xf32, #tpu.memory_space<hbm>>
    tpu.enqueue_indirect_dma source(%dma_start3A_146 : memref<10000x128xf32, #tpu.memory_space<hbm>>) target(%arg10 : memref<128x128xf32, #tpu.memory_space<vmem>>) offsets(%dma_start3A_143 : memref<128xi32, #tpu.memory_space<vmem>>) semaphore(%arg13 : memref<!tpu.dma_semaphore, #tpu.memory_space<semaphore_mem>>)
    %dma_wait3A_147 = arith.constant 0 : i32
    %dma_wait3A_148 = arith.constant 0 : i32
    %dma_wait3A_149 = tpu.memref_slice %arg7[%dma_wait3A_147, %dma_wait3A_148] : memref<2x128xi32, #tpu.memory_space<vmem>> -> memref<1x128xi32, #tpu.memory_space<vmem>>
    %dma_wait3A_150 = tpu.memref_squeeze %dma_wait3A_149 : memref<1x128xi32, #tpu.memory_space<vmem>> -> memref<128xi32, #tpu.memory_space<vmem>>
    %dma_wait3A_151 = arith.constant 0 : i32
    %dma_wait3A_152 = arith.constant 0 : i32
    %dma_wait3A_153 = tpu.memref_slice %arg2[%dma_wait3A_151, %dma_wait3A_152] : memref<10000x128xf32, #tpu.memory_space<hbm>> -> memref<10000x128xf32, #tpu.memory_space<hbm>>
    tpu.wait_indirect_dma semaphore(%arg12 : memref<!tpu.dma_semaphore, #tpu.memory_space<semaphore_mem>>) src(%dma_wait3A_153 : memref<10000x128xf32, #tpu.memory_space<hbm>>) dst(%arg9 : memref<128x128xf32, #tpu.memory_space<vmem>>)
    %run_scoped3A_154 = arith.constant 1 : i32
    "tpu.region"() ({
      %run_scoped3A_168 = tpu.sem_alloc : memref<!tpu.dma_semaphore, #tpu.memory_space<semaphore_mem>>
      %dma_start3A_169 = arith.constant 0 : i32
      %dma_start3A_170 = tpu.memref_slice %arg7[%run_scoped3A_154, %dma_start3A_169] : memref<2x128xi32, #tpu.memory_space<vmem>> -> memref<1x128xi32, #tpu.memory_space<vmem>>
      %dma_start3A_171 = tpu.memref_squeeze %dma_start3A_170 : memref<1x128xi32, #tpu.memory_space<vmem>> -> memref<128xi32, #tpu.memory_space<vmem>>
      %dma_start3A_172 = arith.constant 0 : i32
      %dma_start3A_173 = arith.constant 0 : i32
      %dma_start3A_174 = tpu.memref_slice %arg11[%dma_start3A_172, %dma_start3A_173] : memref<10112x128xf32, #tpu.memory_space<vmem_shared>> -> memref<10112x128xf32, #tpu.memory_space<vmem_shared>>
      tpu.enqueue_indirect_dma source(%arg9 : memref<128x128xf32, #tpu.memory_space<vmem>>) target(%dma_start3A_174 : memref<10112x128xf32, #tpu.memory_space<vmem_shared>>) offsets(%dma_start3A_171 : memref<128xi32, #tpu.memory_space<vmem>>) semaphore(%run_scoped3A_168 : memref<!tpu.dma_semaphore, #tpu.memory_space<semaphore_mem>>) {add = true}
      %dma_wait3A_175 = arith.constant 0 : i32
      %dma_wait3A_176 = tpu.memref_slice %arg7[%run_scoped3A_154, %dma_wait3A_175] : memref<2x128xi32, #tpu.memory_space<vmem>> -> memref<1x128xi32, #tpu.memory_space<vmem>>
      %dma_wait3A_177 = tpu.memref_squeeze %dma_wait3A_176 : memref<1x128xi32, #tpu.memory_space<vmem>> -> memref<128xi32, #tpu.memory_space<vmem>>
      %dma_wait3A_178 = arith.constant 0 : i32
      %dma_wait3A_179 = arith.constant 0 : i32
      %dma_wait3A_180 = tpu.memref_slice %arg11[%dma_wait3A_178, %dma_wait3A_179] : memref<10112x128xf32, #tpu.memory_space<vmem_shared>> -> memref<10112x128xf32, #tpu.memory_space<vmem_shared>>
      tpu.wait_indirect_dma semaphore(%run_scoped3A_168 : memref<!tpu.dma_semaphore, #tpu.memory_space<semaphore_mem>>) src(%arg9 : memref<128x128xf32, #tpu.memory_space<vmem>>) dst(%dma_wait3A_180 : memref<10112x128xf32, #tpu.memory_space<vmem_shared>>)
      tpu.yield
    }) : () -> ()
    %dma_wait3A_155 = arith.constant 0 : i32
    %dma_wait3A_156 = arith.constant 0 : i32
    %dma_wait3A_157 = tpu.memref_slice %arg8[%dma_wait3A_155, %dma_wait3A_156] : memref<2x128xi32, #tpu.memory_space<vmem>> -> memref<1x128xi32, #tpu.memory_space<vmem>>
    %dma_wait3A_158 = tpu.memref_squeeze %dma_wait3A_157 : memref<1x128xi32, #tpu.memory_space<vmem>> -> memref<128xi32, #tpu.memory_space<vmem>>
    %dma_wait3A_159 = arith.constant 0 : i32
    %dma_wait3A_160 = arith.constant 0 : i32
    %dma_wait3A_161 = tpu.memref_slice %arg2[%dma_wait3A_159, %dma_wait3A_160] : memref<10000x128xf32, #tpu.memory_space<hbm>> -> memref<10000x128xf32, #tpu.memory_space<hbm>>
    tpu.wait_indirect_dma semaphore(%arg13 : memref<!tpu.dma_semaphore, #tpu.memory_space<semaphore_mem>>) src(%dma_wait3A_161 : memref<10000x128xf32, #tpu.memory_space<hbm>>) dst(%arg10 : memref<128x128xf32, #tpu.memory_space<vmem>>)
    %run_scoped3A_162 = arith.constant 1 : i32
    "tpu.region"() ({
      %run_scoped3A_168 = tpu.sem_alloc : memref<!tpu.dma_semaphore, #tpu.memory_space<semaphore_mem>>
      %dma_start3A_169 = arith.constant 0 : i32
      %dma_start3A_170 = tpu.memref_slice %arg8[%run_scoped3A_162, %dma_start3A_169] : memref<2x128xi32, #tpu.memory_space<vmem>> -> memref<1x128xi32, #tpu.memory_space<vmem>>
      %dma_start3A_171 = tpu.memref_squeeze %dma_start3A_170 : memref<1x128xi32, #tpu.memory_space<vmem>> -> memref<128xi32, #tpu.memory_space<vmem>>
      %dma_start3A_172 = arith.constant 0 : i32
      %dma_start3A_173 = arith.constant 0 : i32
      %dma_start3A_174 = tpu.memref_slice %arg11[%dma_start3A_172, %dma_start3A_173] : memref<10112x128xf32, #tpu.memory_space<vmem_shared>> -> memref<10112x128xf32, #tpu.memory_space<vmem_shared>>
      tpu.enqueue_indirect_dma source(%arg10 : memref<128x128xf32, #tpu.memory_space<vmem>>) target(%dma_start3A_174 : memref<10112x128xf32, #tpu.memory_space<vmem_shared>>) offsets(%dma_start3A_171 : memref<128xi32, #tpu.memory_space<vmem>>) semaphore(%run_scoped3A_168 : memref<!tpu.dma_semaphore, #tpu.memory_space<semaphore_mem>>) {add = true}
      %dma_wait3A_175 = arith.constant 0 : i32
      %dma_wait3A_176 = tpu.memref_slice %arg8[%run_scoped3A_162, %dma_wait3A_175] : memref<2x128xi32, #tpu.memory_space<vmem>> -> memref<1x128xi32, #tpu.memory_space<vmem>>
      %dma_wait3A_177 = tpu.memref_squeeze %dma_wait3A_176 : memref<1x128xi32, #tpu.memory_space<vmem>> -> memref<128xi32, #tpu.memory_space<vmem>>
      %dma_wait3A_178 = arith.constant 0 : i32
      %dma_wait3A_179 = arith.constant 0 : i32
      %dma_wait3A_180 = tpu.memref_slice %arg11[%dma_wait3A_178, %dma_wait3A_179] : memref<10112x128xf32, #tpu.memory_space<vmem_shared>> -> memref<10112x128xf32, #tpu.memory_space<vmem_shared>>
      tpu.wait_indirect_dma semaphore(%run_scoped3A_168 : memref<!tpu.dma_semaphore, #tpu.memory_space<semaphore_mem>>) src(%arg10 : memref<128x128xf32, #tpu.memory_space<vmem>>) dst(%dma_wait3A_180 : memref<10112x128xf32, #tpu.memory_space<vmem_shared>>)
      tpu.yield
    }) : () -> ()
    %barrier3A_163 = arith.constant 0 : index
    tpu.barrier barrier_id(%barrier3A_163)
    %mul3A_164 = arith.constant 632 : i32
    %mul3A_165 = arith.muli %arg1, %mul3A_164 : i32
    %mul3A_166 = arith.constant 632 : i32
    %mul3A_167 = arith.muli %arg1, %mul3A_166 : i32
    "tpu.region"() ({
      %run_scoped3A_168 = tpu.sem_alloc : memref<!tpu.dma_semaphore, #tpu.memory_space<semaphore_mem>>
      %dma_start3A_169 = arith.constant 0 : i32
      %dma_start3A_170 = tpu.memref_slice %arg4[%arg0, %mul3A_167, %dma_start3A_169] : memref<2x10112x128xf32, #tpu.memory_space<hbm>> -> memref<1x632x128xf32, #tpu.memory_space<hbm>>
      %dma_start3A_171 = tpu.memref_squeeze %dma_start3A_170 : memref<1x632x128xf32, #tpu.memory_space<hbm>> -> memref<632x128xf32, #tpu.memory_space<hbm>>
      %dma_start3A_172 = arith.constant 0 : i32
      %dma_start3A_173 = tpu.memref_slice %arg11[%mul3A_165, %dma_start3A_172] : memref<10112x128xf32, #tpu.memory_space<vmem_shared>> -> memref<632x128xf32, #tpu.memory_space<vmem_shared>>
      tpu.enqueue_dma source(%dma_start3A_173 : memref<632x128xf32, #tpu.memory_space<vmem_shared>>) target(%dma_start3A_171 : memref<632x128xf32, #tpu.memory_space<hbm>>) target_semaphore(%run_scoped3A_168 : memref<!tpu.dma_semaphore, #tpu.memory_space<semaphore_mem>>)
      %dma_wait3A_174 = arith.constant 0 : i32
      %dma_wait3A_175 = tpu.memref_slice %arg4[%arg0, %mul3A_167, %dma_wait3A_174] : memref<2x10112x128xf32, #tpu.memory_space<hbm>> -> memref<1x632x128xf32, #tpu.memory_space<hbm>>
      %dma_wait3A_176 = tpu.memref_squeeze %dma_wait3A_175 : memref<1x632x128xf32, #tpu.memory_space<hbm>> -> memref<632x128xf32, #tpu.memory_space<hbm>>
      %dma_wait3A_177 = arith.constant 0 : i32
      %dma_wait3A_178 = tpu.memref_slice %arg11[%mul3A_165, %dma_wait3A_177] : memref<10112x128xf32, #tpu.memory_space<vmem_shared>> -> memref<632x128xf32, #tpu.memory_space<vmem_shared>>
      tpu.wait_dma2 semaphore(%run_scoped3A_168 : memref<!tpu.dma_semaphore, #tpu.memory_space<semaphore_mem>>) src(%dma_wait3A_178 : memref<632x128xf32, #tpu.memory_space<vmem_shared>>) dst(%dma_wait3A_176 : memref<632x128xf32, #tpu.memory_space<hbm>>)
      tpu.yield
    }) : () -> ()
    return
  }
}

#map = affine_map<(d0, d1) -> (0, 0, 0, 0)>
#map1 = affine_map<(d0, d1) -> (0, 0, 0)>
module attributes {stable_mosaic.version = 14 : i64} {
  func.func @_sc_deg_body(%arg0: i32, %arg1: i32, %arg2: memref<32x80x1x128xi32, #tpu.memory_space<hbm>>, %arg3: memref<2x10112x16xf32, #tpu.memory_space<hbm>>, %arg4: memref<80x1x128xi32, #tpu.memory_space<vmem>>, %arg5: memref<128x16xf32, #tpu.memory_space<vmem>>, %arg6: memref<16x16xf32, #tpu.memory_space<vmem>>, %arg7: memref<10112x16xf32, #tpu.memory_space<vmem_shared>>) attributes {dimension_semantics = [#tpu.dimension_semantics<core_parallel>, #tpu.dimension_semantics<subcore_parallel>], iteration_bounds = array<i64: 2, 16>, scalar_prefetch = 0 : i64, scratch_operands = 4 : i64, tpu.core_type = #tpu.core_type<sc_vector_subcore>, window_params = [{transform_indices = #map}, {transform_indices = #map1}]} {
    %mul3A = arith.constant 16 : i32
    %mul3A_0 = arith.muli %arg0, %mul3A : i32
    %add3A = arith.addi %mul3A_0, %arg1 : i32
    "tpu.region"() ({
      %run_scoped3A = tpu.sem_alloc : memref<!tpu.dma_semaphore, #tpu.memory_space<semaphore_mem>>
      %dma_start3A = arith.constant 0 : i32
      %dma_start3A_186 = arith.constant 0 : i32
      %dma_start3A_187 = arith.constant 0 : i32
      %dma_start3A_188 = tpu.memref_slice %arg2[%add3A, %dma_start3A, %dma_start3A_186, %dma_start3A_187] : memref<32x80x1x128xi32, #tpu.memory_space<hbm>> -> memref<1x80x1x128xi32, #tpu.memory_space<hbm>>
      %dma_start3A_189 = tpu.memref_squeeze %dma_start3A_188 : memref<1x80x1x128xi32, #tpu.memory_space<hbm>> -> memref<80x1x128xi32, #tpu.memory_space<hbm>>
      %dma_start3A_190 = arith.constant 0 : i32
      %dma_start3A_191 = arith.constant 0 : i32
      %dma_start3A_192 = arith.constant 0 : i32
      %dma_start3A_193 = tpu.memref_slice %arg2[%add3A, %dma_start3A_190, %dma_start3A_191, %dma_start3A_192] : memref<32x80x1x128xi32, #tpu.memory_space<hbm>> -> memref<1x80x1x128xi32, #tpu.memory_space<hbm>>
      %dma_start3A_194 = tpu.memref_squeeze %dma_start3A_193 : memref<1x80x1x128xi32, #tpu.memory_space<hbm>> -> memref<80x1x128xi32, #tpu.memory_space<hbm>>
      tpu.enqueue_dma source(%dma_start3A_194 : memref<80x1x128xi32, #tpu.memory_space<hbm>>) target(%arg4 : memref<80x1x128xi32, #tpu.memory_space<vmem>>) target_semaphore(%run_scoped3A : memref<!tpu.dma_semaphore, #tpu.memory_space<semaphore_mem>>)
      %dma_wait3A = arith.constant 0 : i32
      %dma_wait3A_195 = arith.constant 0 : i32
      %dma_wait3A_196 = arith.constant 0 : i32
      %dma_wait3A_197 = tpu.memref_slice %arg2[%add3A, %dma_wait3A, %dma_wait3A_195, %dma_wait3A_196] : memref<32x80x1x128xi32, #tpu.memory_space<hbm>> -> memref<1x80x1x128xi32, #tpu.memory_space<hbm>>
      %dma_wait3A_198 = tpu.memref_squeeze %dma_wait3A_197 : memref<1x80x1x128xi32, #tpu.memory_space<hbm>> -> memref<80x1x128xi32, #tpu.memory_space<hbm>>
      %dma_wait3A_199 = arith.constant 0 : i32
      %dma_wait3A_200 = arith.constant 0 : i32
      %dma_wait3A_201 = arith.constant 0 : i32
      %dma_wait3A_202 = tpu.memref_slice %arg2[%add3A, %dma_wait3A_199, %dma_wait3A_200, %dma_wait3A_201] : memref<32x80x1x128xi32, #tpu.memory_space<hbm>> -> memref<1x80x1x128xi32, #tpu.memory_space<hbm>>
      %dma_wait3A_203 = tpu.memref_squeeze %dma_wait3A_202 : memref<1x80x1x128xi32, #tpu.memory_space<hbm>> -> memref<80x1x128xi32, #tpu.memory_space<hbm>>
      tpu.wait_dma2 semaphore(%run_scoped3A : memref<!tpu.dma_semaphore, #tpu.memory_space<semaphore_mem>>) src(%dma_wait3A_203 : memref<80x1x128xi32, #tpu.memory_space<hbm>>) dst(%arg4 : memref<80x1x128xi32, #tpu.memory_space<vmem>>)
      tpu.yield
    }) : () -> ()
    %scan3A = arith.constant 0 : i32
    %scan3A_1 = arith.constant 0 : i32
    %scan3A_2 = arith.constant 16 : i32
    %scan3A_3 = arith.addi %scan3A_1, %scan3A_2 : i32
    %scan3A_4 = arith.constant 1 : i32
    %scan3A_5 = scf.for %scan3A_186 = %scan3A_1 to %scan3A_3 step %scan3A_4 iter_args(%scan3A_187 = %scan3A) -> (i32)  : i32 {
      %broadcast_in_dim3A = arith.constant 0.000000e+00 : f32
      %broadcast_in_dim3A_188 = vector.broadcast %broadcast_in_dim3A : f32 to vector<16xf32>
      %swap3A = arith.index_cast %scan3A_186 : i32 to index
      %swap3A_189 = arith.constant 0 : index
      %swap3A_190 = tpu.vector_load %arg6[%swap3A, %swap3A_189] {strides = array<i32>} : memref<16x16xf32, #tpu.memory_space<vmem>>, vector<1x16xf32>,
      %swap3A_191 = vector.shape_cast %swap3A_190 : vector<1x16xf32> to vector<16xf32>
      %swap3A_192 = vector.shape_cast %broadcast_in_dim3A_188 : vector<16xf32> to vector<1x16xf32>
      tpu.vector_store %arg6[%swap3A, %swap3A_189], %swap3A_192 {strides = array<i32>} : memref<16x16xf32, #tpu.memory_space<vmem>>, vector<1x16xf32>,
      %scan3A_193 = arith.constant 0 : i32
      scf.yield %scan3A_193 : i32
    }
    %scan3A_6 = arith.constant 16 : i32
    %scan3A_7 = arith.constant 0 : i32
    %scan3A_8 = arith.constant 0 : i32
    %scan3A_9 = arith.constant 128 : i32
    %scan3A_10 = arith.addi %scan3A_8, %scan3A_9 : i32
    %scan3A_11 = arith.constant 1 : i32
    %scan3A_12 = scf.for %scan3A_186 = %scan3A_8 to %scan3A_10 step %scan3A_11 iter_args(%scan3A_187 = %scan3A_7) -> (i32)  : i32 {
      %broadcast_in_dim3A = arith.constant 1.000000e+00 : f32
      %broadcast_in_dim3A_188 = vector.broadcast %broadcast_in_dim3A : f32 to vector<16xf32>
      %swap3A = arith.index_cast %scan3A_186 : i32 to index
      %swap3A_189 = arith.constant 0 : index
      %swap3A_190 = tpu.vector_load %arg5[%swap3A, %swap3A_189] {strides = array<i32>} : memref<128x16xf32, #tpu.memory_space<vmem>>, vector<1x16xf32>,
      %swap3A_191 = vector.shape_cast %swap3A_190 : vector<1x16xf32> to vector<16xf32>
      %swap3A_192 = vector.shape_cast %broadcast_in_dim3A_188 : vector<16xf32> to vector<1x16xf32>
      tpu.vector_store %arg5[%swap3A, %swap3A_189], %swap3A_192 {strides = array<i32>} : memref<128x16xf32, #tpu.memory_space<vmem>>, vector<1x16xf32>,
      %scan3A_193 = arith.constant 0 : i32
      scf.yield %scan3A_193 : i32
    }
    %scan3A_13 = arith.constant 128 : i32
    %mul3A_14 = arith.constant 632 : i32
    %mul3A_15 = arith.muli %arg1, %mul3A_14 : i32
    %add3A_16 = arith.constant 0 : i32
    %add3A_17 = arith.addi %mul3A_15, %add3A_16 : i32
    "tpu.region"() ({
      %run_scoped3A = tpu.sem_alloc : memref<!tpu.dma_semaphore, #tpu.memory_space<semaphore_mem>>
      %dma_start3A = arith.constant 0 : i32
      %dma_start3A_186 = tpu.memref_slice %arg7[%add3A_17, %dma_start3A] : memref<10112x16xf32, #tpu.memory_space<vmem_shared>> -> memref<16x16xf32, #tpu.memory_space<vmem_shared>>
      %dma_start3A_187 = arith.constant 0 : i32
      %dma_start3A_188 = tpu.memref_slice %arg7[%add3A_17, %dma_start3A_187] : memref<10112x16xf32, #tpu.memory_space<vmem_shared>> -> memref<16x16xf32, #tpu.memory_space<vmem_shared>>
      tpu.enqueue_dma source(%arg6 : memref<16x16xf32, #tpu.memory_space<vmem>>) target(%dma_start3A_188 : memref<16x16xf32, #tpu.memory_space<vmem_shared>>) target_semaphore(%run_scoped3A : memref<!tpu.dma_semaphore, #tpu.memory_space<semaphore_mem>>)
      %dma_wait3A = arith.constant 0 : i32
      %dma_wait3A_189 = tpu.memref_slice %arg7[%add3A_17, %dma_wait3A] : memref<10112x16xf32, #tpu.memory_space<vmem_shared>> -> memref<16x16xf32, #tpu.memory_space<vmem_shared>>
      %dma_wait3A_190 = arith.constant 0 : i32
      %dma_wait3A_191 = tpu.memref_slice %arg7[%add3A_17, %dma_wait3A_190] : memref<10112x16xf32, #tpu.memory_space<vmem_shared>> -> memref<16x16xf32, #tpu.memory_space<vmem_shared>>
      tpu.wait_dma2 semaphore(%run_scoped3A : memref<!tpu.dma_semaphore, #tpu.memory_space<semaphore_mem>>) src(%arg6 : memref<16x16xf32, #tpu.memory_space<vmem>>) dst(%dma_wait3A_191 : memref<16x16xf32, #tpu.memory_space<vmem_shared>>)
      tpu.yield
    }) : () -> ()
    %mul3A_18 = arith.constant 632 : i32
    %mul3A_19 = arith.muli %arg1, %mul3A_18 : i32
    %add3A_20 = arith.constant 16 : i32
    %add3A_21 = arith.addi %mul3A_19, %add3A_20 : i32
    "tpu.region"() ({
      %run_scoped3A = tpu.sem_alloc : memref<!tpu.dma_semaphore, #tpu.memory_space<semaphore_mem>>
      %dma_start3A = arith.constant 0 : i32
      %dma_start3A_186 = tpu.memref_slice %arg7[%add3A_21, %dma_start3A] : memref<10112x16xf32, #tpu.memory_space<vmem_shared>> -> memref<16x16xf32, #tpu.memory_space<vmem_shared>>
      %dma_start3A_187 = arith.constant 0 : i32
      %dma_start3A_188 = tpu.memref_slice %arg7[%add3A_21, %dma_start3A_187] : memref<10112x16xf32, #tpu.memory_space<vmem_shared>> -> memref<16x16xf32, #tpu.memory_space<vmem_shared>>
      tpu.enqueue_dma source(%arg6 : memref<16x16xf32, #tpu.memory_space<vmem>>) target(%dma_start3A_188 : memref<16x16xf32, #tpu.memory_space<vmem_shared>>) target_semaphore(%run_scoped3A : memref<!tpu.dma_semaphore, #tpu.memory_space<semaphore_mem>>)
      %dma_wait3A = arith.constant 0 : i32
      %dma_wait3A_189 = tpu.memref_slice %arg7[%add3A_21, %dma_wait3A] : memref<10112x16xf32, #tpu.memory_space<vmem_shared>> -> memref<16x16xf32, #tpu.memory_space<vmem_shared>>
      %dma_wait3A_190 = arith.constant 0 : i32
      %dma_wait3A_191 = tpu.memref_slice %arg7[%add3A_21, %dma_wait3A_190] : memref<10112x16xf32, #tpu.memory_space<vmem_shared>> -> memref<16x16xf32, #tpu.memory_space<vmem_shared>>
      tpu.wait_dma2 semaphore(%run_scoped3A : memref<!tpu.dma_semaphore, #tpu.memory_space<semaphore_mem>>) src(%arg6 : memref<16x16xf32, #tpu.memory_space<vmem>>) dst(%dma_wait3A_191 : memref<16x16xf32, #tpu.memory_space<vmem_shared>>)
      tpu.yield
    }) : () -> ()
    %mul3A_22 = arith.constant 632 : i32
    %mul3A_23 = arith.muli %arg1, %mul3A_22 : i32
    %add3A_24 = arith.constant 32 : i32
    %add3A_25 = arith.addi %mul3A_23, %add3A_24 : i32
    "tpu.region"() ({
      %run_scoped3A = tpu.sem_alloc : memref<!tpu.dma_semaphore, #tpu.memory_space<semaphore_mem>>
      %dma_start3A = arith.constant 0 : i32
      %dma_start3A_186 = tpu.memref_slice %arg7[%add3A_25, %dma_start3A] : memref<10112x16xf32, #tpu.memory_space<vmem_shared>> -> memref<16x16xf32, #tpu.memory_space<vmem_shared>>
      %dma_start3A_187 = arith.constant 0 : i32
      %dma_start3A_188 = tpu.memref_slice %arg7[%add3A_25, %dma_start3A_187] : memref<10112x16xf32, #tpu.memory_space<vmem_shared>> -> memref<16x16xf32, #tpu.memory_space<vmem_shared>>
      tpu.enqueue_dma source(%arg6 : memref<16x16xf32, #tpu.memory_space<vmem>>) target(%dma_start3A_188 : memref<16x16xf32, #tpu.memory_space<vmem_shared>>) target_semaphore(%run_scoped3A : memref<!tpu.dma_semaphore, #tpu.memory_space<semaphore_mem>>)
      %dma_wait3A = arith.constant 0 : i32
      %dma_wait3A_189 = tpu.memref_slice %arg7[%add3A_25, %dma_wait3A] : memref<10112x16xf32, #tpu.memory_space<vmem_shared>> -> memref<16x16xf32, #tpu.memory_space<vmem_shared>>
      %dma_wait3A_190 = arith.constant 0 : i32
      %dma_wait3A_191 = tpu.memref_slice %arg7[%add3A_25, %dma_wait3A_190] : memref<10112x16xf32, #tpu.memory_space<vmem_shared>> -> memref<16x16xf32, #tpu.memory_space<vmem_shared>>
      tpu.wait_dma2 semaphore(%run_scoped3A : memref<!tpu.dma_semaphore, #tpu.memory_space<semaphore_mem>>) src(%arg6 : memref<16x16xf32, #tpu.memory_space<vmem>>) dst(%dma_wait3A_191 : memref<16x16xf32, #tpu.memory_space<vmem_shared>>)
      tpu.yield
    }) : () -> ()
    %mul3A_26 = arith.constant 632 : i32
    %mul3A_27 = arith.muli %arg1, %mul3A_26 : i32
    %add3A_28 = arith.constant 48 : i32
    %add3A_29 = arith.addi %mul3A_27, %add3A_28 : i32
    "tpu.region"() ({
      %run_scoped3A = tpu.sem_alloc : memref<!tpu.dma_semaphore, #tpu.memory_space<semaphore_mem>>
      %dma_start3A = arith.constant 0 : i32
      %dma_start3A_186 = tpu.memref_slice %arg7[%add3A_29, %dma_start3A] : memref<10112x16xf32, #tpu.memory_space<vmem_shared>> -> memref<16x16xf32, #tpu.memory_space<vmem_shared>>
      %dma_start3A_187 = arith.constant 0 : i32
      %dma_start3A_188 = tpu.memref_slice %arg7[%add3A_29, %dma_start3A_187] : memref<10112x16xf32, #tpu.memory_space<vmem_shared>> -> memref<16x16xf32, #tpu.memory_space<vmem_shared>>
      tpu.enqueue_dma source(%arg6 : memref<16x16xf32, #tpu.memory_space<vmem>>) target(%dma_start3A_188 : memref<16x16xf32, #tpu.memory_space<vmem_shared>>) target_semaphore(%run_scoped3A : memref<!tpu.dma_semaphore, #tpu.memory_space<semaphore_mem>>)
      %dma_wait3A = arith.constant 0 : i32
      %dma_wait3A_189 = tpu.memref_slice %arg7[%add3A_29, %dma_wait3A] : memref<10112x16xf32, #tpu.memory_space<vmem_shared>> -> memref<16x16xf32, #tpu.memory_space<vmem_shared>>
      %dma_wait3A_190 = arith.constant 0 : i32
      %dma_wait3A_191 = tpu.memref_slice %arg7[%add3A_29, %dma_wait3A_190] : memref<10112x16xf32, #tpu.memory_space<vmem_shared>> -> memref<16x16xf32, #tpu.memory_space<vmem_shared>>
      tpu.wait_dma2 semaphore(%run_scoped3A : memref<!tpu.dma_semaphore, #tpu.memory_space<semaphore_mem>>) src(%arg6 : memref<16x16xf32, #tpu.memory_space<vmem>>) dst(%dma_wait3A_191 : memref<16x16xf32, #tpu.memory_space<vmem_shared>>)
      tpu.yield
    }) : () -> ()
    %mul3A_30 = arith.constant 632 : i32
    %mul3A_31 = arith.muli %arg1, %mul3A_30 : i32
    %add3A_32 = arith.constant 64 : i32
    %add3A_33 = arith.addi %mul3A_31, %add3A_32 : i32
    "tpu.region"() ({
      %run_scoped3A = tpu.sem_alloc : memref<!tpu.dma_semaphore, #tpu.memory_space<semaphore_mem>>
      %dma_start3A = arith.constant 0 : i32
      %dma_start3A_186 = tpu.memref_slice %arg7[%add3A_33, %dma_start3A] : memref<10112x16xf32, #tpu.memory_space<vmem_shared>> -> memref<16x16xf32, #tpu.memory_space<vmem_shared>>
      %dma_start3A_187 = arith.constant 0 : i32
      %dma_start3A_188 = tpu.memref_slice %arg7[%add3A_33, %dma_start3A_187] : memref<10112x16xf32, #tpu.memory_space<vmem_shared>> -> memref<16x16xf32, #tpu.memory_space<vmem_shared>>
      tpu.enqueue_dma source(%arg6 : memref<16x16xf32, #tpu.memory_space<vmem>>) target(%dma_start3A_188 : memref<16x16xf32, #tpu.memory_space<vmem_shared>>) target_semaphore(%run_scoped3A : memref<!tpu.dma_semaphore, #tpu.memory_space<semaphore_mem>>)
      %dma_wait3A = arith.constant 0 : i32
      %dma_wait3A_189 = tpu.memref_slice %arg7[%add3A_33, %dma_wait3A] : memref<10112x16xf32, #tpu.memory_space<vmem_shared>> -> memref<16x16xf32, #tpu.memory_space<vmem_shared>>
      %dma_wait3A_190 = arith.constant 0 : i32
      %dma_wait3A_191 = tpu.memref_slice %arg7[%add3A_33, %dma_wait3A_190] : memref<10112x16xf32, #tpu.memory_space<vmem_shared>> -> memref<16x16xf32, #tpu.memory_space<vmem_shared>>
      tpu.wait_dma2 semaphore(%run_scoped3A : memref<!tpu.dma_semaphore, #tpu.memory_space<semaphore_mem>>) src(%arg6 : memref<16x16xf32, #tpu.memory_space<vmem>>) dst(%dma_wait3A_191 : memref<16x16xf32, #tpu.memory_space<vmem_shared>>)
      tpu.yield
    }) : () -> ()
    %mul3A_34 = arith.constant 632 : i32
    %mul3A_35 = arith.muli %arg1, %mul3A_34 : i32
    %add3A_36 = arith.constant 80 : i32
    %add3A_37 = arith.addi %mul3A_35, %add3A_36 : i32
    "tpu.region"() ({
      %run_scoped3A = tpu.sem_alloc : memref<!tpu.dma_semaphore, #tpu.memory_space<semaphore_mem>>
      %dma_start3A = arith.constant 0 : i32
      %dma_start3A_186 = tpu.memref_slice %arg7[%add3A_37, %dma_start3A] : memref<10112x16xf32, #tpu.memory_space<vmem_shared>> -> memref<16x16xf32, #tpu.memory_space<vmem_shared>>
      %dma_start3A_187 = arith.constant 0 : i32
      %dma_start3A_188 = tpu.memref_slice %arg7[%add3A_37, %dma_start3A_187] : memref<10112x16xf32, #tpu.memory_space<vmem_shared>> -> memref<16x16xf32, #tpu.memory_space<vmem_shared>>
      tpu.enqueue_dma source(%arg6 : memref<16x16xf32, #tpu.memory_space<vmem>>) target(%dma_start3A_188 : memref<16x16xf32, #tpu.memory_space<vmem_shared>>) target_semaphore(%run_scoped3A : memref<!tpu.dma_semaphore, #tpu.memory_space<semaphore_mem>>)
      %dma_wait3A = arith.constant 0 : i32
      %dma_wait3A_189 = tpu.memref_slice %arg7[%add3A_37, %dma_wait3A] : memref<10112x16xf32, #tpu.memory_space<vmem_shared>> -> memref<16x16xf32, #tpu.memory_space<vmem_shared>>
      %dma_wait3A_190 = arith.constant 0 : i32
      %dma_wait3A_191 = tpu.memref_slice %arg7[%add3A_37, %dma_wait3A_190] : memref<10112x16xf32, #tpu.memory_space<vmem_shared>> -> memref<16x16xf32, #tpu.memory_space<vmem_shared>>
      tpu.wait_dma2 semaphore(%run_scoped3A : memref<!tpu.dma_semaphore, #tpu.memory_space<semaphore_mem>>) src(%arg6 : memref<16x16xf32, #tpu.memory_space<vmem>>) dst(%dma_wait3A_191 : memref<16x16xf32, #tpu.memory_space<vmem_shared>>)
      tpu.yield
    }) : () -> ()
    %mul3A_38 = arith.constant 632 : i32
    %mul3A_39 = arith.muli %arg1, %mul3A_38 : i32
    %add3A_40 = arith.constant 96 : i32
    %add3A_41 = arith.addi %mul3A_39, %add3A_40 : i32
    "tpu.region"() ({
      %run_scoped3A = tpu.sem_alloc : memref<!tpu.dma_semaphore, #tpu.memory_space<semaphore_mem>>
      %dma_start3A = arith.constant 0 : i32
      %dma_start3A_186 = tpu.memref_slice %arg7[%add3A_41, %dma_start3A] : memref<10112x16xf32, #tpu.memory_space<vmem_shared>> -> memref<16x16xf32, #tpu.memory_space<vmem_shared>>
      %dma_start3A_187 = arith.constant 0 : i32
      %dma_start3A_188 = tpu.memref_slice %arg7[%add3A_41, %dma_start3A_187] : memref<10112x16xf32, #tpu.memory_space<vmem_shared>> -> memref<16x16xf32, #tpu.memory_space<vmem_shared>>
      tpu.enqueue_dma source(%arg6 : memref<16x16xf32, #tpu.memory_space<vmem>>) target(%dma_start3A_188 : memref<16x16xf32, #tpu.memory_space<vmem_shared>>) target_semaphore(%run_scoped3A : memref<!tpu.dma_semaphore, #tpu.memory_space<semaphore_mem>>)
      %dma_wait3A = arith.constant 0 : i32
      %dma_wait3A_189 = tpu.memref_slice %arg7[%add3A_41, %dma_wait3A] : memref<10112x16xf32, #tpu.memory_space<vmem_shared>> -> memref<16x16xf32, #tpu.memory_space<vmem_shared>>
      %dma_wait3A_190 = arith.constant 0 : i32
      %dma_wait3A_191 = tpu.memref_slice %arg7[%add3A_41, %dma_wait3A_190] : memref<10112x16xf32, #tpu.memory_space<vmem_shared>> -> memref<16x16xf32, #tpu.memory_space<vmem_shared>>
      tpu.wait_dma2 semaphore(%run_scoped3A : memref<!tpu.dma_semaphore, #tpu.memory_space<semaphore_mem>>) src(%arg6 : memref<16x16xf32, #tpu.memory_space<vmem>>) dst(%dma_wait3A_191 : memref<16x16xf32, #tpu.memory_space<vmem_shared>>)
      tpu.yield
    }) : () -> ()
    %mul3A_42 = arith.constant 632 : i32
    %mul3A_43 = arith.muli %arg1, %mul3A_42 : i32
    %add3A_44 = arith.constant 112 : i32
    %add3A_45 = arith.addi %mul3A_43, %add3A_44 : i32
    "tpu.region"() ({
      %run_scoped3A = tpu.sem_alloc : memref<!tpu.dma_semaphore, #tpu.memory_space<semaphore_mem>>
      %dma_start3A = arith.constant 0 : i32
      %dma_start3A_186 = tpu.memref_slice %arg7[%add3A_45, %dma_start3A] : memref<10112x16xf32, #tpu.memory_space<vmem_shared>> -> memref<16x16xf32, #tpu.memory_space<vmem_shared>>
      %dma_start3A_187 = arith.constant 0 : i32
      %dma_start3A_188 = tpu.memref_slice %arg7[%add3A_45, %dma_start3A_187] : memref<10112x16xf32, #tpu.memory_space<vmem_shared>> -> memref<16x16xf32, #tpu.memory_space<vmem_shared>>
      tpu.enqueue_dma source(%arg6 : memref<16x16xf32, #tpu.memory_space<vmem>>) target(%dma_start3A_188 : memref<16x16xf32, #tpu.memory_space<vmem_shared>>) target_semaphore(%run_scoped3A : memref<!tpu.dma_semaphore, #tpu.memory_space<semaphore_mem>>)
      %dma_wait3A = arith.constant 0 : i32
      %dma_wait3A_189 = tpu.memref_slice %arg7[%add3A_45, %dma_wait3A] : memref<10112x16xf32, #tpu.memory_space<vmem_shared>> -> memref<16x16xf32, #tpu.memory_space<vmem_shared>>
      %dma_wait3A_190 = arith.constant 0 : i32
      %dma_wait3A_191 = tpu.memref_slice %arg7[%add3A_45, %dma_wait3A_190] : memref<10112x16xf32, #tpu.memory_space<vmem_shared>> -> memref<16x16xf32, #tpu.memory_space<vmem_shared>>
      tpu.wait_dma2 semaphore(%run_scoped3A : memref<!tpu.dma_semaphore, #tpu.memory_space<semaphore_mem>>) src(%arg6 : memref<16x16xf32, #tpu.memory_space<vmem>>) dst(%dma_wait3A_191 : memref<16x16xf32, #tpu.memory_space<vmem_shared>>)
      tpu.yield
    }) : () -> ()
    %mul3A_46 = arith.constant 632 : i32
    %mul3A_47 = arith.muli %arg1, %mul3A_46 : i32
    %add3A_48 = arith.constant 128 : i32
    %add3A_49 = arith.addi %mul3A_47, %add3A_48 : i32
    "tpu.region"() ({
      %run_scoped3A = tpu.sem_alloc : memref<!tpu.dma_semaphore, #tpu.memory_space<semaphore_mem>>
      %dma_start3A = arith.constant 0 : i32
      %dma_start3A_186 = tpu.memref_slice %arg7[%add3A_49, %dma_start3A] : memref<10112x16xf32, #tpu.memory_space<vmem_shared>> -> memref<16x16xf32, #tpu.memory_space<vmem_shared>>
      %dma_start3A_187 = arith.constant 0 : i32
      %dma_start3A_188 = tpu.memref_slice %arg7[%add3A_49, %dma_start3A_187] : memref<10112x16xf32, #tpu.memory_space<vmem_shared>> -> memref<16x16xf32, #tpu.memory_space<vmem_shared>>
      tpu.enqueue_dma source(%arg6 : memref<16x16xf32, #tpu.memory_space<vmem>>) target(%dma_start3A_188 : memref<16x16xf32, #tpu.memory_space<vmem_shared>>) target_semaphore(%run_scoped3A : memref<!tpu.dma_semaphore, #tpu.memory_space<semaphore_mem>>)
      %dma_wait3A = arith.constant 0 : i32
      %dma_wait3A_189 = tpu.memref_slice %arg7[%add3A_49, %dma_wait3A] : memref<10112x16xf32, #tpu.memory_space<vmem_shared>> -> memref<16x16xf32, #tpu.memory_space<vmem_shared>>
      %dma_wait3A_190 = arith.constant 0 : i32
      %dma_wait3A_191 = tpu.memref_slice %arg7[%add3A_49, %dma_wait3A_190] : memref<10112x16xf32, #tpu.memory_space<vmem_shared>> -> memref<16x16xf32, #tpu.memory_space<vmem_shared>>
      tpu.wait_dma2 semaphore(%run_scoped3A : memref<!tpu.dma_semaphore, #tpu.memory_space<semaphore_mem>>) src(%arg6 : memref<16x16xf32, #tpu.memory_space<vmem>>) dst(%dma_wait3A_191 : memref<16x16xf32, #tpu.memory_space<vmem_shared>>)
      tpu.yield
    }) : () -> ()
    %mul3A_50 = arith.constant 632 : i32
    %mul3A_51 = arith.muli %arg1, %mul3A_50 : i32
    %add3A_52 = arith.constant 144 : i32
    %add3A_53 = arith.addi %mul3A_51, %add3A_52 : i32
    "tpu.region"() ({
      %run_scoped3A = tpu.sem_alloc : memref<!tpu.dma_semaphore, #tpu.memory_space<semaphore_mem>>
      %dma_start3A = arith.constant 0 : i32
      %dma_start3A_186 = tpu.memref_slice %arg7[%add3A_53, %dma_start3A] : memref<10112x16xf32, #tpu.memory_space<vmem_shared>> -> memref<16x16xf32, #tpu.memory_space<vmem_shared>>
      %dma_start3A_187 = arith.constant 0 : i32
      %dma_start3A_188 = tpu.memref_slice %arg7[%add3A_53, %dma_start3A_187] : memref<10112x16xf32, #tpu.memory_space<vmem_shared>> -> memref<16x16xf32, #tpu.memory_space<vmem_shared>>
      tpu.enqueue_dma source(%arg6 : memref<16x16xf32, #tpu.memory_space<vmem>>) target(%dma_start3A_188 : memref<16x16xf32, #tpu.memory_space<vmem_shared>>) target_semaphore(%run_scoped3A : memref<!tpu.dma_semaphore, #tpu.memory_space<semaphore_mem>>)
      %dma_wait3A = arith.constant 0 : i32
      %dma_wait3A_189 = tpu.memref_slice %arg7[%add3A_53, %dma_wait3A] : memref<10112x16xf32, #tpu.memory_space<vmem_shared>> -> memref<16x16xf32, #tpu.memory_space<vmem_shared>>
      %dma_wait3A_190 = arith.constant 0 : i32
      %dma_wait3A_191 = tpu.memref_slice %arg7[%add3A_53, %dma_wait3A_190] : memref<10112x16xf32, #tpu.memory_space<vmem_shared>> -> memref<16x16xf32, #tpu.memory_space<vmem_shared>>
      tpu.wait_dma2 semaphore(%run_scoped3A : memref<!tpu.dma_semaphore, #tpu.memory_space<semaphore_mem>>) src(%arg6 : memref<16x16xf32, #tpu.memory_space<vmem>>) dst(%dma_wait3A_191 : memref<16x16xf32, #tpu.memory_space<vmem_shared>>)
      tpu.yield
    }) : () -> ()
    %mul3A_54 = arith.constant 632 : i32
    %mul3A_55 = arith.muli %arg1, %mul3A_54 : i32
    %add3A_56 = arith.constant 160 : i32
    %add3A_57 = arith.addi %mul3A_55, %add3A_56 : i32
    "tpu.region"() ({
      %run_scoped3A = tpu.sem_alloc : memref<!tpu.dma_semaphore, #tpu.memory_space<semaphore_mem>>
      %dma_start3A = arith.constant 0 : i32
      %dma_start3A_186 = tpu.memref_slice %arg7[%add3A_57, %dma_start3A] : memref<10112x16xf32, #tpu.memory_space<vmem_shared>> -> memref<16x16xf32, #tpu.memory_space<vmem_shared>>
      %dma_start3A_187 = arith.constant 0 : i32
      %dma_start3A_188 = tpu.memref_slice %arg7[%add3A_57, %dma_start3A_187] : memref<10112x16xf32, #tpu.memory_space<vmem_shared>> -> memref<16x16xf32, #tpu.memory_space<vmem_shared>>
      tpu.enqueue_dma source(%arg6 : memref<16x16xf32, #tpu.memory_space<vmem>>) target(%dma_start3A_188 : memref<16x16xf32, #tpu.memory_space<vmem_shared>>) target_semaphore(%run_scoped3A : memref<!tpu.dma_semaphore, #tpu.memory_space<semaphore_mem>>)
      %dma_wait3A = arith.constant 0 : i32
      %dma_wait3A_189 = tpu.memref_slice %arg7[%add3A_57, %dma_wait3A] : memref<10112x16xf32, #tpu.memory_space<vmem_shared>> -> memref<16x16xf32, #tpu.memory_space<vmem_shared>>
      %dma_wait3A_190 = arith.constant 0 : i32
      %dma_wait3A_191 = tpu.memref_slice %arg7[%add3A_57, %dma_wait3A_190] : memref<10112x16xf32, #tpu.memory_space<vmem_shared>> -> memref<16x16xf32, #tpu.memory_space<vmem_shared>>
      tpu.wait_dma2 semaphore(%run_scoped3A : memref<!tpu.dma_semaphore, #tpu.memory_space<semaphore_mem>>) src(%arg6 : memref<16x16xf32, #tpu.memory_space<vmem>>) dst(%dma_wait3A_191 : memref<16x16xf32, #tpu.memory_space<vmem_shared>>)
      tpu.yield
    }) : () -> ()
    %mul3A_58 = arith.constant 632 : i32
    %mul3A_59 = arith.muli %arg1, %mul3A_58 : i32
    %add3A_60 = arith.constant 176 : i32
    %add3A_61 = arith.addi %mul3A_59, %add3A_60 : i32
    "tpu.region"() ({
      %run_scoped3A = tpu.sem_alloc : memref<!tpu.dma_semaphore, #tpu.memory_space<semaphore_mem>>
      %dma_start3A = arith.constant 0 : i32
      %dma_start3A_186 = tpu.memref_slice %arg7[%add3A_61, %dma_start3A] : memref<10112x16xf32, #tpu.memory_space<vmem_shared>> -> memref<16x16xf32, #tpu.memory_space<vmem_shared>>
      %dma_start3A_187 = arith.constant 0 : i32
      %dma_start3A_188 = tpu.memref_slice %arg7[%add3A_61, %dma_start3A_187] : memref<10112x16xf32, #tpu.memory_space<vmem_shared>> -> memref<16x16xf32, #tpu.memory_space<vmem_shared>>
      tpu.enqueue_dma source(%arg6 : memref<16x16xf32, #tpu.memory_space<vmem>>) target(%dma_start3A_188 : memref<16x16xf32, #tpu.memory_space<vmem_shared>>) target_semaphore(%run_scoped3A : memref<!tpu.dma_semaphore, #tpu.memory_space<semaphore_mem>>)
      %dma_wait3A = arith.constant 0 : i32
      %dma_wait3A_189 = tpu.memref_slice %arg7[%add3A_61, %dma_wait3A] : memref<10112x16xf32, #tpu.memory_space<vmem_shared>> -> memref<16x16xf32, #tpu.memory_space<vmem_shared>>
      %dma_wait3A_190 = arith.constant 0 : i32
      %dma_wait3A_191 = tpu.memref_slice %arg7[%add3A_61, %dma_wait3A_190] : memref<10112x16xf32, #tpu.memory_space<vmem_shared>> -> memref<16x16xf32, #tpu.memory_space<vmem_shared>>
      tpu.wait_dma2 semaphore(%run_scoped3A : memref<!tpu.dma_semaphore, #tpu.memory_space<semaphore_mem>>) src(%arg6 : memref<16x16xf32, #tpu.memory_space<vmem>>) dst(%dma_wait3A_191 : memref<16x16xf32, #tpu.memory_space<vmem_shared>>)
      tpu.yield
    }) : () -> ()
    %mul3A_62 = arith.constant 632 : i32
    %mul3A_63 = arith.muli %arg1, %mul3A_62 : i32
    %add3A_64 = arith.constant 192 : i32
    %add3A_65 = arith.addi %mul3A_63, %add3A_64 : i32
    "tpu.region"() ({
      %run_scoped3A = tpu.sem_alloc : memref<!tpu.dma_semaphore, #tpu.memory_space<semaphore_mem>>
      %dma_start3A = arith.constant 0 : i32
      %dma_start3A_186 = tpu.memref_slice %arg7[%add3A_65, %dma_start3A] : memref<10112x16xf32, #tpu.memory_space<vmem_shared>> -> memref<16x16xf32, #tpu.memory_space<vmem_shared>>
      %dma_start3A_187 = arith.constant 0 : i32
      %dma_start3A_188 = tpu.memref_slice %arg7[%add3A_65, %dma_start3A_187] : memref<10112x16xf32, #tpu.memory_space<vmem_shared>> -> memref<16x16xf32, #tpu.memory_space<vmem_shared>>
      tpu.enqueue_dma source(%arg6 : memref<16x16xf32, #tpu.memory_space<vmem>>) target(%dma_start3A_188 : memref<16x16xf32, #tpu.memory_space<vmem_shared>>) target_semaphore(%run_scoped3A : memref<!tpu.dma_semaphore, #tpu.memory_space<semaphore_mem>>)
      %dma_wait3A = arith.constant 0 : i32
      %dma_wait3A_189 = tpu.memref_slice %arg7[%add3A_65, %dma_wait3A] : memref<10112x16xf32, #tpu.memory_space<vmem_shared>> -> memref<16x16xf32, #tpu.memory_space<vmem_shared>>
      %dma_wait3A_190 = arith.constant 0 : i32
      %dma_wait3A_191 = tpu.memref_slice %arg7[%add3A_65, %dma_wait3A_190] : memref<10112x16xf32, #tpu.memory_space<vmem_shared>> -> memref<16x16xf32, #tpu.memory_space<vmem_shared>>
      tpu.wait_dma2 semaphore(%run_scoped3A : memref<!tpu.dma_semaphore, #tpu.memory_space<semaphore_mem>>) src(%arg6 : memref<16x16xf32, #tpu.memory_space<vmem>>) dst(%dma_wait3A_191 : memref<16x16xf32, #tpu.memory_space<vmem_shared>>)
      tpu.yield
    }) : () -> ()
    %mul3A_66 = arith.constant 632 : i32
    %mul3A_67 = arith.muli %arg1, %mul3A_66 : i32
    %add3A_68 = arith.constant 208 : i32
    %add3A_69 = arith.addi %mul3A_67, %add3A_68 : i32
    "tpu.region"() ({
      %run_scoped3A = tpu.sem_alloc : memref<!tpu.dma_semaphore, #tpu.memory_space<semaphore_mem>>
      %dma_start3A = arith.constant 0 : i32
      %dma_start3A_186 = tpu.memref_slice %arg7[%add3A_69, %dma_start3A] : memref<10112x16xf32, #tpu.memory_space<vmem_shared>> -> memref<16x16xf32, #tpu.memory_space<vmem_shared>>
      %dma_start3A_187 = arith.constant 0 : i32
      %dma_start3A_188 = tpu.memref_slice %arg7[%add3A_69, %dma_start3A_187] : memref<10112x16xf32, #tpu.memory_space<vmem_shared>> -> memref<16x16xf32, #tpu.memory_space<vmem_shared>>
      tpu.enqueue_dma source(%arg6 : memref<16x16xf32, #tpu.memory_space<vmem>>) target(%dma_start3A_188 : memref<16x16xf32, #tpu.memory_space<vmem_shared>>) target_semaphore(%run_scoped3A : memref<!tpu.dma_semaphore, #tpu.memory_space<semaphore_mem>>)
      %dma_wait3A = arith.constant 0 : i32
      %dma_wait3A_189 = tpu.memref_slice %arg7[%add3A_69, %dma_wait3A] : memref<10112x16xf32, #tpu.memory_space<vmem_shared>> -> memref<16x16xf32, #tpu.memory_space<vmem_shared>>
      %dma_wait3A_190 = arith.constant 0 : i32
      %dma_wait3A_191 = tpu.memref_slice %arg7[%add3A_69, %dma_wait3A_190] : memref<10112x16xf32, #tpu.memory_space<vmem_shared>> -> memref<16x16xf32, #tpu.memory_space<vmem_shared>>
      tpu.wait_dma2 semaphore(%run_scoped3A : memref<!tpu.dma_semaphore, #tpu.memory_space<semaphore_mem>>) src(%arg6 : memref<16x16xf32, #tpu.memory_space<vmem>>) dst(%dma_wait3A_191 : memref<16x16xf32, #tpu.memory_space<vmem_shared>>)
      tpu.yield
    }) : () -> ()
    %mul3A_70 = arith.constant 632 : i32
    %mul3A_71 = arith.muli %arg1, %mul3A_70 : i32
    %add3A_72 = arith.constant 224 : i32
    %add3A_73 = arith.addi %mul3A_71, %add3A_72 : i32
    "tpu.region"() ({
      %run_scoped3A = tpu.sem_alloc : memref<!tpu.dma_semaphore, #tpu.memory_space<semaphore_mem>>
      %dma_start3A = arith.constant 0 : i32
      %dma_start3A_186 = tpu.memref_slice %arg7[%add3A_73, %dma_start3A] : memref<10112x16xf32, #tpu.memory_space<vmem_shared>> -> memref<16x16xf32, #tpu.memory_space<vmem_shared>>
      %dma_start3A_187 = arith.constant 0 : i32
      %dma_start3A_188 = tpu.memref_slice %arg7[%add3A_73, %dma_start3A_187] : memref<10112x16xf32, #tpu.memory_space<vmem_shared>> -> memref<16x16xf32, #tpu.memory_space<vmem_shared>>
      tpu.enqueue_dma source(%arg6 : memref<16x16xf32, #tpu.memory_space<vmem>>) target(%dma_start3A_188 : memref<16x16xf32, #tpu.memory_space<vmem_shared>>) target_semaphore(%run_scoped3A : memref<!tpu.dma_semaphore, #tpu.memory_space<semaphore_mem>>)
      %dma_wait3A = arith.constant 0 : i32
      %dma_wait3A_189 = tpu.memref_slice %arg7[%add3A_73, %dma_wait3A] : memref<10112x16xf32, #tpu.memory_space<vmem_shared>> -> memref<16x16xf32, #tpu.memory_space<vmem_shared>>
      %dma_wait3A_190 = arith.constant 0 : i32
      %dma_wait3A_191 = tpu.memref_slice %arg7[%add3A_73, %dma_wait3A_190] : memref<10112x16xf32, #tpu.memory_space<vmem_shared>> -> memref<16x16xf32, #tpu.memory_space<vmem_shared>>
      tpu.wait_dma2 semaphore(%run_scoped3A : memref<!tpu.dma_semaphore, #tpu.memory_space<semaphore_mem>>) src(%arg6 : memref<16x16xf32, #tpu.memory_space<vmem>>) dst(%dma_wait3A_191 : memref<16x16xf32, #tpu.memory_space<vmem_shared>>)
      tpu.yield
    }) : () -> ()
    %mul3A_74 = arith.constant 632 : i32
    %mul3A_75 = arith.muli %arg1, %mul3A_74 : i32
    %add3A_76 = arith.constant 240 : i32
    %add3A_77 = arith.addi %mul3A_75, %add3A_76 : i32
    "tpu.region"() ({
      %run_scoped3A = tpu.sem_alloc : memref<!tpu.dma_semaphore, #tpu.memory_space<semaphore_mem>>
      %dma_start3A = arith.constant 0 : i32
      %dma_start3A_186 = tpu.memref_slice %arg7[%add3A_77, %dma_start3A] : memref<10112x16xf32, #tpu.memory_space<vmem_shared>> -> memref<16x16xf32, #tpu.memory_space<vmem_shared>>
      %dma_start3A_187 = arith.constant 0 : i32
      %dma_start3A_188 = tpu.memref_slice %arg7[%add3A_77, %dma_start3A_187] : memref<10112x16xf32, #tpu.memory_space<vmem_shared>> -> memref<16x16xf32, #tpu.memory_space<vmem_shared>>
      tpu.enqueue_dma source(%arg6 : memref<16x16xf32, #tpu.memory_space<vmem>>) target(%dma_start3A_188 : memref<16x16xf32, #tpu.memory_space<vmem_shared>>) target_semaphore(%run_scoped3A : memref<!tpu.dma_semaphore, #tpu.memory_space<semaphore_mem>>)
      %dma_wait3A = arith.constant 0 : i32
      %dma_wait3A_189 = tpu.memref_slice %arg7[%add3A_77, %dma_wait3A] : memref<10112x16xf32, #tpu.memory_space<vmem_shared>> -> memref<16x16xf32, #tpu.memory_space<vmem_shared>>
      %dma_wait3A_190 = arith.constant 0 : i32
      %dma_wait3A_191 = tpu.memref_slice %arg7[%add3A_77, %dma_wait3A_190] : memref<10112x16xf32, #tpu.memory_space<vmem_shared>> -> memref<16x16xf32, #tpu.memory_space<vmem_shared>>
      tpu.wait_dma2 semaphore(%run_scoped3A : memref<!tpu.dma_semaphore, #tpu.memory_space<semaphore_mem>>) src(%arg6 : memref<16x16xf32, #tpu.memory_space<vmem>>) dst(%dma_wait3A_191 : memref<16x16xf32, #tpu.memory_space<vmem_shared>>)
      tpu.yield
    }) : () -> ()
    %mul3A_78 = arith.constant 632 : i32
    %mul3A_79 = arith.muli %arg1, %mul3A_78 : i32
    %add3A_80 = arith.constant 256 : i32
    %add3A_81 = arith.addi %mul3A_79, %add3A_80 : i32
    "tpu.region"() ({
      %run_scoped3A = tpu.sem_alloc : memref<!tpu.dma_semaphore, #tpu.memory_space<semaphore_mem>>
      %dma_start3A = arith.constant 0 : i32
      %dma_start3A_186 = tpu.memref_slice %arg7[%add3A_81, %dma_start3A] : memref<10112x16xf32, #tpu.memory_space<vmem_shared>> -> memref<16x16xf32, #tpu.memory_space<vmem_shared>>
      %dma_start3A_187 = arith.constant 0 : i32
      %dma_start3A_188 = tpu.memref_slice %arg7[%add3A_81, %dma_start3A_187] : memref<10112x16xf32, #tpu.memory_space<vmem_shared>> -> memref<16x16xf32, #tpu.memory_space<vmem_shared>>
      tpu.enqueue_dma source(%arg6 : memref<16x16xf32, #tpu.memory_space<vmem>>) target(%dma_start3A_188 : memref<16x16xf32, #tpu.memory_space<vmem_shared>>) target_semaphore(%run_scoped3A : memref<!tpu.dma_semaphore, #tpu.memory_space<semaphore_mem>>)
      %dma_wait3A = arith.constant 0 : i32
      %dma_wait3A_189 = tpu.memref_slice %arg7[%add3A_81, %dma_wait3A] : memref<10112x16xf32, #tpu.memory_space<vmem_shared>> -> memref<16x16xf32, #tpu.memory_space<vmem_shared>>
      %dma_wait3A_190 = arith.constant 0 : i32
      %dma_wait3A_191 = tpu.memref_slice %arg7[%add3A_81, %dma_wait3A_190] : memref<10112x16xf32, #tpu.memory_space<vmem_shared>> -> memref<16x16xf32, #tpu.memory_space<vmem_shared>>
      tpu.wait_dma2 semaphore(%run_scoped3A : memref<!tpu.dma_semaphore, #tpu.memory_space<semaphore_mem>>) src(%arg6 : memref<16x16xf32, #tpu.memory_space<vmem>>) dst(%dma_wait3A_191 : memref<16x16xf32, #tpu.memory_space<vmem_shared>>)
      tpu.yield
    }) : () -> ()
    %mul3A_82 = arith.constant 632 : i32
    %mul3A_83 = arith.muli %arg1, %mul3A_82 : i32
    %add3A_84 = arith.constant 272 : i32
    %add3A_85 = arith.addi %mul3A_83, %add3A_84 : i32
    "tpu.region"() ({
      %run_scoped3A = tpu.sem_alloc : memref<!tpu.dma_semaphore, #tpu.memory_space<semaphore_mem>>
      %dma_start3A = arith.constant 0 : i32
      %dma_start3A_186 = tpu.memref_slice %arg7[%add3A_85, %dma_start3A] : memref<10112x16xf32, #tpu.memory_space<vmem_shared>> -> memref<16x16xf32, #tpu.memory_space<vmem_shared>>
      %dma_start3A_187 = arith.constant 0 : i32
      %dma_start3A_188 = tpu.memref_slice %arg7[%add3A_85, %dma_start3A_187] : memref<10112x16xf32, #tpu.memory_space<vmem_shared>> -> memref<16x16xf32, #tpu.memory_space<vmem_shared>>
      tpu.enqueue_dma source(%arg6 : memref<16x16xf32, #tpu.memory_space<vmem>>) target(%dma_start3A_188 : memref<16x16xf32, #tpu.memory_space<vmem_shared>>) target_semaphore(%run_scoped3A : memref<!tpu.dma_semaphore, #tpu.memory_space<semaphore_mem>>)
      %dma_wait3A = arith.constant 0 : i32
      %dma_wait3A_189 = tpu.memref_slice %arg7[%add3A_85, %dma_wait3A] : memref<10112x16xf32, #tpu.memory_space<vmem_shared>> -> memref<16x16xf32, #tpu.memory_space<vmem_shared>>
      %dma_wait3A_190 = arith.constant 0 : i32
      %dma_wait3A_191 = tpu.memref_slice %arg7[%add3A_85, %dma_wait3A_190] : memref<10112x16xf32, #tpu.memory_space<vmem_shared>> -> memref<16x16xf32, #tpu.memory_space<vmem_shared>>
      tpu.wait_dma2 semaphore(%run_scoped3A : memref<!tpu.dma_semaphore, #tpu.memory_space<semaphore_mem>>) src(%arg6 : memref<16x16xf32, #tpu.memory_space<vmem>>) dst(%dma_wait3A_191 : memref<16x16xf32, #tpu.memory_space<vmem_shared>>)
      tpu.yield
    }) : () -> ()
    %mul3A_86 = arith.constant 632 : i32
    %mul3A_87 = arith.muli %arg1, %mul3A_86 : i32
    %add3A_88 = arith.constant 288 : i32
    %add3A_89 = arith.addi %mul3A_87, %add3A_88 : i32
    "tpu.region"() ({
      %run_scoped3A = tpu.sem_alloc : memref<!tpu.dma_semaphore, #tpu.memory_space<semaphore_mem>>
      %dma_start3A = arith.constant 0 : i32
      %dma_start3A_186 = tpu.memref_slice %arg7[%add3A_89, %dma_start3A] : memref<10112x16xf32, #tpu.memory_space<vmem_shared>> -> memref<16x16xf32, #tpu.memory_space<vmem_shared>>
      %dma_start3A_187 = arith.constant 0 : i32
      %dma_start3A_188 = tpu.memref_slice %arg7[%add3A_89, %dma_start3A_187] : memref<10112x16xf32, #tpu.memory_space<vmem_shared>> -> memref<16x16xf32, #tpu.memory_space<vmem_shared>>
      tpu.enqueue_dma source(%arg6 : memref<16x16xf32, #tpu.memory_space<vmem>>) target(%dma_start3A_188 : memref<16x16xf32, #tpu.memory_space<vmem_shared>>) target_semaphore(%run_scoped3A : memref<!tpu.dma_semaphore, #tpu.memory_space<semaphore_mem>>)
      %dma_wait3A = arith.constant 0 : i32
      %dma_wait3A_189 = tpu.memref_slice %arg7[%add3A_89, %dma_wait3A] : memref<10112x16xf32, #tpu.memory_space<vmem_shared>> -> memref<16x16xf32, #tpu.memory_space<vmem_shared>>
      %dma_wait3A_190 = arith.constant 0 : i32
      %dma_wait3A_191 = tpu.memref_slice %arg7[%add3A_89, %dma_wait3A_190] : memref<10112x16xf32, #tpu.memory_space<vmem_shared>> -> memref<16x16xf32, #tpu.memory_space<vmem_shared>>
      tpu.wait_dma2 semaphore(%run_scoped3A : memref<!tpu.dma_semaphore, #tpu.memory_space<semaphore_mem>>) src(%arg6 : memref<16x16xf32, #tpu.memory_space<vmem>>) dst(%dma_wait3A_191 : memref<16x16xf32, #tpu.memory_space<vmem_shared>>)
      tpu.yield
    }) : () -> ()
    %mul3A_90 = arith.constant 632 : i32
    %mul3A_91 = arith.muli %arg1, %mul3A_90 : i32
    %add3A_92 = arith.constant 304 : i32
    %add3A_93 = arith.addi %mul3A_91, %add3A_92 : i32
    "tpu.region"() ({
      %run_scoped3A = tpu.sem_alloc : memref<!tpu.dma_semaphore, #tpu.memory_space<semaphore_mem>>
      %dma_start3A = arith.constant 0 : i32
      %dma_start3A_186 = tpu.memref_slice %arg7[%add3A_93, %dma_start3A] : memref<10112x16xf32, #tpu.memory_space<vmem_shared>> -> memref<16x16xf32, #tpu.memory_space<vmem_shared>>
      %dma_start3A_187 = arith.constant 0 : i32
      %dma_start3A_188 = tpu.memref_slice %arg7[%add3A_93, %dma_start3A_187] : memref<10112x16xf32, #tpu.memory_space<vmem_shared>> -> memref<16x16xf32, #tpu.memory_space<vmem_shared>>
      tpu.enqueue_dma source(%arg6 : memref<16x16xf32, #tpu.memory_space<vmem>>) target(%dma_start3A_188 : memref<16x16xf32, #tpu.memory_space<vmem_shared>>) target_semaphore(%run_scoped3A : memref<!tpu.dma_semaphore, #tpu.memory_space<semaphore_mem>>)
      %dma_wait3A = arith.constant 0 : i32
      %dma_wait3A_189 = tpu.memref_slice %arg7[%add3A_93, %dma_wait3A] : memref<10112x16xf32, #tpu.memory_space<vmem_shared>> -> memref<16x16xf32, #tpu.memory_space<vmem_shared>>
      %dma_wait3A_190 = arith.constant 0 : i32
      %dma_wait3A_191 = tpu.memref_slice %arg7[%add3A_93, %dma_wait3A_190] : memref<10112x16xf32, #tpu.memory_space<vmem_shared>> -> memref<16x16xf32, #tpu.memory_space<vmem_shared>>
      tpu.wait_dma2 semaphore(%run_scoped3A : memref<!tpu.dma_semaphore, #tpu.memory_space<semaphore_mem>>) src(%arg6 : memref<16x16xf32, #tpu.memory_space<vmem>>) dst(%dma_wait3A_191 : memref<16x16xf32, #tpu.memory_space<vmem_shared>>)
      tpu.yield
    }) : () -> ()
    %mul3A_94 = arith.constant 632 : i32
    %mul3A_95 = arith.muli %arg1, %mul3A_94 : i32
    %add3A_96 = arith.constant 320 : i32
    %add3A_97 = arith.addi %mul3A_95, %add3A_96 : i32
    "tpu.region"() ({
      %run_scoped3A = tpu.sem_alloc : memref<!tpu.dma_semaphore, #tpu.memory_space<semaphore_mem>>
      %dma_start3A = arith.constant 0 : i32
      %dma_start3A_186 = tpu.memref_slice %arg7[%add3A_97, %dma_start3A] : memref<10112x16xf32, #tpu.memory_space<vmem_shared>> -> memref<16x16xf32, #tpu.memory_space<vmem_shared>>
      %dma_start3A_187 = arith.constant 0 : i32
      %dma_start3A_188 = tpu.memref_slice %arg7[%add3A_97, %dma_start3A_187] : memref<10112x16xf32, #tpu.memory_space<vmem_shared>> -> memref<16x16xf32, #tpu.memory_space<vmem_shared>>
      tpu.enqueue_dma source(%arg6 : memref<16x16xf32, #tpu.memory_space<vmem>>) target(%dma_start3A_188 : memref<16x16xf32, #tpu.memory_space<vmem_shared>>) target_semaphore(%run_scoped3A : memref<!tpu.dma_semaphore, #tpu.memory_space<semaphore_mem>>)
      %dma_wait3A = arith.constant 0 : i32
      %dma_wait3A_189 = tpu.memref_slice %arg7[%add3A_97, %dma_wait3A] : memref<10112x16xf32, #tpu.memory_space<vmem_shared>> -> memref<16x16xf32, #tpu.memory_space<vmem_shared>>
      %dma_wait3A_190 = arith.constant 0 : i32
      %dma_wait3A_191 = tpu.memref_slice %arg7[%add3A_97, %dma_wait3A_190] : memref<10112x16xf32, #tpu.memory_space<vmem_shared>> -> memref<16x16xf32, #tpu.memory_space<vmem_shared>>
      tpu.wait_dma2 semaphore(%run_scoped3A : memref<!tpu.dma_semaphore, #tpu.memory_space<semaphore_mem>>) src(%arg6 : memref<16x16xf32, #tpu.memory_space<vmem>>) dst(%dma_wait3A_191 : memref<16x16xf32, #tpu.memory_space<vmem_shared>>)
      tpu.yield
    }) : () -> ()
    %mul3A_98 = arith.constant 632 : i32
    %mul3A_99 = arith.muli %arg1, %mul3A_98 : i32
    %add3A_100 = arith.constant 336 : i32
    %add3A_101 = arith.addi %mul3A_99, %add3A_100 : i32
    "tpu.region"() ({
      %run_scoped3A = tpu.sem_alloc : memref<!tpu.dma_semaphore, #tpu.memory_space<semaphore_mem>>
      %dma_start3A = arith.constant 0 : i32
      %dma_start3A_186 = tpu.memref_slice %arg7[%add3A_101, %dma_start3A] : memref<10112x16xf32, #tpu.memory_space<vmem_shared>> -> memref<16x16xf32, #tpu.memory_space<vmem_shared>>
      %dma_start3A_187 = arith.constant 0 : i32
      %dma_start3A_188 = tpu.memref_slice %arg7[%add3A_101, %dma_start3A_187] : memref<10112x16xf32, #tpu.memory_space<vmem_shared>> -> memref<16x16xf32, #tpu.memory_space<vmem_shared>>
      tpu.enqueue_dma source(%arg6 : memref<16x16xf32, #tpu.memory_space<vmem>>) target(%dma_start3A_188 : memref<16x16xf32, #tpu.memory_space<vmem_shared>>) target_semaphore(%run_scoped3A : memref<!tpu.dma_semaphore, #tpu.memory_space<semaphore_mem>>)
      %dma_wait3A = arith.constant 0 : i32
      %dma_wait3A_189 = tpu.memref_slice %arg7[%add3A_101, %dma_wait3A] : memref<10112x16xf32, #tpu.memory_space<vmem_shared>> -> memref<16x16xf32, #tpu.memory_space<vmem_shared>>
      %dma_wait3A_190 = arith.constant 0 : i32
      %dma_wait3A_191 = tpu.memref_slice %arg7[%add3A_101, %dma_wait3A_190] : memref<10112x16xf32, #tpu.memory_space<vmem_shared>> -> memref<16x16xf32, #tpu.memory_space<vmem_shared>>
      tpu.wait_dma2 semaphore(%run_scoped3A : memref<!tpu.dma_semaphore, #tpu.memory_space<semaphore_mem>>) src(%arg6 : memref<16x16xf32, #tpu.memory_space<vmem>>) dst(%dma_wait3A_191 : memref<16x16xf32, #tpu.memory_space<vmem_shared>>)
      tpu.yield
    }) : () -> ()
    %mul3A_102 = arith.constant 632 : i32
    %mul3A_103 = arith.muli %arg1, %mul3A_102 : i32
    %add3A_104 = arith.constant 352 : i32
    %add3A_105 = arith.addi %mul3A_103, %add3A_104 : i32
    "tpu.region"() ({
      %run_scoped3A = tpu.sem_alloc : memref<!tpu.dma_semaphore, #tpu.memory_space<semaphore_mem>>
      %dma_start3A = arith.constant 0 : i32
      %dma_start3A_186 = tpu.memref_slice %arg7[%add3A_105, %dma_start3A] : memref<10112x16xf32, #tpu.memory_space<vmem_shared>> -> memref<16x16xf32, #tpu.memory_space<vmem_shared>>
      %dma_start3A_187 = arith.constant 0 : i32
      %dma_start3A_188 = tpu.memref_slice %arg7[%add3A_105, %dma_start3A_187] : memref<10112x16xf32, #tpu.memory_space<vmem_shared>> -> memref<16x16xf32, #tpu.memory_space<vmem_shared>>
      tpu.enqueue_dma source(%arg6 : memref<16x16xf32, #tpu.memory_space<vmem>>) target(%dma_start3A_188 : memref<16x16xf32, #tpu.memory_space<vmem_shared>>) target_semaphore(%run_scoped3A : memref<!tpu.dma_semaphore, #tpu.memory_space<semaphore_mem>>)
      %dma_wait3A = arith.constant 0 : i32
      %dma_wait3A_189 = tpu.memref_slice %arg7[%add3A_105, %dma_wait3A] : memref<10112x16xf32, #tpu.memory_space<vmem_shared>> -> memref<16x16xf32, #tpu.memory_space<vmem_shared>>
      %dma_wait3A_190 = arith.constant 0 : i32
      %dma_wait3A_191 = tpu.memref_slice %arg7[%add3A_105, %dma_wait3A_190] : memref<10112x16xf32, #tpu.memory_space<vmem_shared>> -> memref<16x16xf32, #tpu.memory_space<vmem_shared>>
      tpu.wait_dma2 semaphore(%run_scoped3A : memref<!tpu.dma_semaphore, #tpu.memory_space<semaphore_mem>>) src(%arg6 : memref<16x16xf32, #tpu.memory_space<vmem>>) dst(%dma_wait3A_191 : memref<16x16xf32, #tpu.memory_space<vmem_shared>>)
      tpu.yield
    }) : () -> ()
    %mul3A_106 = arith.constant 632 : i32
    %mul3A_107 = arith.muli %arg1, %mul3A_106 : i32
    %add3A_108 = arith.constant 368 : i32
    %add3A_109 = arith.addi %mul3A_107, %add3A_108 : i32
    "tpu.region"() ({
      %run_scoped3A = tpu.sem_alloc : memref<!tpu.dma_semaphore, #tpu.memory_space<semaphore_mem>>
      %dma_start3A = arith.constant 0 : i32
      %dma_start3A_186 = tpu.memref_slice %arg7[%add3A_109, %dma_start3A] : memref<10112x16xf32, #tpu.memory_space<vmem_shared>> -> memref<16x16xf32, #tpu.memory_space<vmem_shared>>
      %dma_start3A_187 = arith.constant 0 : i32
      %dma_start3A_188 = tpu.memref_slice %arg7[%add3A_109, %dma_start3A_187] : memref<10112x16xf32, #tpu.memory_space<vmem_shared>> -> memref<16x16xf32, #tpu.memory_space<vmem_shared>>
      tpu.enqueue_dma source(%arg6 : memref<16x16xf32, #tpu.memory_space<vmem>>) target(%dma_start3A_188 : memref<16x16xf32, #tpu.memory_space<vmem_shared>>) target_semaphore(%run_scoped3A : memref<!tpu.dma_semaphore, #tpu.memory_space<semaphore_mem>>)
      %dma_wait3A = arith.constant 0 : i32
      %dma_wait3A_189 = tpu.memref_slice %arg7[%add3A_109, %dma_wait3A] : memref<10112x16xf32, #tpu.memory_space<vmem_shared>> -> memref<16x16xf32, #tpu.memory_space<vmem_shared>>
      %dma_wait3A_190 = arith.constant 0 : i32
      %dma_wait3A_191 = tpu.memref_slice %arg7[%add3A_109, %dma_wait3A_190] : memref<10112x16xf32, #tpu.memory_space<vmem_shared>> -> memref<16x16xf32, #tpu.memory_space<vmem_shared>>
      tpu.wait_dma2 semaphore(%run_scoped3A : memref<!tpu.dma_semaphore, #tpu.memory_space<semaphore_mem>>) src(%arg6 : memref<16x16xf32, #tpu.memory_space<vmem>>) dst(%dma_wait3A_191 : memref<16x16xf32, #tpu.memory_space<vmem_shared>>)
      tpu.yield
    }) : () -> ()
    %mul3A_110 = arith.constant 632 : i32
    %mul3A_111 = arith.muli %arg1, %mul3A_110 : i32
    %add3A_112 = arith.constant 384 : i32
    %add3A_113 = arith.addi %mul3A_111, %add3A_112 : i32
    "tpu.region"() ({
      %run_scoped3A = tpu.sem_alloc : memref<!tpu.dma_semaphore, #tpu.memory_space<semaphore_mem>>
      %dma_start3A = arith.constant 0 : i32
      %dma_start3A_186 = tpu.memref_slice %arg7[%add3A_113, %dma_start3A] : memref<10112x16xf32, #tpu.memory_space<vmem_shared>> -> memref<16x16xf32, #tpu.memory_space<vmem_shared>>
      %dma_start3A_187 = arith.constant 0 : i32
      %dma_start3A_188 = tpu.memref_slice %arg7[%add3A_113, %dma_start3A_187] : memref<10112x16xf32, #tpu.memory_space<vmem_shared>> -> memref<16x16xf32, #tpu.memory_space<vmem_shared>>
      tpu.enqueue_dma source(%arg6 : memref<16x16xf32, #tpu.memory_space<vmem>>) target(%dma_start3A_188 : memref<16x16xf32, #tpu.memory_space<vmem_shared>>) target_semaphore(%run_scoped3A : memref<!tpu.dma_semaphore, #tpu.memory_space<semaphore_mem>>)
      %dma_wait3A = arith.constant 0 : i32
      %dma_wait3A_189 = tpu.memref_slice %arg7[%add3A_113, %dma_wait3A] : memref<10112x16xf32, #tpu.memory_space<vmem_shared>> -> memref<16x16xf32, #tpu.memory_space<vmem_shared>>
      %dma_wait3A_190 = arith.constant 0 : i32
      %dma_wait3A_191 = tpu.memref_slice %arg7[%add3A_113, %dma_wait3A_190] : memref<10112x16xf32, #tpu.memory_space<vmem_shared>> -> memref<16x16xf32, #tpu.memory_space<vmem_shared>>
      tpu.wait_dma2 semaphore(%run_scoped3A : memref<!tpu.dma_semaphore, #tpu.memory_space<semaphore_mem>>) src(%arg6 : memref<16x16xf32, #tpu.memory_space<vmem>>) dst(%dma_wait3A_191 : memref<16x16xf32, #tpu.memory_space<vmem_shared>>)
      tpu.yield
    }) : () -> ()
    %mul3A_114 = arith.constant 632 : i32
    %mul3A_115 = arith.muli %arg1, %mul3A_114 : i32
    %add3A_116 = arith.constant 400 : i32
    %add3A_117 = arith.addi %mul3A_115, %add3A_116 : i32
    "tpu.region"() ({
      %run_scoped3A = tpu.sem_alloc : memref<!tpu.dma_semaphore, #tpu.memory_space<semaphore_mem>>
      %dma_start3A = arith.constant 0 : i32
      %dma_start3A_186 = tpu.memref_slice %arg7[%add3A_117, %dma_start3A] : memref<10112x16xf32, #tpu.memory_space<vmem_shared>> -> memref<16x16xf32, #tpu.memory_space<vmem_shared>>
      %dma_start3A_187 = arith.constant 0 : i32
      %dma_start3A_188 = tpu.memref_slice %arg7[%add3A_117, %dma_start3A_187] : memref<10112x16xf32, #tpu.memory_space<vmem_shared>> -> memref<16x16xf32, #tpu.memory_space<vmem_shared>>
      tpu.enqueue_dma source(%arg6 : memref<16x16xf32, #tpu.memory_space<vmem>>) target(%dma_start3A_188 : memref<16x16xf32, #tpu.memory_space<vmem_shared>>) target_semaphore(%run_scoped3A : memref<!tpu.dma_semaphore, #tpu.memory_space<semaphore_mem>>)
      %dma_wait3A = arith.constant 0 : i32
      %dma_wait3A_189 = tpu.memref_slice %arg7[%add3A_117, %dma_wait3A] : memref<10112x16xf32, #tpu.memory_space<vmem_shared>> -> memref<16x16xf32, #tpu.memory_space<vmem_shared>>
      %dma_wait3A_190 = arith.constant 0 : i32
      %dma_wait3A_191 = tpu.memref_slice %arg7[%add3A_117, %dma_wait3A_190] : memref<10112x16xf32, #tpu.memory_space<vmem_shared>> -> memref<16x16xf32, #tpu.memory_space<vmem_shared>>
      tpu.wait_dma2 semaphore(%run_scoped3A : memref<!tpu.dma_semaphore, #tpu.memory_space<semaphore_mem>>) src(%arg6 : memref<16x16xf32, #tpu.memory_space<vmem>>) dst(%dma_wait3A_191 : memref<16x16xf32, #tpu.memory_space<vmem_shared>>)
      tpu.yield
    }) : () -> ()
    %mul3A_118 = arith.constant 632 : i32
    %mul3A_119 = arith.muli %arg1, %mul3A_118 : i32
    %add3A_120 = arith.constant 416 : i32
    %add3A_121 = arith.addi %mul3A_119, %add3A_120 : i32
    "tpu.region"() ({
      %run_scoped3A = tpu.sem_alloc : memref<!tpu.dma_semaphore, #tpu.memory_space<semaphore_mem>>
      %dma_start3A = arith.constant 0 : i32
      %dma_start3A_186 = tpu.memref_slice %arg7[%add3A_121, %dma_start3A] : memref<10112x16xf32, #tpu.memory_space<vmem_shared>> -> memref<16x16xf32, #tpu.memory_space<vmem_shared>>
      %dma_start3A_187 = arith.constant 0 : i32
      %dma_start3A_188 = tpu.memref_slice %arg7[%add3A_121, %dma_start3A_187] : memref<10112x16xf32, #tpu.memory_space<vmem_shared>> -> memref<16x16xf32, #tpu.memory_space<vmem_shared>>
      tpu.enqueue_dma source(%arg6 : memref<16x16xf32, #tpu.memory_space<vmem>>) target(%dma_start3A_188 : memref<16x16xf32, #tpu.memory_space<vmem_shared>>) target_semaphore(%run_scoped3A : memref<!tpu.dma_semaphore, #tpu.memory_space<semaphore_mem>>)
      %dma_wait3A = arith.constant 0 : i32
      %dma_wait3A_189 = tpu.memref_slice %arg7[%add3A_121, %dma_wait3A] : memref<10112x16xf32, #tpu.memory_space<vmem_shared>> -> memref<16x16xf32, #tpu.memory_space<vmem_shared>>
      %dma_wait3A_190 = arith.constant 0 : i32
      %dma_wait3A_191 = tpu.memref_slice %arg7[%add3A_121, %dma_wait3A_190] : memref<10112x16xf32, #tpu.memory_space<vmem_shared>> -> memref<16x16xf32, #tpu.memory_space<vmem_shared>>
      tpu.wait_dma2 semaphore(%run_scoped3A : memref<!tpu.dma_semaphore, #tpu.memory_space<semaphore_mem>>) src(%arg6 : memref<16x16xf32, #tpu.memory_space<vmem>>) dst(%dma_wait3A_191 : memref<16x16xf32, #tpu.memory_space<vmem_shared>>)
      tpu.yield
    }) : () -> ()
    %mul3A_122 = arith.constant 632 : i32
    %mul3A_123 = arith.muli %arg1, %mul3A_122 : i32
    %add3A_124 = arith.constant 432 : i32
    %add3A_125 = arith.addi %mul3A_123, %add3A_124 : i32
    "tpu.region"() ({
      %run_scoped3A = tpu.sem_alloc : memref<!tpu.dma_semaphore, #tpu.memory_space<semaphore_mem>>
      %dma_start3A = arith.constant 0 : i32
      %dma_start3A_186 = tpu.memref_slice %arg7[%add3A_125, %dma_start3A] : memref<10112x16xf32, #tpu.memory_space<vmem_shared>> -> memref<16x16xf32, #tpu.memory_space<vmem_shared>>
      %dma_start3A_187 = arith.constant 0 : i32
      %dma_start3A_188 = tpu.memref_slice %arg7[%add3A_125, %dma_start3A_187] : memref<10112x16xf32, #tpu.memory_space<vmem_shared>> -> memref<16x16xf32, #tpu.memory_space<vmem_shared>>
      tpu.enqueue_dma source(%arg6 : memref<16x16xf32, #tpu.memory_space<vmem>>) target(%dma_start3A_188 : memref<16x16xf32, #tpu.memory_space<vmem_shared>>) target_semaphore(%run_scoped3A : memref<!tpu.dma_semaphore, #tpu.memory_space<semaphore_mem>>)
      %dma_wait3A = arith.constant 0 : i32
      %dma_wait3A_189 = tpu.memref_slice %arg7[%add3A_125, %dma_wait3A] : memref<10112x16xf32, #tpu.memory_space<vmem_shared>> -> memref<16x16xf32, #tpu.memory_space<vmem_shared>>
      %dma_wait3A_190 = arith.constant 0 : i32
      %dma_wait3A_191 = tpu.memref_slice %arg7[%add3A_125, %dma_wait3A_190] : memref<10112x16xf32, #tpu.memory_space<vmem_shared>> -> memref<16x16xf32, #tpu.memory_space<vmem_shared>>
      tpu.wait_dma2 semaphore(%run_scoped3A : memref<!tpu.dma_semaphore, #tpu.memory_space<semaphore_mem>>) src(%arg6 : memref<16x16xf32, #tpu.memory_space<vmem>>) dst(%dma_wait3A_191 : memref<16x16xf32, #tpu.memory_space<vmem_shared>>)
      tpu.yield
    }) : () -> ()
    %mul3A_126 = arith.constant 632 : i32
    %mul3A_127 = arith.muli %arg1, %mul3A_126 : i32
    %add3A_128 = arith.constant 448 : i32
    %add3A_129 = arith.addi %mul3A_127, %add3A_128 : i32
    "tpu.region"() ({
      %run_scoped3A = tpu.sem_alloc : memref<!tpu.dma_semaphore, #tpu.memory_space<semaphore_mem>>
      %dma_start3A = arith.constant 0 : i32
      %dma_start3A_186 = tpu.memref_slice %arg7[%add3A_129, %dma_start3A] : memref<10112x16xf32, #tpu.memory_space<vmem_shared>> -> memref<16x16xf32, #tpu.memory_space<vmem_shared>>
      %dma_start3A_187 = arith.constant 0 : i32
      %dma_start3A_188 = tpu.memref_slice %arg7[%add3A_129, %dma_start3A_187] : memref<10112x16xf32, #tpu.memory_space<vmem_shared>> -> memref<16x16xf32, #tpu.memory_space<vmem_shared>>
      tpu.enqueue_dma source(%arg6 : memref<16x16xf32, #tpu.memory_space<vmem>>) target(%dma_start3A_188 : memref<16x16xf32, #tpu.memory_space<vmem_shared>>) target_semaphore(%run_scoped3A : memref<!tpu.dma_semaphore, #tpu.memory_space<semaphore_mem>>)
      %dma_wait3A = arith.constant 0 : i32
      %dma_wait3A_189 = tpu.memref_slice %arg7[%add3A_129, %dma_wait3A] : memref<10112x16xf32, #tpu.memory_space<vmem_shared>> -> memref<16x16xf32, #tpu.memory_space<vmem_shared>>
      %dma_wait3A_190 = arith.constant 0 : i32
      %dma_wait3A_191 = tpu.memref_slice %arg7[%add3A_129, %dma_wait3A_190] : memref<10112x16xf32, #tpu.memory_space<vmem_shared>> -> memref<16x16xf32, #tpu.memory_space<vmem_shared>>
      tpu.wait_dma2 semaphore(%run_scoped3A : memref<!tpu.dma_semaphore, #tpu.memory_space<semaphore_mem>>) src(%arg6 : memref<16x16xf32, #tpu.memory_space<vmem>>) dst(%dma_wait3A_191 : memref<16x16xf32, #tpu.memory_space<vmem_shared>>)
      tpu.yield
    }) : () -> ()
    %mul3A_130 = arith.constant 632 : i32
    %mul3A_131 = arith.muli %arg1, %mul3A_130 : i32
    %add3A_132 = arith.constant 464 : i32
    %add3A_133 = arith.addi %mul3A_131, %add3A_132 : i32
    "tpu.region"() ({
      %run_scoped3A = tpu.sem_alloc : memref<!tpu.dma_semaphore, #tpu.memory_space<semaphore_mem>>
      %dma_start3A = arith.constant 0 : i32
      %dma_start3A_186 = tpu.memref_slice %arg7[%add3A_133, %dma_start3A] : memref<10112x16xf32, #tpu.memory_space<vmem_shared>> -> memref<16x16xf32, #tpu.memory_space<vmem_shared>>
      %dma_start3A_187 = arith.constant 0 : i32
      %dma_start3A_188 = tpu.memref_slice %arg7[%add3A_133, %dma_start3A_187] : memref<10112x16xf32, #tpu.memory_space<vmem_shared>> -> memref<16x16xf32, #tpu.memory_space<vmem_shared>>
      tpu.enqueue_dma source(%arg6 : memref<16x16xf32, #tpu.memory_space<vmem>>) target(%dma_start3A_188 : memref<16x16xf32, #tpu.memory_space<vmem_shared>>) target_semaphore(%run_scoped3A : memref<!tpu.dma_semaphore, #tpu.memory_space<semaphore_mem>>)
      %dma_wait3A = arith.constant 0 : i32
      %dma_wait3A_189 = tpu.memref_slice %arg7[%add3A_133, %dma_wait3A] : memref<10112x16xf32, #tpu.memory_space<vmem_shared>> -> memref<16x16xf32, #tpu.memory_space<vmem_shared>>
      %dma_wait3A_190 = arith.constant 0 : i32
      %dma_wait3A_191 = tpu.memref_slice %arg7[%add3A_133, %dma_wait3A_190] : memref<10112x16xf32, #tpu.memory_space<vmem_shared>> -> memref<16x16xf32, #tpu.memory_space<vmem_shared>>
      tpu.wait_dma2 semaphore(%run_scoped3A : memref<!tpu.dma_semaphore, #tpu.memory_space<semaphore_mem>>) src(%arg6 : memref<16x16xf32, #tpu.memory_space<vmem>>) dst(%dma_wait3A_191 : memref<16x16xf32, #tpu.memory_space<vmem_shared>>)
      tpu.yield
    }) : () -> ()
    %mul3A_134 = arith.constant 632 : i32
    %mul3A_135 = arith.muli %arg1, %mul3A_134 : i32
    %add3A_136 = arith.constant 480 : i32
    %add3A_137 = arith.addi %mul3A_135, %add3A_136 : i32
    "tpu.region"() ({
      %run_scoped3A = tpu.sem_alloc : memref<!tpu.dma_semaphore, #tpu.memory_space<semaphore_mem>>
      %dma_start3A = arith.constant 0 : i32
      %dma_start3A_186 = tpu.memref_slice %arg7[%add3A_137, %dma_start3A] : memref<10112x16xf32, #tpu.memory_space<vmem_shared>> -> memref<16x16xf32, #tpu.memory_space<vmem_shared>>
      %dma_start3A_187 = arith.constant 0 : i32
      %dma_start3A_188 = tpu.memref_slice %arg7[%add3A_137, %dma_start3A_187] : memref<10112x16xf32, #tpu.memory_space<vmem_shared>> -> memref<16x16xf32, #tpu.memory_space<vmem_shared>>
      tpu.enqueue_dma source(%arg6 : memref<16x16xf32, #tpu.memory_space<vmem>>) target(%dma_start3A_188 : memref<16x16xf32, #tpu.memory_space<vmem_shared>>) target_semaphore(%run_scoped3A : memref<!tpu.dma_semaphore, #tpu.memory_space<semaphore_mem>>)
      %dma_wait3A = arith.constant 0 : i32
      %dma_wait3A_189 = tpu.memref_slice %arg7[%add3A_137, %dma_wait3A] : memref<10112x16xf32, #tpu.memory_space<vmem_shared>> -> memref<16x16xf32, #tpu.memory_space<vmem_shared>>
      %dma_wait3A_190 = arith.constant 0 : i32
      %dma_wait3A_191 = tpu.memref_slice %arg7[%add3A_137, %dma_wait3A_190] : memref<10112x16xf32, #tpu.memory_space<vmem_shared>> -> memref<16x16xf32, #tpu.memory_space<vmem_shared>>
      tpu.wait_dma2 semaphore(%run_scoped3A : memref<!tpu.dma_semaphore, #tpu.memory_space<semaphore_mem>>) src(%arg6 : memref<16x16xf32, #tpu.memory_space<vmem>>) dst(%dma_wait3A_191 : memref<16x16xf32, #tpu.memory_space<vmem_shared>>)
      tpu.yield
    }) : () -> ()
    %mul3A_138 = arith.constant 632 : i32
    %mul3A_139 = arith.muli %arg1, %mul3A_138 : i32
    %add3A_140 = arith.constant 496 : i32
    %add3A_141 = arith.addi %mul3A_139, %add3A_140 : i32
    "tpu.region"() ({
      %run_scoped3A = tpu.sem_alloc : memref<!tpu.dma_semaphore, #tpu.memory_space<semaphore_mem>>
      %dma_start3A = arith.constant 0 : i32
      %dma_start3A_186 = tpu.memref_slice %arg7[%add3A_141, %dma_start3A] : memref<10112x16xf32, #tpu.memory_space<vmem_shared>> -> memref<16x16xf32, #tpu.memory_space<vmem_shared>>
      %dma_start3A_187 = arith.constant 0 : i32
      %dma_start3A_188 = tpu.memref_slice %arg7[%add3A_141, %dma_start3A_187] : memref<10112x16xf32, #tpu.memory_space<vmem_shared>> -> memref<16x16xf32, #tpu.memory_space<vmem_shared>>
      tpu.enqueue_dma source(%arg6 : memref<16x16xf32, #tpu.memory_space<vmem>>) target(%dma_start3A_188 : memref<16x16xf32, #tpu.memory_space<vmem_shared>>) target_semaphore(%run_scoped3A : memref<!tpu.dma_semaphore, #tpu.memory_space<semaphore_mem>>)
      %dma_wait3A = arith.constant 0 : i32
      %dma_wait3A_189 = tpu.memref_slice %arg7[%add3A_141, %dma_wait3A] : memref<10112x16xf32, #tpu.memory_space<vmem_shared>> -> memref<16x16xf32, #tpu.memory_space<vmem_shared>>
      %dma_wait3A_190 = arith.constant 0 : i32
      %dma_wait3A_191 = tpu.memref_slice %arg7[%add3A_141, %dma_wait3A_190] : memref<10112x16xf32, #tpu.memory_space<vmem_shared>> -> memref<16x16xf32, #tpu.memory_space<vmem_shared>>
      tpu.wait_dma2 semaphore(%run_scoped3A : memref<!tpu.dma_semaphore, #tpu.memory_space<semaphore_mem>>) src(%arg6 : memref<16x16xf32, #tpu.memory_space<vmem>>) dst(%dma_wait3A_191 : memref<16x16xf32, #tpu.memory_space<vmem_shared>>)
      tpu.yield
    }) : () -> ()
    %mul3A_142 = arith.constant 632 : i32
    %mul3A_143 = arith.muli %arg1, %mul3A_142 : i32
    %add3A_144 = arith.constant 512 : i32
    %add3A_145 = arith.addi %mul3A_143, %add3A_144 : i32
    "tpu.region"() ({
      %run_scoped3A = tpu.sem_alloc : memref<!tpu.dma_semaphore, #tpu.memory_space<semaphore_mem>>
      %dma_start3A = arith.constant 0 : i32
      %dma_start3A_186 = tpu.memref_slice %arg7[%add3A_145, %dma_start3A] : memref<10112x16xf32, #tpu.memory_space<vmem_shared>> -> memref<16x16xf32, #tpu.memory_space<vmem_shared>>
      %dma_start3A_187 = arith.constant 0 : i32
      %dma_start3A_188 = tpu.memref_slice %arg7[%add3A_145, %dma_start3A_187] : memref<10112x16xf32, #tpu.memory_space<vmem_shared>> -> memref<16x16xf32, #tpu.memory_space<vmem_shared>>
      tpu.enqueue_dma source(%arg6 : memref<16x16xf32, #tpu.memory_space<vmem>>) target(%dma_start3A_188 : memref<16x16xf32, #tpu.memory_space<vmem_shared>>) target_semaphore(%run_scoped3A : memref<!tpu.dma_semaphore, #tpu.memory_space<semaphore_mem>>)
      %dma_wait3A = arith.constant 0 : i32
      %dma_wait3A_189 = tpu.memref_slice %arg7[%add3A_145, %dma_wait3A] : memref<10112x16xf32, #tpu.memory_space<vmem_shared>> -> memref<16x16xf32, #tpu.memory_space<vmem_shared>>
      %dma_wait3A_190 = arith.constant 0 : i32
      %dma_wait3A_191 = tpu.memref_slice %arg7[%add3A_145, %dma_wait3A_190] : memref<10112x16xf32, #tpu.memory_space<vmem_shared>> -> memref<16x16xf32, #tpu.memory_space<vmem_shared>>
      tpu.wait_dma2 semaphore(%run_scoped3A : memref<!tpu.dma_semaphore, #tpu.memory_space<semaphore_mem>>) src(%arg6 : memref<16x16xf32, #tpu.memory_space<vmem>>) dst(%dma_wait3A_191 : memref<16x16xf32, #tpu.memory_space<vmem_shared>>)
      tpu.yield
    }) : () -> ()
    %mul3A_146 = arith.constant 632 : i32
    %mul3A_147 = arith.muli %arg1, %mul3A_146 : i32
    %add3A_148 = arith.constant 528 : i32
    %add3A_149 = arith.addi %mul3A_147, %add3A_148 : i32
    "tpu.region"() ({
      %run_scoped3A = tpu.sem_alloc : memref<!tpu.dma_semaphore, #tpu.memory_space<semaphore_mem>>
      %dma_start3A = arith.constant 0 : i32
      %dma_start3A_186 = tpu.memref_slice %arg7[%add3A_149, %dma_start3A] : memref<10112x16xf32, #tpu.memory_space<vmem_shared>> -> memref<16x16xf32, #tpu.memory_space<vmem_shared>>
      %dma_start3A_187 = arith.constant 0 : i32
      %dma_start3A_188 = tpu.memref_slice %arg7[%add3A_149, %dma_start3A_187] : memref<10112x16xf32, #tpu.memory_space<vmem_shared>> -> memref<16x16xf32, #tpu.memory_space<vmem_shared>>
      tpu.enqueue_dma source(%arg6 : memref<16x16xf32, #tpu.memory_space<vmem>>) target(%dma_start3A_188 : memref<16x16xf32, #tpu.memory_space<vmem_shared>>) target_semaphore(%run_scoped3A : memref<!tpu.dma_semaphore, #tpu.memory_space<semaphore_mem>>)
      %dma_wait3A = arith.constant 0 : i32
      %dma_wait3A_189 = tpu.memref_slice %arg7[%add3A_149, %dma_wait3A] : memref<10112x16xf32, #tpu.memory_space<vmem_shared>> -> memref<16x16xf32, #tpu.memory_space<vmem_shared>>
      %dma_wait3A_190 = arith.constant 0 : i32
      %dma_wait3A_191 = tpu.memref_slice %arg7[%add3A_149, %dma_wait3A_190] : memref<10112x16xf32, #tpu.memory_space<vmem_shared>> -> memref<16x16xf32, #tpu.memory_space<vmem_shared>>
      tpu.wait_dma2 semaphore(%run_scoped3A : memref<!tpu.dma_semaphore, #tpu.memory_space<semaphore_mem>>) src(%arg6 : memref<16x16xf32, #tpu.memory_space<vmem>>) dst(%dma_wait3A_191 : memref<16x16xf32, #tpu.memory_space<vmem_shared>>)
      tpu.yield
    }) : () -> ()
    %mul3A_150 = arith.constant 632 : i32
    %mul3A_151 = arith.muli %arg1, %mul3A_150 : i32
    %add3A_152 = arith.constant 544 : i32
    %add3A_153 = arith.addi %mul3A_151, %add3A_152 : i32
    "tpu.region"() ({
      %run_scoped3A = tpu.sem_alloc : memref<!tpu.dma_semaphore, #tpu.memory_space<semaphore_mem>>
      %dma_start3A = arith.constant 0 : i32
      %dma_start3A_186 = tpu.memref_slice %arg7[%add3A_153, %dma_start3A] : memref<10112x16xf32, #tpu.memory_space<vmem_shared>> -> memref<16x16xf32, #tpu.memory_space<vmem_shared>>
      %dma_start3A_187 = arith.constant 0 : i32
      %dma_start3A_188 = tpu.memref_slice %arg7[%add3A_153, %dma_start3A_187] : memref<10112x16xf32, #tpu.memory_space<vmem_shared>> -> memref<16x16xf32, #tpu.memory_space<vmem_shared>>
      tpu.enqueue_dma source(%arg6 : memref<16x16xf32, #tpu.memory_space<vmem>>) target(%dma_start3A_188 : memref<16x16xf32, #tpu.memory_space<vmem_shared>>) target_semaphore(%run_scoped3A : memref<!tpu.dma_semaphore, #tpu.memory_space<semaphore_mem>>)
      %dma_wait3A = arith.constant 0 : i32
      %dma_wait3A_189 = tpu.memref_slice %arg7[%add3A_153, %dma_wait3A] : memref<10112x16xf32, #tpu.memory_space<vmem_shared>> -> memref<16x16xf32, #tpu.memory_space<vmem_shared>>
      %dma_wait3A_190 = arith.constant 0 : i32
      %dma_wait3A_191 = tpu.memref_slice %arg7[%add3A_153, %dma_wait3A_190] : memref<10112x16xf32, #tpu.memory_space<vmem_shared>> -> memref<16x16xf32, #tpu.memory_space<vmem_shared>>
      tpu.wait_dma2 semaphore(%run_scoped3A : memref<!tpu.dma_semaphore, #tpu.memory_space<semaphore_mem>>) src(%arg6 : memref<16x16xf32, #tpu.memory_space<vmem>>) dst(%dma_wait3A_191 : memref<16x16xf32, #tpu.memory_space<vmem_shared>>)
      tpu.yield
    }) : () -> ()
    %mul3A_154 = arith.constant 632 : i32
    %mul3A_155 = arith.muli %arg1, %mul3A_154 : i32
    %add3A_156 = arith.constant 560 : i32
    %add3A_157 = arith.addi %mul3A_155, %add3A_156 : i32
    "tpu.region"() ({
      %run_scoped3A = tpu.sem_alloc : memref<!tpu.dma_semaphore, #tpu.memory_space<semaphore_mem>>
      %dma_start3A = arith.constant 0 : i32
      %dma_start3A_186 = tpu.memref_slice %arg7[%add3A_157, %dma_start3A] : memref<10112x16xf32, #tpu.memory_space<vmem_shared>> -> memref<16x16xf32, #tpu.memory_space<vmem_shared>>
      %dma_start3A_187 = arith.constant 0 : i32
      %dma_start3A_188 = tpu.memref_slice %arg7[%add3A_157, %dma_start3A_187] : memref<10112x16xf32, #tpu.memory_space<vmem_shared>> -> memref<16x16xf32, #tpu.memory_space<vmem_shared>>
      tpu.enqueue_dma source(%arg6 : memref<16x16xf32, #tpu.memory_space<vmem>>) target(%dma_start3A_188 : memref<16x16xf32, #tpu.memory_space<vmem_shared>>) target_semaphore(%run_scoped3A : memref<!tpu.dma_semaphore, #tpu.memory_space<semaphore_mem>>)
      %dma_wait3A = arith.constant 0 : i32
      %dma_wait3A_189 = tpu.memref_slice %arg7[%add3A_157, %dma_wait3A] : memref<10112x16xf32, #tpu.memory_space<vmem_shared>> -> memref<16x16xf32, #tpu.memory_space<vmem_shared>>
      %dma_wait3A_190 = arith.constant 0 : i32
      %dma_wait3A_191 = tpu.memref_slice %arg7[%add3A_157, %dma_wait3A_190] : memref<10112x16xf32, #tpu.memory_space<vmem_shared>> -> memref<16x16xf32, #tpu.memory_space<vmem_shared>>
      tpu.wait_dma2 semaphore(%run_scoped3A : memref<!tpu.dma_semaphore, #tpu.memory_space<semaphore_mem>>) src(%arg6 : memref<16x16xf32, #tpu.memory_space<vmem>>) dst(%dma_wait3A_191 : memref<16x16xf32, #tpu.memory_space<vmem_shared>>)
      tpu.yield
    }) : () -> ()
    %mul3A_158 = arith.constant 632 : i32
    %mul3A_159 = arith.muli %arg1, %mul3A_158 : i32
    %add3A_160 = arith.constant 576 : i32
    %add3A_161 = arith.addi %mul3A_159, %add3A_160 : i32
    "tpu.region"() ({
      %run_scoped3A = tpu.sem_alloc : memref<!tpu.dma_semaphore, #tpu.memory_space<semaphore_mem>>
      %dma_start3A = arith.constant 0 : i32
      %dma_start3A_186 = tpu.memref_slice %arg7[%add3A_161, %dma_start3A] : memref<10112x16xf32, #tpu.memory_space<vmem_shared>> -> memref<16x16xf32, #tpu.memory_space<vmem_shared>>
      %dma_start3A_187 = arith.constant 0 : i32
      %dma_start3A_188 = tpu.memref_slice %arg7[%add3A_161, %dma_start3A_187] : memref<10112x16xf32, #tpu.memory_space<vmem_shared>> -> memref<16x16xf32, #tpu.memory_space<vmem_shared>>
      tpu.enqueue_dma source(%arg6 : memref<16x16xf32, #tpu.memory_space<vmem>>) target(%dma_start3A_188 : memref<16x16xf32, #tpu.memory_space<vmem_shared>>) target_semaphore(%run_scoped3A : memref<!tpu.dma_semaphore, #tpu.memory_space<semaphore_mem>>)
      %dma_wait3A = arith.constant 0 : i32
      %dma_wait3A_189 = tpu.memref_slice %arg7[%add3A_161, %dma_wait3A] : memref<10112x16xf32, #tpu.memory_space<vmem_shared>> -> memref<16x16xf32, #tpu.memory_space<vmem_shared>>
      %dma_wait3A_190 = arith.constant 0 : i32
      %dma_wait3A_191 = tpu.memref_slice %arg7[%add3A_161, %dma_wait3A_190] : memref<10112x16xf32, #tpu.memory_space<vmem_shared>> -> memref<16x16xf32, #tpu.memory_space<vmem_shared>>
      tpu.wait_dma2 semaphore(%run_scoped3A : memref<!tpu.dma_semaphore, #tpu.memory_space<semaphore_mem>>) src(%arg6 : memref<16x16xf32, #tpu.memory_space<vmem>>) dst(%dma_wait3A_191 : memref<16x16xf32, #tpu.memory_space<vmem_shared>>)
      tpu.yield
    }) : () -> ()
    %mul3A_162 = arith.constant 632 : i32
    %mul3A_163 = arith.muli %arg1, %mul3A_162 : i32
    %add3A_164 = arith.constant 592 : i32
    %add3A_165 = arith.addi %mul3A_163, %add3A_164 : i32
    "tpu.region"() ({
      %run_scoped3A = tpu.sem_alloc : memref<!tpu.dma_semaphore, #tpu.memory_space<semaphore_mem>>
      %dma_start3A = arith.constant 0 : i32
      %dma_start3A_186 = tpu.memref_slice %arg7[%add3A_165, %dma_start3A] : memref<10112x16xf32, #tpu.memory_space<vmem_shared>> -> memref<16x16xf32, #tpu.memory_space<vmem_shared>>
      %dma_start3A_187 = arith.constant 0 : i32
      %dma_start3A_188 = tpu.memref_slice %arg7[%add3A_165, %dma_start3A_187] : memref<10112x16xf32, #tpu.memory_space<vmem_shared>> -> memref<16x16xf32, #tpu.memory_space<vmem_shared>>
      tpu.enqueue_dma source(%arg6 : memref<16x16xf32, #tpu.memory_space<vmem>>) target(%dma_start3A_188 : memref<16x16xf32, #tpu.memory_space<vmem_shared>>) target_semaphore(%run_scoped3A : memref<!tpu.dma_semaphore, #tpu.memory_space<semaphore_mem>>)
      %dma_wait3A = arith.constant 0 : i32
      %dma_wait3A_189 = tpu.memref_slice %arg7[%add3A_165, %dma_wait3A] : memref<10112x16xf32, #tpu.memory_space<vmem_shared>> -> memref<16x16xf32, #tpu.memory_space<vmem_shared>>
      %dma_wait3A_190 = arith.constant 0 : i32
      %dma_wait3A_191 = tpu.memref_slice %arg7[%add3A_165, %dma_wait3A_190] : memref<10112x16xf32, #tpu.memory_space<vmem_shared>> -> memref<16x16xf32, #tpu.memory_space<vmem_shared>>
      tpu.wait_dma2 semaphore(%run_scoped3A : memref<!tpu.dma_semaphore, #tpu.memory_space<semaphore_mem>>) src(%arg6 : memref<16x16xf32, #tpu.memory_space<vmem>>) dst(%dma_wait3A_191 : memref<16x16xf32, #tpu.memory_space<vmem_shared>>)
      tpu.yield
    }) : () -> ()
    %mul3A_166 = arith.constant 632 : i32
    %mul3A_167 = arith.muli %arg1, %mul3A_166 : i32
    %add3A_168 = arith.constant 608 : i32
    %add3A_169 = arith.addi %mul3A_167, %add3A_168 : i32
    "tpu.region"() ({
      %run_scoped3A = tpu.sem_alloc : memref<!tpu.dma_semaphore, #tpu.memory_space<semaphore_mem>>
      %dma_start3A = arith.constant 0 : i32
      %dma_start3A_186 = tpu.memref_slice %arg7[%add3A_169, %dma_start3A] : memref<10112x16xf32, #tpu.memory_space<vmem_shared>> -> memref<16x16xf32, #tpu.memory_space<vmem_shared>>
      %dma_start3A_187 = arith.constant 0 : i32
      %dma_start3A_188 = tpu.memref_slice %arg7[%add3A_169, %dma_start3A_187] : memref<10112x16xf32, #tpu.memory_space<vmem_shared>> -> memref<16x16xf32, #tpu.memory_space<vmem_shared>>
      tpu.enqueue_dma source(%arg6 : memref<16x16xf32, #tpu.memory_space<vmem>>) target(%dma_start3A_188 : memref<16x16xf32, #tpu.memory_space<vmem_shared>>) target_semaphore(%run_scoped3A : memref<!tpu.dma_semaphore, #tpu.memory_space<semaphore_mem>>)
      %dma_wait3A = arith.constant 0 : i32
      %dma_wait3A_189 = tpu.memref_slice %arg7[%add3A_169, %dma_wait3A] : memref<10112x16xf32, #tpu.memory_space<vmem_shared>> -> memref<16x16xf32, #tpu.memory_space<vmem_shared>>
      %dma_wait3A_190 = arith.constant 0 : i32
      %dma_wait3A_191 = tpu.memref_slice %arg7[%add3A_169, %dma_wait3A_190] : memref<10112x16xf32, #tpu.memory_space<vmem_shared>> -> memref<16x16xf32, #tpu.memory_space<vmem_shared>>
      tpu.wait_dma2 semaphore(%run_scoped3A : memref<!tpu.dma_semaphore, #tpu.memory_space<semaphore_mem>>) src(%arg6 : memref<16x16xf32, #tpu.memory_space<vmem>>) dst(%dma_wait3A_191 : memref<16x16xf32, #tpu.memory_space<vmem_shared>>)
      tpu.yield
    }) : () -> ()
    %mul3A_170 = arith.constant 632 : i32
    %mul3A_171 = arith.muli %arg1, %mul3A_170 : i32
    %add3A_172 = arith.constant 624 : i32
    %add3A_173 = arith.addi %mul3A_171, %add3A_172 : i32
    "tpu.region"() ({
      %run_scoped3A = tpu.sem_alloc : memref<!tpu.dma_semaphore, #tpu.memory_space<semaphore_mem>>
      %dma_start3A = arith.constant 0 : i32
      %dma_start3A_186 = arith.constant 0 : i32
      %dma_start3A_187 = tpu.memref_slice %arg6[%dma_start3A, %dma_start3A_186] : memref<16x16xf32, #tpu.memory_space<vmem>> -> memref<8x16xf32, #tpu.memory_space<vmem>>
      %dma_start3A_188 = arith.constant 0 : i32
      %dma_start3A_189 = tpu.memref_slice %arg7[%add3A_173, %dma_start3A_188] : memref<10112x16xf32, #tpu.memory_space<vmem_shared>> -> memref<8x16xf32, #tpu.memory_space<vmem_shared>>
      %dma_start3A_190 = arith.constant 0 : i32
      %dma_start3A_191 = tpu.memref_slice %arg7[%add3A_173, %dma_start3A_190] : memref<10112x16xf32, #tpu.memory_space<vmem_shared>> -> memref<8x16xf32, #tpu.memory_space<vmem_shared>>
      %dma_start3A_192 = arith.constant 0 : i32
      %dma_start3A_193 = arith.constant 0 : i32
      %dma_start3A_194 = tpu.memref_slice %arg6[%dma_start3A_192, %dma_start3A_193] : memref<16x16xf32, #tpu.memory_space<vmem>> -> memref<8x16xf32, #tpu.memory_space<vmem>>
      tpu.enqueue_dma source(%dma_start3A_194 : memref<8x16xf32, #tpu.memory_space<vmem>>) target(%dma_start3A_191 : memref<8x16xf32, #tpu.memory_space<vmem_shared>>) target_semaphore(%run_scoped3A : memref<!tpu.dma_semaphore, #tpu.memory_space<semaphore_mem>>)
      %dma_wait3A = arith.constant 0 : i32
      %dma_wait3A_195 = arith.constant 0 : i32
      %dma_wait3A_196 = tpu.memref_slice %arg6[%dma_wait3A, %dma_wait3A_195] : memref<16x16xf32, #tpu.memory_space<vmem>> -> memref<8x16xf32, #tpu.memory_space<vmem>>
      %dma_wait3A_197 = arith.constant 0 : i32
      %dma_wait3A_198 = tpu.memref_slice %arg7[%add3A_173, %dma_wait3A_197] : memref<10112x16xf32, #tpu.memory_space<vmem_shared>> -> memref<8x16xf32, #tpu.memory_space<vmem_shared>>
      %dma_wait3A_199 = arith.constant 0 : i32
      %dma_wait3A_200 = tpu.memref_slice %arg7[%add3A_173, %dma_wait3A_199] : memref<10112x16xf32, #tpu.memory_space<vmem_shared>> -> memref<8x16xf32, #tpu.memory_space<vmem_shared>>
      %dma_wait3A_201 = arith.constant 0 : i32
      %dma_wait3A_202 = arith.constant 0 : i32
      %dma_wait3A_203 = tpu.memref_slice %arg6[%dma_wait3A_201, %dma_wait3A_202] : memref<16x16xf32, #tpu.memory_space<vmem>> -> memref<8x16xf32, #tpu.memory_space<vmem>>
      tpu.wait_dma2 semaphore(%run_scoped3A : memref<!tpu.dma_semaphore, #tpu.memory_space<semaphore_mem>>) src(%dma_wait3A_203 : memref<8x16xf32, #tpu.memory_space<vmem>>) dst(%dma_wait3A_200 : memref<8x16xf32, #tpu.memory_space<vmem_shared>>)
      tpu.yield
    }) : () -> ()
    %barrier3A = arith.constant 0 : index
    tpu.barrier barrier_id(%barrier3A)
    %scan3A_174 = arith.constant 0 : i32
    %scan3A_175 = arith.constant 0 : i32
    %scan3A_176 = arith.constant 80 : i32
    %scan3A_177 = arith.addi %scan3A_175, %scan3A_176 : i32
    %scan3A_178 = arith.constant 1 : i32
    %scan3A_179 = scf.for %scan3A_186 = %scan3A_175 to %scan3A_177 step %scan3A_178 iter_args(%scan3A_187 = %scan3A_174) -> (i32)  : i32 {
      %run_scoped3A = arith.constant 0 : i32
      "tpu.region"() ({
        %run_scoped3A_189 = tpu.sem_alloc : memref<!tpu.dma_semaphore, #tpu.memory_space<semaphore_mem>>
        %dma_start3A = arith.constant 0 : i32
        %dma_start3A_190 = tpu.memref_slice %arg4[%scan3A_186, %run_scoped3A, %dma_start3A] : memref<80x1x128xi32, #tpu.memory_space<vmem>> -> memref<1x1x128xi32, #tpu.memory_space<vmem>>
        %dma_start3A_191 = tpu.memref_squeeze %dma_start3A_190 : memref<1x1x128xi32, #tpu.memory_space<vmem>> -> memref<128xi32, #tpu.memory_space<vmem>>
        %dma_start3A_192 = arith.constant 0 : i32
        %dma_start3A_193 = arith.constant 0 : i32
        %dma_start3A_194 = tpu.memref_slice %arg7[%dma_start3A_192, %dma_start3A_193] : memref<10112x16xf32, #tpu.memory_space<vmem_shared>> -> memref<10112x16xf32, #tpu.memory_space<vmem_shared>>
        tpu.enqueue_indirect_dma source(%arg5 : memref<128x16xf32, #tpu.memory_space<vmem>>) target(%dma_start3A_194 : memref<10112x16xf32, #tpu.memory_space<vmem_shared>>) offsets(%dma_start3A_191 : memref<128xi32, #tpu.memory_space<vmem>>) semaphore(%run_scoped3A_189 : memref<!tpu.dma_semaphore, #tpu.memory_space<semaphore_mem>>) {add = true}
        %dma_wait3A = arith.constant 0 : i32
        %dma_wait3A_195 = tpu.memref_slice %arg4[%scan3A_186, %run_scoped3A, %dma_wait3A] : memref<80x1x128xi32, #tpu.memory_space<vmem>> -> memref<1x1x128xi32, #tpu.memory_space<vmem>>
        %dma_wait3A_196 = tpu.memref_squeeze %dma_wait3A_195 : memref<1x1x128xi32, #tpu.memory_space<vmem>> -> memref<128xi32, #tpu.memory_space<vmem>>
        %dma_wait3A_197 = arith.constant 0 : i32
        %dma_wait3A_198 = arith.constant 0 : i32
        %dma_wait3A_199 = tpu.memref_slice %arg7[%dma_wait3A_197, %dma_wait3A_198] : memref<10112x16xf32, #tpu.memory_space<vmem_shared>> -> memref<10112x16xf32, #tpu.memory_space<vmem_shared>>
        tpu.wait_indirect_dma semaphore(%run_scoped3A_189 : memref<!tpu.dma_semaphore, #tpu.memory_space<semaphore_mem>>) src(%arg5 : memref<128x16xf32, #tpu.memory_space<vmem>>) dst(%dma_wait3A_199 : memref<10112x16xf32, #tpu.memory_space<vmem_shared>>)
        tpu.yield
      }) : () -> ()
      %scan3A_188 = arith.constant 0 : i32
      scf.yield %scan3A_188 : i32
    }
    %scan3A_180 = arith.constant 80 : i32
    %barrier3A_181 = arith.constant 0 : index
    tpu.barrier barrier_id(%barrier3A_181)
    %mul3A_182 = arith.constant 632 : i32
    %mul3A_183 = arith.muli %arg1, %mul3A_182 : i32
    %mul3A_184 = arith.constant 632 : i32
    %mul3A_185 = arith.muli %arg1, %mul3A_184 : i32
    "tpu.region"() ({
      %run_scoped3A = tpu.sem_alloc : memref<!tpu.dma_semaphore, #tpu.memory_space<semaphore_mem>>
      %dma_start3A = arith.constant 0 : i32
      %dma_start3A_186 = tpu.memref_slice %arg3[%arg0, %mul3A_185, %dma_start3A] : memref<2x10112x16xf32, #tpu.memory_space<hbm>> -> memref<1x632x16xf32, #tpu.memory_space<hbm>>
      %dma_start3A_187 = tpu.memref_squeeze %dma_start3A_186 : memref<1x632x16xf32, #tpu.memory_space<hbm>> -> memref<632x16xf32, #tpu.memory_space<hbm>>
      %dma_start3A_188 = arith.constant 0 : i32
      %dma_start3A_189 = tpu.memref_slice %arg7[%mul3A_183, %dma_start3A_188] : memref<10112x16xf32, #tpu.memory_space<vmem_shared>> -> memref<632x16xf32, #tpu.memory_space<vmem_shared>>
      tpu.enqueue_dma source(%dma_start3A_189 : memref<632x16xf32, #tpu.memory_space<vmem_shared>>) target(%dma_start3A_187 : memref<632x16xf32, #tpu.memory_space<hbm>>) target_semaphore(%run_scoped3A : memref<!tpu.dma_semaphore, #tpu.memory_space<semaphore_mem>>)
      %dma_wait3A = arith.constant 0 : i32
      %dma_wait3A_190 = tpu.memref_slice %arg3[%arg0, %mul3A_185, %dma_wait3A] : memref<2x10112x16xf32, #tpu.memory_space<hbm>> -> memref<1x632x16xf32, #tpu.memory_space<hbm>>
      %dma_wait3A_191 = tpu.memref_squeeze %dma_wait3A_190 : memref<1x632x16xf32, #tpu.memory_space<hbm>> -> memref<632x16xf32, #tpu.memory_space<hbm>>
      %dma_wait3A_192 = arith.constant 0 : i32
      %dma_wait3A_193 = tpu.memref_slice %arg7[%mul3A_183, %dma_wait3A_192] : memref<10112x16xf32, #tpu.memory_space<vmem_shared>> -> memref<632x16xf32, #tpu.memory_space<vmem_shared>>
      tpu.wait_dma2 semaphore(%run_scoped3A : memref<!tpu.dma_semaphore, #tpu.memory_space<semaphore_mem>>) src(%dma_wait3A_193 : memref<632x16xf32, #tpu.memory_space<vmem_shared>>) dst(%dma_wait3A_191 : memref<632x16xf32, #tpu.memory_space<hbm>>)
      tpu.yield
    }) : () -> ()
    return
  }
}

#map = affine_map<(d0, d1) -> (0, 0)>
#map1 = affine_map<(d0, d1) -> (0, 0, 0, 0)>
#map2 = affine_map<(d0, d1) -> (0, 0, 0)>
module attributes {stable_mosaic.version = 14 : i64} {
  func.func @_sc_prop_body(%arg0: i32, %arg1: i32, %arg2: memref<10000x128xf32, #tpu.memory_space<hbm>>, %arg3: memref<32x80x2x128xi32, #tpu.memory_space<hbm>>, %arg4: memref<2x10112x128xf32, #tpu.memory_space<hbm>>, %arg5: memref<2x128xi32, #tpu.memory_space<vmem>>, %arg6: memref<2x128xi32, #tpu.memory_space<vmem>>, %arg7: memref<2x128xi32, #tpu.memory_space<vmem>>, %arg8: memref<2x128xi32, #tpu.memory_space<vmem>>, %arg9: memref<128x128xf32, #tpu.memory_space<vmem>>, %arg10: memref<128x128xf32, #tpu.memory_space<vmem>>, %arg11: memref<10112x128xf32, #tpu.memory_space<vmem_shared>>, %arg12: memref<!tpu.dma_semaphore, #tpu.memory_space<semaphore_mem>>, %arg13: memref<!tpu.dma_semaphore, #tpu.memory_space<semaphore_mem>>, %arg14: memref<!tpu.dma_semaphore, #tpu.memory_space<semaphore_mem>>, %arg15: memref<!tpu.dma_semaphore, #tpu.memory_space<semaphore_mem>>, %arg16: memref<!tpu.dma_semaphore, #tpu.memory_space<semaphore_mem>>, %arg17: memref<!tpu.dma_semaphore, #tpu.memory_space<semaphore_mem>>) attributes {dimension_semantics = [#tpu.dimension_semantics<core_parallel>, #tpu.dimension_semantics<subcore_parallel>], iteration_bounds = array<i64: 2, 16>, scalar_prefetch = 0 : i64, scratch_operands = 13 : i64, tpu.core_type = #tpu.core_type<sc_vector_subcore>, window_params = [{transform_indices = #map}, {transform_indices = #map1}, {transform_indices = #map2}]} {
    %mul3A = arith.constant 16 : i32
    %mul3A_0 = arith.muli %arg0, %mul3A : i32
    %add3A = arith.addi %mul3A_0, %arg1 : i32
    %scan3A = arith.constant 0 : i32
    %scan3A_1 = arith.constant 0 : i32
    %scan3A_2 = arith.constant 128 : i32
    %scan3A_3 = arith.addi %scan3A_1, %scan3A_2 : i32
    %scan3A_4 = arith.constant 1 : i32
    %scan3A_5 = scf.for %scan3A_168 = %scan3A_1 to %scan3A_3 step %scan3A_4 iter_args(%scan3A_169 = %scan3A) -> (i32)  : i32 {
      %broadcast_in_dim3A = arith.constant 0.000000e+00 : f32
      %broadcast_in_dim3A_170 = vector.broadcast %broadcast_in_dim3A : f32 to vector<16xf32>
      %swap3A = arith.index_cast %scan3A_168 : i32 to index
      %swap3A_171 = arith.constant 0 : index
      %swap3A_172 = tpu.vector_load %arg9[%swap3A, %swap3A_171] {strides = array<i32>} : memref<128x128xf32, #tpu.memory_space<vmem>>, vector<1x16xf32>,
      %swap3A_173 = vector.shape_cast %swap3A_172 : vector<1x16xf32> to vector<16xf32>
      %swap3A_174 = vector.shape_cast %broadcast_in_dim3A_170 : vector<16xf32> to vector<1x16xf32>
      tpu.vector_store %arg9[%swap3A, %swap3A_171], %swap3A_174 {strides = array<i32>} : memref<128x128xf32, #tpu.memory_space<vmem>>, vector<1x16xf32>,
      %broadcast_in_dim3A_175 = arith.constant 0.000000e+00 : f32
      %broadcast_in_dim3A_176 = vector.broadcast %broadcast_in_dim3A_175 : f32 to vector<16xf32>
      %swap3A_177 = arith.index_cast %scan3A_168 : i32 to index
      %swap3A_178 = arith.constant 16 : index
      %swap3A_179 = tpu.vector_load %arg9[%swap3A_177, %swap3A_178] {strides = array<i32>} : memref<128x128xf32, #tpu.memory_space<vmem>>, vector<1x16xf32>,
      %swap3A_180 = vector.shape_cast %swap3A_179 : vector<1x16xf32> to vector<16xf32>
      %swap3A_181 = vector.shape_cast %broadcast_in_dim3A_176 : vector<16xf32> to vector<1x16xf32>
      tpu.vector_store %arg9[%swap3A_177, %swap3A_178], %swap3A_181 {strides = array<i32>} : memref<128x128xf32, #tpu.memory_space<vmem>>, vector<1x16xf32>,
      %broadcast_in_dim3A_182 = arith.constant 0.000000e+00 : f32
      %broadcast_in_dim3A_183 = vector.broadcast %broadcast_in_dim3A_182 : f32 to vector<16xf32>
      %swap3A_184 = arith.index_cast %scan3A_168 : i32 to index
      %swap3A_185 = arith.constant 32 : index
      %swap3A_186 = tpu.vector_load %arg9[%swap3A_184, %swap3A_185] {strides = array<i32>} : memref<128x128xf32, #tpu.memory_space<vmem>>, vector<1x16xf32>,
      %swap3A_187 = vector.shape_cast %swap3A_186 : vector<1x16xf32> to vector<16xf32>
      %swap3A_188 = vector.shape_cast %broadcast_in_dim3A_183 : vector<16xf32> to vector<1x16xf32>
      tpu.vector_store %arg9[%swap3A_184, %swap3A_185], %swap3A_188 {strides = array<i32>} : memref<128x128xf32, #tpu.memory_space<vmem>>, vector<1x16xf32>,
      %broadcast_in_dim3A_189 = arith.constant 0.000000e+00 : f32
      %broadcast_in_dim3A_190 = vector.broadcast %broadcast_in_dim3A_189 : f32 to vector<16xf32>
      %swap3A_191 = arith.index_cast %scan3A_168 : i32 to index
      %swap3A_192 = arith.constant 48 : index
      %swap3A_193 = tpu.vector_load %arg9[%swap3A_191, %swap3A_192] {strides = array<i32>} : memref<128x128xf32, #tpu.memory_space<vmem>>, vector<1x16xf32>,
      %swap3A_194 = vector.shape_cast %swap3A_193 : vector<1x16xf32> to vector<16xf32>
      %swap3A_195 = vector.shape_cast %broadcast_in_dim3A_190 : vector<16xf32> to vector<1x16xf32>
      tpu.vector_store %arg9[%swap3A_191, %swap3A_192], %swap3A_195 {strides = array<i32>} : memref<128x128xf32, #tpu.memory_space<vmem>>, vector<1x16xf32>,
      %broadcast_in_dim3A_196 = arith.constant 0.000000e+00 : f32
      %broadcast_in_dim3A_197 = vector.broadcast %broadcast_in_dim3A_196 : f32 to vector<16xf32>
      %swap3A_198 = arith.index_cast %scan3A_168 : i32 to index
      %swap3A_199 = arith.constant 64 : index
      %swap3A_200 = tpu.vector_load %arg9[%swap3A_198, %swap3A_199] {strides = array<i32>} : memref<128x128xf32, #tpu.memory_space<vmem>>, vector<1x16xf32>,
      %swap3A_201 = vector.shape_cast %swap3A_200 : vector<1x16xf32> to vector<16xf32>
      %swap3A_202 = vector.shape_cast %broadcast_in_dim3A_197 : vector<16xf32> to vector<1x16xf32>
      tpu.vector_store %arg9[%swap3A_198, %swap3A_199], %swap3A_202 {strides = array<i32>} : memref<128x128xf32, #tpu.memory_space<vmem>>, vector<1x16xf32>,
      %broadcast_in_dim3A_203 = arith.constant 0.000000e+00 : f32
      %broadcast_in_dim3A_204 = vector.broadcast %broadcast_in_dim3A_203 : f32 to vector<16xf32>
      %swap3A_205 = arith.index_cast %scan3A_168 : i32 to index
      %swap3A_206 = arith.constant 80 : index
      %swap3A_207 = tpu.vector_load %arg9[%swap3A_205, %swap3A_206] {strides = array<i32>} : memref<128x128xf32, #tpu.memory_space<vmem>>, vector<1x16xf32>,
      %swap3A_208 = vector.shape_cast %swap3A_207 : vector<1x16xf32> to vector<16xf32>
      %swap3A_209 = vector.shape_cast %broadcast_in_dim3A_204 : vector<16xf32> to vector<1x16xf32>
      tpu.vector_store %arg9[%swap3A_205, %swap3A_206], %swap3A_209 {strides = array<i32>} : memref<128x128xf32, #tpu.memory_space<vmem>>, vector<1x16xf32>,
      %broadcast_in_dim3A_210 = arith.constant 0.000000e+00 : f32
      %broadcast_in_dim3A_211 = vector.broadcast %broadcast_in_dim3A_210 : f32 to vector<16xf32>
      %swap3A_212 = arith.index_cast %scan3A_168 : i32 to index
      %swap3A_213 = arith.constant 96 : index
      %swap3A_214 = tpu.vector_load %arg9[%swap3A_212, %swap3A_213] {strides = array<i32>} : memref<128x128xf32, #tpu.memory_space<vmem>>, vector<1x16xf32>,
      %swap3A_215 = vector.shape_cast %swap3A_214 : vector<1x16xf32> to vector<16xf32>
      %swap3A_216 = vector.shape_cast %broadcast_in_dim3A_211 : vector<16xf32> to vector<1x16xf32>
      tpu.vector_store %arg9[%swap3A_212, %swap3A_213], %swap3A_216 {strides = array<i32>} : memref<128x128xf32, #tpu.memory_space<vmem>>, vector<1x16xf32>,
      %broadcast_in_dim3A_217 = arith.constant 0.000000e+00 : f32
      %broadcast_in_dim3A_218 = vector.broadcast %broadcast_in_dim3A_217 : f32 to vector<16xf32>
      %swap3A_219 = arith.index_cast %scan3A_168 : i32 to index
      %swap3A_220 = arith.constant 112 : index
      %swap3A_221 = tpu.vector_load %arg9[%swap3A_219, %swap3A_220] {strides = array<i32>} : memref<128x128xf32, #tpu.memory_space<vmem>>, vector<1x16xf32>,
      %swap3A_222 = vector.shape_cast %swap3A_221 : vector<1x16xf32> to vector<16xf32>
      %swap3A_223 = vector.shape_cast %broadcast_in_dim3A_218 : vector<16xf32> to vector<1x16xf32>
      tpu.vector_store %arg9[%swap3A_219, %swap3A_220], %swap3A_223 {strides = array<i32>} : memref<128x128xf32, #tpu.memory_space<vmem>>, vector<1x16xf32>,
      %scan3A_224 = arith.constant 0 : i32
      scf.yield %scan3A_224 : i32
    }
    %scan3A_6 = arith.constant 128 : i32
    %mul3A_7 = arith.constant 632 : i32
    %mul3A_8 = arith.muli %arg1, %mul3A_7 : i32
    %add3A_9 = arith.constant 0 : i32
    %add3A_10 = arith.addi %mul3A_8, %add3A_9 : i32
    "tpu.region"() ({
      %run_scoped3A_168 = tpu.sem_alloc : memref<!tpu.dma_semaphore, #tpu.memory_space<semaphore_mem>>
      %dma_start3A_169 = arith.constant 0 : i32
      %dma_start3A_170 = tpu.memref_slice %arg11[%add3A_10, %dma_start3A_169] : memref<10112x128xf32, #tpu.memory_space<vmem_shared>> -> memref<128x128xf32, #tpu.memory_space<vmem_shared>>
      %dma_start3A_171 = arith.constant 0 : i32
      %dma_start3A_172 = tpu.memref_slice %arg11[%add3A_10, %dma_start3A_171] : memref<10112x128xf32, #tpu.memory_space<vmem_shared>> -> memref<128x128xf32, #tpu.memory_space<vmem_shared>>
      tpu.enqueue_dma source(%arg9 : memref<128x128xf32, #tpu.memory_space<vmem>>) target(%dma_start3A_172 : memref<128x128xf32, #tpu.memory_space<vmem_shared>>) target_semaphore(%run_scoped3A_168 : memref<!tpu.dma_semaphore, #tpu.memory_space<semaphore_mem>>)
      %dma_wait3A_173 = arith.constant 0 : i32
      %dma_wait3A_174 = tpu.memref_slice %arg11[%add3A_10, %dma_wait3A_173] : memref<10112x128xf32, #tpu.memory_space<vmem_shared>> -> memref<128x128xf32, #tpu.memory_space<vmem_shared>>
      %dma_wait3A_175 = arith.constant 0 : i32
      %dma_wait3A_176 = tpu.memref_slice %arg11[%add3A_10, %dma_wait3A_175] : memref<10112x128xf32, #tpu.memory_space<vmem_shared>> -> memref<128x128xf32, #tpu.memory_space<vmem_shared>>
      tpu.wait_dma2 semaphore(%run_scoped3A_168 : memref<!tpu.dma_semaphore, #tpu.memory_space<semaphore_mem>>) src(%arg9 : memref<128x128xf32, #tpu.memory_space<vmem>>) dst(%dma_wait3A_176 : memref<128x128xf32, #tpu.memory_space<vmem_shared>>)
      tpu.yield
    }) : () -> ()
    %mul3A_11 = arith.constant 632 : i32
    %mul3A_12 = arith.muli %arg1, %mul3A_11 : i32
    %add3A_13 = arith.constant 128 : i32
    %add3A_14 = arith.addi %mul3A_12, %add3A_13 : i32
    "tpu.region"() ({
      %run_scoped3A_168 = tpu.sem_alloc : memref<!tpu.dma_semaphore, #tpu.memory_space<semaphore_mem>>
      %dma_start3A_169 = arith.constant 0 : i32
      %dma_start3A_170 = tpu.memref_slice %arg11[%add3A_14, %dma_start3A_169] : memref<10112x128xf32, #tpu.memory_space<vmem_shared>> -> memref<128x128xf32, #tpu.memory_space<vmem_shared>>
      %dma_start3A_171 = arith.constant 0 : i32
      %dma_start3A_172 = tpu.memref_slice %arg11[%add3A_14, %dma_start3A_171] : memref<10112x128xf32, #tpu.memory_space<vmem_shared>> -> memref<128x128xf32, #tpu.memory_space<vmem_shared>>
      tpu.enqueue_dma source(%arg9 : memref<128x128xf32, #tpu.memory_space<vmem>>) target(%dma_start3A_172 : memref<128x128xf32, #tpu.memory_space<vmem_shared>>) target_semaphore(%run_scoped3A_168 : memref<!tpu.dma_semaphore, #tpu.memory_space<semaphore_mem>>)
      %dma_wait3A_173 = arith.constant 0 : i32
      %dma_wait3A_174 = tpu.memref_slice %arg11[%add3A_14, %dma_wait3A_173] : memref<10112x128xf32, #tpu.memory_space<vmem_shared>> -> memref<128x128xf32, #tpu.memory_space<vmem_shared>>
      %dma_wait3A_175 = arith.constant 0 : i32
      %dma_wait3A_176 = tpu.memref_slice %arg11[%add3A_14, %dma_wait3A_175] : memref<10112x128xf32, #tpu.memory_space<vmem_shared>> -> memref<128x128xf32, #tpu.memory_space<vmem_shared>>
      tpu.wait_dma2 semaphore(%run_scoped3A_168 : memref<!tpu.dma_semaphore, #tpu.memory_space<semaphore_mem>>) src(%arg9 : memref<128x128xf32, #tpu.memory_space<vmem>>) dst(%dma_wait3A_176 : memref<128x128xf32, #tpu.memory_space<vmem_shared>>)
      tpu.yield
    }) : () -> ()
    %mul3A_15 = arith.constant 632 : i32
    %mul3A_16 = arith.muli %arg1, %mul3A_15 : i32
    %add3A_17 = arith.constant 256 : i32
    %add3A_18 = arith.addi %mul3A_16, %add3A_17 : i32
    "tpu.region"() ({
      %run_scoped3A_168 = tpu.sem_alloc : memref<!tpu.dma_semaphore, #tpu.memory_space<semaphore_mem>>
      %dma_start3A_169 = arith.constant 0 : i32
      %dma_start3A_170 = tpu.memref_slice %arg11[%add3A_18, %dma_start3A_169] : memref<10112x128xf32, #tpu.memory_space<vmem_shared>> -> memref<128x128xf32, #tpu.memory_space<vmem_shared>>
      %dma_start3A_171 = arith.constant 0 : i32
      %dma_start3A_172 = tpu.memref_slice %arg11[%add3A_18, %dma_start3A_171] : memref<10112x128xf32, #tpu.memory_space<vmem_shared>> -> memref<128x128xf32, #tpu.memory_space<vmem_shared>>
      tpu.enqueue_dma source(%arg9 : memref<128x128xf32, #tpu.memory_space<vmem>>) target(%dma_start3A_172 : memref<128x128xf32, #tpu.memory_space<vmem_shared>>) target_semaphore(%run_scoped3A_168 : memref<!tpu.dma_semaphore, #tpu.memory_space<semaphore_mem>>)
      %dma_wait3A_173 = arith.constant 0 : i32
      %dma_wait3A_174 = tpu.memref_slice %arg11[%add3A_18, %dma_wait3A_173] : memref<10112x128xf32, #tpu.memory_space<vmem_shared>> -> memref<128x128xf32, #tpu.memory_space<vmem_shared>>
      %dma_wait3A_175 = arith.constant 0 : i32
      %dma_wait3A_176 = tpu.memref_slice %arg11[%add3A_18, %dma_wait3A_175] : memref<10112x128xf32, #tpu.memory_space<vmem_shared>> -> memref<128x128xf32, #tpu.memory_space<vmem_shared>>
      tpu.wait_dma2 semaphore(%run_scoped3A_168 : memref<!tpu.dma_semaphore, #tpu.memory_space<semaphore_mem>>) src(%arg9 : memref<128x128xf32, #tpu.memory_space<vmem>>) dst(%dma_wait3A_176 : memref<128x128xf32, #tpu.memory_space<vmem_shared>>)
      tpu.yield
    }) : () -> ()
    %mul3A_19 = arith.constant 632 : i32
    %mul3A_20 = arith.muli %arg1, %mul3A_19 : i32
    %add3A_21 = arith.constant 384 : i32
    %add3A_22 = arith.addi %mul3A_20, %add3A_21 : i32
    "tpu.region"() ({
      %run_scoped3A_168 = tpu.sem_alloc : memref<!tpu.dma_semaphore, #tpu.memory_space<semaphore_mem>>
      %dma_start3A_169 = arith.constant 0 : i32
      %dma_start3A_170 = tpu.memref_slice %arg11[%add3A_22, %dma_start3A_169] : memref<10112x128xf32, #tpu.memory_space<vmem_shared>> -> memref<128x128xf32, #tpu.memory_space<vmem_shared>>
      %dma_start3A_171 = arith.constant 0 : i32
      %dma_start3A_172 = tpu.memref_slice %arg11[%add3A_22, %dma_start3A_171] : memref<10112x128xf32, #tpu.memory_space<vmem_shared>> -> memref<128x128xf32, #tpu.memory_space<vmem_shared>>
      tpu.enqueue_dma source(%arg9 : memref<128x128xf32, #tpu.memory_space<vmem>>) target(%dma_start3A_172 : memref<128x128xf32, #tpu.memory_space<vmem_shared>>) target_semaphore(%run_scoped3A_168 : memref<!tpu.dma_semaphore, #tpu.memory_space<semaphore_mem>>)
      %dma_wait3A_173 = arith.constant 0 : i32
      %dma_wait3A_174 = tpu.memref_slice %arg11[%add3A_22, %dma_wait3A_173] : memref<10112x128xf32, #tpu.memory_space<vmem_shared>> -> memref<128x128xf32, #tpu.memory_space<vmem_shared>>
      %dma_wait3A_175 = arith.constant 0 : i32
      %dma_wait3A_176 = tpu.memref_slice %arg11[%add3A_22, %dma_wait3A_175] : memref<10112x128xf32, #tpu.memory_space<vmem_shared>> -> memref<128x128xf32, #tpu.memory_space<vmem_shared>>
      tpu.wait_dma2 semaphore(%run_scoped3A_168 : memref<!tpu.dma_semaphore, #tpu.memory_space<semaphore_mem>>) src(%arg9 : memref<128x128xf32, #tpu.memory_space<vmem>>) dst(%dma_wait3A_176 : memref<128x128xf32, #tpu.memory_space<vmem_shared>>)
      tpu.yield
    }) : () -> ()
    %mul3A_23 = arith.constant 632 : i32
    %mul3A_24 = arith.muli %arg1, %mul3A_23 : i32
    %add3A_25 = arith.constant 512 : i32
    %add3A_26 = arith.addi %mul3A_24, %add3A_25 : i32
    "tpu.region"() ({
      %run_scoped3A_168 = tpu.sem_alloc : memref<!tpu.dma_semaphore, #tpu.memory_space<semaphore_mem>>
      %dma_start3A_169 = arith.constant 0 : i32
      %dma_start3A_170 = arith.constant 0 : i32
      %dma_start3A_171 = tpu.memref_slice %arg9[%dma_start3A_169, %dma_start3A_170] : memref<128x128xf32, #tpu.memory_space<vmem>> -> memref<120x128xf32, #tpu.memory_space<vmem>>
      %dma_start3A_172 = arith.constant 0 : i32
      %dma_start3A_173 = tpu.memref_slice %arg11[%add3A_26, %dma_start3A_172] : memref<10112x128xf32, #tpu.memory_space<vmem_shared>> -> memref<120x128xf32, #tpu.memory_space<vmem_shared>>
      %dma_start3A_174 = arith.constant 0 : i32
      %dma_start3A_175 = tpu.memref_slice %arg11[%add3A_26, %dma_start3A_174] : memref<10112x128xf32, #tpu.memory_space<vmem_shared>> -> memref<120x128xf32, #tpu.memory_space<vmem_shared>>
      %dma_start3A_176 = arith.constant 0 : i32
      %dma_start3A_177 = arith.constant 0 : i32
      %dma_start3A_178 = tpu.memref_slice %arg9[%dma_start3A_176, %dma_start3A_177] : memref<128x128xf32, #tpu.memory_space<vmem>> -> memref<120x128xf32, #tpu.memory_space<vmem>>
      tpu.enqueue_dma source(%dma_start3A_178 : memref<120x128xf32, #tpu.memory_space<vmem>>) target(%dma_start3A_175 : memref<120x128xf32, #tpu.memory_space<vmem_shared>>) target_semaphore(%run_scoped3A_168 : memref<!tpu.dma_semaphore, #tpu.memory_space<semaphore_mem>>)
      %dma_wait3A_179 = arith.constant 0 : i32
      %dma_wait3A_180 = arith.constant 0 : i32
      %dma_wait3A_181 = tpu.memref_slice %arg9[%dma_wait3A_179, %dma_wait3A_180] : memref<128x128xf32, #tpu.memory_space<vmem>> -> memref<120x128xf32, #tpu.memory_space<vmem>>
      %dma_wait3A_182 = arith.constant 0 : i32
      %dma_wait3A_183 = tpu.memref_slice %arg11[%add3A_26, %dma_wait3A_182] : memref<10112x128xf32, #tpu.memory_space<vmem_shared>> -> memref<120x128xf32, #tpu.memory_space<vmem_shared>>
      %dma_wait3A_184 = arith.constant 0 : i32
      %dma_wait3A_185 = tpu.memref_slice %arg11[%add3A_26, %dma_wait3A_184] : memref<10112x128xf32, #tpu.memory_space<vmem_shared>> -> memref<120x128xf32, #tpu.memory_space<vmem_shared>>
      %dma_wait3A_186 = arith.constant 0 : i32
      %dma_wait3A_187 = arith.constant 0 : i32
      %dma_wait3A_188 = tpu.memref_slice %arg9[%dma_wait3A_186, %dma_wait3A_187] : memref<128x128xf32, #tpu.memory_space<vmem>> -> memref<120x128xf32, #tpu.memory_space<vmem>>
      tpu.wait_dma2 semaphore(%run_scoped3A_168 : memref<!tpu.dma_semaphore, #tpu.memory_space<semaphore_mem>>) src(%dma_wait3A_188 : memref<120x128xf32, #tpu.memory_space<vmem>>) dst(%dma_wait3A_185 : memref<120x128xf32, #tpu.memory_space<vmem_shared>>)
      tpu.yield
    }) : () -> ()
    %barrier3A = arith.constant 0 : index
    tpu.barrier barrier_id(%barrier3A)
    %dma_start3A = arith.constant 0 : i32
    %dma_start3A_27 = arith.constant 0 : i32
    %dma_start3A_28 = arith.constant 0 : i32
    %dma_start3A_29 = tpu.memref_slice %arg3[%add3A, %dma_start3A, %dma_start3A_27, %dma_start3A_28] : memref<32x80x2x128xi32, #tpu.memory_space<hbm>> -> memref<1x1x2x128xi32, #tpu.memory_space<hbm>>
    %dma_start3A_30 = tpu.memref_squeeze %dma_start3A_29 : memref<1x1x2x128xi32, #tpu.memory_space<hbm>> -> memref<2x128xi32, #tpu.memory_space<hbm>>
    %dma_start3A_31 = arith.constant 0 : i32
    %dma_start3A_32 = arith.constant 0 : i32
    %dma_start3A_33 = tpu.memref_slice %arg3[%add3A, %dma_start3A, %dma_start3A_31, %dma_start3A_32] : memref<32x80x2x128xi32, #tpu.memory_space<hbm>> -> memref<1x1x2x128xi32, #tpu.memory_space<hbm>>
    %dma_start3A_34 = tpu.memref_squeeze %dma_start3A_33 : memref<1x1x2x128xi32, #tpu.memory_space<hbm>> -> memref<2x128xi32, #tpu.memory_space<hbm>>
    tpu.enqueue_dma source(%dma_start3A_34 : memref<2x128xi32, #tpu.memory_space<hbm>>) target(%arg5 : memref<2x128xi32, #tpu.memory_space<vmem>>) target_semaphore(%arg14 : memref<!tpu.dma_semaphore, #tpu.memory_space<semaphore_mem>>)
    %dma_start3A_35 = arith.constant 1 : i32
    %dma_start3A_36 = arith.constant 0 : i32
    %dma_start3A_37 = arith.constant 0 : i32
    %dma_start3A_38 = tpu.memref_slice %arg3[%add3A, %dma_start3A_35, %dma_start3A_36, %dma_start3A_37] : memref<32x80x2x128xi32, #tpu.memory_space<hbm>> -> memref<1x1x2x128xi32, #tpu.memory_space<hbm>>
    %dma_start3A_39 = tpu.memref_squeeze %dma_start3A_38 : memref<1x1x2x128xi32, #tpu.memory_space<hbm>> -> memref<2x128xi32, #tpu.memory_space<hbm>>
    %dma_start3A_40 = arith.constant 0 : i32
    %dma_start3A_41 = arith.constant 0 : i32
    %dma_start3A_42 = tpu.memref_slice %arg3[%add3A, %dma_start3A_35, %dma_start3A_40, %dma_start3A_41] : memref<32x80x2x128xi32, #tpu.memory_space<hbm>> -> memref<1x1x2x128xi32, #tpu.memory_space<hbm>>
    %dma_start3A_43 = tpu.memref_squeeze %dma_start3A_42 : memref<1x1x2x128xi32, #tpu.memory_space<hbm>> -> memref<2x128xi32, #tpu.memory_space<hbm>>
    tpu.enqueue_dma source(%dma_start3A_43 : memref<2x128xi32, #tpu.memory_space<hbm>>) target(%arg6 : memref<2x128xi32, #tpu.memory_space<vmem>>) target_semaphore(%arg15 : memref<!tpu.dma_semaphore, #tpu.memory_space<semaphore_mem>>)
    %dma_wait3A = arith.constant 0 : i32
    %dma_wait3A_44 = arith.constant 0 : i32
    %dma_wait3A_45 = arith.constant 0 : i32
    %dma_wait3A_46 = tpu.memref_slice %arg3[%add3A, %dma_wait3A, %dma_wait3A_44, %dma_wait3A_45] : memref<32x80x2x128xi32, #tpu.memory_space<hbm>> -> memref<1x1x2x128xi32, #tpu.memory_space<hbm>>
    %dma_wait3A_47 = tpu.memref_squeeze %dma_wait3A_46 : memref<1x1x2x128xi32, #tpu.memory_space<hbm>> -> memref<2x128xi32, #tpu.memory_space<hbm>>
    %dma_wait3A_48 = arith.constant 0 : i32
    %dma_wait3A_49 = arith.constant 0 : i32
    %dma_wait3A_50 = tpu.memref_slice %arg3[%add3A, %dma_wait3A, %dma_wait3A_48, %dma_wait3A_49] : memref<32x80x2x128xi32, #tpu.memory_space<hbm>> -> memref<1x1x2x128xi32, #tpu.memory_space<hbm>>
    %dma_wait3A_51 = tpu.memref_squeeze %dma_wait3A_50 : memref<1x1x2x128xi32, #tpu.memory_space<hbm>> -> memref<2x128xi32, #tpu.memory_space<hbm>>
    tpu.wait_dma2 semaphore(%arg14 : memref<!tpu.dma_semaphore, #tpu.memory_space<semaphore_mem>>) src(%dma_wait3A_51 : memref<2x128xi32, #tpu.memory_space<hbm>>) dst(%arg5 : memref<2x128xi32, #tpu.memory_space<vmem>>)
    %dma_start3A_52 = arith.constant 0 : i32
    %dma_start3A_53 = arith.constant 0 : i32
    %dma_start3A_54 = tpu.memref_slice %arg5[%dma_start3A_52, %dma_start3A_53] : memref<2x128xi32, #tpu.memory_space<vmem>> -> memref<1x128xi32, #tpu.memory_space<vmem>>
    %dma_start3A_55 = tpu.memref_squeeze %dma_start3A_54 : memref<1x128xi32, #tpu.memory_space<vmem>> -> memref<128xi32, #tpu.memory_space<vmem>>
    %dma_start3A_56 = arith.constant 0 : i32
    %dma_start3A_57 = arith.constant 0 : i32
    %dma_start3A_58 = tpu.memref_slice %arg2[%dma_start3A_56, %dma_start3A_57] : memref<10000x128xf32, #tpu.memory_space<hbm>> -> memref<10000x128xf32, #tpu.memory_space<hbm>>
    tpu.enqueue_indirect_dma source(%dma_start3A_58 : memref<10000x128xf32, #tpu.memory_space<hbm>>) target(%arg9 : memref<128x128xf32, #tpu.memory_space<vmem>>) offsets(%dma_start3A_55 : memref<128xi32, #tpu.memory_space<vmem>>) semaphore(%arg12 : memref<!tpu.dma_semaphore, #tpu.memory_space<semaphore_mem>>)
    %dma_wait3A_59 = arith.constant 1 : i32
    %dma_wait3A_60 = arith.constant 0 : i32
    %dma_wait3A_61 = arith.constant 0 : i32
    %dma_wait3A_62 = tpu.memref_slice %arg3[%add3A, %dma_wait3A_59, %dma_wait3A_60, %dma_wait3A_61] : memref<32x80x2x128xi32, #tpu.memory_space<hbm>> -> memref<1x1x2x128xi32, #tpu.memory_space<hbm>>
    %dma_wait3A_63 = tpu.memref_squeeze %dma_wait3A_62 : memref<1x1x2x128xi32, #tpu.memory_space<hbm>> -> memref<2x128xi32, #tpu.memory_space<hbm>>
    %dma_wait3A_64 = arith.constant 0 : i32
    %dma_wait3A_65 = arith.constant 0 : i32
    %dma_wait3A_66 = tpu.memref_slice %arg3[%add3A, %dma_wait3A_59, %dma_wait3A_64, %dma_wait3A_65] : memref<32x80x2x128xi32, #tpu.memory_space<hbm>> -> memref<1x1x2x128xi32, #tpu.memory_space<hbm>>
    %dma_wait3A_67 = tpu.memref_squeeze %dma_wait3A_66 : memref<1x1x2x128xi32, #tpu.memory_space<hbm>> -> memref<2x128xi32, #tpu.memory_space<hbm>>
    tpu.wait_dma2 semaphore(%arg15 : memref<!tpu.dma_semaphore, #tpu.memory_space<semaphore_mem>>) src(%dma_wait3A_67 : memref<2x128xi32, #tpu.memory_space<hbm>>) dst(%arg6 : memref<2x128xi32, #tpu.memory_space<vmem>>)
    %dma_start3A_68 = arith.constant 0 : i32
    %dma_start3A_69 = arith.constant 0 : i32
    %dma_start3A_70 = tpu.memref_slice %arg6[%dma_start3A_68, %dma_start3A_69] : memref<2x128xi32, #tpu.memory_space<vmem>> -> memref<1x128xi32, #tpu.memory_space<vmem>>
    %dma_start3A_71 = tpu.memref_squeeze %dma_start3A_70 : memref<1x128xi32, #tpu.memory_space<vmem>> -> memref<128xi32, #tpu.memory_space<vmem>>
    %dma_start3A_72 = arith.constant 0 : i32
    %dma_start3A_73 = arith.constant 0 : i32
    %dma_start3A_74 = tpu.memref_slice %arg2[%dma_start3A_72, %dma_start3A_73] : memref<10000x128xf32, #tpu.memory_space<hbm>> -> memref<10000x128xf32, #tpu.memory_space<hbm>>
    tpu.enqueue_indirect_dma source(%dma_start3A_74 : memref<10000x128xf32, #tpu.memory_space<hbm>>) target(%arg10 : memref<128x128xf32, #tpu.memory_space<vmem>>) offsets(%dma_start3A_71 : memref<128xi32, #tpu.memory_space<vmem>>) semaphore(%arg13 : memref<!tpu.dma_semaphore, #tpu.memory_space<semaphore_mem>>)
    %dma_start3A_75 = arith.constant 2 : i32
    %dma_start3A_76 = arith.constant 0 : i32
    %dma_start3A_77 = arith.constant 0 : i32
    %dma_start3A_78 = tpu.memref_slice %arg3[%add3A, %dma_start3A_75, %dma_start3A_76, %dma_start3A_77] : memref<32x80x2x128xi32, #tpu.memory_space<hbm>> -> memref<1x1x2x128xi32, #tpu.memory_space<hbm>>
    %dma_start3A_79 = tpu.memref_squeeze %dma_start3A_78 : memref<1x1x2x128xi32, #tpu.memory_space<hbm>> -> memref<2x128xi32, #tpu.memory_space<hbm>>
    %dma_start3A_80 = arith.constant 0 : i32
    %dma_start3A_81 = arith.constant 0 : i32
    %dma_start3A_82 = tpu.memref_slice %arg3[%add3A, %dma_start3A_75, %dma_start3A_80, %dma_start3A_81] : memref<32x80x2x128xi32, #tpu.memory_space<hbm>> -> memref<1x1x2x128xi32, #tpu.memory_space<hbm>>
    %dma_start3A_83 = tpu.memref_squeeze %dma_start3A_82 : memref<1x1x2x128xi32, #tpu.memory_space<hbm>> -> memref<2x128xi32, #tpu.memory_space<hbm>>
    tpu.enqueue_dma source(%dma_start3A_83 : memref<2x128xi32, #tpu.memory_space<hbm>>) target(%arg7 : memref<2x128xi32, #tpu.memory_space<vmem>>) target_semaphore(%arg16 : memref<!tpu.dma_semaphore, #tpu.memory_space<semaphore_mem>>)
    %dma_start3A_84 = arith.constant 3 : i32
    %dma_start3A_85 = arith.constant 0 : i32
    %dma_start3A_86 = arith.constant 0 : i32
    %dma_start3A_87 = tpu.memref_slice %arg3[%add3A, %dma_start3A_84, %dma_start3A_85, %dma_start3A_86] : memref<32x80x2x128xi32, #tpu.memory_space<hbm>> -> memref<1x1x2x128xi32, #tpu.memory_space<hbm>>
    %dma_start3A_88 = tpu.memref_squeeze %dma_start3A_87 : memref<1x1x2x128xi32, #tpu.memory_space<hbm>> -> memref<2x128xi32, #tpu.memory_space<hbm>>
    %dma_start3A_89 = arith.constant 0 : i32
    %dma_start3A_90 = arith.constant 0 : i32
    %dma_start3A_91 = tpu.memref_slice %arg3[%add3A, %dma_start3A_84, %dma_start3A_89, %dma_start3A_90] : memref<32x80x2x128xi32, #tpu.memory_space<hbm>> -> memref<1x1x2x128xi32, #tpu.memory_space<hbm>>
    %dma_start3A_92 = tpu.memref_squeeze %dma_start3A_91 : memref<1x1x2x128xi32, #tpu.memory_space<hbm>> -> memref<2x128xi32, #tpu.memory_space<hbm>>
    tpu.enqueue_dma source(%dma_start3A_92 : memref<2x128xi32, #tpu.memory_space<hbm>>) target(%arg8 : memref<2x128xi32, #tpu.memory_space<vmem>>) target_semaphore(%arg17 : memref<!tpu.dma_semaphore, #tpu.memory_space<semaphore_mem>>)
    %scan3A_93 = arith.constant 0 : i32
    %scan3A_94 = arith.constant 0 : i32
    %scan3A_95 = arith.constant 19 : i32
    %scan3A_96 = arith.addi %scan3A_94, %scan3A_95 : i32
    %scan3A_97 = arith.constant 1 : i32
    %scan3A_98 = scf.for %scan3A_168 = %scan3A_94 to %scan3A_96 step %scan3A_97 iter_args(%scan3A_169 = %scan3A_93) -> (i32)  : i32 {
      %mul3A_170 = arith.constant 4 : i32
      %mul3A_171 = arith.muli %mul3A_170, %scan3A_168 : i32
      %dma_wait3A_172 = arith.constant 0 : i32
      %dma_wait3A_173 = arith.constant 0 : i32
      %dma_wait3A_174 = tpu.memref_slice %arg5[%dma_wait3A_172, %dma_wait3A_173] : memref<2x128xi32, #tpu.memory_space<vmem>> -> memref<1x128xi32, #tpu.memory_space<vmem>>
      %dma_wait3A_175 = tpu.memref_squeeze %dma_wait3A_174 : memref<1x128xi32, #tpu.memory_space<vmem>> -> memref<128xi32, #tpu.memory_space<vmem>>
      %dma_wait3A_176 = arith.constant 0 : i32
      %dma_wait3A_177 = arith.constant 0 : i32
      %dma_wait3A_178 = tpu.memref_slice %arg2[%dma_wait3A_176, %dma_wait3A_177] : memref<10000x128xf32, #tpu.memory_space<hbm>> -> memref<10000x128xf32, #tpu.memory_space<hbm>>
      tpu.wait_indirect_dma semaphore(%arg12 : memref<!tpu.dma_semaphore, #tpu.memory_space<semaphore_mem>>) src(%dma_wait3A_178 : memref<10000x128xf32, #tpu.memory_space<hbm>>) dst(%arg9 : memref<128x128xf32, #tpu.memory_space<vmem>>)
      %run_scoped3A_179 = arith.constant 1 : i32
      "tpu.region"() ({
        %run_scoped3A_313 = tpu.sem_alloc : memref<!tpu.dma_semaphore, #tpu.memory_space<semaphore_mem>>
        %dma_start3A_314 = arith.constant 0 : i32
        %dma_start3A_315 = tpu.memref_slice %arg5[%run_scoped3A_179, %dma_start3A_314] : memref<2x128xi32, #tpu.memory_space<vmem>> -> memref<1x128xi32, #tpu.memory_space<vmem>>
        %dma_start3A_316 = tpu.memref_squeeze %dma_start3A_315 : memref<1x128xi32, #tpu.memory_space<vmem>> -> memref<128xi32, #tpu.memory_space<vmem>>
        %dma_start3A_317 = arith.constant 0 : i32
        %dma_start3A_318 = arith.constant 0 : i32
        %dma_start3A_319 = tpu.memref_slice %arg11[%dma_start3A_317, %dma_start3A_318] : memref<10112x128xf32, #tpu.memory_space<vmem_shared>> -> memref<10112x128xf32, #tpu.memory_space<vmem_shared>>
        tpu.enqueue_indirect_dma source(%arg9 : memref<128x128xf32, #tpu.memory_space<vmem>>) target(%dma_start3A_319 : memref<10112x128xf32, #tpu.memory_space<vmem_shared>>) offsets(%dma_start3A_316 : memref<128xi32, #tpu.memory_space<vmem>>) semaphore(%run_scoped3A_313 : memref<!tpu.dma_semaphore, #tpu.memory_space<semaphore_mem>>) {add = true}
        %dma_wait3A_320 = arith.constant 0 : i32
        %dma_wait3A_321 = tpu.memref_slice %arg5[%run_scoped3A_179, %dma_wait3A_320] : memref<2x128xi32, #tpu.memory_space<vmem>> -> memref<1x128xi32, #tpu.memory_space<vmem>>
        %dma_wait3A_322 = tpu.memref_squeeze %dma_wait3A_321 : memref<1x128xi32, #tpu.memory_space<vmem>> -> memref<128xi32, #tpu.memory_space<vmem>>
        %dma_wait3A_323 = arith.constant 0 : i32
        %dma_wait3A_324 = arith.constant 0 : i32
        %dma_wait3A_325 = tpu.memref_slice %arg11[%dma_wait3A_323, %dma_wait3A_324] : memref<10112x128xf32, #tpu.memory_space<vmem_shared>> -> memref<10112x128xf32, #tpu.memory_space<vmem_shared>>
        tpu.wait_indirect_dma semaphore(%run_scoped3A_313 : memref<!tpu.dma_semaphore, #tpu.memory_space<semaphore_mem>>) src(%arg9 : memref<128x128xf32, #tpu.memory_space<vmem>>) dst(%dma_wait3A_325 : memref<10112x128xf32, #tpu.memory_space<vmem_shared>>)
        tpu.yield
      }) : () -> ()
      %add3A_180 = arith.constant 4 : i32
      %add3A_181 = arith.addi %mul3A_171, %add3A_180 : i32
      %dma_start3A_182 = arith.constant 0 : i32
      %dma_start3A_183 = arith.constant 0 : i32
      %dma_start3A_184 = tpu.memref_slice %arg3[%add3A, %add3A_181, %dma_start3A_182, %dma_start3A_183] : memref<32x80x2x128xi32, #tpu.memory_space<hbm>> -> memref<1x1x2x128xi32, #tpu.memory_space<hbm>>
      %dma_start3A_185 = tpu.memref_squeeze %dma_start3A_184 : memref<1x1x2x128xi32, #tpu.memory_space<hbm>> -> memref<2x128xi32, #tpu.memory_space<hbm>>
      %dma_start3A_186 = arith.constant 0 : i32
      %dma_start3A_187 = arith.constant 0 : i32
      %dma_start3A_188 = tpu.memref_slice %arg3[%add3A, %add3A_181, %dma_start3A_186, %dma_start3A_187] : memref<32x80x2x128xi32, #tpu.memory_space<hbm>> -> memref<1x1x2x128xi32, #tpu.memory_space<hbm>>
      %dma_start3A_189 = tpu.memref_squeeze %dma_start3A_188 : memref<1x1x2x128xi32, #tpu.memory_space<hbm>> -> memref<2x128xi32, #tpu.memory_space<hbm>>
      tpu.enqueue_dma source(%dma_start3A_189 : memref<2x128xi32, #tpu.memory_space<hbm>>) target(%arg5 : memref<2x128xi32, #tpu.memory_space<vmem>>) target_semaphore(%arg14 : memref<!tpu.dma_semaphore, #tpu.memory_space<semaphore_mem>>)
      %add3A_190 = arith.constant 2 : i32
      %add3A_191 = arith.addi %mul3A_171, %add3A_190 : i32
      %dma_wait3A_192 = arith.constant 0 : i32
      %dma_wait3A_193 = arith.constant 0 : i32
      %dma_wait3A_194 = tpu.memref_slice %arg3[%add3A, %add3A_191, %dma_wait3A_192, %dma_wait3A_193] : memref<32x80x2x128xi32, #tpu.memory_space<hbm>> -> memref<1x1x2x128xi32, #tpu.memory_space<hbm>>
      %dma_wait3A_195 = tpu.memref_squeeze %dma_wait3A_194 : memref<1x1x2x128xi32, #tpu.memory_space<hbm>> -> memref<2x128xi32, #tpu.memory_space<hbm>>
      %dma_wait3A_196 = arith.constant 0 : i32
      %dma_wait3A_197 = arith.constant 0 : i32
      %dma_wait3A_198 = tpu.memref_slice %arg3[%add3A, %add3A_191, %dma_wait3A_196, %dma_wait3A_197] : memref<32x80x2x128xi32, #tpu.memory_space<hbm>> -> memref<1x1x2x128xi32, #tpu.memory_space<hbm>>
      %dma_wait3A_199 = tpu.memref_squeeze %dma_wait3A_198 : memref<1x1x2x128xi32, #tpu.memory_space<hbm>> -> memref<2x128xi32, #tpu.memory_space<hbm>>
      tpu.wait_dma2 semaphore(%arg16 : memref<!tpu.dma_semaphore, #tpu.memory_space<semaphore_mem>>) src(%dma_wait3A_199 : memref<2x128xi32, #tpu.memory_space<hbm>>) dst(%arg7 : memref<2x128xi32, #tpu.memory_space<vmem>>)
      %dma_start3A_200 = arith.constant 0 : i32
      %dma_start3A_201 = arith.constant 0 : i32
      %dma_start3A_202 = tpu.memref_slice %arg7[%dma_start3A_200, %dma_start3A_201] : memref<2x128xi32, #tpu.memory_space<vmem>> -> memref<1x128xi32, #tpu.memory_space<vmem>>
      %dma_start3A_203 = tpu.memref_squeeze %dma_start3A_202 : memref<1x128xi32, #tpu.memory_space<vmem>> -> memref<128xi32, #tpu.memory_space<vmem>>
      %dma_start3A_204 = arith.constant 0 : i32
      %dma_start3A_205 = arith.constant 0 : i32
      %dma_start3A_206 = tpu.memref_slice %arg2[%dma_start3A_204, %dma_start3A_205] : memref<10000x128xf32, #tpu.memory_space<hbm>> -> memref<10000x128xf32, #tpu.memory_space<hbm>>
      tpu.enqueue_indirect_dma source(%dma_start3A_206 : memref<10000x128xf32, #tpu.memory_space<hbm>>) target(%arg9 : memref<128x128xf32, #tpu.memory_space<vmem>>) offsets(%dma_start3A_203 : memref<128xi32, #tpu.memory_space<vmem>>) semaphore(%arg12 : memref<!tpu.dma_semaphore, #tpu.memory_space<semaphore_mem>>)
      %dma_wait3A_207 = arith.constant 0 : i32
      %dma_wait3A_208 = arith.constant 0 : i32
      %dma_wait3A_209 = tpu.memref_slice %arg6[%dma_wait3A_207, %dma_wait3A_208] : memref<2x128xi32, #tpu.memory_space<vmem>> -> memref<1x128xi32, #tpu.memory_space<vmem>>
      %dma_wait3A_210 = tpu.memref_squeeze %dma_wait3A_209 : memref<1x128xi32, #tpu.memory_space<vmem>> -> memref<128xi32, #tpu.memory_space<vmem>>
      %dma_wait3A_211 = arith.constant 0 : i32
      %dma_wait3A_212 = arith.constant 0 : i32
      %dma_wait3A_213 = tpu.memref_slice %arg2[%dma_wait3A_211, %dma_wait3A_212] : memref<10000x128xf32, #tpu.memory_space<hbm>> -> memref<10000x128xf32, #tpu.memory_space<hbm>>
      tpu.wait_indirect_dma semaphore(%arg13 : memref<!tpu.dma_semaphore, #tpu.memory_space<semaphore_mem>>) src(%dma_wait3A_213 : memref<10000x128xf32, #tpu.memory_space<hbm>>) dst(%arg10 : memref<128x128xf32, #tpu.memory_space<vmem>>)
      %run_scoped3A_214 = arith.constant 1 : i32
      "tpu.region"() ({
        %run_scoped3A_313 = tpu.sem_alloc : memref<!tpu.dma_semaphore, #tpu.memory_space<semaphore_mem>>
        %dma_start3A_314 = arith.constant 0 : i32
        %dma_start3A_315 = tpu.memref_slice %arg6[%run_scoped3A_214, %dma_start3A_314] : memref<2x128xi32, #tpu.memory_space<vmem>> -> memref<1x128xi32, #tpu.memory_space<vmem>>
        %dma_start3A_316 = tpu.memref_squeeze %dma_start3A_315 : memref<1x128xi32, #tpu.memory_space<vmem>> -> memref<128xi32, #tpu.memory_space<vmem>>
        %dma_start3A_317 = arith.constant 0 : i32
        %dma_start3A_318 = arith.constant 0 : i32
        %dma_start3A_319 = tpu.memref_slice %arg11[%dma_start3A_317, %dma_start3A_318] : memref<10112x128xf32, #tpu.memory_space<vmem_shared>> -> memref<10112x128xf32, #tpu.memory_space<vmem_shared>>
        tpu.enqueue_indirect_dma source(%arg10 : memref<128x128xf32, #tpu.memory_space<vmem>>) target(%dma_start3A_319 : memref<10112x128xf32, #tpu.memory_space<vmem_shared>>) offsets(%dma_start3A_316 : memref<128xi32, #tpu.memory_space<vmem>>) semaphore(%run_scoped3A_313 : memref<!tpu.dma_semaphore, #tpu.memory_space<semaphore_mem>>) {add = true}
        %dma_wait3A_320 = arith.constant 0 : i32
        %dma_wait3A_321 = tpu.memref_slice %arg6[%run_scoped3A_214, %dma_wait3A_320] : memref<2x128xi32, #tpu.memory_space<vmem>> -> memref<1x128xi32, #tpu.memory_space<vmem>>
        %dma_wait3A_322 = tpu.memref_squeeze %dma_wait3A_321 : memref<1x128xi32, #tpu.memory_space<vmem>> -> memref<128xi32, #tpu.memory_space<vmem>>
        %dma_wait3A_323 = arith.constant 0 : i32
        %dma_wait3A_324 = arith.constant 0 : i32
        %dma_wait3A_325 = tpu.memref_slice %arg11[%dma_wait3A_323, %dma_wait3A_324] : memref<10112x128xf32, #tpu.memory_space<vmem_shared>> -> memref<10112x128xf32, #tpu.memory_space<vmem_shared>>
        tpu.wait_indirect_dma semaphore(%run_scoped3A_313 : memref<!tpu.dma_semaphore, #tpu.memory_space<semaphore_mem>>) src(%arg10 : memref<128x128xf32, #tpu.memory_space<vmem>>) dst(%dma_wait3A_325 : memref<10112x128xf32, #tpu.memory_space<vmem_shared>>)
        tpu.yield
      }) : () -> ()
      %add3A_215 = arith.constant 5 : i32
      %add3A_216 = arith.addi %mul3A_171, %add3A_215 : i32
      %dma_start3A_217 = arith.constant 0 : i32
      %dma_start3A_218 = arith.constant 0 : i32
      %dma_start3A_219 = tpu.memref_slice %arg3[%add3A, %add3A_216, %dma_start3A_217, %dma_start3A_218] : memref<32x80x2x128xi32, #tpu.memory_space<hbm>> -> memref<1x1x2x128xi32, #tpu.memory_space<hbm>>
      %dma_start3A_220 = tpu.memref_squeeze %dma_start3A_219 : memref<1x1x2x128xi32, #tpu.memory_space<hbm>> -> memref<2x128xi32, #tpu.memory_space<hbm>>
      %dma_start3A_221 = arith.constant 0 : i32
      %dma_start3A_222 = arith.constant 0 : i32
      %dma_start3A_223 = tpu.memref_slice %arg3[%add3A, %add3A_216, %dma_start3A_221, %dma_start3A_222] : memref<32x80x2x128xi32, #tpu.memory_space<hbm>> -> memref<1x1x2x128xi32, #tpu.memory_space<hbm>>
      %dma_start3A_224 = tpu.memref_squeeze %dma_start3A_223 : memref<1x1x2x128xi32, #tpu.memory_space<hbm>> -> memref<2x128xi32, #tpu.memory_space<hbm>>
      tpu.enqueue_dma source(%dma_start3A_224 : memref<2x128xi32, #tpu.memory_space<hbm>>) target(%arg6 : memref<2x128xi32, #tpu.memory_space<vmem>>) target_semaphore(%arg15 : memref<!tpu.dma_semaphore, #tpu.memory_space<semaphore_mem>>)
      %add3A_225 = arith.constant 3 : i32
      %add3A_226 = arith.addi %mul3A_171, %add3A_225 : i32
      %dma_wait3A_227 = arith.constant 0 : i32
      %dma_wait3A_228 = arith.constant 0 : i32
      %dma_wait3A_229 = tpu.memref_slice %arg3[%add3A, %add3A_226, %dma_wait3A_227, %dma_wait3A_228] : memref<32x80x2x128xi32, #tpu.memory_space<hbm>> -> memref<1x1x2x128xi32, #tpu.memory_space<hbm>>
      %dma_wait3A_230 = tpu.memref_squeeze %dma_wait3A_229 : memref<1x1x2x128xi32, #tpu.memory_space<hbm>> -> memref<2x128xi32, #tpu.memory_space<hbm>>
      %dma_wait3A_231 = arith.constant 0 : i32
      %dma_wait3A_232 = arith.constant 0 : i32
      %dma_wait3A_233 = tpu.memref_slice %arg3[%add3A, %add3A_226, %dma_wait3A_231, %dma_wait3A_232] : memref<32x80x2x128xi32, #tpu.memory_space<hbm>> -> memref<1x1x2x128xi32, #tpu.memory_space<hbm>>
      %dma_wait3A_234 = tpu.memref_squeeze %dma_wait3A_233 : memref<1x1x2x128xi32, #tpu.memory_space<hbm>> -> memref<2x128xi32, #tpu.memory_space<hbm>>
      tpu.wait_dma2 semaphore(%arg17 : memref<!tpu.dma_semaphore, #tpu.memory_space<semaphore_mem>>) src(%dma_wait3A_234 : memref<2x128xi32, #tpu.memory_space<hbm>>) dst(%arg8 : memref<2x128xi32, #tpu.memory_space<vmem>>)
      %dma_start3A_235 = arith.constant 0 : i32
      %dma_start3A_236 = arith.constant 0 : i32
      %dma_start3A_237 = tpu.memref_slice %arg8[%dma_start3A_235, %dma_start3A_236] : memref<2x128xi32, #tpu.memory_space<vmem>> -> memref<1x128xi32, #tpu.memory_space<vmem>>
      %dma_start3A_238 = tpu.memref_squeeze %dma_start3A_237 : memref<1x128xi32, #tpu.memory_space<vmem>> -> memref<128xi32, #tpu.memory_space<vmem>>
      %dma_start3A_239 = arith.constant 0 : i32
      %dma_start3A_240 = arith.constant 0 : i32
      %dma_start3A_241 = tpu.memref_slice %arg2[%dma_start3A_239, %dma_start3A_240] : memref<10000x128xf32, #tpu.memory_space<hbm>> -> memref<10000x128xf32, #tpu.memory_space<hbm>>
      tpu.enqueue_indirect_dma source(%dma_start3A_241 : memref<10000x128xf32, #tpu.memory_space<hbm>>) target(%arg10 : memref<128x128xf32, #tpu.memory_space<vmem>>) offsets(%dma_start3A_238 : memref<128xi32, #tpu.memory_space<vmem>>) semaphore(%arg13 : memref<!tpu.dma_semaphore, #tpu.memory_space<semaphore_mem>>)
      %dma_wait3A_242 = arith.constant 0 : i32
      %dma_wait3A_243 = arith.constant 0 : i32
      %dma_wait3A_244 = tpu.memref_slice %arg7[%dma_wait3A_242, %dma_wait3A_243] : memref<2x128xi32, #tpu.memory_space<vmem>> -> memref<1x128xi32, #tpu.memory_space<vmem>>
      %dma_wait3A_245 = tpu.memref_squeeze %dma_wait3A_244 : memref<1x128xi32, #tpu.memory_space<vmem>> -> memref<128xi32, #tpu.memory_space<vmem>>
      %dma_wait3A_246 = arith.constant 0 : i32
      %dma_wait3A_247 = arith.constant 0 : i32
      %dma_wait3A_248 = tpu.memref_slice %arg2[%dma_wait3A_246, %dma_wait3A_247] : memref<10000x128xf32, #tpu.memory_space<hbm>> -> memref<10000x128xf32, #tpu.memory_space<hbm>>
      tpu.wait_indirect_dma semaphore(%arg12 : memref<!tpu.dma_semaphore, #tpu.memory_space<semaphore_mem>>) src(%dma_wait3A_248 : memref<10000x128xf32, #tpu.memory_space<hbm>>) dst(%arg9 : memref<128x128xf32, #tpu.memory_space<vmem>>)
      %run_scoped3A_249 = arith.constant 1 : i32
      "tpu.region"() ({
        %run_scoped3A_313 = tpu.sem_alloc : memref<!tpu.dma_semaphore, #tpu.memory_space<semaphore_mem>>
        %dma_start3A_314 = arith.constant 0 : i32
        %dma_start3A_315 = tpu.memref_slice %arg7[%run_scoped3A_249, %dma_start3A_314] : memref<2x128xi32, #tpu.memory_space<vmem>> -> memref<1x128xi32, #tpu.memory_space<vmem>>
        %dma_start3A_316 = tpu.memref_squeeze %dma_start3A_315 : memref<1x128xi32, #tpu.memory_space<vmem>> -> memref<128xi32, #tpu.memory_space<vmem>>
        %dma_start3A_317 = arith.constant 0 : i32
        %dma_start3A_318 = arith.constant 0 : i32
        %dma_start3A_319 = tpu.memref_slice %arg11[%dma_start3A_317, %dma_start3A_318] : memref<10112x128xf32, #tpu.memory_space<vmem_shared>> -> memref<10112x128xf32, #tpu.memory_space<vmem_shared>>
        tpu.enqueue_indirect_dma source(%arg9 : memref<128x128xf32, #tpu.memory_space<vmem>>) target(%dma_start3A_319 : memref<10112x128xf32, #tpu.memory_space<vmem_shared>>) offsets(%dma_start3A_316 : memref<128xi32, #tpu.memory_space<vmem>>) semaphore(%run_scoped3A_313 : memref<!tpu.dma_semaphore, #tpu.memory_space<semaphore_mem>>) {add = true}
        %dma_wait3A_320 = arith.constant 0 : i32
        %dma_wait3A_321 = tpu.memref_slice %arg7[%run_scoped3A_249, %dma_wait3A_320] : memref<2x128xi32, #tpu.memory_space<vmem>> -> memref<1x128xi32, #tpu.memory_space<vmem>>
        %dma_wait3A_322 = tpu.memref_squeeze %dma_wait3A_321 : memref<1x128xi32, #tpu.memory_space<vmem>> -> memref<128xi32, #tpu.memory_space<vmem>>
        %dma_wait3A_323 = arith.constant 0 : i32
        %dma_wait3A_324 = arith.constant 0 : i32
        %dma_wait3A_325 = tpu.memref_slice %arg11[%dma_wait3A_323, %dma_wait3A_324] : memref<10112x128xf32, #tpu.memory_space<vmem_shared>> -> memref<10112x128xf32, #tpu.memory_space<vmem_shared>>
        tpu.wait_indirect_dma semaphore(%run_scoped3A_313 : memref<!tpu.dma_semaphore, #tpu.memory_space<semaphore_mem>>) src(%arg9 : memref<128x128xf32, #tpu.memory_space<vmem>>) dst(%dma_wait3A_325 : memref<10112x128xf32, #tpu.memory_space<vmem_shared>>)
        tpu.yield
      }) : () -> ()
      %add3A_250 = arith.constant 6 : i32
      %add3A_251 = arith.addi %mul3A_171, %add3A_250 : i32
      %dma_start3A_252 = arith.constant 0 : i32
      %dma_start3A_253 = arith.constant 0 : i32
      %dma_start3A_254 = tpu.memref_slice %arg3[%add3A, %add3A_251, %dma_start3A_252, %dma_start3A_253] : memref<32x80x2x128xi32, #tpu.memory_space<hbm>> -> memref<1x1x2x128xi32, #tpu.memory_space<hbm>>
      %dma_start3A_255 = tpu.memref_squeeze %dma_start3A_254 : memref<1x1x2x128xi32, #tpu.memory_space<hbm>> -> memref<2x128xi32, #tpu.memory_space<hbm>>
      %dma_start3A_256 = arith.constant 0 : i32
      %dma_start3A_257 = arith.constant 0 : i32
      %dma_start3A_258 = tpu.memref_slice %arg3[%add3A, %add3A_251, %dma_start3A_256, %dma_start3A_257] : memref<32x80x2x128xi32, #tpu.memory_space<hbm>> -> memref<1x1x2x128xi32, #tpu.memory_space<hbm>>
      %dma_start3A_259 = tpu.memref_squeeze %dma_start3A_258 : memref<1x1x2x128xi32, #tpu.memory_space<hbm>> -> memref<2x128xi32, #tpu.memory_space<hbm>>
      tpu.enqueue_dma source(%dma_start3A_259 : memref<2x128xi32, #tpu.memory_space<hbm>>) target(%arg7 : memref<2x128xi32, #tpu.memory_space<vmem>>) target_semaphore(%arg16 : memref<!tpu.dma_semaphore, #tpu.memory_space<semaphore_mem>>)
      %add3A_260 = arith.constant 4 : i32
      %add3A_261 = arith.addi %mul3A_171, %add3A_260 : i32
      %dma_wait3A_262 = arith.constant 0 : i32
      %dma_wait3A_263 = arith.constant 0 : i32
      %dma_wait3A_264 = tpu.memref_slice %arg3[%add3A, %add3A_261, %dma_wait3A_262, %dma_wait3A_263] : memref<32x80x2x128xi32, #tpu.memory_space<hbm>> -> memref<1x1x2x128xi32, #tpu.memory_space<hbm>>
      %dma_wait3A_265 = tpu.memref_squeeze %dma_wait3A_264 : memref<1x1x2x128xi32, #tpu.memory_space<hbm>> -> memref<2x128xi32, #tpu.memory_space<hbm>>
      %dma_wait3A_266 = arith.constant 0 : i32
      %dma_wait3A_267 = arith.constant 0 : i32
      %dma_wait3A_268 = tpu.memref_slice %arg3[%add3A, %add3A_261, %dma_wait3A_266, %dma_wait3A_267] : memref<32x80x2x128xi32, #tpu.memory_space<hbm>> -> memref<1x1x2x128xi32, #tpu.memory_space<hbm>>
      %dma_wait3A_269 = tpu.memref_squeeze %dma_wait3A_268 : memref<1x1x2x128xi32, #tpu.memory_space<hbm>> -> memref<2x128xi32, #tpu.memory_space<hbm>>
      tpu.wait_dma2 semaphore(%arg14 : memref<!tpu.dma_semaphore, #tpu.memory_space<semaphore_mem>>) src(%dma_wait3A_269 : memref<2x128xi32, #tpu.memory_space<hbm>>) dst(%arg5 : memref<2x128xi32, #tpu.memory_space<vmem>>)
      %dma_start3A_270 = arith.constant 0 : i32
      %dma_start3A_271 = arith.constant 0 : i32
      %dma_start3A_272 = tpu.memref_slice %arg5[%dma_start3A_270, %dma_start3A_271] : memref<2x128xi32, #tpu.memory_space<vmem>> -> memref<1x128xi32, #tpu.memory_space<vmem>>
      %dma_start3A_273 = tpu.memref_squeeze %dma_start3A_272 : memref<1x128xi32, #tpu.memory_space<vmem>> -> memref<128xi32, #tpu.memory_space<vmem>>
      %dma_start3A_274 = arith.constant 0 : i32
      %dma_start3A_275 = arith.constant 0 : i32
      %dma_start3A_276 = tpu.memref_slice %arg2[%dma_start3A_274, %dma_start3A_275] : memref<10000x128xf32, #tpu.memory_space<hbm>> -> memref<10000x128xf32, #tpu.memory_space<hbm>>
      tpu.enqueue_indirect_dma source(%dma_start3A_276 : memref<10000x128xf32, #tpu.memory_space<hbm>>) target(%arg9 : memref<128x128xf32, #tpu.memory_space<vmem>>) offsets(%dma_start3A_273 : memref<128xi32, #tpu.memory_space<vmem>>) semaphore(%arg12 : memref<!tpu.dma_semaphore, #tpu.memory_space<semaphore_mem>>)
      %dma_wait3A_277 = arith.constant 0 : i32
      %dma_wait3A_278 = arith.constant 0 : i32
      %dma_wait3A_279 = tpu.memref_slice %arg8[%dma_wait3A_277, %dma_wait3A_278] : memref<2x128xi32, #tpu.memory_space<vmem>> -> memref<1x128xi32, #tpu.memory_space<vmem>>
      %dma_wait3A_280 = tpu.memref_squeeze %dma_wait3A_279 : memref<1x128xi32, #tpu.memory_space<vmem>> -> memref<128xi32, #tpu.memory_space<vmem>>
      %dma_wait3A_281 = arith.constant 0 : i32
      %dma_wait3A_282 = arith.constant 0 : i32
      %dma_wait3A_283 = tpu.memref_slice %arg2[%dma_wait3A_281, %dma_wait3A_282] : memref<10000x128xf32, #tpu.memory_space<hbm>> -> memref<10000x128xf32, #tpu.memory_space<hbm>>
      tpu.wait_indirect_dma semaphore(%arg13 : memref<!tpu.dma_semaphore, #tpu.memory_space<semaphore_mem>>) src(%dma_wait3A_283 : memref<10000x128xf32, #tpu.memory_space<hbm>>) dst(%arg10 : memref<128x128xf32, #tpu.memory_space<vmem>>)
      %run_scoped3A_284 = arith.constant 1 : i32
      "tpu.region"() ({
        %run_scoped3A_313 = tpu.sem_alloc : memref<!tpu.dma_semaphore, #tpu.memory_space<semaphore_mem>>
        %dma_start3A_314 = arith.constant 0 : i32
        %dma_start3A_315 = tpu.memref_slice %arg8[%run_scoped3A_284, %dma_start3A_314] : memref<2x128xi32, #tpu.memory_space<vmem>> -> memref<1x128xi32, #tpu.memory_space<vmem>>
        %dma_start3A_316 = tpu.memref_squeeze %dma_start3A_315 : memref<1x128xi32, #tpu.memory_space<vmem>> -> memref<128xi32, #tpu.memory_space<vmem>>
        %dma_start3A_317 = arith.constant 0 : i32
        %dma_start3A_318 = arith.constant 0 : i32
        %dma_start3A_319 = tpu.memref_slice %arg11[%dma_start3A_317, %dma_start3A_318] : memref<10112x128xf32, #tpu.memory_space<vmem_shared>> -> memref<10112x128xf32, #tpu.memory_space<vmem_shared>>
        tpu.enqueue_indirect_dma source(%arg10 : memref<128x128xf32, #tpu.memory_space<vmem>>) target(%dma_start3A_319 : memref<10112x128xf32, #tpu.memory_space<vmem_shared>>) offsets(%dma_start3A_316 : memref<128xi32, #tpu.memory_space<vmem>>) semaphore(%run_scoped3A_313 : memref<!tpu.dma_semaphore, #tpu.memory_space<semaphore_mem>>) {add = true}
        %dma_wait3A_320 = arith.constant 0 : i32
        %dma_wait3A_321 = tpu.memref_slice %arg8[%run_scoped3A_284, %dma_wait3A_320] : memref<2x128xi32, #tpu.memory_space<vmem>> -> memref<1x128xi32, #tpu.memory_space<vmem>>
        %dma_wait3A_322 = tpu.memref_squeeze %dma_wait3A_321 : memref<1x128xi32, #tpu.memory_space<vmem>> -> memref<128xi32, #tpu.memory_space<vmem>>
        %dma_wait3A_323 = arith.constant 0 : i32
        %dma_wait3A_324 = arith.constant 0 : i32
        %dma_wait3A_325 = tpu.memref_slice %arg11[%dma_wait3A_323, %dma_wait3A_324] : memref<10112x128xf32, #tpu.memory_space<vmem_shared>> -> memref<10112x128xf32, #tpu.memory_space<vmem_shared>>
        tpu.wait_indirect_dma semaphore(%run_scoped3A_313 : memref<!tpu.dma_semaphore, #tpu.memory_space<semaphore_mem>>) src(%arg10 : memref<128x128xf32, #tpu.memory_space<vmem>>) dst(%dma_wait3A_325 : memref<10112x128xf32, #tpu.memory_space<vmem_shared>>)
        tpu.yield
      }) : () -> ()
      %add3A_285 = arith.constant 7 : i32
      %add3A_286 = arith.addi %mul3A_171, %add3A_285 : i32
      %dma_start3A_287 = arith.constant 0 : i32
      %dma_start3A_288 = arith.constant 0 : i32
      %dma_start3A_289 = tpu.memref_slice %arg3[%add3A, %add3A_286, %dma_start3A_287, %dma_start3A_288] : memref<32x80x2x128xi32, #tpu.memory_space<hbm>> -> memref<1x1x2x128xi32, #tpu.memory_space<hbm>>
      %dma_start3A_290 = tpu.memref_squeeze %dma_start3A_289 : memref<1x1x2x128xi32, #tpu.memory_space<hbm>> -> memref<2x128xi32, #tpu.memory_space<hbm>>
      %dma_start3A_291 = arith.constant 0 : i32
      %dma_start3A_292 = arith.constant 0 : i32
      %dma_start3A_293 = tpu.memref_slice %arg3[%add3A, %add3A_286, %dma_start3A_291, %dma_start3A_292] : memref<32x80x2x128xi32, #tpu.memory_space<hbm>> -> memref<1x1x2x128xi32, #tpu.memory_space<hbm>>
      %dma_start3A_294 = tpu.memref_squeeze %dma_start3A_293 : memref<1x1x2x128xi32, #tpu.memory_space<hbm>> -> memref<2x128xi32, #tpu.memory_space<hbm>>
      tpu.enqueue_dma source(%dma_start3A_294 : memref<2x128xi32, #tpu.memory_space<hbm>>) target(%arg8 : memref<2x128xi32, #tpu.memory_space<vmem>>) target_semaphore(%arg17 : memref<!tpu.dma_semaphore, #tpu.memory_space<semaphore_mem>>)
      %add3A_295 = arith.constant 5 : i32
      %add3A_296 = arith.addi %mul3A_171, %add3A_295 : i32
      %dma_wait3A_297 = arith.constant 0 : i32
      %dma_wait3A_298 = arith.constant 0 : i32
      %dma_wait3A_299 = tpu.memref_slice %arg3[%add3A, %add3A_296, %dma_wait3A_297, %dma_wait3A_298] : memref<32x80x2x128xi32, #tpu.memory_space<hbm>> -> memref<1x1x2x128xi32, #tpu.memory_space<hbm>>
      %dma_wait3A_300 = tpu.memref_squeeze %dma_wait3A_299 : memref<1x1x2x128xi32, #tpu.memory_space<hbm>> -> memref<2x128xi32, #tpu.memory_space<hbm>>
      %dma_wait3A_301 = arith.constant 0 : i32
      %dma_wait3A_302 = arith.constant 0 : i32
      %dma_wait3A_303 = tpu.memref_slice %arg3[%add3A, %add3A_296, %dma_wait3A_301, %dma_wait3A_302] : memref<32x80x2x128xi32, #tpu.memory_space<hbm>> -> memref<1x1x2x128xi32, #tpu.memory_space<hbm>>
      %dma_wait3A_304 = tpu.memref_squeeze %dma_wait3A_303 : memref<1x1x2x128xi32, #tpu.memory_space<hbm>> -> memref<2x128xi32, #tpu.memory_space<hbm>>
      tpu.wait_dma2 semaphore(%arg15 : memref<!tpu.dma_semaphore, #tpu.memory_space<semaphore_mem>>) src(%dma_wait3A_304 : memref<2x128xi32, #tpu.memory_space<hbm>>) dst(%arg6 : memref<2x128xi32, #tpu.memory_space<vmem>>)
      %dma_start3A_305 = arith.constant 0 : i32
      %dma_start3A_306 = arith.constant 0 : i32
      %dma_start3A_307 = tpu.memref_slice %arg6[%dma_start3A_305, %dma_start3A_306] : memref<2x128xi32, #tpu.memory_space<vmem>> -> memref<1x128xi32, #tpu.memory_space<vmem>>
      %dma_start3A_308 = tpu.memref_squeeze %dma_start3A_307 : memref<1x128xi32, #tpu.memory_space<vmem>> -> memref<128xi32, #tpu.memory_space<vmem>>
      %dma_start3A_309 = arith.constant 0 : i32
      %dma_start3A_310 = arith.constant 0 : i32
      %dma_start3A_311 = tpu.memref_slice %arg2[%dma_start3A_309, %dma_start3A_310] : memref<10000x128xf32, #tpu.memory_space<hbm>> -> memref<10000x128xf32, #tpu.memory_space<hbm>>
      tpu.enqueue_indirect_dma source(%dma_start3A_311 : memref<10000x128xf32, #tpu.memory_space<hbm>>) target(%arg10 : memref<128x128xf32, #tpu.memory_space<vmem>>) offsets(%dma_start3A_308 : memref<128xi32, #tpu.memory_space<vmem>>) semaphore(%arg13 : memref<!tpu.dma_semaphore, #tpu.memory_space<semaphore_mem>>)
      %scan3A_312 = arith.constant 0 : i32
      scf.yield %scan3A_312 : i32
    }
    %scan3A_99 = arith.constant 19 : i32
    %dma_wait3A_100 = arith.constant 0 : i32
    %dma_wait3A_101 = arith.constant 0 : i32
    %dma_wait3A_102 = tpu.memref_slice %arg5[%dma_wait3A_100, %dma_wait3A_101] : memref<2x128xi32, #tpu.memory_space<vmem>> -> memref<1x128xi32, #tpu.memory_space<vmem>>
    %dma_wait3A_103 = tpu.memref_squeeze %dma_wait3A_102 : memref<1x128xi32, #tpu.memory_space<vmem>> -> memref<128xi32, #tpu.memory_space<vmem>>
    %dma_wait3A_104 = arith.constant 0 : i32
    %dma_wait3A_105 = arith.constant 0 : i32
    %dma_wait3A_106 = tpu.memref_slice %arg2[%dma_wait3A_104, %dma_wait3A_105] : memref<10000x128xf32, #tpu.memory_space<hbm>> -> memref<10000x128xf32, #tpu.memory_space<hbm>>
    tpu.wait_indirect_dma semaphore(%arg12 : memref<!tpu.dma_semaphore, #tpu.memory_space<semaphore_mem>>) src(%dma_wait3A_106 : memref<10000x128xf32, #tpu.memory_space<hbm>>) dst(%arg9 : memref<128x128xf32, #tpu.memory_space<vmem>>)
    %run_scoped3A = arith.constant 1 : i32
    "tpu.region"() ({
      %run_scoped3A_168 = tpu.sem_alloc : memref<!tpu.dma_semaphore, #tpu.memory_space<semaphore_mem>>
      %dma_start3A_169 = arith.constant 0 : i32
      %dma_start3A_170 = tpu.memref_slice %arg5[%run_scoped3A, %dma_start3A_169] : memref<2x128xi32, #tpu.memory_space<vmem>> -> memref<1x128xi32, #tpu.memory_space<vmem>>
      %dma_start3A_171 = tpu.memref_squeeze %dma_start3A_170 : memref<1x128xi32, #tpu.memory_space<vmem>> -> memref<128xi32, #tpu.memory_space<vmem>>
      %dma_start3A_172 = arith.constant 0 : i32
      %dma_start3A_173 = arith.constant 0 : i32
      %dma_start3A_174 = tpu.memref_slice %arg11[%dma_start3A_172, %dma_start3A_173] : memref<10112x128xf32, #tpu.memory_space<vmem_shared>> -> memref<10112x128xf32, #tpu.memory_space<vmem_shared>>
      tpu.enqueue_indirect_dma source(%arg9 : memref<128x128xf32, #tpu.memory_space<vmem>>) target(%dma_start3A_174 : memref<10112x128xf32, #tpu.memory_space<vmem_shared>>) offsets(%dma_start3A_171 : memref<128xi32, #tpu.memory_space<vmem>>) semaphore(%run_scoped3A_168 : memref<!tpu.dma_semaphore, #tpu.memory_space<semaphore_mem>>) {add = true}
      %dma_wait3A_175 = arith.constant 0 : i32
      %dma_wait3A_176 = tpu.memref_slice %arg5[%run_scoped3A, %dma_wait3A_175] : memref<2x128xi32, #tpu.memory_space<vmem>> -> memref<1x128xi32, #tpu.memory_space<vmem>>
      %dma_wait3A_177 = tpu.memref_squeeze %dma_wait3A_176 : memref<1x128xi32, #tpu.memory_space<vmem>> -> memref<128xi32, #tpu.memory_space<vmem>>
      %dma_wait3A_178 = arith.constant 0 : i32
      %dma_wait3A_179 = arith.constant 0 : i32
      %dma_wait3A_180 = tpu.memref_slice %arg11[%dma_wait3A_178, %dma_wait3A_179] : memref<10112x128xf32, #tpu.memory_space<vmem_shared>> -> memref<10112x128xf32, #tpu.memory_space<vmem_shared>>
      tpu.wait_indirect_dma semaphore(%run_scoped3A_168 : memref<!tpu.dma_semaphore, #tpu.memory_space<semaphore_mem>>) src(%arg9 : memref<128x128xf32, #tpu.memory_space<vmem>>) dst(%dma_wait3A_180 : memref<10112x128xf32, #tpu.memory_space<vmem_shared>>)
      tpu.yield
    }) : () -> ()
    %dma_wait3A_107 = arith.constant 78 : i32
    %dma_wait3A_108 = arith.constant 0 : i32
    %dma_wait3A_109 = arith.constant 0 : i32
    %dma_wait3A_110 = tpu.memref_slice %arg3[%add3A, %dma_wait3A_107, %dma_wait3A_108, %dma_wait3A_109] : memref<32x80x2x128xi32, #tpu.memory_space<hbm>> -> memref<1x1x2x128xi32, #tpu.memory_space<hbm>>
    %dma_wait3A_111 = tpu.memref_squeeze %dma_wait3A_110 : memref<1x1x2x128xi32, #tpu.memory_space<hbm>> -> memref<2x128xi32, #tpu.memory_space<hbm>>
    %dma_wait3A_112 = arith.constant 0 : i32
    %dma_wait3A_113 = arith.constant 0 : i32
    %dma_wait3A_114 = tpu.memref_slice %arg3[%add3A, %dma_wait3A_107, %dma_wait3A_112, %dma_wait3A_113] : memref<32x80x2x128xi32, #tpu.memory_space<hbm>> -> memref<1x1x2x128xi32, #tpu.memory_space<hbm>>
    %dma_wait3A_115 = tpu.memref_squeeze %dma_wait3A_114 : memref<1x1x2x128xi32, #tpu.memory_space<hbm>> -> memref<2x128xi32, #tpu.memory_space<hbm>>
    tpu.wait_dma2 semaphore(%arg16 : memref<!tpu.dma_semaphore, #tpu.memory_space<semaphore_mem>>) src(%dma_wait3A_115 : memref<2x128xi32, #tpu.memory_space<hbm>>) dst(%arg7 : memref<2x128xi32, #tpu.memory_space<vmem>>)
    %dma_start3A_116 = arith.constant 0 : i32
    %dma_start3A_117 = arith.constant 0 : i32
    %dma_start3A_118 = tpu.memref_slice %arg7[%dma_start3A_116, %dma_start3A_117] : memref<2x128xi32, #tpu.memory_space<vmem>> -> memref<1x128xi32, #tpu.memory_space<vmem>>
    %dma_start3A_119 = tpu.memref_squeeze %dma_start3A_118 : memref<1x128xi32, #tpu.memory_space<vmem>> -> memref<128xi32, #tpu.memory_space<vmem>>
    %dma_start3A_120 = arith.constant 0 : i32
    %dma_start3A_121 = arith.constant 0 : i32
    %dma_start3A_122 = tpu.memref_slice %arg2[%dma_start3A_120, %dma_start3A_121] : memref<10000x128xf32, #tpu.memory_space<hbm>> -> memref<10000x128xf32, #tpu.memory_space<hbm>>
    tpu.enqueue_indirect_dma source(%dma_start3A_122 : memref<10000x128xf32, #tpu.memory_space<hbm>>) target(%arg9 : memref<128x128xf32, #tpu.memory_space<vmem>>) offsets(%dma_start3A_119 : memref<128xi32, #tpu.memory_space<vmem>>) semaphore(%arg12 : memref<!tpu.dma_semaphore, #tpu.memory_space<semaphore_mem>>)
    %dma_wait3A_123 = arith.constant 0 : i32
    %dma_wait3A_124 = arith.constant 0 : i32
    %dma_wait3A_125 = tpu.memref_slice %arg6[%dma_wait3A_123, %dma_wait3A_124] : memref<2x128xi32, #tpu.memory_space<vmem>> -> memref<1x128xi32, #tpu.memory_space<vmem>>
    %dma_wait3A_126 = tpu.memref_squeeze %dma_wait3A_125 : memref<1x128xi32, #tpu.memory_space<vmem>> -> memref<128xi32, #tpu.memory_space<vmem>>
    %dma_wait3A_127 = arith.constant 0 : i32
    %dma_wait3A_128 = arith.constant 0 : i32
    %dma_wait3A_129 = tpu.memref_slice %arg2[%dma_wait3A_127, %dma_wait3A_128] : memref<10000x128xf32, #tpu.memory_space<hbm>> -> memref<10000x128xf32, #tpu.memory_space<hbm>>
    tpu.wait_indirect_dma semaphore(%arg13 : memref<!tpu.dma_semaphore, #tpu.memory_space<semaphore_mem>>) src(%dma_wait3A_129 : memref<10000x128xf32, #tpu.memory_space<hbm>>) dst(%arg10 : memref<128x128xf32, #tpu.memory_space<vmem>>)
    %run_scoped3A_130 = arith.constant 1 : i32
    "tpu.region"() ({
      %run_scoped3A_168 = tpu.sem_alloc : memref<!tpu.dma_semaphore, #tpu.memory_space<semaphore_mem>>
      %dma_start3A_169 = arith.constant 0 : i32
      %dma_start3A_170 = tpu.memref_slice %arg6[%run_scoped3A_130, %dma_start3A_169] : memref<2x128xi32, #tpu.memory_space<vmem>> -> memref<1x128xi32, #tpu.memory_space<vmem>>
      %dma_start3A_171 = tpu.memref_squeeze %dma_start3A_170 : memref<1x128xi32, #tpu.memory_space<vmem>> -> memref<128xi32, #tpu.memory_space<vmem>>
      %dma_start3A_172 = arith.constant 0 : i32
      %dma_start3A_173 = arith.constant 0 : i32
      %dma_start3A_174 = tpu.memref_slice %arg11[%dma_start3A_172, %dma_start3A_173] : memref<10112x128xf32, #tpu.memory_space<vmem_shared>> -> memref<10112x128xf32, #tpu.memory_space<vmem_shared>>
      tpu.enqueue_indirect_dma source(%arg10 : memref<128x128xf32, #tpu.memory_space<vmem>>) target(%dma_start3A_174 : memref<10112x128xf32, #tpu.memory_space<vmem_shared>>) offsets(%dma_start3A_171 : memref<128xi32, #tpu.memory_space<vmem>>) semaphore(%run_scoped3A_168 : memref<!tpu.dma_semaphore, #tpu.memory_space<semaphore_mem>>) {add = true}
      %dma_wait3A_175 = arith.constant 0 : i32
      %dma_wait3A_176 = tpu.memref_slice %arg6[%run_scoped3A_130, %dma_wait3A_175] : memref<2x128xi32, #tpu.memory_space<vmem>> -> memref<1x128xi32, #tpu.memory_space<vmem>>
      %dma_wait3A_177 = tpu.memref_squeeze %dma_wait3A_176 : memref<1x128xi32, #tpu.memory_space<vmem>> -> memref<128xi32, #tpu.memory_space<vmem>>
      %dma_wait3A_178 = arith.constant 0 : i32
      %dma_wait3A_179 = arith.constant 0 : i32
      %dma_wait3A_180 = tpu.memref_slice %arg11[%dma_wait3A_178, %dma_wait3A_179] : memref<10112x128xf32, #tpu.memory_space<vmem_shared>> -> memref<10112x128xf32, #tpu.memory_space<vmem_shared>>
      tpu.wait_indirect_dma semaphore(%run_scoped3A_168 : memref<!tpu.dma_semaphore, #tpu.memory_space<semaphore_mem>>) src(%arg10 : memref<128x128xf32, #tpu.memory_space<vmem>>) dst(%dma_wait3A_180 : memref<10112x128xf32, #tpu.memory_space<vmem_shared>>)
      tpu.yield
    }) : () -> ()
    %dma_wait3A_131 = arith.constant 79 : i32
    %dma_wait3A_132 = arith.constant 0 : i32
    %dma_wait3A_133 = arith.constant 0 : i32
    %dma_wait3A_134 = tpu.memref_slice %arg3[%add3A, %dma_wait3A_131, %dma_wait3A_132, %dma_wait3A_133] : memref<32x80x2x128xi32, #tpu.memory_space<hbm>> -> memref<1x1x2x128xi32, #tpu.memory_space<hbm>>
    %dma_wait3A_135 = tpu.memref_squeeze %dma_wait3A_134 : memref<1x1x2x128xi32, #tpu.memory_space<hbm>> -> memref<2x128xi32, #tpu.memory_space<hbm>>
    %dma_wait3A_136 = arith.constant 0 : i32
    %dma_wait3A_137 = arith.constant 0 : i32
    %dma_wait3A_138 = tpu.memref_slice %arg3[%add3A, %dma_wait3A_131, %dma_wait3A_136, %dma_wait3A_137] : memref<32x80x2x128xi32, #tpu.memory_space<hbm>> -> memref<1x1x2x128xi32, #tpu.memory_space<hbm>>
    %dma_wait3A_139 = tpu.memref_squeeze %dma_wait3A_138 : memref<1x1x2x128xi32, #tpu.memory_space<hbm>> -> memref<2x128xi32, #tpu.memory_space<hbm>>
    tpu.wait_dma2 semaphore(%arg17 : memref<!tpu.dma_semaphore, #tpu.memory_space<semaphore_mem>>) src(%dma_wait3A_139 : memref<2x128xi32, #tpu.memory_space<hbm>>) dst(%arg8 : memref<2x128xi32, #tpu.memory_space<vmem>>)
    %dma_start3A_140 = arith.constant 0 : i32
    %dma_start3A_141 = arith.constant 0 : i32
    %dma_start3A_142 = tpu.memref_slice %arg8[%dma_start3A_140, %dma_start3A_141] : memref<2x128xi32, #tpu.memory_space<vmem>> -> memref<1x128xi32, #tpu.memory_space<vmem>>
    %dma_start3A_143 = tpu.memref_squeeze %dma_start3A_142 : memref<1x128xi32, #tpu.memory_space<vmem>> -> memref<128xi32, #tpu.memory_space<vmem>>
    %dma_start3A_144 = arith.constant 0 : i32
    %dma_start3A_145 = arith.constant 0 : i32
    %dma_start3A_146 = tpu.memref_slice %arg2[%dma_start3A_144, %dma_start3A_145] : memref<10000x128xf32, #tpu.memory_space<hbm>> -> memref<10000x128xf32, #tpu.memory_space<hbm>>
    tpu.enqueue_indirect_dma source(%dma_start3A_146 : memref<10000x128xf32, #tpu.memory_space<hbm>>) target(%arg10 : memref<128x128xf32, #tpu.memory_space<vmem>>) offsets(%dma_start3A_143 : memref<128xi32, #tpu.memory_space<vmem>>) semaphore(%arg13 : memref<!tpu.dma_semaphore, #tpu.memory_space<semaphore_mem>>)
    %dma_wait3A_147 = arith.constant 0 : i32
    %dma_wait3A_148 = arith.constant 0 : i32
    %dma_wait3A_149 = tpu.memref_slice %arg7[%dma_wait3A_147, %dma_wait3A_148] : memref<2x128xi32, #tpu.memory_space<vmem>> -> memref<1x128xi32, #tpu.memory_space<vmem>>
    %dma_wait3A_150 = tpu.memref_squeeze %dma_wait3A_149 : memref<1x128xi32, #tpu.memory_space<vmem>> -> memref<128xi32, #tpu.memory_space<vmem>>
    %dma_wait3A_151 = arith.constant 0 : i32
    %dma_wait3A_152 = arith.constant 0 : i32
    %dma_wait3A_153 = tpu.memref_slice %arg2[%dma_wait3A_151, %dma_wait3A_152] : memref<10000x128xf32, #tpu.memory_space<hbm>> -> memref<10000x128xf32, #tpu.memory_space<hbm>>
    tpu.wait_indirect_dma semaphore(%arg12 : memref<!tpu.dma_semaphore, #tpu.memory_space<semaphore_mem>>) src(%dma_wait3A_153 : memref<10000x128xf32, #tpu.memory_space<hbm>>) dst(%arg9 : memref<128x128xf32, #tpu.memory_space<vmem>>)
    %run_scoped3A_154 = arith.constant 1 : i32
    "tpu.region"() ({
      %run_scoped3A_168 = tpu.sem_alloc : memref<!tpu.dma_semaphore, #tpu.memory_space<semaphore_mem>>
      %dma_start3A_169 = arith.constant 0 : i32
      %dma_start3A_170 = tpu.memref_slice %arg7[%run_scoped3A_154, %dma_start3A_169] : memref<2x128xi32, #tpu.memory_space<vmem>> -> memref<1x128xi32, #tpu.memory_space<vmem>>
      %dma_start3A_171 = tpu.memref_squeeze %dma_start3A_170 : memref<1x128xi32, #tpu.memory_space<vmem>> -> memref<128xi32, #tpu.memory_space<vmem>>
      %dma_start3A_172 = arith.constant 0 : i32
      %dma_start3A_173 = arith.constant 0 : i32
      %dma_start3A_174 = tpu.memref_slice %arg11[%dma_start3A_172, %dma_start3A_173] : memref<10112x128xf32, #tpu.memory_space<vmem_shared>> -> memref<10112x128xf32, #tpu.memory_space<vmem_shared>>
      tpu.enqueue_indirect_dma source(%arg9 : memref<128x128xf32, #tpu.memory_space<vmem>>) target(%dma_start3A_174 : memref<10112x128xf32, #tpu.memory_space<vmem_shared>>) offsets(%dma_start3A_171 : memref<128xi32, #tpu.memory_space<vmem>>) semaphore(%run_scoped3A_168 : memref<!tpu.dma_semaphore, #tpu.memory_space<semaphore_mem>>) {add = true}
      %dma_wait3A_175 = arith.constant 0 : i32
      %dma_wait3A_176 = tpu.memref_slice %arg7[%run_scoped3A_154, %dma_wait3A_175] : memref<2x128xi32, #tpu.memory_space<vmem>> -> memref<1x128xi32, #tpu.memory_space<vmem>>
      %dma_wait3A_177 = tpu.memref_squeeze %dma_wait3A_176 : memref<1x128xi32, #tpu.memory_space<vmem>> -> memref<128xi32, #tpu.memory_space<vmem>>
      %dma_wait3A_178 = arith.constant 0 : i32
      %dma_wait3A_179 = arith.constant 0 : i32
      %dma_wait3A_180 = tpu.memref_slice %arg11[%dma_wait3A_178, %dma_wait3A_179] : memref<10112x128xf32, #tpu.memory_space<vmem_shared>> -> memref<10112x128xf32, #tpu.memory_space<vmem_shared>>
      tpu.wait_indirect_dma semaphore(%run_scoped3A_168 : memref<!tpu.dma_semaphore, #tpu.memory_space<semaphore_mem>>) src(%arg9 : memref<128x128xf32, #tpu.memory_space<vmem>>) dst(%dma_wait3A_180 : memref<10112x128xf32, #tpu.memory_space<vmem_shared>>)
      tpu.yield
    }) : () -> ()
    %dma_wait3A_155 = arith.constant 0 : i32
    %dma_wait3A_156 = arith.constant 0 : i32
    %dma_wait3A_157 = tpu.memref_slice %arg8[%dma_wait3A_155, %dma_wait3A_156] : memref<2x128xi32, #tpu.memory_space<vmem>> -> memref<1x128xi32, #tpu.memory_space<vmem>>
    %dma_wait3A_158 = tpu.memref_squeeze %dma_wait3A_157 : memref<1x128xi32, #tpu.memory_space<vmem>> -> memref<128xi32, #tpu.memory_space<vmem>>
    %dma_wait3A_159 = arith.constant 0 : i32
    %dma_wait3A_160 = arith.constant 0 : i32
    %dma_wait3A_161 = tpu.memref_slice %arg2[%dma_wait3A_159, %dma_wait3A_160] : memref<10000x128xf32, #tpu.memory_space<hbm>> -> memref<10000x128xf32, #tpu.memory_space<hbm>>
    tpu.wait_indirect_dma semaphore(%arg13 : memref<!tpu.dma_semaphore, #tpu.memory_space<semaphore_mem>>) src(%dma_wait3A_161 : memref<10000x128xf32, #tpu.memory_space<hbm>>) dst(%arg10 : memref<128x128xf32, #tpu.memory_space<vmem>>)
    %run_scoped3A_162 = arith.constant 1 : i32
    "tpu.region"() ({
      %run_scoped3A_168 = tpu.sem_alloc : memref<!tpu.dma_semaphore, #tpu.memory_space<semaphore_mem>>
      %dma_start3A_169 = arith.constant 0 : i32
      %dma_start3A_170 = tpu.memref_slice %arg8[%run_scoped3A_162, %dma_start3A_169] : memref<2x128xi32, #tpu.memory_space<vmem>> -> memref<1x128xi32, #tpu.memory_space<vmem>>
      %dma_start3A_171 = tpu.memref_squeeze %dma_start3A_170 : memref<1x128xi32, #tpu.memory_space<vmem>> -> memref<128xi32, #tpu.memory_space<vmem>>
      %dma_start3A_172 = arith.constant 0 : i32
      %dma_start3A_173 = arith.constant 0 : i32
      %dma_start3A_174 = tpu.memref_slice %arg11[%dma_start3A_172, %dma_start3A_173] : memref<10112x128xf32, #tpu.memory_space<vmem_shared>> -> memref<10112x128xf32, #tpu.memory_space<vmem_shared>>
      tpu.enqueue_indirect_dma source(%arg10 : memref<128x128xf32, #tpu.memory_space<vmem>>) target(%dma_start3A_174 : memref<10112x128xf32, #tpu.memory_space<vmem_shared>>) offsets(%dma_start3A_171 : memref<128xi32, #tpu.memory_space<vmem>>) semaphore(%run_scoped3A_168 : memref<!tpu.dma_semaphore, #tpu.memory_space<semaphore_mem>>) {add = true}
      %dma_wait3A_175 = arith.constant 0 : i32
      %dma_wait3A_176 = tpu.memref_slice %arg8[%run_scoped3A_162, %dma_wait3A_175] : memref<2x128xi32, #tpu.memory_space<vmem>> -> memref<1x128xi32, #tpu.memory_space<vmem>>
      %dma_wait3A_177 = tpu.memref_squeeze %dma_wait3A_176 : memref<1x128xi32, #tpu.memory_space<vmem>> -> memref<128xi32, #tpu.memory_space<vmem>>
      %dma_wait3A_178 = arith.constant 0 : i32
      %dma_wait3A_179 = arith.constant 0 : i32
      %dma_wait3A_180 = tpu.memref_slice %arg11[%dma_wait3A_178, %dma_wait3A_179] : memref<10112x128xf32, #tpu.memory_space<vmem_shared>> -> memref<10112x128xf32, #tpu.memory_space<vmem_shared>>
      tpu.wait_indirect_dma semaphore(%run_scoped3A_168 : memref<!tpu.dma_semaphore, #tpu.memory_space<semaphore_mem>>) src(%arg10 : memref<128x128xf32, #tpu.memory_space<vmem>>) dst(%dma_wait3A_180 : memref<10112x128xf32, #tpu.memory_space<vmem_shared>>)
      tpu.yield
    }) : () -> ()
    %barrier3A_163 = arith.constant 0 : index
    tpu.barrier barrier_id(%barrier3A_163)
    %mul3A_164 = arith.constant 632 : i32
    %mul3A_165 = arith.muli %arg1, %mul3A_164 : i32
    %mul3A_166 = arith.constant 632 : i32
    %mul3A_167 = arith.muli %arg1, %mul3A_166 : i32
    "tpu.region"() ({
      %run_scoped3A_168 = tpu.sem_alloc : memref<!tpu.dma_semaphore, #tpu.memory_space<semaphore_mem>>
      %dma_start3A_169 = arith.constant 0 : i32
      %dma_start3A_170 = tpu.memref_slice %arg4[%arg0, %mul3A_167, %dma_start3A_169] : memref<2x10112x128xf32, #tpu.memory_space<hbm>> -> memref<1x632x128xf32, #tpu.memory_space<hbm>>
      %dma_start3A_171 = tpu.memref_squeeze %dma_start3A_170 : memref<1x632x128xf32, #tpu.memory_space<hbm>> -> memref<632x128xf32, #tpu.memory_space<hbm>>
      %dma_start3A_172 = arith.constant 0 : i32
      %dma_start3A_173 = tpu.memref_slice %arg11[%mul3A_165, %dma_start3A_172] : memref<10112x128xf32, #tpu.memory_space<vmem_shared>> -> memref<632x128xf32, #tpu.memory_space<vmem_shared>>
      tpu.enqueue_dma source(%dma_start3A_173 : memref<632x128xf32, #tpu.memory_space<vmem_shared>>) target(%dma_start3A_171 : memref<632x128xf32, #tpu.memory_space<hbm>>) target_semaphore(%run_scoped3A_168 : memref<!tpu.dma_semaphore, #tpu.memory_space<semaphore_mem>>)
      %dma_wait3A_174 = arith.constant 0 : i32
      %dma_wait3A_175 = tpu.memref_slice %arg4[%arg0, %mul3A_167, %dma_wait3A_174] : memref<2x10112x128xf32, #tpu.memory_space<hbm>> -> memref<1x632x128xf32, #tpu.memory_space<hbm>>
      %dma_wait3A_176 = tpu.memref_squeeze %dma_wait3A_175 : memref<1x632x128xf32, #tpu.memory_space<hbm>> -> memref<632x128xf32, #tpu.memory_space<hbm>>
      %dma_wait3A_177 = arith.constant 0 : i32
      %dma_wait3A_178 = tpu.memref_slice %arg11[%mul3A_165, %dma_wait3A_177] : memref<10112x128xf32, #tpu.memory_space<vmem_shared>> -> memref<632x128xf32, #tpu.memory_space<vmem_shared>>
      tpu.wait_dma2 semaphore(%run_scoped3A_168 : memref<!tpu.dma_semaphore, #tpu.memory_space<semaphore_mem>>) src(%dma_wait3A_178 : memref<632x128xf32, #tpu.memory_space<vmem_shared>>) dst(%dma_wait3A_176 : memref<632x128xf32, #tpu.memory_space<hbm>>)
      tpu.yield
    }) : () -> ()
    return
  }
}

#map = affine_map<(d0, d1) -> (0, 0)>
#map1 = affine_map<(d0, d1) -> (0, 0, 0, 0)>
#map2 = affine_map<(d0, d1) -> (0, 0, 0)>
module attributes {stable_mosaic.version = 14 : i64} {
  func.func @_sc_prop_body(%arg0: i32, %arg1: i32, %arg2: memref<10000x128xf32, #tpu.memory_space<hbm>>, %arg3: memref<32x80x2x128xi32, #tpu.memory_space<hbm>>, %arg4: memref<2x10112x128xf32, #tpu.memory_space<hbm>>, %arg5: memref<2x128xi32, #tpu.memory_space<vmem>>, %arg6: memref<2x128xi32, #tpu.memory_space<vmem>>, %arg7: memref<2x128xi32, #tpu.memory_space<vmem>>, %arg8: memref<2x128xi32, #tpu.memory_space<vmem>>, %arg9: memref<128x128xf32, #tpu.memory_space<vmem>>, %arg10: memref<128x128xf32, #tpu.memory_space<vmem>>, %arg11: memref<10112x128xf32, #tpu.memory_space<vmem_shared>>, %arg12: memref<!tpu.dma_semaphore, #tpu.memory_space<semaphore_mem>>, %arg13: memref<!tpu.dma_semaphore, #tpu.memory_space<semaphore_mem>>, %arg14: memref<!tpu.dma_semaphore, #tpu.memory_space<semaphore_mem>>, %arg15: memref<!tpu.dma_semaphore, #tpu.memory_space<semaphore_mem>>, %arg16: memref<!tpu.dma_semaphore, #tpu.memory_space<semaphore_mem>>, %arg17: memref<!tpu.dma_semaphore, #tpu.memory_space<semaphore_mem>>) attributes {dimension_semantics = [#tpu.dimension_semantics<core_parallel>, #tpu.dimension_semantics<subcore_parallel>], iteration_bounds = array<i64: 2, 16>, scalar_prefetch = 0 : i64, scratch_operands = 13 : i64, tpu.core_type = #tpu.core_type<sc_vector_subcore>, window_params = [{transform_indices = #map}, {transform_indices = #map1}, {transform_indices = #map2}]} {
    %mul3A = arith.constant 16 : i32
    %mul3A_0 = arith.muli %arg0, %mul3A : i32
    %add3A = arith.addi %mul3A_0, %arg1 : i32
    %scan3A = arith.constant 0 : i32
    %scan3A_1 = arith.constant 0 : i32
    %scan3A_2 = arith.constant 128 : i32
    %scan3A_3 = arith.addi %scan3A_1, %scan3A_2 : i32
    %scan3A_4 = arith.constant 1 : i32
    %scan3A_5 = scf.for %scan3A_168 = %scan3A_1 to %scan3A_3 step %scan3A_4 iter_args(%scan3A_169 = %scan3A) -> (i32)  : i32 {
      %broadcast_in_dim3A = arith.constant 0.000000e+00 : f32
      %broadcast_in_dim3A_170 = vector.broadcast %broadcast_in_dim3A : f32 to vector<16xf32>
      %swap3A = arith.index_cast %scan3A_168 : i32 to index
      %swap3A_171 = arith.constant 0 : index
      %swap3A_172 = tpu.vector_load %arg9[%swap3A, %swap3A_171] {strides = array<i32>} : memref<128x128xf32, #tpu.memory_space<vmem>>, vector<1x16xf32>,
      %swap3A_173 = vector.shape_cast %swap3A_172 : vector<1x16xf32> to vector<16xf32>
      %swap3A_174 = vector.shape_cast %broadcast_in_dim3A_170 : vector<16xf32> to vector<1x16xf32>
      tpu.vector_store %arg9[%swap3A, %swap3A_171], %swap3A_174 {strides = array<i32>} : memref<128x128xf32, #tpu.memory_space<vmem>>, vector<1x16xf32>,
      %broadcast_in_dim3A_175 = arith.constant 0.000000e+00 : f32
      %broadcast_in_dim3A_176 = vector.broadcast %broadcast_in_dim3A_175 : f32 to vector<16xf32>
      %swap3A_177 = arith.index_cast %scan3A_168 : i32 to index
      %swap3A_178 = arith.constant 16 : index
      %swap3A_179 = tpu.vector_load %arg9[%swap3A_177, %swap3A_178] {strides = array<i32>} : memref<128x128xf32, #tpu.memory_space<vmem>>, vector<1x16xf32>,
      %swap3A_180 = vector.shape_cast %swap3A_179 : vector<1x16xf32> to vector<16xf32>
      %swap3A_181 = vector.shape_cast %broadcast_in_dim3A_176 : vector<16xf32> to vector<1x16xf32>
      tpu.vector_store %arg9[%swap3A_177, %swap3A_178], %swap3A_181 {strides = array<i32>} : memref<128x128xf32, #tpu.memory_space<vmem>>, vector<1x16xf32>,
      %broadcast_in_dim3A_182 = arith.constant 0.000000e+00 : f32
      %broadcast_in_dim3A_183 = vector.broadcast %broadcast_in_dim3A_182 : f32 to vector<16xf32>
      %swap3A_184 = arith.index_cast %scan3A_168 : i32 to index
      %swap3A_185 = arith.constant 32 : index
      %swap3A_186 = tpu.vector_load %arg9[%swap3A_184, %swap3A_185] {strides = array<i32>} : memref<128x128xf32, #tpu.memory_space<vmem>>, vector<1x16xf32>,
      %swap3A_187 = vector.shape_cast %swap3A_186 : vector<1x16xf32> to vector<16xf32>
      %swap3A_188 = vector.shape_cast %broadcast_in_dim3A_183 : vector<16xf32> to vector<1x16xf32>
      tpu.vector_store %arg9[%swap3A_184, %swap3A_185], %swap3A_188 {strides = array<i32>} : memref<128x128xf32, #tpu.memory_space<vmem>>, vector<1x16xf32>,
      %broadcast_in_dim3A_189 = arith.constant 0.000000e+00 : f32
      %broadcast_in_dim3A_190 = vector.broadcast %broadcast_in_dim3A_189 : f32 to vector<16xf32>
      %swap3A_191 = arith.index_cast %scan3A_168 : i32 to index
      %swap3A_192 = arith.constant 48 : index
      %swap3A_193 = tpu.vector_load %arg9[%swap3A_191, %swap3A_192] {strides = array<i32>} : memref<128x128xf32, #tpu.memory_space<vmem>>, vector<1x16xf32>,
      %swap3A_194 = vector.shape_cast %swap3A_193 : vector<1x16xf32> to vector<16xf32>
      %swap3A_195 = vector.shape_cast %broadcast_in_dim3A_190 : vector<16xf32> to vector<1x16xf32>
      tpu.vector_store %arg9[%swap3A_191, %swap3A_192], %swap3A_195 {strides = array<i32>} : memref<128x128xf32, #tpu.memory_space<vmem>>, vector<1x16xf32>,
      %broadcast_in_dim3A_196 = arith.constant 0.000000e+00 : f32
      %broadcast_in_dim3A_197 = vector.broadcast %broadcast_in_dim3A_196 : f32 to vector<16xf32>
      %swap3A_198 = arith.index_cast %scan3A_168 : i32 to index
      %swap3A_199 = arith.constant 64 : index
      %swap3A_200 = tpu.vector_load %arg9[%swap3A_198, %swap3A_199] {strides = array<i32>} : memref<128x128xf32, #tpu.memory_space<vmem>>, vector<1x16xf32>,
      %swap3A_201 = vector.shape_cast %swap3A_200 : vector<1x16xf32> to vector<16xf32>
      %swap3A_202 = vector.shape_cast %broadcast_in_dim3A_197 : vector<16xf32> to vector<1x16xf32>
      tpu.vector_store %arg9[%swap3A_198, %swap3A_199], %swap3A_202 {strides = array<i32>} : memref<128x128xf32, #tpu.memory_space<vmem>>, vector<1x16xf32>,
      %broadcast_in_dim3A_203 = arith.constant 0.000000e+00 : f32
      %broadcast_in_dim3A_204 = vector.broadcast %broadcast_in_dim3A_203 : f32 to vector<16xf32>
      %swap3A_205 = arith.index_cast %scan3A_168 : i32 to index
      %swap3A_206 = arith.constant 80 : index
      %swap3A_207 = tpu.vector_load %arg9[%swap3A_205, %swap3A_206] {strides = array<i32>} : memref<128x128xf32, #tpu.memory_space<vmem>>, vector<1x16xf32>,
      %swap3A_208 = vector.shape_cast %swap3A_207 : vector<1x16xf32> to vector<16xf32>
      %swap3A_209 = vector.shape_cast %broadcast_in_dim3A_204 : vector<16xf32> to vector<1x16xf32>
      tpu.vector_store %arg9[%swap3A_205, %swap3A_206], %swap3A_209 {strides = array<i32>} : memref<128x128xf32, #tpu.memory_space<vmem>>, vector<1x16xf32>,
      %broadcast_in_dim3A_210 = arith.constant 0.000000e+00 : f32
      %broadcast_in_dim3A_211 = vector.broadcast %broadcast_in_dim3A_210 : f32 to vector<16xf32>
      %swap3A_212 = arith.index_cast %scan3A_168 : i32 to index
      %swap3A_213 = arith.constant 96 : index
      %swap3A_214 = tpu.vector_load %arg9[%swap3A_212, %swap3A_213] {strides = array<i32>} : memref<128x128xf32, #tpu.memory_space<vmem>>, vector<1x16xf32>,
      %swap3A_215 = vector.shape_cast %swap3A_214 : vector<1x16xf32> to vector<16xf32>
      %swap3A_216 = vector.shape_cast %broadcast_in_dim3A_211 : vector<16xf32> to vector<1x16xf32>
      tpu.vector_store %arg9[%swap3A_212, %swap3A_213], %swap3A_216 {strides = array<i32>} : memref<128x128xf32, #tpu.memory_space<vmem>>, vector<1x16xf32>,
      %broadcast_in_dim3A_217 = arith.constant 0.000000e+00 : f32
      %broadcast_in_dim3A_218 = vector.broadcast %broadcast_in_dim3A_217 : f32 to vector<16xf32>
      %swap3A_219 = arith.index_cast %scan3A_168 : i32 to index
      %swap3A_220 = arith.constant 112 : index
      %swap3A_221 = tpu.vector_load %arg9[%swap3A_219, %swap3A_220] {strides = array<i32>} : memref<128x128xf32, #tpu.memory_space<vmem>>, vector<1x16xf32>,
      %swap3A_222 = vector.shape_cast %swap3A_221 : vector<1x16xf32> to vector<16xf32>
      %swap3A_223 = vector.shape_cast %broadcast_in_dim3A_218 : vector<16xf32> to vector<1x16xf32>
      tpu.vector_store %arg9[%swap3A_219, %swap3A_220], %swap3A_223 {strides = array<i32>} : memref<128x128xf32, #tpu.memory_space<vmem>>, vector<1x16xf32>,
      %scan3A_224 = arith.constant 0 : i32
      scf.yield %scan3A_224 : i32
    }
    %scan3A_6 = arith.constant 128 : i32
    %mul3A_7 = arith.constant 632 : i32
    %mul3A_8 = arith.muli %arg1, %mul3A_7 : i32
    %add3A_9 = arith.constant 0 : i32
    %add3A_10 = arith.addi %mul3A_8, %add3A_9 : i32
    "tpu.region"() ({
      %run_scoped3A_168 = tpu.sem_alloc : memref<!tpu.dma_semaphore, #tpu.memory_space<semaphore_mem>>
      %dma_start3A_169 = arith.constant 0 : i32
      %dma_start3A_170 = tpu.memref_slice %arg11[%add3A_10, %dma_start3A_169] : memref<10112x128xf32, #tpu.memory_space<vmem_shared>> -> memref<128x128xf32, #tpu.memory_space<vmem_shared>>
      %dma_start3A_171 = arith.constant 0 : i32
      %dma_start3A_172 = tpu.memref_slice %arg11[%add3A_10, %dma_start3A_171] : memref<10112x128xf32, #tpu.memory_space<vmem_shared>> -> memref<128x128xf32, #tpu.memory_space<vmem_shared>>
      tpu.enqueue_dma source(%arg9 : memref<128x128xf32, #tpu.memory_space<vmem>>) target(%dma_start3A_172 : memref<128x128xf32, #tpu.memory_space<vmem_shared>>) target_semaphore(%run_scoped3A_168 : memref<!tpu.dma_semaphore, #tpu.memory_space<semaphore_mem>>)
      %dma_wait3A_173 = arith.constant 0 : i32
      %dma_wait3A_174 = tpu.memref_slice %arg11[%add3A_10, %dma_wait3A_173] : memref<10112x128xf32, #tpu.memory_space<vmem_shared>> -> memref<128x128xf32, #tpu.memory_space<vmem_shared>>
      %dma_wait3A_175 = arith.constant 0 : i32
      %dma_wait3A_176 = tpu.memref_slice %arg11[%add3A_10, %dma_wait3A_175] : memref<10112x128xf32, #tpu.memory_space<vmem_shared>> -> memref<128x128xf32, #tpu.memory_space<vmem_shared>>
      tpu.wait_dma2 semaphore(%run_scoped3A_168 : memref<!tpu.dma_semaphore, #tpu.memory_space<semaphore_mem>>) src(%arg9 : memref<128x128xf32, #tpu.memory_space<vmem>>) dst(%dma_wait3A_176 : memref<128x128xf32, #tpu.memory_space<vmem_shared>>)
      tpu.yield
    }) : () -> ()
    %mul3A_11 = arith.constant 632 : i32
    %mul3A_12 = arith.muli %arg1, %mul3A_11 : i32
    %add3A_13 = arith.constant 128 : i32
    %add3A_14 = arith.addi %mul3A_12, %add3A_13 : i32
    "tpu.region"() ({
      %run_scoped3A_168 = tpu.sem_alloc : memref<!tpu.dma_semaphore, #tpu.memory_space<semaphore_mem>>
      %dma_start3A_169 = arith.constant 0 : i32
      %dma_start3A_170 = tpu.memref_slice %arg11[%add3A_14, %dma_start3A_169] : memref<10112x128xf32, #tpu.memory_space<vmem_shared>> -> memref<128x128xf32, #tpu.memory_space<vmem_shared>>
      %dma_start3A_171 = arith.constant 0 : i32
      %dma_start3A_172 = tpu.memref_slice %arg11[%add3A_14, %dma_start3A_171] : memref<10112x128xf32, #tpu.memory_space<vmem_shared>> -> memref<128x128xf32, #tpu.memory_space<vmem_shared>>
      tpu.enqueue_dma source(%arg9 : memref<128x128xf32, #tpu.memory_space<vmem>>) target(%dma_start3A_172 : memref<128x128xf32, #tpu.memory_space<vmem_shared>>) target_semaphore(%run_scoped3A_168 : memref<!tpu.dma_semaphore, #tpu.memory_space<semaphore_mem>>)
      %dma_wait3A_173 = arith.constant 0 : i32
      %dma_wait3A_174 = tpu.memref_slice %arg11[%add3A_14, %dma_wait3A_173] : memref<10112x128xf32, #tpu.memory_space<vmem_shared>> -> memref<128x128xf32, #tpu.memory_space<vmem_shared>>
      %dma_wait3A_175 = arith.constant 0 : i32
      %dma_wait3A_176 = tpu.memref_slice %arg11[%add3A_14, %dma_wait3A_175] : memref<10112x128xf32, #tpu.memory_space<vmem_shared>> -> memref<128x128xf32, #tpu.memory_space<vmem_shared>>
      tpu.wait_dma2 semaphore(%run_scoped3A_168 : memref<!tpu.dma_semaphore, #tpu.memory_space<semaphore_mem>>) src(%arg9 : memref<128x128xf32, #tpu.memory_space<vmem>>) dst(%dma_wait3A_176 : memref<128x128xf32, #tpu.memory_space<vmem_shared>>)
      tpu.yield
    }) : () -> ()
    %mul3A_15 = arith.constant 632 : i32
    %mul3A_16 = arith.muli %arg1, %mul3A_15 : i32
    %add3A_17 = arith.constant 256 : i32
    %add3A_18 = arith.addi %mul3A_16, %add3A_17 : i32
    "tpu.region"() ({
      %run_scoped3A_168 = tpu.sem_alloc : memref<!tpu.dma_semaphore, #tpu.memory_space<semaphore_mem>>
      %dma_start3A_169 = arith.constant 0 : i32
      %dma_start3A_170 = tpu.memref_slice %arg11[%add3A_18, %dma_start3A_169] : memref<10112x128xf32, #tpu.memory_space<vmem_shared>> -> memref<128x128xf32, #tpu.memory_space<vmem_shared>>
      %dma_start3A_171 = arith.constant 0 : i32
      %dma_start3A_172 = tpu.memref_slice %arg11[%add3A_18, %dma_start3A_171] : memref<10112x128xf32, #tpu.memory_space<vmem_shared>> -> memref<128x128xf32, #tpu.memory_space<vmem_shared>>
      tpu.enqueue_dma source(%arg9 : memref<128x128xf32, #tpu.memory_space<vmem>>) target(%dma_start3A_172 : memref<128x128xf32, #tpu.memory_space<vmem_shared>>) target_semaphore(%run_scoped3A_168 : memref<!tpu.dma_semaphore, #tpu.memory_space<semaphore_mem>>)
      %dma_wait3A_173 = arith.constant 0 : i32
      %dma_wait3A_174 = tpu.memref_slice %arg11[%add3A_18, %dma_wait3A_173] : memref<10112x128xf32, #tpu.memory_space<vmem_shared>> -> memref<128x128xf32, #tpu.memory_space<vmem_shared>>
      %dma_wait3A_175 = arith.constant 0 : i32
      %dma_wait3A_176 = tpu.memref_slice %arg11[%add3A_18, %dma_wait3A_175] : memref<10112x128xf32, #tpu.memory_space<vmem_shared>> -> memref<128x128xf32, #tpu.memory_space<vmem_shared>>
      tpu.wait_dma2 semaphore(%run_scoped3A_168 : memref<!tpu.dma_semaphore, #tpu.memory_space<semaphore_mem>>) src(%arg9 : memref<128x128xf32, #tpu.memory_space<vmem>>) dst(%dma_wait3A_176 : memref<128x128xf32, #tpu.memory_space<vmem_shared>>)
      tpu.yield
    }) : () -> ()
    %mul3A_19 = arith.constant 632 : i32
    %mul3A_20 = arith.muli %arg1, %mul3A_19 : i32
    %add3A_21 = arith.constant 384 : i32
    %add3A_22 = arith.addi %mul3A_20, %add3A_21 : i32
    "tpu.region"() ({
      %run_scoped3A_168 = tpu.sem_alloc : memref<!tpu.dma_semaphore, #tpu.memory_space<semaphore_mem>>
      %dma_start3A_169 = arith.constant 0 : i32
      %dma_start3A_170 = tpu.memref_slice %arg11[%add3A_22, %dma_start3A_169] : memref<10112x128xf32, #tpu.memory_space<vmem_shared>> -> memref<128x128xf32, #tpu.memory_space<vmem_shared>>
      %dma_start3A_171 = arith.constant 0 : i32
      %dma_start3A_172 = tpu.memref_slice %arg11[%add3A_22, %dma_start3A_171] : memref<10112x128xf32, #tpu.memory_space<vmem_shared>> -> memref<128x128xf32, #tpu.memory_space<vmem_shared>>
      tpu.enqueue_dma source(%arg9 : memref<128x128xf32, #tpu.memory_space<vmem>>) target(%dma_start3A_172 : memref<128x128xf32, #tpu.memory_space<vmem_shared>>) target_semaphore(%run_scoped3A_168 : memref<!tpu.dma_semaphore, #tpu.memory_space<semaphore_mem>>)
      %dma_wait3A_173 = arith.constant 0 : i32
      %dma_wait3A_174 = tpu.memref_slice %arg11[%add3A_22, %dma_wait3A_173] : memref<10112x128xf32, #tpu.memory_space<vmem_shared>> -> memref<128x128xf32, #tpu.memory_space<vmem_shared>>
      %dma_wait3A_175 = arith.constant 0 : i32
      %dma_wait3A_176 = tpu.memref_slice %arg11[%add3A_22, %dma_wait3A_175] : memref<10112x128xf32, #tpu.memory_space<vmem_shared>> -> memref<128x128xf32, #tpu.memory_space<vmem_shared>>
      tpu.wait_dma2 semaphore(%run_scoped3A_168 : memref<!tpu.dma_semaphore, #tpu.memory_space<semaphore_mem>>) src(%arg9 : memref<128x128xf32, #tpu.memory_space<vmem>>) dst(%dma_wait3A_176 : memref<128x128xf32, #tpu.memory_space<vmem_shared>>)
      tpu.yield
    }) : () -> ()
    %mul3A_23 = arith.constant 632 : i32
    %mul3A_24 = arith.muli %arg1, %mul3A_23 : i32
    %add3A_25 = arith.constant 512 : i32
    %add3A_26 = arith.addi %mul3A_24, %add3A_25 : i32
    "tpu.region"() ({
      %run_scoped3A_168 = tpu.sem_alloc : memref<!tpu.dma_semaphore, #tpu.memory_space<semaphore_mem>>
      %dma_start3A_169 = arith.constant 0 : i32
      %dma_start3A_170 = arith.constant 0 : i32
      %dma_start3A_171 = tpu.memref_slice %arg9[%dma_start3A_169, %dma_start3A_170] : memref<128x128xf32, #tpu.memory_space<vmem>> -> memref<120x128xf32, #tpu.memory_space<vmem>>
      %dma_start3A_172 = arith.constant 0 : i32
      %dma_start3A_173 = tpu.memref_slice %arg11[%add3A_26, %dma_start3A_172] : memref<10112x128xf32, #tpu.memory_space<vmem_shared>> -> memref<120x128xf32, #tpu.memory_space<vmem_shared>>
      %dma_start3A_174 = arith.constant 0 : i32
      %dma_start3A_175 = tpu.memref_slice %arg11[%add3A_26, %dma_start3A_174] : memref<10112x128xf32, #tpu.memory_space<vmem_shared>> -> memref<120x128xf32, #tpu.memory_space<vmem_shared>>
      %dma_start3A_176 = arith.constant 0 : i32
      %dma_start3A_177 = arith.constant 0 : i32
      %dma_start3A_178 = tpu.memref_slice %arg9[%dma_start3A_176, %dma_start3A_177] : memref<128x128xf32, #tpu.memory_space<vmem>> -> memref<120x128xf32, #tpu.memory_space<vmem>>
      tpu.enqueue_dma source(%dma_start3A_178 : memref<120x128xf32, #tpu.memory_space<vmem>>) target(%dma_start3A_175 : memref<120x128xf32, #tpu.memory_space<vmem_shared>>) target_semaphore(%run_scoped3A_168 : memref<!tpu.dma_semaphore, #tpu.memory_space<semaphore_mem>>)
      %dma_wait3A_179 = arith.constant 0 : i32
      %dma_wait3A_180 = arith.constant 0 : i32
      %dma_wait3A_181 = tpu.memref_slice %arg9[%dma_wait3A_179, %dma_wait3A_180] : memref<128x128xf32, #tpu.memory_space<vmem>> -> memref<120x128xf32, #tpu.memory_space<vmem>>
      %dma_wait3A_182 = arith.constant 0 : i32
      %dma_wait3A_183 = tpu.memref_slice %arg11[%add3A_26, %dma_wait3A_182] : memref<10112x128xf32, #tpu.memory_space<vmem_shared>> -> memref<120x128xf32, #tpu.memory_space<vmem_shared>>
      %dma_wait3A_184 = arith.constant 0 : i32
      %dma_wait3A_185 = tpu.memref_slice %arg11[%add3A_26, %dma_wait3A_184] : memref<10112x128xf32, #tpu.memory_space<vmem_shared>> -> memref<120x128xf32, #tpu.memory_space<vmem_shared>>
      %dma_wait3A_186 = arith.constant 0 : i32
      %dma_wait3A_187 = arith.constant 0 : i32
      %dma_wait3A_188 = tpu.memref_slice %arg9[%dma_wait3A_186, %dma_wait3A_187] : memref<128x128xf32, #tpu.memory_space<vmem>> -> memref<120x128xf32, #tpu.memory_space<vmem>>
      tpu.wait_dma2 semaphore(%run_scoped3A_168 : memref<!tpu.dma_semaphore, #tpu.memory_space<semaphore_mem>>) src(%dma_wait3A_188 : memref<120x128xf32, #tpu.memory_space<vmem>>) dst(%dma_wait3A_185 : memref<120x128xf32, #tpu.memory_space<vmem_shared>>)
      tpu.yield
    }) : () -> ()
    %barrier3A = arith.constant 0 : index
    tpu.barrier barrier_id(%barrier3A)
    %dma_start3A = arith.constant 0 : i32
    %dma_start3A_27 = arith.constant 0 : i32
    %dma_start3A_28 = arith.constant 0 : i32
    %dma_start3A_29 = tpu.memref_slice %arg3[%add3A, %dma_start3A, %dma_start3A_27, %dma_start3A_28] : memref<32x80x2x128xi32, #tpu.memory_space<hbm>> -> memref<1x1x2x128xi32, #tpu.memory_space<hbm>>
    %dma_start3A_30 = tpu.memref_squeeze %dma_start3A_29 : memref<1x1x2x128xi32, #tpu.memory_space<hbm>> -> memref<2x128xi32, #tpu.memory_space<hbm>>
    %dma_start3A_31 = arith.constant 0 : i32
    %dma_start3A_32 = arith.constant 0 : i32
    %dma_start3A_33 = tpu.memref_slice %arg3[%add3A, %dma_start3A, %dma_start3A_31, %dma_start3A_32] : memref<32x80x2x128xi32, #tpu.memory_space<hbm>> -> memref<1x1x2x128xi32, #tpu.memory_space<hbm>>
    %dma_start3A_34 = tpu.memref_squeeze %dma_start3A_33 : memref<1x1x2x128xi32, #tpu.memory_space<hbm>> -> memref<2x128xi32, #tpu.memory_space<hbm>>
    tpu.enqueue_dma source(%dma_start3A_34 : memref<2x128xi32, #tpu.memory_space<hbm>>) target(%arg5 : memref<2x128xi32, #tpu.memory_space<vmem>>) target_semaphore(%arg14 : memref<!tpu.dma_semaphore, #tpu.memory_space<semaphore_mem>>)
    %dma_start3A_35 = arith.constant 1 : i32
    %dma_start3A_36 = arith.constant 0 : i32
    %dma_start3A_37 = arith.constant 0 : i32
    %dma_start3A_38 = tpu.memref_slice %arg3[%add3A, %dma_start3A_35, %dma_start3A_36, %dma_start3A_37] : memref<32x80x2x128xi32, #tpu.memory_space<hbm>> -> memref<1x1x2x128xi32, #tpu.memory_space<hbm>>
    %dma_start3A_39 = tpu.memref_squeeze %dma_start3A_38 : memref<1x1x2x128xi32, #tpu.memory_space<hbm>> -> memref<2x128xi32, #tpu.memory_space<hbm>>
    %dma_start3A_40 = arith.constant 0 : i32
    %dma_start3A_41 = arith.constant 0 : i32
    %dma_start3A_42 = tpu.memref_slice %arg3[%add3A, %dma_start3A_35, %dma_start3A_40, %dma_start3A_41] : memref<32x80x2x128xi32, #tpu.memory_space<hbm>> -> memref<1x1x2x128xi32, #tpu.memory_space<hbm>>
    %dma_start3A_43 = tpu.memref_squeeze %dma_start3A_42 : memref<1x1x2x128xi32, #tpu.memory_space<hbm>> -> memref<2x128xi32, #tpu.memory_space<hbm>>
    tpu.enqueue_dma source(%dma_start3A_43 : memref<2x128xi32, #tpu.memory_space<hbm>>) target(%arg6 : memref<2x128xi32, #tpu.memory_space<vmem>>) target_semaphore(%arg15 : memref<!tpu.dma_semaphore, #tpu.memory_space<semaphore_mem>>)
    %dma_wait3A = arith.constant 0 : i32
    %dma_wait3A_44 = arith.constant 0 : i32
    %dma_wait3A_45 = arith.constant 0 : i32
    %dma_wait3A_46 = tpu.memref_slice %arg3[%add3A, %dma_wait3A, %dma_wait3A_44, %dma_wait3A_45] : memref<32x80x2x128xi32, #tpu.memory_space<hbm>> -> memref<1x1x2x128xi32, #tpu.memory_space<hbm>>
    %dma_wait3A_47 = tpu.memref_squeeze %dma_wait3A_46 : memref<1x1x2x128xi32, #tpu.memory_space<hbm>> -> memref<2x128xi32, #tpu.memory_space<hbm>>
    %dma_wait3A_48 = arith.constant 0 : i32
    %dma_wait3A_49 = arith.constant 0 : i32
    %dma_wait3A_50 = tpu.memref_slice %arg3[%add3A, %dma_wait3A, %dma_wait3A_48, %dma_wait3A_49] : memref<32x80x2x128xi32, #tpu.memory_space<hbm>> -> memref<1x1x2x128xi32, #tpu.memory_space<hbm>>
    %dma_wait3A_51 = tpu.memref_squeeze %dma_wait3A_50 : memref<1x1x2x128xi32, #tpu.memory_space<hbm>> -> memref<2x128xi32, #tpu.memory_space<hbm>>
    tpu.wait_dma2 semaphore(%arg14 : memref<!tpu.dma_semaphore, #tpu.memory_space<semaphore_mem>>) src(%dma_wait3A_51 : memref<2x128xi32, #tpu.memory_space<hbm>>) dst(%arg5 : memref<2x128xi32, #tpu.memory_space<vmem>>)
    %dma_start3A_52 = arith.constant 0 : i32
    %dma_start3A_53 = arith.constant 0 : i32
    %dma_start3A_54 = tpu.memref_slice %arg5[%dma_start3A_52, %dma_start3A_53] : memref<2x128xi32, #tpu.memory_space<vmem>> -> memref<1x128xi32, #tpu.memory_space<vmem>>
    %dma_start3A_55 = tpu.memref_squeeze %dma_start3A_54 : memref<1x128xi32, #tpu.memory_space<vmem>> -> memref<128xi32, #tpu.memory_space<vmem>>
    %dma_start3A_56 = arith.constant 0 : i32
    %dma_start3A_57 = arith.constant 0 : i32
    %dma_start3A_58 = tpu.memref_slice %arg2[%dma_start3A_56, %dma_start3A_57] : memref<10000x128xf32, #tpu.memory_space<hbm>> -> memref<10000x128xf32, #tpu.memory_space<hbm>>
    tpu.enqueue_indirect_dma source(%dma_start3A_58 : memref<10000x128xf32, #tpu.memory_space<hbm>>) target(%arg9 : memref<128x128xf32, #tpu.memory_space<vmem>>) offsets(%dma_start3A_55 : memref<128xi32, #tpu.memory_space<vmem>>) semaphore(%arg12 : memref<!tpu.dma_semaphore, #tpu.memory_space<semaphore_mem>>)
    %dma_wait3A_59 = arith.constant 1 : i32
    %dma_wait3A_60 = arith.constant 0 : i32
    %dma_wait3A_61 = arith.constant 0 : i32
    %dma_wait3A_62 = tpu.memref_slice %arg3[%add3A, %dma_wait3A_59, %dma_wait3A_60, %dma_wait3A_61] : memref<32x80x2x128xi32, #tpu.memory_space<hbm>> -> memref<1x1x2x128xi32, #tpu.memory_space<hbm>>
    %dma_wait3A_63 = tpu.memref_squeeze %dma_wait3A_62 : memref<1x1x2x128xi32, #tpu.memory_space<hbm>> -> memref<2x128xi32, #tpu.memory_space<hbm>>
    %dma_wait3A_64 = arith.constant 0 : i32
    %dma_wait3A_65 = arith.constant 0 : i32
    %dma_wait3A_66 = tpu.memref_slice %arg3[%add3A, %dma_wait3A_59, %dma_wait3A_64, %dma_wait3A_65] : memref<32x80x2x128xi32, #tpu.memory_space<hbm>> -> memref<1x1x2x128xi32, #tpu.memory_space<hbm>>
    %dma_wait3A_67 = tpu.memref_squeeze %dma_wait3A_66 : memref<1x1x2x128xi32, #tpu.memory_space<hbm>> -> memref<2x128xi32, #tpu.memory_space<hbm>>
    tpu.wait_dma2 semaphore(%arg15 : memref<!tpu.dma_semaphore, #tpu.memory_space<semaphore_mem>>) src(%dma_wait3A_67 : memref<2x128xi32, #tpu.memory_space<hbm>>) dst(%arg6 : memref<2x128xi32, #tpu.memory_space<vmem>>)
    %dma_start3A_68 = arith.constant 0 : i32
    %dma_start3A_69 = arith.constant 0 : i32
    %dma_start3A_70 = tpu.memref_slice %arg6[%dma_start3A_68, %dma_start3A_69] : memref<2x128xi32, #tpu.memory_space<vmem>> -> memref<1x128xi32, #tpu.memory_space<vmem>>
    %dma_start3A_71 = tpu.memref_squeeze %dma_start3A_70 : memref<1x128xi32, #tpu.memory_space<vmem>> -> memref<128xi32, #tpu.memory_space<vmem>>
    %dma_start3A_72 = arith.constant 0 : i32
    %dma_start3A_73 = arith.constant 0 : i32
    %dma_start3A_74 = tpu.memref_slice %arg2[%dma_start3A_72, %dma_start3A_73] : memref<10000x128xf32, #tpu.memory_space<hbm>> -> memref<10000x128xf32, #tpu.memory_space<hbm>>
    tpu.enqueue_indirect_dma source(%dma_start3A_74 : memref<10000x128xf32, #tpu.memory_space<hbm>>) target(%arg10 : memref<128x128xf32, #tpu.memory_space<vmem>>) offsets(%dma_start3A_71 : memref<128xi32, #tpu.memory_space<vmem>>) semaphore(%arg13 : memref<!tpu.dma_semaphore, #tpu.memory_space<semaphore_mem>>)
    %dma_start3A_75 = arith.constant 2 : i32
    %dma_start3A_76 = arith.constant 0 : i32
    %dma_start3A_77 = arith.constant 0 : i32
    %dma_start3A_78 = tpu.memref_slice %arg3[%add3A, %dma_start3A_75, %dma_start3A_76, %dma_start3A_77] : memref<32x80x2x128xi32, #tpu.memory_space<hbm>> -> memref<1x1x2x128xi32, #tpu.memory_space<hbm>>
    %dma_start3A_79 = tpu.memref_squeeze %dma_start3A_78 : memref<1x1x2x128xi32, #tpu.memory_space<hbm>> -> memref<2x128xi32, #tpu.memory_space<hbm>>
    %dma_start3A_80 = arith.constant 0 : i32
    %dma_start3A_81 = arith.constant 0 : i32
    %dma_start3A_82 = tpu.memref_slice %arg3[%add3A, %dma_start3A_75, %dma_start3A_80, %dma_start3A_81] : memref<32x80x2x128xi32, #tpu.memory_space<hbm>> -> memref<1x1x2x128xi32, #tpu.memory_space<hbm>>
    %dma_start3A_83 = tpu.memref_squeeze %dma_start3A_82 : memref<1x1x2x128xi32, #tpu.memory_space<hbm>> -> memref<2x128xi32, #tpu.memory_space<hbm>>
    tpu.enqueue_dma source(%dma_start3A_83 : memref<2x128xi32, #tpu.memory_space<hbm>>) target(%arg7 : memref<2x128xi32, #tpu.memory_space<vmem>>) target_semaphore(%arg16 : memref<!tpu.dma_semaphore, #tpu.memory_space<semaphore_mem>>)
    %dma_start3A_84 = arith.constant 3 : i32
    %dma_start3A_85 = arith.constant 0 : i32
    %dma_start3A_86 = arith.constant 0 : i32
    %dma_start3A_87 = tpu.memref_slice %arg3[%add3A, %dma_start3A_84, %dma_start3A_85, %dma_start3A_86] : memref<32x80x2x128xi32, #tpu.memory_space<hbm>> -> memref<1x1x2x128xi32, #tpu.memory_space<hbm>>
    %dma_start3A_88 = tpu.memref_squeeze %dma_start3A_87 : memref<1x1x2x128xi32, #tpu.memory_space<hbm>> -> memref<2x128xi32, #tpu.memory_space<hbm>>
    %dma_start3A_89 = arith.constant 0 : i32
    %dma_start3A_90 = arith.constant 0 : i32
    %dma_start3A_91 = tpu.memref_slice %arg3[%add3A, %dma_start3A_84, %dma_start3A_89, %dma_start3A_90] : memref<32x80x2x128xi32, #tpu.memory_space<hbm>> -> memref<1x1x2x128xi32, #tpu.memory_space<hbm>>
    %dma_start3A_92 = tpu.memref_squeeze %dma_start3A_91 : memref<1x1x2x128xi32, #tpu.memory_space<hbm>> -> memref<2x128xi32, #tpu.memory_space<hbm>>
    tpu.enqueue_dma source(%dma_start3A_92 : memref<2x128xi32, #tpu.memory_space<hbm>>) target(%arg8 : memref<2x128xi32, #tpu.memory_space<vmem>>) target_semaphore(%arg17 : memref<!tpu.dma_semaphore, #tpu.memory_space<semaphore_mem>>)
    %scan3A_93 = arith.constant 0 : i32
    %scan3A_94 = arith.constant 0 : i32
    %scan3A_95 = arith.constant 19 : i32
    %scan3A_96 = arith.addi %scan3A_94, %scan3A_95 : i32
    %scan3A_97 = arith.constant 1 : i32
    %scan3A_98 = scf.for %scan3A_168 = %scan3A_94 to %scan3A_96 step %scan3A_97 iter_args(%scan3A_169 = %scan3A_93) -> (i32)  : i32 {
      %mul3A_170 = arith.constant 4 : i32
      %mul3A_171 = arith.muli %mul3A_170, %scan3A_168 : i32
      %dma_wait3A_172 = arith.constant 0 : i32
      %dma_wait3A_173 = arith.constant 0 : i32
      %dma_wait3A_174 = tpu.memref_slice %arg5[%dma_wait3A_172, %dma_wait3A_173] : memref<2x128xi32, #tpu.memory_space<vmem>> -> memref<1x128xi32, #tpu.memory_space<vmem>>
      %dma_wait3A_175 = tpu.memref_squeeze %dma_wait3A_174 : memref<1x128xi32, #tpu.memory_space<vmem>> -> memref<128xi32, #tpu.memory_space<vmem>>
      %dma_wait3A_176 = arith.constant 0 : i32
      %dma_wait3A_177 = arith.constant 0 : i32
      %dma_wait3A_178 = tpu.memref_slice %arg2[%dma_wait3A_176, %dma_wait3A_177] : memref<10000x128xf32, #tpu.memory_space<hbm>> -> memref<10000x128xf32, #tpu.memory_space<hbm>>
      tpu.wait_indirect_dma semaphore(%arg12 : memref<!tpu.dma_semaphore, #tpu.memory_space<semaphore_mem>>) src(%dma_wait3A_178 : memref<10000x128xf32, #tpu.memory_space<hbm>>) dst(%arg9 : memref<128x128xf32, #tpu.memory_space<vmem>>)
      %run_scoped3A_179 = arith.constant 1 : i32
      "tpu.region"() ({
        %run_scoped3A_313 = tpu.sem_alloc : memref<!tpu.dma_semaphore, #tpu.memory_space<semaphore_mem>>
        %dma_start3A_314 = arith.constant 0 : i32
        %dma_start3A_315 = tpu.memref_slice %arg5[%run_scoped3A_179, %dma_start3A_314] : memref<2x128xi32, #tpu.memory_space<vmem>> -> memref<1x128xi32, #tpu.memory_space<vmem>>
        %dma_start3A_316 = tpu.memref_squeeze %dma_start3A_315 : memref<1x128xi32, #tpu.memory_space<vmem>> -> memref<128xi32, #tpu.memory_space<vmem>>
        %dma_start3A_317 = arith.constant 0 : i32
        %dma_start3A_318 = arith.constant 0 : i32
        %dma_start3A_319 = tpu.memref_slice %arg11[%dma_start3A_317, %dma_start3A_318] : memref<10112x128xf32, #tpu.memory_space<vmem_shared>> -> memref<10112x128xf32, #tpu.memory_space<vmem_shared>>
        tpu.enqueue_indirect_dma source(%arg9 : memref<128x128xf32, #tpu.memory_space<vmem>>) target(%dma_start3A_319 : memref<10112x128xf32, #tpu.memory_space<vmem_shared>>) offsets(%dma_start3A_316 : memref<128xi32, #tpu.memory_space<vmem>>) semaphore(%run_scoped3A_313 : memref<!tpu.dma_semaphore, #tpu.memory_space<semaphore_mem>>) {add = true}
        %dma_wait3A_320 = arith.constant 0 : i32
        %dma_wait3A_321 = tpu.memref_slice %arg5[%run_scoped3A_179, %dma_wait3A_320] : memref<2x128xi32, #tpu.memory_space<vmem>> -> memref<1x128xi32, #tpu.memory_space<vmem>>
        %dma_wait3A_322 = tpu.memref_squeeze %dma_wait3A_321 : memref<1x128xi32, #tpu.memory_space<vmem>> -> memref<128xi32, #tpu.memory_space<vmem>>
        %dma_wait3A_323 = arith.constant 0 : i32
        %dma_wait3A_324 = arith.constant 0 : i32
        %dma_wait3A_325 = tpu.memref_slice %arg11[%dma_wait3A_323, %dma_wait3A_324] : memref<10112x128xf32, #tpu.memory_space<vmem_shared>> -> memref<10112x128xf32, #tpu.memory_space<vmem_shared>>
        tpu.wait_indirect_dma semaphore(%run_scoped3A_313 : memref<!tpu.dma_semaphore, #tpu.memory_space<semaphore_mem>>) src(%arg9 : memref<128x128xf32, #tpu.memory_space<vmem>>) dst(%dma_wait3A_325 : memref<10112x128xf32, #tpu.memory_space<vmem_shared>>)
        tpu.yield
      }) : () -> ()
      %add3A_180 = arith.constant 4 : i32
      %add3A_181 = arith.addi %mul3A_171, %add3A_180 : i32
      %dma_start3A_182 = arith.constant 0 : i32
      %dma_start3A_183 = arith.constant 0 : i32
      %dma_start3A_184 = tpu.memref_slice %arg3[%add3A, %add3A_181, %dma_start3A_182, %dma_start3A_183] : memref<32x80x2x128xi32, #tpu.memory_space<hbm>> -> memref<1x1x2x128xi32, #tpu.memory_space<hbm>>
      %dma_start3A_185 = tpu.memref_squeeze %dma_start3A_184 : memref<1x1x2x128xi32, #tpu.memory_space<hbm>> -> memref<2x128xi32, #tpu.memory_space<hbm>>
      %dma_start3A_186 = arith.constant 0 : i32
      %dma_start3A_187 = arith.constant 0 : i32
      %dma_start3A_188 = tpu.memref_slice %arg3[%add3A, %add3A_181, %dma_start3A_186, %dma_start3A_187] : memref<32x80x2x128xi32, #tpu.memory_space<hbm>> -> memref<1x1x2x128xi32, #tpu.memory_space<hbm>>
      %dma_start3A_189 = tpu.memref_squeeze %dma_start3A_188 : memref<1x1x2x128xi32, #tpu.memory_space<hbm>> -> memref<2x128xi32, #tpu.memory_space<hbm>>
      tpu.enqueue_dma source(%dma_start3A_189 : memref<2x128xi32, #tpu.memory_space<hbm>>) target(%arg5 : memref<2x128xi32, #tpu.memory_space<vmem>>) target_semaphore(%arg14 : memref<!tpu.dma_semaphore, #tpu.memory_space<semaphore_mem>>)
      %add3A_190 = arith.constant 2 : i32
      %add3A_191 = arith.addi %mul3A_171, %add3A_190 : i32
      %dma_wait3A_192 = arith.constant 0 : i32
      %dma_wait3A_193 = arith.constant 0 : i32
      %dma_wait3A_194 = tpu.memref_slice %arg3[%add3A, %add3A_191, %dma_wait3A_192, %dma_wait3A_193] : memref<32x80x2x128xi32, #tpu.memory_space<hbm>> -> memref<1x1x2x128xi32, #tpu.memory_space<hbm>>
      %dma_wait3A_195 = tpu.memref_squeeze %dma_wait3A_194 : memref<1x1x2x128xi32, #tpu.memory_space<hbm>> -> memref<2x128xi32, #tpu.memory_space<hbm>>
      %dma_wait3A_196 = arith.constant 0 : i32
      %dma_wait3A_197 = arith.constant 0 : i32
      %dma_wait3A_198 = tpu.memref_slice %arg3[%add3A, %add3A_191, %dma_wait3A_196, %dma_wait3A_197] : memref<32x80x2x128xi32, #tpu.memory_space<hbm>> -> memref<1x1x2x128xi32, #tpu.memory_space<hbm>>
      %dma_wait3A_199 = tpu.memref_squeeze %dma_wait3A_198 : memref<1x1x2x128xi32, #tpu.memory_space<hbm>> -> memref<2x128xi32, #tpu.memory_space<hbm>>
      tpu.wait_dma2 semaphore(%arg16 : memref<!tpu.dma_semaphore, #tpu.memory_space<semaphore_mem>>) src(%dma_wait3A_199 : memref<2x128xi32, #tpu.memory_space<hbm>>) dst(%arg7 : memref<2x128xi32, #tpu.memory_space<vmem>>)
      %dma_start3A_200 = arith.constant 0 : i32
      %dma_start3A_201 = arith.constant 0 : i32
      %dma_start3A_202 = tpu.memref_slice %arg7[%dma_start3A_200, %dma_start3A_201] : memref<2x128xi32, #tpu.memory_space<vmem>> -> memref<1x128xi32, #tpu.memory_space<vmem>>
      %dma_start3A_203 = tpu.memref_squeeze %dma_start3A_202 : memref<1x128xi32, #tpu.memory_space<vmem>> -> memref<128xi32, #tpu.memory_space<vmem>>
      %dma_start3A_204 = arith.constant 0 : i32
      %dma_start3A_205 = arith.constant 0 : i32
      %dma_start3A_206 = tpu.memref_slice %arg2[%dma_start3A_204, %dma_start3A_205] : memref<10000x128xf32, #tpu.memory_space<hbm>> -> memref<10000x128xf32, #tpu.memory_space<hbm>>
      tpu.enqueue_indirect_dma source(%dma_start3A_206 : memref<10000x128xf32, #tpu.memory_space<hbm>>) target(%arg9 : memref<128x128xf32, #tpu.memory_space<vmem>>) offsets(%dma_start3A_203 : memref<128xi32, #tpu.memory_space<vmem>>) semaphore(%arg12 : memref<!tpu.dma_semaphore, #tpu.memory_space<semaphore_mem>>)
      %dma_wait3A_207 = arith.constant 0 : i32
      %dma_wait3A_208 = arith.constant 0 : i32
      %dma_wait3A_209 = tpu.memref_slice %arg6[%dma_wait3A_207, %dma_wait3A_208] : memref<2x128xi32, #tpu.memory_space<vmem>> -> memref<1x128xi32, #tpu.memory_space<vmem>>
      %dma_wait3A_210 = tpu.memref_squeeze %dma_wait3A_209 : memref<1x128xi32, #tpu.memory_space<vmem>> -> memref<128xi32, #tpu.memory_space<vmem>>
      %dma_wait3A_211 = arith.constant 0 : i32
      %dma_wait3A_212 = arith.constant 0 : i32
      %dma_wait3A_213 = tpu.memref_slice %arg2[%dma_wait3A_211, %dma_wait3A_212] : memref<10000x128xf32, #tpu.memory_space<hbm>> -> memref<10000x128xf32, #tpu.memory_space<hbm>>
      tpu.wait_indirect_dma semaphore(%arg13 : memref<!tpu.dma_semaphore, #tpu.memory_space<semaphore_mem>>) src(%dma_wait3A_213 : memref<10000x128xf32, #tpu.memory_space<hbm>>) dst(%arg10 : memref<128x128xf32, #tpu.memory_space<vmem>>)
      %run_scoped3A_214 = arith.constant 1 : i32
      "tpu.region"() ({
        %run_scoped3A_313 = tpu.sem_alloc : memref<!tpu.dma_semaphore, #tpu.memory_space<semaphore_mem>>
        %dma_start3A_314 = arith.constant 0 : i32
        %dma_start3A_315 = tpu.memref_slice %arg6[%run_scoped3A_214, %dma_start3A_314] : memref<2x128xi32, #tpu.memory_space<vmem>> -> memref<1x128xi32, #tpu.memory_space<vmem>>
        %dma_start3A_316 = tpu.memref_squeeze %dma_start3A_315 : memref<1x128xi32, #tpu.memory_space<vmem>> -> memref<128xi32, #tpu.memory_space<vmem>>
        %dma_start3A_317 = arith.constant 0 : i32
        %dma_start3A_318 = arith.constant 0 : i32
        %dma_start3A_319 = tpu.memref_slice %arg11[%dma_start3A_317, %dma_start3A_318] : memref<10112x128xf32, #tpu.memory_space<vmem_shared>> -> memref<10112x128xf32, #tpu.memory_space<vmem_shared>>
        tpu.enqueue_indirect_dma source(%arg10 : memref<128x128xf32, #tpu.memory_space<vmem>>) target(%dma_start3A_319 : memref<10112x128xf32, #tpu.memory_space<vmem_shared>>) offsets(%dma_start3A_316 : memref<128xi32, #tpu.memory_space<vmem>>) semaphore(%run_scoped3A_313 : memref<!tpu.dma_semaphore, #tpu.memory_space<semaphore_mem>>) {add = true}
        %dma_wait3A_320 = arith.constant 0 : i32
        %dma_wait3A_321 = tpu.memref_slice %arg6[%run_scoped3A_214, %dma_wait3A_320] : memref<2x128xi32, #tpu.memory_space<vmem>> -> memref<1x128xi32, #tpu.memory_space<vmem>>
        %dma_wait3A_322 = tpu.memref_squeeze %dma_wait3A_321 : memref<1x128xi32, #tpu.memory_space<vmem>> -> memref<128xi32, #tpu.memory_space<vmem>>
        %dma_wait3A_323 = arith.constant 0 : i32
        %dma_wait3A_324 = arith.constant 0 : i32
        %dma_wait3A_325 = tpu.memref_slice %arg11[%dma_wait3A_323, %dma_wait3A_324] : memref<10112x128xf32, #tpu.memory_space<vmem_shared>> -> memref<10112x128xf32, #tpu.memory_space<vmem_shared>>
        tpu.wait_indirect_dma semaphore(%run_scoped3A_313 : memref<!tpu.dma_semaphore, #tpu.memory_space<semaphore_mem>>) src(%arg10 : memref<128x128xf32, #tpu.memory_space<vmem>>) dst(%dma_wait3A_325 : memref<10112x128xf32, #tpu.memory_space<vmem_shared>>)
        tpu.yield
      }) : () -> ()
      %add3A_215 = arith.constant 5 : i32
      %add3A_216 = arith.addi %mul3A_171, %add3A_215 : i32
      %dma_start3A_217 = arith.constant 0 : i32
      %dma_start3A_218 = arith.constant 0 : i32
      %dma_start3A_219 = tpu.memref_slice %arg3[%add3A, %add3A_216, %dma_start3A_217, %dma_start3A_218] : memref<32x80x2x128xi32, #tpu.memory_space<hbm>> -> memref<1x1x2x128xi32, #tpu.memory_space<hbm>>
      %dma_start3A_220 = tpu.memref_squeeze %dma_start3A_219 : memref<1x1x2x128xi32, #tpu.memory_space<hbm>> -> memref<2x128xi32, #tpu.memory_space<hbm>>
      %dma_start3A_221 = arith.constant 0 : i32
      %dma_start3A_222 = arith.constant 0 : i32
      %dma_start3A_223 = tpu.memref_slice %arg3[%add3A, %add3A_216, %dma_start3A_221, %dma_start3A_222] : memref<32x80x2x128xi32, #tpu.memory_space<hbm>> -> memref<1x1x2x128xi32, #tpu.memory_space<hbm>>
      %dma_start3A_224 = tpu.memref_squeeze %dma_start3A_223 : memref<1x1x2x128xi32, #tpu.memory_space<hbm>> -> memref<2x128xi32, #tpu.memory_space<hbm>>
      tpu.enqueue_dma source(%dma_start3A_224 : memref<2x128xi32, #tpu.memory_space<hbm>>) target(%arg6 : memref<2x128xi32, #tpu.memory_space<vmem>>) target_semaphore(%arg15 : memref<!tpu.dma_semaphore, #tpu.memory_space<semaphore_mem>>)
      %add3A_225 = arith.constant 3 : i32
      %add3A_226 = arith.addi %mul3A_171, %add3A_225 : i32
      %dma_wait3A_227 = arith.constant 0 : i32
      %dma_wait3A_228 = arith.constant 0 : i32
      %dma_wait3A_229 = tpu.memref_slice %arg3[%add3A, %add3A_226, %dma_wait3A_227, %dma_wait3A_228] : memref<32x80x2x128xi32, #tpu.memory_space<hbm>> -> memref<1x1x2x128xi32, #tpu.memory_space<hbm>>
      %dma_wait3A_230 = tpu.memref_squeeze %dma_wait3A_229 : memref<1x1x2x128xi32, #tpu.memory_space<hbm>> -> memref<2x128xi32, #tpu.memory_space<hbm>>
      %dma_wait3A_231 = arith.constant 0 : i32
      %dma_wait3A_232 = arith.constant 0 : i32
      %dma_wait3A_233 = tpu.memref_slice %arg3[%add3A, %add3A_226, %dma_wait3A_231, %dma_wait3A_232] : memref<32x80x2x128xi32, #tpu.memory_space<hbm>> -> memref<1x1x2x128xi32, #tpu.memory_space<hbm>>
      %dma_wait3A_234 = tpu.memref_squeeze %dma_wait3A_233 : memref<1x1x2x128xi32, #tpu.memory_space<hbm>> -> memref<2x128xi32, #tpu.memory_space<hbm>>
      tpu.wait_dma2 semaphore(%arg17 : memref<!tpu.dma_semaphore, #tpu.memory_space<semaphore_mem>>) src(%dma_wait3A_234 : memref<2x128xi32, #tpu.memory_space<hbm>>) dst(%arg8 : memref<2x128xi32, #tpu.memory_space<vmem>>)
      %dma_start3A_235 = arith.constant 0 : i32
      %dma_start3A_236 = arith.constant 0 : i32
      %dma_start3A_237 = tpu.memref_slice %arg8[%dma_start3A_235, %dma_start3A_236] : memref<2x128xi32, #tpu.memory_space<vmem>> -> memref<1x128xi32, #tpu.memory_space<vmem>>
      %dma_start3A_238 = tpu.memref_squeeze %dma_start3A_237 : memref<1x128xi32, #tpu.memory_space<vmem>> -> memref<128xi32, #tpu.memory_space<vmem>>
      %dma_start3A_239 = arith.constant 0 : i32
      %dma_start3A_240 = arith.constant 0 : i32
      %dma_start3A_241 = tpu.memref_slice %arg2[%dma_start3A_239, %dma_start3A_240] : memref<10000x128xf32, #tpu.memory_space<hbm>> -> memref<10000x128xf32, #tpu.memory_space<hbm>>
      tpu.enqueue_indirect_dma source(%dma_start3A_241 : memref<10000x128xf32, #tpu.memory_space<hbm>>) target(%arg10 : memref<128x128xf32, #tpu.memory_space<vmem>>) offsets(%dma_start3A_238 : memref<128xi32, #tpu.memory_space<vmem>>) semaphore(%arg13 : memref<!tpu.dma_semaphore, #tpu.memory_space<semaphore_mem>>)
      %dma_wait3A_242 = arith.constant 0 : i32
      %dma_wait3A_243 = arith.constant 0 : i32
      %dma_wait3A_244 = tpu.memref_slice %arg7[%dma_wait3A_242, %dma_wait3A_243] : memref<2x128xi32, #tpu.memory_space<vmem>> -> memref<1x128xi32, #tpu.memory_space<vmem>>
      %dma_wait3A_245 = tpu.memref_squeeze %dma_wait3A_244 : memref<1x128xi32, #tpu.memory_space<vmem>> -> memref<128xi32, #tpu.memory_space<vmem>>
      %dma_wait3A_246 = arith.constant 0 : i32
      %dma_wait3A_247 = arith.constant 0 : i32
      %dma_wait3A_248 = tpu.memref_slice %arg2[%dma_wait3A_246, %dma_wait3A_247] : memref<10000x128xf32, #tpu.memory_space<hbm>> -> memref<10000x128xf32, #tpu.memory_space<hbm>>
      tpu.wait_indirect_dma semaphore(%arg12 : memref<!tpu.dma_semaphore, #tpu.memory_space<semaphore_mem>>) src(%dma_wait3A_248 : memref<10000x128xf32, #tpu.memory_space<hbm>>) dst(%arg9 : memref<128x128xf32, #tpu.memory_space<vmem>>)
      %run_scoped3A_249 = arith.constant 1 : i32
      "tpu.region"() ({
        %run_scoped3A_313 = tpu.sem_alloc : memref<!tpu.dma_semaphore, #tpu.memory_space<semaphore_mem>>
        %dma_start3A_314 = arith.constant 0 : i32
        %dma_start3A_315 = tpu.memref_slice %arg7[%run_scoped3A_249, %dma_start3A_314] : memref<2x128xi32, #tpu.memory_space<vmem>> -> memref<1x128xi32, #tpu.memory_space<vmem>>
        %dma_start3A_316 = tpu.memref_squeeze %dma_start3A_315 : memref<1x128xi32, #tpu.memory_space<vmem>> -> memref<128xi32, #tpu.memory_space<vmem>>
        %dma_start3A_317 = arith.constant 0 : i32
        %dma_start3A_318 = arith.constant 0 : i32
        %dma_start3A_319 = tpu.memref_slice %arg11[%dma_start3A_317, %dma_start3A_318] : memref<10112x128xf32, #tpu.memory_space<vmem_shared>> -> memref<10112x128xf32, #tpu.memory_space<vmem_shared>>
        tpu.enqueue_indirect_dma source(%arg9 : memref<128x128xf32, #tpu.memory_space<vmem>>) target(%dma_start3A_319 : memref<10112x128xf32, #tpu.memory_space<vmem_shared>>) offsets(%dma_start3A_316 : memref<128xi32, #tpu.memory_space<vmem>>) semaphore(%run_scoped3A_313 : memref<!tpu.dma_semaphore, #tpu.memory_space<semaphore_mem>>) {add = true}
        %dma_wait3A_320 = arith.constant 0 : i32
        %dma_wait3A_321 = tpu.memref_slice %arg7[%run_scoped3A_249, %dma_wait3A_320] : memref<2x128xi32, #tpu.memory_space<vmem>> -> memref<1x128xi32, #tpu.memory_space<vmem>>
        %dma_wait3A_322 = tpu.memref_squeeze %dma_wait3A_321 : memref<1x128xi32, #tpu.memory_space<vmem>> -> memref<128xi32, #tpu.memory_space<vmem>>
        %dma_wait3A_323 = arith.constant 0 : i32
        %dma_wait3A_324 = arith.constant 0 : i32
        %dma_wait3A_325 = tpu.memref_slice %arg11[%dma_wait3A_323, %dma_wait3A_324] : memref<10112x128xf32, #tpu.memory_space<vmem_shared>> -> memref<10112x128xf32, #tpu.memory_space<vmem_shared>>
        tpu.wait_indirect_dma semaphore(%run_scoped3A_313 : memref<!tpu.dma_semaphore, #tpu.memory_space<semaphore_mem>>) src(%arg9 : memref<128x128xf32, #tpu.memory_space<vmem>>) dst(%dma_wait3A_325 : memref<10112x128xf32, #tpu.memory_space<vmem_shared>>)
        tpu.yield
      }) : () -> ()
      %add3A_250 = arith.constant 6 : i32
      %add3A_251 = arith.addi %mul3A_171, %add3A_250 : i32
      %dma_start3A_252 = arith.constant 0 : i32
      %dma_start3A_253 = arith.constant 0 : i32
      %dma_start3A_254 = tpu.memref_slice %arg3[%add3A, %add3A_251, %dma_start3A_252, %dma_start3A_253] : memref<32x80x2x128xi32, #tpu.memory_space<hbm>> -> memref<1x1x2x128xi32, #tpu.memory_space<hbm>>
      %dma_start3A_255 = tpu.memref_squeeze %dma_start3A_254 : memref<1x1x2x128xi32, #tpu.memory_space<hbm>> -> memref<2x128xi32, #tpu.memory_space<hbm>>
      %dma_start3A_256 = arith.constant 0 : i32
      %dma_start3A_257 = arith.constant 0 : i32
      %dma_start3A_258 = tpu.memref_slice %arg3[%add3A, %add3A_251, %dma_start3A_256, %dma_start3A_257] : memref<32x80x2x128xi32, #tpu.memory_space<hbm>> -> memref<1x1x2x128xi32, #tpu.memory_space<hbm>>
      %dma_start3A_259 = tpu.memref_squeeze %dma_start3A_258 : memref<1x1x2x128xi32, #tpu.memory_space<hbm>> -> memref<2x128xi32, #tpu.memory_space<hbm>>
      tpu.enqueue_dma source(%dma_start3A_259 : memref<2x128xi32, #tpu.memory_space<hbm>>) target(%arg7 : memref<2x128xi32, #tpu.memory_space<vmem>>) target_semaphore(%arg16 : memref<!tpu.dma_semaphore, #tpu.memory_space<semaphore_mem>>)
      %add3A_260 = arith.constant 4 : i32
      %add3A_261 = arith.addi %mul3A_171, %add3A_260 : i32
      %dma_wait3A_262 = arith.constant 0 : i32
      %dma_wait3A_263 = arith.constant 0 : i32
      %dma_wait3A_264 = tpu.memref_slice %arg3[%add3A, %add3A_261, %dma_wait3A_262, %dma_wait3A_263] : memref<32x80x2x128xi32, #tpu.memory_space<hbm>> -> memref<1x1x2x128xi32, #tpu.memory_space<hbm>>
      %dma_wait3A_265 = tpu.memref_squeeze %dma_wait3A_264 : memref<1x1x2x128xi32, #tpu.memory_space<hbm>> -> memref<2x128xi32, #tpu.memory_space<hbm>>
      %dma_wait3A_266 = arith.constant 0 : i32
      %dma_wait3A_267 = arith.constant 0 : i32
      %dma_wait3A_268 = tpu.memref_slice %arg3[%add3A, %add3A_261, %dma_wait3A_266, %dma_wait3A_267] : memref<32x80x2x128xi32, #tpu.memory_space<hbm>> -> memref<1x1x2x128xi32, #tpu.memory_space<hbm>>
      %dma_wait3A_269 = tpu.memref_squeeze %dma_wait3A_268 : memref<1x1x2x128xi32, #tpu.memory_space<hbm>> -> memref<2x128xi32, #tpu.memory_space<hbm>>
      tpu.wait_dma2 semaphore(%arg14 : memref<!tpu.dma_semaphore, #tpu.memory_space<semaphore_mem>>) src(%dma_wait3A_269 : memref<2x128xi32, #tpu.memory_space<hbm>>) dst(%arg5 : memref<2x128xi32, #tpu.memory_space<vmem>>)
      %dma_start3A_270 = arith.constant 0 : i32
      %dma_start3A_271 = arith.constant 0 : i32
      %dma_start3A_272 = tpu.memref_slice %arg5[%dma_start3A_270, %dma_start3A_271] : memref<2x128xi32, #tpu.memory_space<vmem>> -> memref<1x128xi32, #tpu.memory_space<vmem>>
      %dma_start3A_273 = tpu.memref_squeeze %dma_start3A_272 : memref<1x128xi32, #tpu.memory_space<vmem>> -> memref<128xi32, #tpu.memory_space<vmem>>
      %dma_start3A_274 = arith.constant 0 : i32
      %dma_start3A_275 = arith.constant 0 : i32
      %dma_start3A_276 = tpu.memref_slice %arg2[%dma_start3A_274, %dma_start3A_275] : memref<10000x128xf32, #tpu.memory_space<hbm>> -> memref<10000x128xf32, #tpu.memory_space<hbm>>
      tpu.enqueue_indirect_dma source(%dma_start3A_276 : memref<10000x128xf32, #tpu.memory_space<hbm>>) target(%arg9 : memref<128x128xf32, #tpu.memory_space<vmem>>) offsets(%dma_start3A_273 : memref<128xi32, #tpu.memory_space<vmem>>) semaphore(%arg12 : memref<!tpu.dma_semaphore, #tpu.memory_space<semaphore_mem>>)
      %dma_wait3A_277 = arith.constant 0 : i32
      %dma_wait3A_278 = arith.constant 0 : i32
      %dma_wait3A_279 = tpu.memref_slice %arg8[%dma_wait3A_277, %dma_wait3A_278] : memref<2x128xi32, #tpu.memory_space<vmem>> -> memref<1x128xi32, #tpu.memory_space<vmem>>
      %dma_wait3A_280 = tpu.memref_squeeze %dma_wait3A_279 : memref<1x128xi32, #tpu.memory_space<vmem>> -> memref<128xi32, #tpu.memory_space<vmem>>
      %dma_wait3A_281 = arith.constant 0 : i32
      %dma_wait3A_282 = arith.constant 0 : i32
      %dma_wait3A_283 = tpu.memref_slice %arg2[%dma_wait3A_281, %dma_wait3A_282] : memref<10000x128xf32, #tpu.memory_space<hbm>> -> memref<10000x128xf32, #tpu.memory_space<hbm>>
      tpu.wait_indirect_dma semaphore(%arg13 : memref<!tpu.dma_semaphore, #tpu.memory_space<semaphore_mem>>) src(%dma_wait3A_283 : memref<10000x128xf32, #tpu.memory_space<hbm>>) dst(%arg10 : memref<128x128xf32, #tpu.memory_space<vmem>>)
      %run_scoped3A_284 = arith.constant 1 : i32
      "tpu.region"() ({
        %run_scoped3A_313 = tpu.sem_alloc : memref<!tpu.dma_semaphore, #tpu.memory_space<semaphore_mem>>
        %dma_start3A_314 = arith.constant 0 : i32
        %dma_start3A_315 = tpu.memref_slice %arg8[%run_scoped3A_284, %dma_start3A_314] : memref<2x128xi32, #tpu.memory_space<vmem>> -> memref<1x128xi32, #tpu.memory_space<vmem>>
        %dma_start3A_316 = tpu.memref_squeeze %dma_start3A_315 : memref<1x128xi32, #tpu.memory_space<vmem>> -> memref<128xi32, #tpu.memory_space<vmem>>
        %dma_start3A_317 = arith.constant 0 : i32
        %dma_start3A_318 = arith.constant 0 : i32
        %dma_start3A_319 = tpu.memref_slice %arg11[%dma_start3A_317, %dma_start3A_318] : memref<10112x128xf32, #tpu.memory_space<vmem_shared>> -> memref<10112x128xf32, #tpu.memory_space<vmem_shared>>
        tpu.enqueue_indirect_dma source(%arg10 : memref<128x128xf32, #tpu.memory_space<vmem>>) target(%dma_start3A_319 : memref<10112x128xf32, #tpu.memory_space<vmem_shared>>) offsets(%dma_start3A_316 : memref<128xi32, #tpu.memory_space<vmem>>) semaphore(%run_scoped3A_313 : memref<!tpu.dma_semaphore, #tpu.memory_space<semaphore_mem>>) {add = true}
        %dma_wait3A_320 = arith.constant 0 : i32
        %dma_wait3A_321 = tpu.memref_slice %arg8[%run_scoped3A_284, %dma_wait3A_320] : memref<2x128xi32, #tpu.memory_space<vmem>> -> memref<1x128xi32, #tpu.memory_space<vmem>>
        %dma_wait3A_322 = tpu.memref_squeeze %dma_wait3A_321 : memref<1x128xi32, #tpu.memory_space<vmem>> -> memref<128xi32, #tpu.memory_space<vmem>>
        %dma_wait3A_323 = arith.constant 0 : i32
        %dma_wait3A_324 = arith.constant 0 : i32
        %dma_wait3A_325 = tpu.memref_slice %arg11[%dma_wait3A_323, %dma_wait3A_324] : memref<10112x128xf32, #tpu.memory_space<vmem_shared>> -> memref<10112x128xf32, #tpu.memory_space<vmem_shared>>
        tpu.wait_indirect_dma semaphore(%run_scoped3A_313 : memref<!tpu.dma_semaphore, #tpu.memory_space<semaphore_mem>>) src(%arg10 : memref<128x128xf32, #tpu.memory_space<vmem>>) dst(%dma_wait3A_325 : memref<10112x128xf32, #tpu.memory_space<vmem_shared>>)
        tpu.yield
      }) : () -> ()
      %add3A_285 = arith.constant 7 : i32
      %add3A_286 = arith.addi %mul3A_171, %add3A_285 : i32
      %dma_start3A_287 = arith.constant 0 : i32
      %dma_start3A_288 = arith.constant 0 : i32
      %dma_start3A_289 = tpu.memref_slice %arg3[%add3A, %add3A_286, %dma_start3A_287, %dma_start3A_288] : memref<32x80x2x128xi32, #tpu.memory_space<hbm>> -> memref<1x1x2x128xi32, #tpu.memory_space<hbm>>
      %dma_start3A_290 = tpu.memref_squeeze %dma_start3A_289 : memref<1x1x2x128xi32, #tpu.memory_space<hbm>> -> memref<2x128xi32, #tpu.memory_space<hbm>>
      %dma_start3A_291 = arith.constant 0 : i32
      %dma_start3A_292 = arith.constant 0 : i32
      %dma_start3A_293 = tpu.memref_slice %arg3[%add3A, %add3A_286, %dma_start3A_291, %dma_start3A_292] : memref<32x80x2x128xi32, #tpu.memory_space<hbm>> -> memref<1x1x2x128xi32, #tpu.memory_space<hbm>>
      %dma_start3A_294 = tpu.memref_squeeze %dma_start3A_293 : memref<1x1x2x128xi32, #tpu.memory_space<hbm>> -> memref<2x128xi32, #tpu.memory_space<hbm>>
      tpu.enqueue_dma source(%dma_start3A_294 : memref<2x128xi32, #tpu.memory_space<hbm>>) target(%arg8 : memref<2x128xi32, #tpu.memory_space<vmem>>) target_semaphore(%arg17 : memref<!tpu.dma_semaphore, #tpu.memory_space<semaphore_mem>>)
      %add3A_295 = arith.constant 5 : i32
      %add3A_296 = arith.addi %mul3A_171, %add3A_295 : i32
      %dma_wait3A_297 = arith.constant 0 : i32
      %dma_wait3A_298 = arith.constant 0 : i32
      %dma_wait3A_299 = tpu.memref_slice %arg3[%add3A, %add3A_296, %dma_wait3A_297, %dma_wait3A_298] : memref<32x80x2x128xi32, #tpu.memory_space<hbm>> -> memref<1x1x2x128xi32, #tpu.memory_space<hbm>>
      %dma_wait3A_300 = tpu.memref_squeeze %dma_wait3A_299 : memref<1x1x2x128xi32, #tpu.memory_space<hbm>> -> memref<2x128xi32, #tpu.memory_space<hbm>>
      %dma_wait3A_301 = arith.constant 0 : i32
      %dma_wait3A_302 = arith.constant 0 : i32
      %dma_wait3A_303 = tpu.memref_slice %arg3[%add3A, %add3A_296, %dma_wait3A_301, %dma_wait3A_302] : memref<32x80x2x128xi32, #tpu.memory_space<hbm>> -> memref<1x1x2x128xi32, #tpu.memory_space<hbm>>
      %dma_wait3A_304 = tpu.memref_squeeze %dma_wait3A_303 : memref<1x1x2x128xi32, #tpu.memory_space<hbm>> -> memref<2x128xi32, #tpu.memory_space<hbm>>
      tpu.wait_dma2 semaphore(%arg15 : memref<!tpu.dma_semaphore, #tpu.memory_space<semaphore_mem>>) src(%dma_wait3A_304 : memref<2x128xi32, #tpu.memory_space<hbm>>) dst(%arg6 : memref<2x128xi32, #tpu.memory_space<vmem>>)
      %dma_start3A_305 = arith.constant 0 : i32
      %dma_start3A_306 = arith.constant 0 : i32
      %dma_start3A_307 = tpu.memref_slice %arg6[%dma_start3A_305, %dma_start3A_306] : memref<2x128xi32, #tpu.memory_space<vmem>> -> memref<1x128xi32, #tpu.memory_space<vmem>>
      %dma_start3A_308 = tpu.memref_squeeze %dma_start3A_307 : memref<1x128xi32, #tpu.memory_space<vmem>> -> memref<128xi32, #tpu.memory_space<vmem>>
      %dma_start3A_309 = arith.constant 0 : i32
      %dma_start3A_310 = arith.constant 0 : i32
      %dma_start3A_311 = tpu.memref_slice %arg2[%dma_start3A_309, %dma_start3A_310] : memref<10000x128xf32, #tpu.memory_space<hbm>> -> memref<10000x128xf32, #tpu.memory_space<hbm>>
      tpu.enqueue_indirect_dma source(%dma_start3A_311 : memref<10000x128xf32, #tpu.memory_space<hbm>>) target(%arg10 : memref<128x128xf32, #tpu.memory_space<vmem>>) offsets(%dma_start3A_308 : memref<128xi32, #tpu.memory_space<vmem>>) semaphore(%arg13 : memref<!tpu.dma_semaphore, #tpu.memory_space<semaphore_mem>>)
      %scan3A_312 = arith.constant 0 : i32
      scf.yield %scan3A_312 : i32
    }
    %scan3A_99 = arith.constant 19 : i32
    %dma_wait3A_100 = arith.constant 0 : i32
    %dma_wait3A_101 = arith.constant 0 : i32
    %dma_wait3A_102 = tpu.memref_slice %arg5[%dma_wait3A_100, %dma_wait3A_101] : memref<2x128xi32, #tpu.memory_space<vmem>> -> memref<1x128xi32, #tpu.memory_space<vmem>>
    %dma_wait3A_103 = tpu.memref_squeeze %dma_wait3A_102 : memref<1x128xi32, #tpu.memory_space<vmem>> -> memref<128xi32, #tpu.memory_space<vmem>>
    %dma_wait3A_104 = arith.constant 0 : i32
    %dma_wait3A_105 = arith.constant 0 : i32
    %dma_wait3A_106 = tpu.memref_slice %arg2[%dma_wait3A_104, %dma_wait3A_105] : memref<10000x128xf32, #tpu.memory_space<hbm>> -> memref<10000x128xf32, #tpu.memory_space<hbm>>
    tpu.wait_indirect_dma semaphore(%arg12 : memref<!tpu.dma_semaphore, #tpu.memory_space<semaphore_mem>>) src(%dma_wait3A_106 : memref<10000x128xf32, #tpu.memory_space<hbm>>) dst(%arg9 : memref<128x128xf32, #tpu.memory_space<vmem>>)
    %run_scoped3A = arith.constant 1 : i32
    "tpu.region"() ({
      %run_scoped3A_168 = tpu.sem_alloc : memref<!tpu.dma_semaphore, #tpu.memory_space<semaphore_mem>>
      %dma_start3A_169 = arith.constant 0 : i32
      %dma_start3A_170 = tpu.memref_slice %arg5[%run_scoped3A, %dma_start3A_169] : memref<2x128xi32, #tpu.memory_space<vmem>> -> memref<1x128xi32, #tpu.memory_space<vmem>>
      %dma_start3A_171 = tpu.memref_squeeze %dma_start3A_170 : memref<1x128xi32, #tpu.memory_space<vmem>> -> memref<128xi32, #tpu.memory_space<vmem>>
      %dma_start3A_172 = arith.constant 0 : i32
      %dma_start3A_173 = arith.constant 0 : i32
      %dma_start3A_174 = tpu.memref_slice %arg11[%dma_start3A_172, %dma_start3A_173] : memref<10112x128xf32, #tpu.memory_space<vmem_shared>> -> memref<10112x128xf32, #tpu.memory_space<vmem_shared>>
      tpu.enqueue_indirect_dma source(%arg9 : memref<128x128xf32, #tpu.memory_space<vmem>>) target(%dma_start3A_174 : memref<10112x128xf32, #tpu.memory_space<vmem_shared>>) offsets(%dma_start3A_171 : memref<128xi32, #tpu.memory_space<vmem>>) semaphore(%run_scoped3A_168 : memref<!tpu.dma_semaphore, #tpu.memory_space<semaphore_mem>>) {add = true}
      %dma_wait3A_175 = arith.constant 0 : i32
      %dma_wait3A_176 = tpu.memref_slice %arg5[%run_scoped3A, %dma_wait3A_175] : memref<2x128xi32, #tpu.memory_space<vmem>> -> memref<1x128xi32, #tpu.memory_space<vmem>>
      %dma_wait3A_177 = tpu.memref_squeeze %dma_wait3A_176 : memref<1x128xi32, #tpu.memory_space<vmem>> -> memref<128xi32, #tpu.memory_space<vmem>>
      %dma_wait3A_178 = arith.constant 0 : i32
      %dma_wait3A_179 = arith.constant 0 : i32
      %dma_wait3A_180 = tpu.memref_slice %arg11[%dma_wait3A_178, %dma_wait3A_179] : memref<10112x128xf32, #tpu.memory_space<vmem_shared>> -> memref<10112x128xf32, #tpu.memory_space<vmem_shared>>
      tpu.wait_indirect_dma semaphore(%run_scoped3A_168 : memref<!tpu.dma_semaphore, #tpu.memory_space<semaphore_mem>>) src(%arg9 : memref<128x128xf32, #tpu.memory_space<vmem>>) dst(%dma_wait3A_180 : memref<10112x128xf32, #tpu.memory_space<vmem_shared>>)
      tpu.yield
    }) : () -> ()
    %dma_wait3A_107 = arith.constant 78 : i32
    %dma_wait3A_108 = arith.constant 0 : i32
    %dma_wait3A_109 = arith.constant 0 : i32
    %dma_wait3A_110 = tpu.memref_slice %arg3[%add3A, %dma_wait3A_107, %dma_wait3A_108, %dma_wait3A_109] : memref<32x80x2x128xi32, #tpu.memory_space<hbm>> -> memref<1x1x2x128xi32, #tpu.memory_space<hbm>>
    %dma_wait3A_111 = tpu.memref_squeeze %dma_wait3A_110 : memref<1x1x2x128xi32, #tpu.memory_space<hbm>> -> memref<2x128xi32, #tpu.memory_space<hbm>>
    %dma_wait3A_112 = arith.constant 0 : i32
    %dma_wait3A_113 = arith.constant 0 : i32
    %dma_wait3A_114 = tpu.memref_slice %arg3[%add3A, %dma_wait3A_107, %dma_wait3A_112, %dma_wait3A_113] : memref<32x80x2x128xi32, #tpu.memory_space<hbm>> -> memref<1x1x2x128xi32, #tpu.memory_space<hbm>>
    %dma_wait3A_115 = tpu.memref_squeeze %dma_wait3A_114 : memref<1x1x2x128xi32, #tpu.memory_space<hbm>> -> memref<2x128xi32, #tpu.memory_space<hbm>>
    tpu.wait_dma2 semaphore(%arg16 : memref<!tpu.dma_semaphore, #tpu.memory_space<semaphore_mem>>) src(%dma_wait3A_115 : memref<2x128xi32, #tpu.memory_space<hbm>>) dst(%arg7 : memref<2x128xi32, #tpu.memory_space<vmem>>)
    %dma_start3A_116 = arith.constant 0 : i32
    %dma_start3A_117 = arith.constant 0 : i32
    %dma_start3A_118 = tpu.memref_slice %arg7[%dma_start3A_116, %dma_start3A_117] : memref<2x128xi32, #tpu.memory_space<vmem>> -> memref<1x128xi32, #tpu.memory_space<vmem>>
    %dma_start3A_119 = tpu.memref_squeeze %dma_start3A_118 : memref<1x128xi32, #tpu.memory_space<vmem>> -> memref<128xi32, #tpu.memory_space<vmem>>
    %dma_start3A_120 = arith.constant 0 : i32
    %dma_start3A_121 = arith.constant 0 : i32
    %dma_start3A_122 = tpu.memref_slice %arg2[%dma_start3A_120, %dma_start3A_121] : memref<10000x128xf32, #tpu.memory_space<hbm>> -> memref<10000x128xf32, #tpu.memory_space<hbm>>
    tpu.enqueue_indirect_dma source(%dma_start3A_122 : memref<10000x128xf32, #tpu.memory_space<hbm>>) target(%arg9 : memref<128x128xf32, #tpu.memory_space<vmem>>) offsets(%dma_start3A_119 : memref<128xi32, #tpu.memory_space<vmem>>) semaphore(%arg12 : memref<!tpu.dma_semaphore, #tpu.memory_space<semaphore_mem>>)
    %dma_wait3A_123 = arith.constant 0 : i32
    %dma_wait3A_124 = arith.constant 0 : i32
    %dma_wait3A_125 = tpu.memref_slice %arg6[%dma_wait3A_123, %dma_wait3A_124] : memref<2x128xi32, #tpu.memory_space<vmem>> -> memref<1x128xi32, #tpu.memory_space<vmem>>
    %dma_wait3A_126 = tpu.memref_squeeze %dma_wait3A_125 : memref<1x128xi32, #tpu.memory_space<vmem>> -> memref<128xi32, #tpu.memory_space<vmem>>
    %dma_wait3A_127 = arith.constant 0 : i32
    %dma_wait3A_128 = arith.constant 0 : i32
    %dma_wait3A_129 = tpu.memref_slice %arg2[%dma_wait3A_127, %dma_wait3A_128] : memref<10000x128xf32, #tpu.memory_space<hbm>> -> memref<10000x128xf32, #tpu.memory_space<hbm>>
    tpu.wait_indirect_dma semaphore(%arg13 : memref<!tpu.dma_semaphore, #tpu.memory_space<semaphore_mem>>) src(%dma_wait3A_129 : memref<10000x128xf32, #tpu.memory_space<hbm>>) dst(%arg10 : memref<128x128xf32, #tpu.memory_space<vmem>>)
    %run_scoped3A_130 = arith.constant 1 : i32
    "tpu.region"() ({
      %run_scoped3A_168 = tpu.sem_alloc : memref<!tpu.dma_semaphore, #tpu.memory_space<semaphore_mem>>
      %dma_start3A_169 = arith.constant 0 : i32
      %dma_start3A_170 = tpu.memref_slice %arg6[%run_scoped3A_130, %dma_start3A_169] : memref<2x128xi32, #tpu.memory_space<vmem>> -> memref<1x128xi32, #tpu.memory_space<vmem>>
      %dma_start3A_171 = tpu.memref_squeeze %dma_start3A_170 : memref<1x128xi32, #tpu.memory_space<vmem>> -> memref<128xi32, #tpu.memory_space<vmem>>
      %dma_start3A_172 = arith.constant 0 : i32
      %dma_start3A_173 = arith.constant 0 : i32
      %dma_start3A_174 = tpu.memref_slice %arg11[%dma_start3A_172, %dma_start3A_173] : memref<10112x128xf32, #tpu.memory_space<vmem_shared>> -> memref<10112x128xf32, #tpu.memory_space<vmem_shared>>
      tpu.enqueue_indirect_dma source(%arg10 : memref<128x128xf32, #tpu.memory_space<vmem>>) target(%dma_start3A_174 : memref<10112x128xf32, #tpu.memory_space<vmem_shared>>) offsets(%dma_start3A_171 : memref<128xi32, #tpu.memory_space<vmem>>) semaphore(%run_scoped3A_168 : memref<!tpu.dma_semaphore, #tpu.memory_space<semaphore_mem>>) {add = true}
      %dma_wait3A_175 = arith.constant 0 : i32
      %dma_wait3A_176 = tpu.memref_slice %arg6[%run_scoped3A_130, %dma_wait3A_175] : memref<2x128xi32, #tpu.memory_space<vmem>> -> memref<1x128xi32, #tpu.memory_space<vmem>>
      %dma_wait3A_177 = tpu.memref_squeeze %dma_wait3A_176 : memref<1x128xi32, #tpu.memory_space<vmem>> -> memref<128xi32, #tpu.memory_space<vmem>>
      %dma_wait3A_178 = arith.constant 0 : i32
      %dma_wait3A_179 = arith.constant 0 : i32
      %dma_wait3A_180 = tpu.memref_slice %arg11[%dma_wait3A_178, %dma_wait3A_179] : memref<10112x128xf32, #tpu.memory_space<vmem_shared>> -> memref<10112x128xf32, #tpu.memory_space<vmem_shared>>
      tpu.wait_indirect_dma semaphore(%run_scoped3A_168 : memref<!tpu.dma_semaphore, #tpu.memory_space<semaphore_mem>>) src(%arg10 : memref<128x128xf32, #tpu.memory_space<vmem>>) dst(%dma_wait3A_180 : memref<10112x128xf32, #tpu.memory_space<vmem_shared>>)
      tpu.yield
    }) : () -> ()
    %dma_wait3A_131 = arith.constant 79 : i32
    %dma_wait3A_132 = arith.constant 0 : i32
    %dma_wait3A_133 = arith.constant 0 : i32
    %dma_wait3A_134 = tpu.memref_slice %arg3[%add3A, %dma_wait3A_131, %dma_wait3A_132, %dma_wait3A_133] : memref<32x80x2x128xi32, #tpu.memory_space<hbm>> -> memref<1x1x2x128xi32, #tpu.memory_space<hbm>>
    %dma_wait3A_135 = tpu.memref_squeeze %dma_wait3A_134 : memref<1x1x2x128xi32, #tpu.memory_space<hbm>> -> memref<2x128xi32, #tpu.memory_space<hbm>>
    %dma_wait3A_136 = arith.constant 0 : i32
    %dma_wait3A_137 = arith.constant 0 : i32
    %dma_wait3A_138 = tpu.memref_slice %arg3[%add3A, %dma_wait3A_131, %dma_wait3A_136, %dma_wait3A_137] : memref<32x80x2x128xi32, #tpu.memory_space<hbm>> -> memref<1x1x2x128xi32, #tpu.memory_space<hbm>>
    %dma_wait3A_139 = tpu.memref_squeeze %dma_wait3A_138 : memref<1x1x2x128xi32, #tpu.memory_space<hbm>> -> memref<2x128xi32, #tpu.memory_space<hbm>>
    tpu.wait_dma2 semaphore(%arg17 : memref<!tpu.dma_semaphore, #tpu.memory_space<semaphore_mem>>) src(%dma_wait3A_139 : memref<2x128xi32, #tpu.memory_space<hbm>>) dst(%arg8 : memref<2x128xi32, #tpu.memory_space<vmem>>)
    %dma_start3A_140 = arith.constant 0 : i32
    %dma_start3A_141 = arith.constant 0 : i32
    %dma_start3A_142 = tpu.memref_slice %arg8[%dma_start3A_140, %dma_start3A_141] : memref<2x128xi32, #tpu.memory_space<vmem>> -> memref<1x128xi32, #tpu.memory_space<vmem>>
    %dma_start3A_143 = tpu.memref_squeeze %dma_start3A_142 : memref<1x128xi32, #tpu.memory_space<vmem>> -> memref<128xi32, #tpu.memory_space<vmem>>
    %dma_start3A_144 = arith.constant 0 : i32
    %dma_start3A_145 = arith.constant 0 : i32
    %dma_start3A_146 = tpu.memref_slice %arg2[%dma_start3A_144, %dma_start3A_145] : memref<10000x128xf32, #tpu.memory_space<hbm>> -> memref<10000x128xf32, #tpu.memory_space<hbm>>
    tpu.enqueue_indirect_dma source(%dma_start3A_146 : memref<10000x128xf32, #tpu.memory_space<hbm>>) target(%arg10 : memref<128x128xf32, #tpu.memory_space<vmem>>) offsets(%dma_start3A_143 : memref<128xi32, #tpu.memory_space<vmem>>) semaphore(%arg13 : memref<!tpu.dma_semaphore, #tpu.memory_space<semaphore_mem>>)
    %dma_wait3A_147 = arith.constant 0 : i32
    %dma_wait3A_148 = arith.constant 0 : i32
    %dma_wait3A_149 = tpu.memref_slice %arg7[%dma_wait3A_147, %dma_wait3A_148] : memref<2x128xi32, #tpu.memory_space<vmem>> -> memref<1x128xi32, #tpu.memory_space<vmem>>
    %dma_wait3A_150 = tpu.memref_squeeze %dma_wait3A_149 : memref<1x128xi32, #tpu.memory_space<vmem>> -> memref<128xi32, #tpu.memory_space<vmem>>
    %dma_wait3A_151 = arith.constant 0 : i32
    %dma_wait3A_152 = arith.constant 0 : i32
    %dma_wait3A_153 = tpu.memref_slice %arg2[%dma_wait3A_151, %dma_wait3A_152] : memref<10000x128xf32, #tpu.memory_space<hbm>> -> memref<10000x128xf32, #tpu.memory_space<hbm>>
    tpu.wait_indirect_dma semaphore(%arg12 : memref<!tpu.dma_semaphore, #tpu.memory_space<semaphore_mem>>) src(%dma_wait3A_153 : memref<10000x128xf32, #tpu.memory_space<hbm>>) dst(%arg9 : memref<128x128xf32, #tpu.memory_space<vmem>>)
    %run_scoped3A_154 = arith.constant 1 : i32
    "tpu.region"() ({
      %run_scoped3A_168 = tpu.sem_alloc : memref<!tpu.dma_semaphore, #tpu.memory_space<semaphore_mem>>
      %dma_start3A_169 = arith.constant 0 : i32
      %dma_start3A_170 = tpu.memref_slice %arg7[%run_scoped3A_154, %dma_start3A_169] : memref<2x128xi32, #tpu.memory_space<vmem>> -> memref<1x128xi32, #tpu.memory_space<vmem>>
      %dma_start3A_171 = tpu.memref_squeeze %dma_start3A_170 : memref<1x128xi32, #tpu.memory_space<vmem>> -> memref<128xi32, #tpu.memory_space<vmem>>
      %dma_start3A_172 = arith.constant 0 : i32
      %dma_start3A_173 = arith.constant 0 : i32
      %dma_start3A_174 = tpu.memref_slice %arg11[%dma_start3A_172, %dma_start3A_173] : memref<10112x128xf32, #tpu.memory_space<vmem_shared>> -> memref<10112x128xf32, #tpu.memory_space<vmem_shared>>
      tpu.enqueue_indirect_dma source(%arg9 : memref<128x128xf32, #tpu.memory_space<vmem>>) target(%dma_start3A_174 : memref<10112x128xf32, #tpu.memory_space<vmem_shared>>) offsets(%dma_start3A_171 : memref<128xi32, #tpu.memory_space<vmem>>) semaphore(%run_scoped3A_168 : memref<!tpu.dma_semaphore, #tpu.memory_space<semaphore_mem>>) {add = true}
      %dma_wait3A_175 = arith.constant 0 : i32
      %dma_wait3A_176 = tpu.memref_slice %arg7[%run_scoped3A_154, %dma_wait3A_175] : memref<2x128xi32, #tpu.memory_space<vmem>> -> memref<1x128xi32, #tpu.memory_space<vmem>>
      %dma_wait3A_177 = tpu.memref_squeeze %dma_wait3A_176 : memref<1x128xi32, #tpu.memory_space<vmem>> -> memref<128xi32, #tpu.memory_space<vmem>>
      %dma_wait3A_178 = arith.constant 0 : i32
      %dma_wait3A_179 = arith.constant 0 : i32
      %dma_wait3A_180 = tpu.memref_slice %arg11[%dma_wait3A_178, %dma_wait3A_179] : memref<10112x128xf32, #tpu.memory_space<vmem_shared>> -> memref<10112x128xf32, #tpu.memory_space<vmem_shared>>
      tpu.wait_indirect_dma semaphore(%run_scoped3A_168 : memref<!tpu.dma_semaphore, #tpu.memory_space<semaphore_mem>>) src(%arg9 : memref<128x128xf32, #tpu.memory_space<vmem>>) dst(%dma_wait3A_180 : memref<10112x128xf32, #tpu.memory_space<vmem_shared>>)
      tpu.yield
    }) : () -> ()
    %dma_wait3A_155 = arith.constant 0 : i32
    %dma_wait3A_156 = arith.constant 0 : i32
    %dma_wait3A_157 = tpu.memref_slice %arg8[%dma_wait3A_155, %dma_wait3A_156] : memref<2x128xi32, #tpu.memory_space<vmem>> -> memref<1x128xi32, #tpu.memory_space<vmem>>
    %dma_wait3A_158 = tpu.memref_squeeze %dma_wait3A_157 : memref<1x128xi32, #tpu.memory_space<vmem>> -> memref<128xi32, #tpu.memory_space<vmem>>
    %dma_wait3A_159 = arith.constant 0 : i32
    %dma_wait3A_160 = arith.constant 0 : i32
    %dma_wait3A_161 = tpu.memref_slice %arg2[%dma_wait3A_159, %dma_wait3A_160] : memref<10000x128xf32, #tpu.memory_space<hbm>> -> memref<10000x128xf32, #tpu.memory_space<hbm>>
    tpu.wait_indirect_dma semaphore(%arg13 : memref<!tpu.dma_semaphore, #tpu.memory_space<semaphore_mem>>) src(%dma_wait3A_161 : memref<10000x128xf32, #tpu.memory_space<hbm>>) dst(%arg10 : memref<128x128xf32, #tpu.memory_space<vmem>>)
    %run_scoped3A_162 = arith.constant 1 : i32
    "tpu.region"() ({
      %run_scoped3A_168 = tpu.sem_alloc : memref<!tpu.dma_semaphore, #tpu.memory_space<semaphore_mem>>
      %dma_start3A_169 = arith.constant 0 : i32
      %dma_start3A_170 = tpu.memref_slice %arg8[%run_scoped3A_162, %dma_start3A_169] : memref<2x128xi32, #tpu.memory_space<vmem>> -> memref<1x128xi32, #tpu.memory_space<vmem>>
      %dma_start3A_171 = tpu.memref_squeeze %dma_start3A_170 : memref<1x128xi32, #tpu.memory_space<vmem>> -> memref<128xi32, #tpu.memory_space<vmem>>
      %dma_start3A_172 = arith.constant 0 : i32
      %dma_start3A_173 = arith.constant 0 : i32
      %dma_start3A_174 = tpu.memref_slice %arg11[%dma_start3A_172, %dma_start3A_173] : memref<10112x128xf32, #tpu.memory_space<vmem_shared>> -> memref<10112x128xf32, #tpu.memory_space<vmem_shared>>
      tpu.enqueue_indirect_dma source(%arg10 : memref<128x128xf32, #tpu.memory_space<vmem>>) target(%dma_start3A_174 : memref<10112x128xf32, #tpu.memory_space<vmem_shared>>) offsets(%dma_start3A_171 : memref<128xi32, #tpu.memory_space<vmem>>) semaphore(%run_scoped3A_168 : memref<!tpu.dma_semaphore, #tpu.memory_space<semaphore_mem>>) {add = true}
      %dma_wait3A_175 = arith.constant 0 : i32
      %dma_wait3A_176 = tpu.memref_slice %arg8[%run_scoped3A_162, %dma_wait3A_175] : memref<2x128xi32, #tpu.memory_space<vmem>> -> memref<1x128xi32, #tpu.memory_space<vmem>>
      %dma_wait3A_177 = tpu.memref_squeeze %dma_wait3A_176 : memref<1x128xi32, #tpu.memory_space<vmem>> -> memref<128xi32, #tpu.memory_space<vmem>>
      %dma_wait3A_178 = arith.constant 0 : i32
      %dma_wait3A_179 = arith.constant 0 : i32
      %dma_wait3A_180 = tpu.memref_slice %arg11[%dma_wait3A_178, %dma_wait3A_179] : memref<10112x128xf32, #tpu.memory_space<vmem_shared>> -> memref<10112x128xf32, #tpu.memory_space<vmem_shared>>
      tpu.wait_indirect_dma semaphore(%run_scoped3A_168 : memref<!tpu.dma_semaphore, #tpu.memory_space<semaphore_mem>>) src(%arg10 : memref<128x128xf32, #tpu.memory_space<vmem>>) dst(%dma_wait3A_180 : memref<10112x128xf32, #tpu.memory_space<vmem_shared>>)
      tpu.yield
    }) : () -> ()
    %barrier3A_163 = arith.constant 0 : index
    tpu.barrier barrier_id(%barrier3A_163)
    %mul3A_164 = arith.constant 632 : i32
    %mul3A_165 = arith.muli %arg1, %mul3A_164 : i32
    %mul3A_166 = arith.constant 632 : i32
    %mul3A_167 = arith.muli %arg1, %mul3A_166 : i32
    "tpu.region"() ({
      %run_scoped3A_168 = tpu.sem_alloc : memref<!tpu.dma_semaphore, #tpu.memory_space<semaphore_mem>>
      %dma_start3A_169 = arith.constant 0 : i32
      %dma_start3A_170 = tpu.memref_slice %arg4[%arg0, %mul3A_167, %dma_start3A_169] : memref<2x10112x128xf32, #tpu.memory_space<hbm>> -> memref<1x632x128xf32, #tpu.memory_space<hbm>>
      %dma_start3A_171 = tpu.memref_squeeze %dma_start3A_170 : memref<1x632x128xf32, #tpu.memory_space<hbm>> -> memref<632x128xf32, #tpu.memory_space<hbm>>
      %dma_start3A_172 = arith.constant 0 : i32
      %dma_start3A_173 = tpu.memref_slice %arg11[%mul3A_165, %dma_start3A_172] : memref<10112x128xf32, #tpu.memory_space<vmem_shared>> -> memref<632x128xf32, #tpu.memory_space<vmem_shared>>
      tpu.enqueue_dma source(%dma_start3A_173 : memref<632x128xf32, #tpu.memory_space<vmem_shared>>) target(%dma_start3A_171 : memref<632x128xf32, #tpu.memory_space<hbm>>) target_semaphore(%run_scoped3A_168 : memref<!tpu.dma_semaphore, #tpu.memory_space<semaphore_mem>>)
      %dma_wait3A_174 = arith.constant 0 : i32
      %dma_wait3A_175 = tpu.memref_slice %arg4[%arg0, %mul3A_167, %dma_wait3A_174] : memref<2x10112x128xf32, #tpu.memory_space<hbm>> -> memref<1x632x128xf32, #tpu.memory_space<hbm>>
      %dma_wait3A_176 = tpu.memref_squeeze %dma_wait3A_175 : memref<1x632x128xf32, #tpu.memory_space<hbm>> -> memref<632x128xf32, #tpu.memory_space<hbm>>
      %dma_wait3A_177 = arith.constant 0 : i32
      %dma_wait3A_178 = tpu.memref_slice %arg11[%mul3A_165, %dma_wait3A_177] : memref<10112x128xf32, #tpu.memory_space<vmem_shared>> -> memref<632x128xf32, #tpu.memory_space<vmem_shared>>
      tpu.wait_dma2 semaphore(%run_scoped3A_168 : memref<!tpu.dma_semaphore, #tpu.memory_space<semaphore_mem>>) src(%dma_wait3A_178 : memref<632x128xf32, #tpu.memory_space<vmem_shared>>) dst(%dma_wait3A_176 : memref<632x128xf32, #tpu.memory_space<hbm>>)
      tpu.yield
    }) : () -> ()
    return
  }
}

module attributes {stable_mosaic.version = 14 : i64} {
  func.func @_tc1_body(%arg0: i32, %arg1: memref<2x1000x16xf32, #tpu.memory_space<vmem>>, %arg2: memref<1000x128xf32, #tpu.memory_space<vmem>>, %arg3: memref<128x128xf32, #tpu.memory_space<vmem>>, %arg4: memref<1000x128xf32, #tpu.memory_space<vmem>>) attributes {dimension_semantics = [#tpu.dimension_semantics<arbitrary>], iteration_bounds = array<i64: 10>, scalar_prefetch = 0 : i64, scratch_operands = 0 : i64, tpu.core_type = #tpu.core_type<tc>, window_params = [{transform_indices = @transform_0, window_bounds = array<i64: 2, 1000, 16>}, {transform_indices = @transform_1, window_bounds = array<i64: 1000, 128>}, {pipeline_mode = #tpu.pipeline_mode<synchronous>, transform_indices = @transform_2, window_bounds = array<i64: 128, 128>}, {transform_indices = @transform_3, window_bounds = array<i64: 1000, 128>}]} {
    %get3A = arith.constant 0 : index
    %get3A_0 = arith.constant 0 : index
    %get3A_1 = arith.constant 0 : index
    %get3A_2 = vector.load %arg1[%get3A, %get3A_0, %get3A_1] : memref<2x1000x16xf32, #tpu.memory_space<vmem>>, vector<2x1000x16xf32>
    %slice3A = vector.extract_strided_slice %get3A_2 {offsets = [0, 0, 0], sizes = [1, 1000, 16], strides = [1, 1, 1]} : vector<2x1000x16xf32> to vector<1x1000x16xf32>
    %squeeze3A = vector.shape_cast %slice3A : vector<1x1000x16xf32> to vector<1000x16xf32>
    %slice3A_3 = vector.extract_strided_slice %get3A_2 {offsets = [1, 0, 0], sizes = [1, 1000, 16], strides = [1, 1, 1]} : vector<2x1000x16xf32> to vector<1x1000x16xf32>
    %squeeze3A_4 = vector.shape_cast %slice3A_3 : vector<1x1000x16xf32> to vector<1000x16xf32>
    %add3A = arith.addf %squeeze3A, %squeeze3A_4 : vector<1000x16xf32>
    %add3A_5 = arith.constant 1.000000e+00 : f32
    %add3A_6 = vector.broadcast %add3A_5 : f32 to vector<1000x16xf32>
    %add3A_7 = arith.addf %add3A, %add3A_6 : vector<1000x16xf32>
    %rsqrt3A = math.rsqrt %add3A_7 : vector<1000x16xf32>
    %slice3A_8 = vector.extract_strided_slice %rsqrt3A {offsets = [0, 0], sizes = [1000, 1], strides = [1, 1]} : vector<1000x16xf32> to vector<1000x1xf32>
    %get3A_9 = arith.constant 0 : index
    %get3A_10 = arith.constant 0 : index
    %get3A_11 = vector.load %arg2[%get3A_9, %get3A_10] : memref<1000x128xf32, #tpu.memory_space<vmem>>, vector<1000x128xf32>
    %get3A_12 = arith.constant 0 : index
    %get3A_13 = arith.constant 0 : index
    %get3A_14 = vector.load %arg3[%get3A_12, %get3A_13] : memref<128x128xf32, #tpu.memory_space<vmem>>, vector<128x128xf32>
    %dot_general3A = arith.constant dense<0.000000e+00> : vector<1000x128xf32>
    %dot_general3A_15 = tpu.matmul %get3A_11, %get3A_14, %dot_general3A {dimension_numbers = #tpu.dot_dimension_numbers<[1], [0], [0], [1], [0, 0, 1, 1], [], []>, transpose_lhs_hint = false} : vector<1000x128xf32>, vector<128x128xf32>, vector<1000x128xf32> -> vector<1000x128xf32>
    %mul3A = vector.broadcast %slice3A_8 : vector<1000x1xf32> to vector<1000x128xf32>
    %mul3A_16 = arith.mulf %dot_general3A_15, %mul3A : vector<1000x128xf32>
    %swap3A = arith.constant 0 : index
    %swap3A_17 = arith.constant 0 : index
    %swap3A_18 = vector.load %arg4[%swap3A, %swap3A_17] : memref<1000x128xf32, #tpu.memory_space<vmem>>, vector<1000x128xf32>
    tpu.vector_store %arg4[%swap3A, %swap3A_17], %mul3A_16 {strides = array<i32>} : memref<1000x128xf32, #tpu.memory_space<vmem>>, vector<1000x128xf32>,
    return
  }
  func.func @transform_0(%arg0: i32) -> (i32, i32, i32) {
    %c0_i32 = arith.constant 0 : i32
    %c0_i32_0 = arith.constant 0 : i32
    %c0_i32_1 = arith.constant 0 : i32
    return %c0_i32, %arg0, %c0_i32_0 : i32, i32, i32
  }
  func.func @transform_1(%arg0: i32) -> (i32, i32) {
    %c0_i32 = arith.constant 0 : i32
    %c0_i32_0 = arith.constant 0 : i32
    return %arg0, %c0_i32 : i32, i32
  }
  func.func @transform_2(%arg0: i32) -> (i32, i32) {
    %c0_i32 = arith.constant 0 : i32
    %c0_i32_0 = arith.constant 0 : i32
    %c0_i32_1 = arith.constant 0 : i32
    return %c0_i32, %c0_i32_0 : i32, i32
  }
  func.func @transform_3(%arg0: i32) -> (i32, i32) {
    %c0_i32 = arith.constant 0 : i32
    %c0_i32_0 = arith.constant 0 : i32
    return %arg0, %c0_i32 : i32, i32
  }
}

module attributes {stable_mosaic.version = 14 : i64} {
  func.func @_tc_mid_body(%arg0: i32, %arg1: memref<2x1000x16xf32, #tpu.memory_space<vmem>>, %arg2: memref<2x1000x128xf32, #tpu.memory_space<vmem>>, %arg3: memref<1000x128xf32, #tpu.memory_space<vmem>>, %arg4: memref<1x128xf32, #tpu.memory_space<vmem>>, %arg5: memref<128x128xf32, #tpu.memory_space<vmem>>, %arg6: memref<1000x128xf32, #tpu.memory_space<vmem>>, %arg7: memref<1000x128xf32, #tpu.memory_space<vmem>>) attributes {dimension_semantics = [#tpu.dimension_semantics<arbitrary>], iteration_bounds = array<i64: 10>, scalar_prefetch = 0 : i64, scratch_operands = 0 : i64, tpu.core_type = #tpu.core_type<tc>, window_params = [{transform_indices = @transform_0, window_bounds = array<i64: 2, 1000, 16>}, {transform_indices = @transform_1, window_bounds = array<i64: 2, 1000, 128>}, {transform_indices = @transform_2, window_bounds = array<i64: 1000, 128>}, {pipeline_mode = #tpu.pipeline_mode<synchronous>, transform_indices = @transform_3, window_bounds = array<i64: 1, 128>}, {pipeline_mode = #tpu.pipeline_mode<synchronous>, transform_indices = @transform_4, window_bounds = array<i64: 128, 128>}, {transform_indices = @transform_5, window_bounds = array<i64: 1000, 128>}, {transform_indices = @transform_6, window_bounds = array<i64: 1000, 128>}]} {
    %get3A = arith.constant 0 : index
    %get3A_0 = arith.constant 0 : index
    %get3A_1 = arith.constant 0 : index
    %get3A_2 = vector.load %arg1[%get3A, %get3A_0, %get3A_1] : memref<2x1000x16xf32, #tpu.memory_space<vmem>>, vector<2x1000x16xf32>
    %slice3A = vector.extract_strided_slice %get3A_2 {offsets = [0, 0, 0], sizes = [1, 1000, 16], strides = [1, 1, 1]} : vector<2x1000x16xf32> to vector<1x1000x16xf32>
    %squeeze3A = vector.shape_cast %slice3A : vector<1x1000x16xf32> to vector<1000x16xf32>
    %slice3A_3 = vector.extract_strided_slice %get3A_2 {offsets = [1, 0, 0], sizes = [1, 1000, 16], strides = [1, 1, 1]} : vector<2x1000x16xf32> to vector<1x1000x16xf32>
    %squeeze3A_4 = vector.shape_cast %slice3A_3 : vector<1x1000x16xf32> to vector<1000x16xf32>
    %add3A = arith.addf %squeeze3A, %squeeze3A_4 : vector<1000x16xf32>
    %add3A_5 = arith.constant 1.000000e+00 : f32
    %add3A_6 = vector.broadcast %add3A_5 : f32 to vector<1000x16xf32>
    %add3A_7 = arith.addf %add3A, %add3A_6 : vector<1000x16xf32>
    %rsqrt3A = math.rsqrt %add3A_7 : vector<1000x16xf32>
    %slice3A_8 = vector.extract_strided_slice %rsqrt3A {offsets = [0, 0], sizes = [1000, 1], strides = [1, 1]} : vector<1000x16xf32> to vector<1000x1xf32>
    %get3A_9 = arith.constant 0 : index
    %get3A_10 = arith.constant 0 : index
    %get3A_11 = arith.constant 0 : index
    %get3A_12 = vector.load %arg2[%get3A_9, %get3A_10, %get3A_11] : memref<2x1000x128xf32, #tpu.memory_space<vmem>>, vector<2x1000x128xf32>
    %slice3A_13 = vector.extract_strided_slice %get3A_12 {offsets = [0, 0, 0], sizes = [1, 1000, 128], strides = [1, 1, 1]} : vector<2x1000x128xf32> to vector<1x1000x128xf32>
    %squeeze3A_14 = vector.shape_cast %slice3A_13 : vector<1x1000x128xf32> to vector<1000x128xf32>
    %slice3A_15 = vector.extract_strided_slice %get3A_12 {offsets = [1, 0, 0], sizes = [1, 1000, 128], strides = [1, 1, 1]} : vector<2x1000x128xf32> to vector<1x1000x128xf32>
    %squeeze3A_16 = vector.shape_cast %slice3A_15 : vector<1x1000x128xf32> to vector<1000x128xf32>
    %add3A_17 = arith.addf %squeeze3A_14, %squeeze3A_16 : vector<1000x128xf32>
    %get3A_18 = arith.constant 0 : index
    %get3A_19 = arith.constant 0 : index
    %get3A_20 = vector.load %arg3[%get3A_18, %get3A_19] : memref<1000x128xf32, #tpu.memory_space<vmem>>, vector<1000x128xf32>
    %add3A_21 = arith.addf %add3A_17, %get3A_20 : vector<1000x128xf32>
    %mul3A = vector.broadcast %slice3A_8 : vector<1000x1xf32> to vector<1000x128xf32>
    %mul3A_22 = arith.mulf %add3A_21, %mul3A : vector<1000x128xf32>
    %get3A_23 = arith.constant 0 : index
    %get3A_24 = arith.constant 0 : index
    %get3A_25 = vector.load %arg4[%get3A_23, %get3A_24] : memref<1x128xf32, #tpu.memory_space<vmem>>, vector<1x128xf32>
    %add3A_26 = vector.broadcast %get3A_25 : vector<1x128xf32> to vector<1000x128xf32>
    %add3A_27 = arith.addf %mul3A_22, %add3A_26 : vector<1000x128xf32>
    %max3A = arith.constant 0.000000e+00 : f32
    %max3A_28 = vector.broadcast %max3A : f32 to vector<1000x128xf32>
    %max3A_29 = arith.maximumf %add3A_27, %max3A_28 : vector<1000x128xf32>
    %swap3A = arith.constant 0 : index
    %swap3A_30 = arith.constant 0 : index
    %swap3A_31 = vector.load %arg6[%swap3A, %swap3A_30] : memref<1000x128xf32, #tpu.memory_space<vmem>>, vector<1000x128xf32>
    tpu.vector_store %arg6[%swap3A, %swap3A_30], %max3A_29 {strides = array<i32>} : memref<1000x128xf32, #tpu.memory_space<vmem>>, vector<1000x128xf32>,
    %get3A_32 = arith.constant 0 : index
    %get3A_33 = arith.constant 0 : index
    %get3A_34 = vector.load %arg5[%get3A_32, %get3A_33] : memref<128x128xf32, #tpu.memory_space<vmem>>, vector<128x128xf32>
    %dot_general3A = arith.constant dense<0.000000e+00> : vector<1000x128xf32>
    %dot_general3A_35 = tpu.matmul %max3A_29, %get3A_34, %dot_general3A {dimension_numbers = #tpu.dot_dimension_numbers<[1], [0], [0], [1], [0, 0, 1, 1], [], []>, transpose_lhs_hint = false} : vector<1000x128xf32>, vector<128x128xf32>, vector<1000x128xf32> -> vector<1000x128xf32>
    %mul3A_36 = vector.broadcast %slice3A_8 : vector<1000x1xf32> to vector<1000x128xf32>
    %mul3A_37 = arith.mulf %dot_general3A_35, %mul3A_36 : vector<1000x128xf32>
    %swap3A_38 = arith.constant 0 : index
    %swap3A_39 = arith.constant 0 : index
    %swap3A_40 = vector.load %arg7[%swap3A_38, %swap3A_39] : memref<1000x128xf32, #tpu.memory_space<vmem>>, vector<1000x128xf32>
    tpu.vector_store %arg7[%swap3A_38, %swap3A_39], %mul3A_37 {strides = array<i32>} : memref<1000x128xf32, #tpu.memory_space<vmem>>, vector<1000x128xf32>,
    return
  }
  func.func @transform_0(%arg0: i32) -> (i32, i32, i32) {
    %c0_i32 = arith.constant 0 : i32
    %c0_i32_0 = arith.constant 0 : i32
    %c0_i32_1 = arith.constant 0 : i32
    return %c0_i32, %arg0, %c0_i32_0 : i32, i32, i32
  }
  func.func @transform_1(%arg0: i32) -> (i32, i32, i32) {
    %c0_i32 = arith.constant 0 : i32
    %c0_i32_0 = arith.constant 0 : i32
    %c0_i32_1 = arith.constant 0 : i32
    return %c0_i32, %arg0, %c0_i32_0 : i32, i32, i32
  }
  func.func @transform_2(%arg0: i32) -> (i32, i32) {
    %c0_i32 = arith.constant 0 : i32
    %c0_i32_0 = arith.constant 0 : i32
    return %arg0, %c0_i32 : i32, i32
  }
  func.func @transform_3(%arg0: i32) -> (i32, i32) {
    %c0_i32 = arith.constant 0 : i32
    %c0_i32_0 = arith.constant 0 : i32
    %c0_i32_1 = arith.constant 0 : i32
    return %c0_i32, %c0_i32_0 : i32, i32
  }
  func.func @transform_4(%arg0: i32) -> (i32, i32) {
    %c0_i32 = arith.constant 0 : i32
    %c0_i32_0 = arith.constant 0 : i32
    %c0_i32_1 = arith.constant 0 : i32
    return %c0_i32, %c0_i32_0 : i32, i32
  }
  func.func @transform_5(%arg0: i32) -> (i32, i32) {
    %c0_i32 = arith.constant 0 : i32
    %c0_i32_0 = arith.constant 0 : i32
    return %arg0, %c0_i32 : i32, i32
  }
  func.func @transform_6(%arg0: i32) -> (i32, i32) {
    %c0_i32 = arith.constant 0 : i32
    %c0_i32_0 = arith.constant 0 : i32
    return %arg0, %c0_i32 : i32, i32
  }
}

module attributes {stable_mosaic.version = 14 : i64} {
  func.func @_tc_fin_body(%arg0: i32, %arg1: memref<2x1000x16xf32, #tpu.memory_space<vmem>>, %arg2: memref<2x1000x128xf32, #tpu.memory_space<vmem>>, %arg3: memref<1000x128xf32, #tpu.memory_space<vmem>>, %arg4: memref<1x128xf32, #tpu.memory_space<vmem>>, %arg5: memref<1000x128xf32, #tpu.memory_space<vmem>>, %arg6: memref<1000x128xf32, #tpu.memory_space<vmem>>, %arg7: memref<128x128xf32, #tpu.memory_space<vmem>>, %arg8: memref<1x128xf32, #tpu.memory_space<vmem>>, %arg9: memref<1000x128xf32, #tpu.memory_space<vmem>>) attributes {dimension_semantics = [#tpu.dimension_semantics<arbitrary>], iteration_bounds = array<i64: 10>, scalar_prefetch = 0 : i64, scratch_operands = 0 : i64, tpu.core_type = #tpu.core_type<tc>, window_params = [{transform_indices = @transform_0, window_bounds = array<i64: 2, 1000, 16>}, {transform_indices = @transform_1, window_bounds = array<i64: 2, 1000, 128>}, {transform_indices = @transform_2, window_bounds = array<i64: 1000, 128>}, {pipeline_mode = #tpu.pipeline_mode<synchronous>, transform_indices = @transform_3, window_bounds = array<i64: 1, 128>}, {transform_indices = @transform_4, window_bounds = array<i64: 1000, 128>}, {transform_indices = @transform_5, window_bounds = array<i64: 1000, 128>}, {pipeline_mode = #tpu.pipeline_mode<synchronous>, transform_indices = @transform_6, window_bounds = array<i64: 128, 128>}, {pipeline_mode = #tpu.pipeline_mode<synchronous>, transform_indices = @transform_7, window_bounds = array<i64: 1, 128>}, {transform_indices = @transform_8, window_bounds = array<i64: 1000, 128>}]} {
    %get3A = arith.constant 0 : index
    %get3A_0 = arith.constant 0 : index
    %get3A_1 = arith.constant 0 : index
    %get3A_2 = vector.load %arg1[%get3A, %get3A_0, %get3A_1] : memref<2x1000x16xf32, #tpu.memory_space<vmem>>, vector<2x1000x16xf32>
    %slice3A = vector.extract_strided_slice %get3A_2 {offsets = [0, 0, 0], sizes = [1, 1000, 16], strides = [1, 1, 1]} : vector<2x1000x16xf32> to vector<1x1000x16xf32>
    %squeeze3A = vector.shape_cast %slice3A : vector<1x1000x16xf32> to vector<1000x16xf32>
    %slice3A_3 = vector.extract_strided_slice %get3A_2 {offsets = [1, 0, 0], sizes = [1, 1000, 16], strides = [1, 1, 1]} : vector<2x1000x16xf32> to vector<1x1000x16xf32>
    %squeeze3A_4 = vector.shape_cast %slice3A_3 : vector<1x1000x16xf32> to vector<1000x16xf32>
    %add3A = arith.addf %squeeze3A, %squeeze3A_4 : vector<1000x16xf32>
    %add3A_5 = arith.constant 1.000000e+00 : f32
    %add3A_6 = vector.broadcast %add3A_5 : f32 to vector<1000x16xf32>
    %add3A_7 = arith.addf %add3A, %add3A_6 : vector<1000x16xf32>
    %rsqrt3A = math.rsqrt %add3A_7 : vector<1000x16xf32>
    %slice3A_8 = vector.extract_strided_slice %rsqrt3A {offsets = [0, 0], sizes = [1000, 1], strides = [1, 1]} : vector<1000x16xf32> to vector<1000x1xf32>
    %get3A_9 = arith.constant 0 : index
    %get3A_10 = arith.constant 0 : index
    %get3A_11 = arith.constant 0 : index
    %get3A_12 = vector.load %arg2[%get3A_9, %get3A_10, %get3A_11] : memref<2x1000x128xf32, #tpu.memory_space<vmem>>, vector<2x1000x128xf32>
    %slice3A_13 = vector.extract_strided_slice %get3A_12 {offsets = [0, 0, 0], sizes = [1, 1000, 128], strides = [1, 1, 1]} : vector<2x1000x128xf32> to vector<1x1000x128xf32>
    %squeeze3A_14 = vector.shape_cast %slice3A_13 : vector<1x1000x128xf32> to vector<1000x128xf32>
    %slice3A_15 = vector.extract_strided_slice %get3A_12 {offsets = [1, 0, 0], sizes = [1, 1000, 128], strides = [1, 1, 1]} : vector<2x1000x128xf32> to vector<1x1000x128xf32>
    %squeeze3A_16 = vector.shape_cast %slice3A_15 : vector<1x1000x128xf32> to vector<1000x128xf32>
    %add3A_17 = arith.addf %squeeze3A_14, %squeeze3A_16 : vector<1000x128xf32>
    %get3A_18 = arith.constant 0 : index
    %get3A_19 = arith.constant 0 : index
    %get3A_20 = vector.load %arg3[%get3A_18, %get3A_19] : memref<1000x128xf32, #tpu.memory_space<vmem>>, vector<1000x128xf32>
    %add3A_21 = arith.addf %add3A_17, %get3A_20 : vector<1000x128xf32>
    %mul3A = vector.broadcast %slice3A_8 : vector<1000x1xf32> to vector<1000x128xf32>
    %mul3A_22 = arith.mulf %add3A_21, %mul3A : vector<1000x128xf32>
    %get3A_23 = arith.constant 0 : index
    %get3A_24 = arith.constant 0 : index
    %get3A_25 = vector.load %arg4[%get3A_23, %get3A_24] : memref<1x128xf32, #tpu.memory_space<vmem>>, vector<1x128xf32>
    %add3A_26 = vector.broadcast %get3A_25 : vector<1x128xf32> to vector<1000x128xf32>
    %add3A_27 = arith.addf %mul3A_22, %add3A_26 : vector<1000x128xf32>
    %max3A = arith.constant 0.000000e+00 : f32
    %max3A_28 = vector.broadcast %max3A : f32 to vector<1000x128xf32>
    %max3A_29 = arith.maximumf %add3A_27, %max3A_28 : vector<1000x128xf32>
    %get3A_30 = arith.constant 0 : index
    %get3A_31 = arith.constant 0 : index
    %get3A_32 = vector.load %arg5[%get3A_30, %get3A_31] : memref<1000x128xf32, #tpu.memory_space<vmem>>, vector<1000x128xf32>
    %get3A_33 = arith.constant 0 : index
    %get3A_34 = arith.constant 0 : index
    %get3A_35 = vector.load %arg6[%get3A_33, %get3A_34] : memref<1000x128xf32, #tpu.memory_space<vmem>>, vector<1000x128xf32>
    %add3A_36 = arith.addf %get3A_32, %get3A_35 : vector<1000x128xf32>
    %add3A_37 = arith.addf %add3A_36, %max3A_29 : vector<1000x128xf32>
    %mul3A_38 = arith.constant 0.333333343 : f32
    %mul3A_39 = vector.broadcast %mul3A_38 : f32 to vector<1000x128xf32>
    %mul3A_40 = arith.mulf %add3A_37, %mul3A_39 : vector<1000x128xf32>
    %get3A_41 = arith.constant 0 : index
    %get3A_42 = arith.constant 0 : index
    %get3A_43 = vector.load %arg7[%get3A_41, %get3A_42] : memref<128x128xf32, #tpu.memory_space<vmem>>, vector<128x128xf32>
    %dot_general3A = arith.constant dense<0.000000e+00> : vector<1000x128xf32>
    %dot_general3A_44 = tpu.matmul %mul3A_40, %get3A_43, %dot_general3A {dimension_numbers = #tpu.dot_dimension_numbers<[1], [0], [0], [1], [0, 0, 1, 1], [], []>, transpose_lhs_hint = false} : vector<1000x128xf32>, vector<128x128xf32>, vector<1000x128xf32> -> vector<1000x128xf32>
    %get3A_45 = arith.constant 0 : index
    %get3A_46 = arith.constant 0 : index
    %get3A_47 = vector.load %arg8[%get3A_45, %get3A_46] : memref<1x128xf32, #tpu.memory_space<vmem>>, vector<1x128xf32>
    %add3A_48 = vector.broadcast %get3A_47 : vector<1x128xf32> to vector<1000x128xf32>
    %add3A_49 = arith.addf %dot_general3A_44, %add3A_48 : vector<1000x128xf32>
    %swap3A = arith.constant 0 : index
    %swap3A_50 = arith.constant 0 : index
    %swap3A_51 = vector.load %arg9[%swap3A, %swap3A_50] : memref<1000x128xf32, #tpu.memory_space<vmem>>, vector<1000x128xf32>
    tpu.vector_store %arg9[%swap3A, %swap3A_50], %add3A_49 {strides = array<i32>} : memref<1000x128xf32, #tpu.memory_space<vmem>>, vector<1000x128xf32>,
    return
  }
  func.func @transform_0(%arg0: i32) -> (i32, i32, i32) {
    %c0_i32 = arith.constant 0 : i32
    %c0_i32_0 = arith.constant 0 : i32
    %c0_i32_1 = arith.constant 0 : i32
    return %c0_i32, %arg0, %c0_i32_0 : i32, i32, i32
  }
  func.func @transform_1(%arg0: i32) -> (i32, i32, i32) {
    %c0_i32 = arith.constant 0 : i32
    %c0_i32_0 = arith.constant 0 : i32
    %c0_i32_1 = arith.constant 0 : i32
    return %c0_i32, %arg0, %c0_i32_0 : i32, i32, i32
  }
  func.func @transform_2(%arg0: i32) -> (i32, i32) {
    %c0_i32 = arith.constant 0 : i32
    %c0_i32_0 = arith.constant 0 : i32
    return %arg0, %c0_i32 : i32, i32
  }
  func.func @transform_3(%arg0: i32) -> (i32, i32) {
    %c0_i32 = arith.constant 0 : i32
    %c0_i32_0 = arith.constant 0 : i32
    %c0_i32_1 = arith.constant 0 : i32
    return %c0_i32, %c0_i32_0 : i32, i32
  }
  func.func @transform_4(%arg0: i32) -> (i32, i32) {
    %c0_i32 = arith.constant 0 : i32
    %c0_i32_0 = arith.constant 0 : i32
    return %arg0, %c0_i32 : i32, i32
  }
  func.func @transform_5(%arg0: i32) -> (i32, i32) {
    %c0_i32 = arith.constant 0 : i32
    %c0_i32_0 = arith.constant 0 : i32
    return %arg0, %c0_i32 : i32, i32
  }
  func.func @transform_6(%arg0: i32) -> (i32, i32) {
    %c0_i32 = arith.constant 0 : i32
    %c0_i32_0 = arith.constant 0 : i32
    %c0_i32_1 = arith.constant 0 : i32
    return %c0_i32, %c0_i32_0 : i32, i32
  }
  func.func @transform_7(%arg0: i32) -> (i32, i32) {
    %c0_i32 = arith.constant 0 : i32
    %c0_i32_0 = arith.constant 0 : i32
    %c0_i32_1 = arith.constant 0 : i32
    return %c0_i32, %c0_i32_0 : i32, i32
  }
  func.func @transform_8(%arg0: i32) -> (i32, i32) {
    %c0_i32 = arith.constant 0 : i32
    %c0_i32_0 = arith.constant 0 : i32
    return %arg0, %c0_i32 : i32, i32
  }
}

</mosaic_0001>

<sc_bundles>
// kernel: kernel.10.cloned.1.call-start
scs
__scs_entry_jumppad:
0x0: {  	(pc) =	sbr.rel $0x88, $3  }
0x1: {  	(tag) =	ssettag $0x0;
	lr =	simm.s32 $0x1  }
0x2: {  	[smem:$0x3F97] =	sst lr;
	_ =	strace $0xD0000000  }
0x3: {  	_ = 	snop  }
0x4: {  	_ = 	snop  }
0x5: {  	_ = 	snop  }
0x6: {  	_ = 	snop  }
0x7: {  	_ = 	snop  }
__scs_overlays_trampoline_lowered:
0x8: {  	[smem:$0x3FA6] =	sst s0  }
0x9: {  	[smem:$0x3FA7] =	sst s1  }
0xa: {  	[smem:$0x3FA8] =	sst s2  }
0xb: {  	[smem:$0x3FA9] =	sst s3  }
0xc: {  	[smem:$0x3FAA] =	sst s4  }
0xd: {  	[smem:$0x3FAB] =	sst s5  }
0xe: {  	[smem:$0x3FAC] =	sst s6  }
0xf: {  	[smem:$0x3FAD] =	sst s7  }
0x10: {  	[smem:$0x3FAE] =	sst s8  }
0x11: {  	[smem:$0x3FAF] =	sst s9;
	s0 =	simm.s32 @!p0 $0x0  }
0x12: {  	s1 =	sld [smem:$0x3F95];
	s0 =	simm.s32 @p0 $0x1  }
0x13: {  	[smem:$0x3FB0] =	sst s0;
	s0 =	simm.s32 @!p1 $0x0  }
0x14: {  	s2 =	sld [smem:$0x3F94];
	s0 =	simm.s32 @p1 $0x1  }
0x15: {  	[smem:$0x3FB1] =	sst s0;
	s0 =	simm.s32 @!p2 $0x0  }
0x16: {  	s3 =	sld [smem:$0x3FDB];
	s0 =	simm.s32 @p2 $0x1  }
0x17: {  	s4 =	simm.s32 $0x1BF5;
	[smem:$0x3FB3] =	sst s0  }
0x18: {  	s0 =	sld [smem:$0x3F96];
	_ =	swait.ge [sflag:s4], $0x0  }
0x19: {  	s7 =	sld [smem:$0x3F97]  }
0x1a: {  	s8 =	sadd.s32 $0xFFFFE003, lr  }
0x1b: {  	s9 =	sadd.s32 $0xFFFFFEF7, lr;
	s5 =	simm.s32 $0xFFFFFFFF;
	p2 =	slt.u32 s8, $0xFFFFF086  }
0x1c: {  	p1 =	slt.u32 s9, $0xF7A;
	s5 =	simm.s32 @!p2 $0x0  }
0x1d: {  	s5 =	simm.s32 @p1 $0x1;
	p0 =	seq.s32 s7, s2  }
0x1e: {  	s7 =	smul.u32 @!p0 $0xF7A, s2;
	p2 =	seq.s32 @!p0 s5, $0x0  }
0x1f: {  	s9 =	smul.u32 $0xF7A, s1;
	s8 =	simm.s32 @!p0 $0x1BF5;
	p2 =	por !p2, p0  }
0x20: {  	[sflag:s8] =	ssyncset.s32 @!p0 $0xFFFFF086;
	s6 =	sadd.s32 @!p0 s3, s7;
	s7 =	simm.s32 @!p0 $0x108  }
0x21: {  	s3 =	sadd.s32 s3, s9;
	s6 =	sadd.s32 @!p0 $0x88, s6;
	s7 =	simm.s32 @p2 $0x1082  }
0x22: {  	[simem:s7], [sflag:s8] =	dma.local @!p0 [hbm:s6], $0xF7A  }
0x23: {  	s9 =	sor.u32 $0xD0000000, s2;
	s6 =	simm.s32 $0x108;
	_ =	swait.ge @!p0 [sflag:s8], $0x0  }
0x24: {  	s3 =	sadd.s32 $0x88, s3;
	s6 =	simm.s32 @!p1 $0x1082;
	[sflag:s4] =	ssyncset.s32 $0xFFFFF086  }
0x25: {  	[simem:s6], [sflag:s4] =	dma.local [hbm:s3], $0xF7A  }
0x26: {  	[smem:$0x3F97] =	sst s1;
	(tag) =	ssettag s2;
	_ =	strace s9  }
0x27: {  	s1 =	sld [smem:$0x3FA7]  }
0x28: {  	s2 =	sld [smem:$0x3FA8]  }
0x29: {  	s4 =	sld [smem:$0x3FAA]  }
0x2a: {  	p0 =	seq.s32 s5, $0x0;
	s5 =	sld [smem:$0x3FAB]  }
0x2b: {  	s6 =	sld [smem:$0x3FAC]  }
0x2c: {  	s7 =	sld [smem:$0x3FAD]  }
0x2d: {  	s3 =	simm.s32 $0x108;
	s8 =	sld [smem:$0x3FAE]  }
0x2e: {  	s3 =	simm.s32 @!p0 $0x1082;
	s9 =	sld [smem:$0x3FAF]  }
0x2f: {  	lr =	sadd.s32 s0, s3;
	s0 =	sld [smem:$0x3FA6]  }
0x30: {  	s3 =	sld [smem:$0x3FA9]  }
0x31: {  	[smem:$0x3FB2] =	sst s10  }
0x32: {  	s10 =	sld [smem:$0x3FB0];
	_ =	sdelay $0x3  }
0x33: {  	p0 =	seq.s32 s10, $0x1;
	s10 =	sld [smem:$0x3FB2];
	_ =	sdelay $0x3  }
0x34: {  	[smem:$0x3FB2] =	sst s10  }
0x35: {  	s10 =	sld [smem:$0x3FB1];
	_ =	sdelay $0x3  }
0x36: {  	p1 =	seq.s32 s10, $0x1;
	s10 =	sld [smem:$0x3FB2];
	_ =	sdelay $0x3  }
0x37: {  	[smem:$0x3FB2] =	sst s10  }
0x38: {  	s10 =	sld [smem:$0x3FB3]  }
0x39: {  	_ = 	snop;
	(pc) =	sbr.ind lr, $3  }
0x3a: {  	_ = 	snop  }
0x3b: {  	_ = 	snop  }
0x3c: {  	p2 =	seq.s32 s10, $0x1;
	s10 =	sld [smem:$0x3FB2]  }
0x3d: {  	_ =	shalt  }
0x3e: {  	_ =	shalt  }
0x3f: {  	_ =	shalt  }
0x40: {  	_ =	shalt  }
0x41: {  	_ =	shalt  }
0x42: {  	_ =	shalt  }
0x43: {  	_ =	shalt  }
0x44: {  	_ =	shalt  }
0x45: {  	_ =	shalt  }
0x46: {  	_ =	shalt  }
0x47: {  	_ =	shalt  }
0x48: {  	_ =	shalt  }
0x49: {  	_ =	shalt  }
0x4a: {  	_ =	shalt  }
0x4b: {  	_ =	shalt  }
0x4c: {  	_ =	shalt  }
0x4d: {  	_ =	shalt  }
0x4e: {  	_ =	shalt  }
0x4f: {  	_ =	shalt  }
0x50: {  	_ =	shalt  }
0x51: {  	_ =	shalt  }
0x52: {  	_ =	shalt  }
0x53: {  	_ =	shalt  }
0x54: {  	_ =	shalt  }
0x55: {  	_ =	shalt  }
0x56: {  	_ =	shalt  }
0x57: {  	_ =	shalt  }
0x58: {  	_ =	shalt  }
0x59: {  	_ =	shalt  }
0x5a: {  	_ =	shalt  }
0x5b: {  	_ =	shalt  }
0x5c: {  	_ =	shalt  }
0x5d: {  	_ =	shalt  }
0x5e: {  	_ =	shalt  }
0x5f: {  	_ =	shalt  }
0x60: {  	_ =	shalt  }
0x61: {  	_ =	shalt  }
0x62: {  	_ =	shalt  }
0x63: {  	_ =	shalt  }
0x64: {  	_ =	shalt  }
0x65: {  	_ =	shalt  }
0x66: {  	_ =	shalt  }
0x67: {  	_ =	shalt  }
0x68: {  	_ =	shalt  }
0x69: {  	_ =	shalt  }
0x6a: {  	_ =	shalt  }
0x6b: {  	_ =	shalt  }
0x6c: {  	_ =	shalt  }
0x6d: {  	_ =	shalt  }
0x6e: {  	_ =	shalt  }
0x6f: {  	_ =	shalt  }
0x70: {  	_ =	shalt  }
0x71: {  	_ =	shalt  }
0x72: {  	_ =	shalt  }
0x73: {  	_ =	shalt  }
0x74: {  	_ =	shalt  }
0x75: {  	_ =	shalt  }
0x76: {  	_ =	shalt  }
0x77: {  	_ =	shalt  }
0x78: {  	_ =	shalt  }
0x79: {  	_ =	shalt  }
0x7a: {  	_ =	shalt  }
0x7b: {  	_ =	shalt  }
0x7c: {  	_ =	shalt  }
0x7d: {  	_ =	shalt  }
0x7e: {  	_ =	shalt  }
0x7f: {  	_ =	shalt  }
0x80: {  	_ =	shalt  }
0x81: {  	_ =	shalt  }
0x82: {  	_ =	shalt  }
0x83: {  	_ =	shalt  }
0x84: {  	_ =	shalt  }
0x85: {  	_ =	shalt  }
0x86: {  	_ =	shalt  }
0x87: {  	_ =	shalt  }
.Lfunc_end0:
.L_simem_size_0:
called_computation_lowered:
.L_overlay_start_0:
0x88: {  	s2 =	sld [smem:$0x3FD9]  }
0x89: {  	s3 =	sld [smem:$0x3FFE];
	_ =	sdelay $0x1  }
0x8a: {  	s1 =	srdreg.scid  }
0x8b: {  	s0 =	sand.u32 $0x1, s1  }
0x8c: {  	s17 =	sshll.u32 s0, $0xA;
	s2 =	sadd.s32 s3, s2  }
0x8d: {  	s2 =	sadd.s32 s2, s17  }
0x8e: {  	[smem:$0x3FBE] =	sst s2  }
0x8f: {  	_ = 	snop  }
0x90: {  	s2 =	sld [smem:$0x3FD0];
	(tm) =	ssettm $0x1  }
0x91: {  	s18 =	sld [smem:$0x3FFB];
	_ =	sdelay $0x3  }
0x92: {  	_ =	strace s18  }
0x93: {  	s3 =	sld [smem:$0x3FFC];
	_ =	sdelay $0x3  }
0x94: {  	_ =	strace s3  }
0x95: {  	s3 =	sld [smem:$0x3FFD];
	_ =	sdelay $0x3  }
0x96: {  	_ =	strace s3  }
0x97: {  	_ =	strace $0x8FFFFFFF  }
0x98: {  	s19 =	sld [smem:$0x3FDB];
	_ =	sdelay $0x1  }
0x99: {  	s4 =	simm.s32 $_scs_section_size  }
0x9a: {  	s5 =	simm.s32 $_size__tile_overlayer_lowered;
	s6 =	simm.s32 $_tile_overlayer_lowered  }
0x9b: {  	s22 =	simm.s32 $0x1BFF;
	s21 =	sshll.u32 s6, $0x1;
	s3 =	sadd.s32 s4, s19  }
0x9c: {  	s7 =	simm.s32 $0x0;
	s20 =	sshll.u32 s5, $0x1;
	s5 =	sadd.s32 s21, s3  }
0x9d: {  	[timem:s7], [sflag:s22] =	dma.local [hbm:s5], s20  }
0x9e: {  	_ =	swait.ge [sflag:s22], s20  }
0x9f: {  	s4 =	ssub.s32 $0x0, s20;
	[sflag:s22] =	ssyncset.done $0x0  }
0xa0: {  	[sflag:s22] =	ssyncadd.s32 s4;
	_ =	sdelay $0x1  }
0xa1: {  	s23 =	simm.s32 $0x1B8B  }
0xa2: {  	_ =	swait.ge [sflag:s23], $0x1  }
0xa3: {  	[sflag:s23] =	ssyncset.done $0x0  }
0xa4: {  	s25 =	simm.s32 $0x1B8E;
	s24 =	sld [smem:$0x3FFE];
	[sflag:s23] =	ssyncadd.s32 $0xFFFFFFFF  }
0xa5: {  	s26 =	simm.s32 $execute0_lowered;
	[smem:$0x3FD2] =	sst s25  }
0xa6: {  	s5 =	sshll.u32 s26, $0x1;
	_ =	strace $0x80000046;
	[dreg:$0x1] =	wrdreg $0xFFFFFFFF  }
0xa7: {  	s28 =	simm.s32 $_size_execute0_lowered;
	s3 =	sadd.s32 s3, s5;
	[dreg:$0x0] =	wrdreg $0x0  }
0xa8: {  	s5 =	sshll.u32 s28, $0x1;
	[dreg:$0x2] =	wrdreg s3  }
0xa9: {  	[dreg:$0x3] =	wrdreg s5  }
0xaa: {  	[dreg:$0x4] =	wrdreg $0xC0  }
0xab: {  	_ =	task [dreg:s7], $0x5FFFF  }
0xac: {  	[dreg:$0x1] =	wrdreg $0xFFFFFFFF  }
0xad: {  	[dreg:$0x0] =	wrdreg $0x60  }
0xae: {  	[dreg:$0x2] =	wrdreg s2  }
0xaf: {  	[dreg:$0x3] =	wrdreg s24  }
0xb0: {  	[dreg:$0x4] =	wrdreg $0x70000  }
0xb1: {  	[dreg:$0x5] =	wrdreg $0x9  }
0xb2: {  	_ =	task.clear_ibuf [dreg:s7], $0x6FFFF;
	_ =	strace $0x90000046  }
0xb3: {  	s29 =	simm.s32 $0x9;
	_ =	strace $0x80000048  }
0xb4: {  	_ =	swait.ge [sflag:s29], $0x1  }
0xb5: {  	[sflag:s29] =	ssyncadd.s32 $0xFFFFFFFF  }
0xb6: {  	_ =	strace $0x90000048  }
0xb7: {  	_ =	sfence  }
0xb8: {  	s30 =	sld [smem:$0x0];
	_ =	sdelay $0x2  }
0xb9: {  	s31 =	sshll.u32 s1, $0xD;
	s1 =	sshrl.u32 s1, $0x2  }
0xba: {  	s3 =	sand.u32 $0x4000, s31;
	s1 =	sadd.s32 s1, s30  }
0xbb: {  	s0 =	sor.u32 s3, s0;
	s1 =	sshll.u32 s1, $0x11  }
0xbc: {  	s0 =	sor.u32 s1, s0  }
0xbd: {  	s0 =	sadd.s32 $0x8F2B, s0  }
0xbe: {  	[sflag:s0] =	ssyncadd.remote.s32 $0x1  }
0xbf: {  	_ =	sfence.sel $0xFFFF  }
0xc0: {  	[dreg:$0x0] =	wrdreg $0xFFFFFFFF;
	(pc) =	sbr.abs _section_cstart, $3  }
0xc1: {  	[dreg:$0x1] =	wrdreg $0xFFFFFFFF  }
0xc2: {  	_ =	task.clear_ibuf [dreg:s7], $0x2FFFF;
	_ =	strace $0x9FFFFFFF  }
0xc3: {  	(tm) =	ssettm $0x7FFFFFFF  }
tec
execute0_lowered:
.L_overlay_start_1:
0x0: {  	(tag) =	ssettag $0x1  }
0x1: {  	s0 =	rddreg [dreg:$0x0]  }
0x2: {  	s1 =	rddreg [dreg:$0x1]  }
0x3: {  	s3 =	srdreg.scid;
	s7 =	stileid.u32  }
0x4: {  	s2 =	rddreg [dreg:$0x2];
	s5 =	smul.u32 $0x13C00, s7  }
0x5: {  	s6 =	simm.s32 $0x0;
	s3 =	sand.u32 $0x1, s3;
	s25 =	smul.u32 $0x4F000, s7  }
0x6: {  	[smem:$0x7FF] =	sst s6;
	s4 =	smul.u32 $0x13C000, s3  }
0x7: {  	s24 =	sshll.u32 s3, $0x4;
	_ =	strace $0x80000047;
	s3 =	ssub.s32 $0x2, s3  }
0x8: {  	s26 =	sshrl.u32 s3, $0x1;
	s4 =	sadd.s32 s5, s4;
	s5 =	sor.u32 s7, s24  }
0x9: {  	s3 =	ssub.s32 s3, s26;
	s4 =	sshrl.u32 s4, $0x3;
	s5 =	smul.u32 $0x500, s5  }
0xa: {  	s6 =	sshrl.u32 s25, $0x2;
	s26 =	smax.u32 s3, $0x1;
	s1 =	sadd.s32 s4, s1  }
0xb: {  	s4 =	sadd.s32 s6, s2;
	[dreg:$0x18] =	wrdreg s26;
	s0 =	sadd.s32 s0, s5  }
0xc: {  	s7 =	sadd.s32 $0x800, s4;
	[dreg:$0x4] =	wrdreg s0  }
0xd: {  	s8 =	sadd.s32 $0x1000, s4;
	[dreg:$0x5] =	wrdreg s7  }
0xe: {  	s9 =	sadd.s32 $0x1800, s4;
	[dreg:$0x6] =	wrdreg s8  }
0xf: {  	s10 =	sadd.s32 $0x2000, s4;
	[dreg:$0x7] =	wrdreg s9  }
0x10: {  	s11 =	sadd.s32 $0x2800, s4;
	[dreg:$0x8] =	wrdreg s10  }
0x11: {  	s12 =	sadd.s32 $0x3000, s4;
	[dreg:$0x9] =	wrdreg s11  }
0x12: {  	s13 =	sadd.s32 $0x3800, s4;
	[dreg:$0xa] =	wrdreg s12  }
0x13: {  	s14 =	sadd.s32 $0x4000, s4;
	[dreg:$0xb] =	wrdreg s13  }
0x14: {  	s15 =	sadd.s32 $0x4800, s4;
	[dreg:$0xc] =	wrdreg s14  }
0x15: {  	s16 =	sadd.s32 $0x5000, s4;
	[dreg:$0xd] =	wrdreg s15  }
0x16: {  	s17 =	sadd.s32 $0x5800, s4;
	s18 =	sadd.s32 $0x6000, s4;
	[dreg:$0xe] =	wrdreg s16  }
0x17: {  	s19 =	sadd.s32 $0x6800, s4;
	s20 =	sadd.s32 $0x7000, s4;
	[dreg:$0xf] =	wrdreg s17  }
0x18: {  	s21 =	sadd.s32 $0x7800, s4;
	s22 =	sadd.s32 $0x8000, s4;
	[dreg:$0x10] =	wrdreg s18  }
0x19: {  	s23 =	sadd.s32 $0x8800, s4;
	s24 =	sadd.s32 $0x9000, s4;
	[dreg:$0x11] =	wrdreg s19  }
0x1a: {  	s25 =	sadd.s32 $0x4200, s1;
	s26 =	sadd.s32 $0x9800, s4;
	[dreg:$0x12] =	wrdreg s20  }
0x1b: {  	s28 =	sadd.s32 $0xA000, s4;
	s29 =	sadd.s32 $0xA800, s4;
	[dreg:$0x13] =	wrdreg s21  }
0x1c: {  	s30 =	sadd.s32 $0xB000, s4;
	s31 =	sadd.s32 $0xB800, s4;
	[dreg:$0x14] =	wrdreg s22  }
0x1d: {  	s3 =	sadd.s32 $0xC800, s4;
	s1 =	sadd.s32 $0xD000, s4;
	[dreg:$0x15] =	wrdreg s23  }
0x1e: {  	s5 =	sadd.s32 $0xD800, s4;
	s6 =	sadd.s32 $0xE000, s4;
	[dreg:$0x16] =	wrdreg s24  }
0x1f: {  	[dreg:$0x17] =	wrdreg s25;
	s0 =	sadd.s32 $0xC000, s4;
	s7 =	sadd.s32 $0xE800, s4  }
0x20: {  	s8 =	sadd.s32 $0xF000, s4;
	s9 =	sadd.s32 $0xF800, s4;
	s10 =	sadd.s32 $0x10000, s4  }
0x21: {  	s11 =	sadd.s32 $0x10800, s4;
	s12 =	sadd.s32 $0x11000, s4;
	s13 =	sadd.s32 $0x11800, s4  }
0x22: {  	s14 =	sadd.s32 $0x12000, s4;
	s15 =	sadd.s32 $0x12800, s4;
	s16 =	sadd.s32 $0x13000, s4  }
0x23: {  	s17 =	sadd.s32 $0x13800, s4;
	s18 =	simm.s32 $0x1;
	s19 =	simm.s32 $0x6800  }
0x24: {  	v0 =	vimm.f32 $0.0e+00;
	v1 =	vimm.f32 $1.000000000e+00;
	s20 =	simm.s32 $0x80;
	s21 =	simm.s32 $0x2800;
	s22 =	simm.s32 $0x0  }
.LBB2_1:
0x25: {  	s23 =	simm.s32 $0x0;
	s24 =	rddreg [dreg:$0x4]  }
0x26: {  	[tilespmem:s23], [sflag:$0x1] =	stream.linear.gather [hbm4b:s24+s23], $0x2800, $0x38;
	[tilespmem:$0x9780] =	vst v63  }
0x27: {  	_ =	swait.ge [sflag:s18], $0x2800  }
0x28: {  	[sflag:s18] =	ssyncset.done $0x0  }
0x29: {  	[sflag:s18] =	ssyncadd.s32 $0xFFFFD800  }
0x2a: {  	[tilespmem:$0x6800] =	vst v0  }
0x2b: {  	[tilespmem:$0x6880] =	vst v0  }
0x2c: {  	[tilespmem:$0x6900] =	vst v0  }
0x2d: {  	[tilespmem:$0x6980] =	vst v0  }
0x2e: {  	[tilespmem:$0x6A00] =	vst v0  }
0x2f: {  	[tilespmem:$0x6A80] =	vst v0  }
0x30: {  	[tilespmem:$0x6B00] =	vst v0  }
0x31: {  	[tilespmem:$0x6B80] =	vst v0  }
0x32: {  	[tilespmem:$0x6C00] =	vst v0  }
0x33: {  	[tilespmem:$0x6C80] =	vst v0  }
0x34: {  	[tilespmem:$0x6D00] =	vst v0  }
0x35: {  	[tilespmem:$0x6D80] =	vst v0  }
0x36: {  	[tilespmem:$0x6E00] =	vst v0  }
0x37: {  	[tilespmem:$0x6E80] =	vst v0  }
0x38: {  	[tilespmem:$0x6F00] =	vst v0  }
0x39: {  	s23 =	simm.s32 $0x200;
	s24 =	simm.s32 $0x0;
	[tilespmem:$0x6F80] =	vst v0  }
.LBB2_2:
0x3a: {  	p0 =	sne.s32 s23, $0xFE00;
	[tilespmem:s24+$0x2800] =	vst v1;
	s24 =	smov.u32 s23;
	s23 =	sadd.s32 $0x200, s23  }
.Ltmp0:
0x3b: {  	(pc) =	sbr.rel @p0 .LBB2_2-.Ltmp0, $2  }
0x3c: {  	_ =	sdelay $0x2  }
0x3d: {  	s24 =	sshra.s32 s24, $0x2  }
0x3e: {  	[tilespmem:s24+$0x2800] =	vst v1  }
0x3f: {  	[spmem:s4] =	stream.linear.scatter [tilespmem:s19], [sflag:$0x1], $0x800, $0x38;
	[tilespmem:$0x9780] =	vst v63  }
0x40: {  	_ =	swait.ge [sflag:s18], $0x800  }
0x41: {  	[sflag:s18] =	ssyncset.done $0x0  }
0x42: {  	s23 =	rddreg [dreg:$0x5];
	[sflag:s18] =	ssyncadd.s32 $0xFFFFF800  }
0x43: {  	[spmem:s23] =	stream.linear.scatter [tilespmem:s19], [sflag:$0x1], $0x800, $0x38;
	[tilespmem:$0x9780] =	vst v63  }
0x44: {  	_ =	swait.ge [sflag:s18], $0x800  }
0x45: {  	[sflag:s18] =	ssyncset.done $0x0  }
0x46: {  	s24 =	rddreg [dreg:$0x6];
	[sflag:s18] =	ssyncadd.s32 $0xFFFFF800  }
0x47: {  	[spmem:s24] =	stream.linear.scatter [tilespmem:s19], [sflag:$0x1], $0x800, $0x38;
	[tilespmem:$0x9780] =	vst v63  }
0x48: {  	_ =	swait.ge [sflag:s18], $0x800  }
0x49: {  	[sflag:s18] =	ssyncset.done $0x0  }
0x4a: {  	s25 =	rddreg [dreg:$0x7];
	[sflag:s18] =	ssyncadd.s32 $0xFFFFF800  }
0x4b: {  	[spmem:s25] =	stream.linear.scatter [tilespmem:s19], [sflag:$0x1], $0x800, $0x38;
	[tilespmem:$0x9780] =	vst v63  }
0x4c: {  	_ =	swait.ge [sflag:s18], $0x800  }
0x4d: {  	[sflag:s18] =	ssyncset.done $0x0  }
0x4e: {  	s24 =	rddreg [dreg:$0x8];
	[sflag:s18] =	ssyncadd.s32 $0xFFFFF800  }
0x4f: {  	[spmem:s24] =	stream.linear.scatter [tilespmem:s19], [sflag:$0x1], $0x800, $0x38;
	[tilespmem:$0x9780] =	vst v63  }
0x50: {  	_ =	swait.ge [sflag:s18], $0x800  }
0x51: {  	[sflag:s18] =	ssyncset.done $0x0  }
0x52: {  	s25 =	rddreg [dreg:$0x9];
	[sflag:s18] =	ssyncadd.s32 $0xFFFFF800  }
0x53: {  	[spmem:s25] =	stream.linear.scatter [tilespmem:s19], [sflag:$0x1], $0x800, $0x38;
	[tilespmem:$0x9780] =	vst v63  }
0x54: {  	_ =	swait.ge [sflag:s18], $0x800  }
0x55: {  	[sflag:s18] =	ssyncset.done $0x0  }
0x56: {  	s24 =	rddreg [dreg:$0xa];
	[sflag:s18] =	ssyncadd.s32 $0xFFFFF800  }
0x57: {  	[spmem:s24] =	stream.linear.scatter [tilespmem:s19], [sflag:$0x1], $0x800, $0x38;
	[tilespmem:$0x9780] =	vst v63  }
0x58: {  	_ =	swait.ge [sflag:s18], $0x800  }
0x59: {  	[sflag:s18] =	ssyncset.done $0x0  }
0x5a: {  	s25 =	rddreg [dreg:$0xb];
	[sflag:s18] =	ssyncadd.s32 $0xFFFFF800  }
0x5b: {  	[spmem:s25] =	stream.linear.scatter [tilespmem:s19], [sflag:$0x1], $0x800, $0x38;
	[tilespmem:$0x9780] =	vst v63  }
0x5c: {  	_ =	swait.ge [sflag:s18], $0x800  }
0x5d: {  	[sflag:s18] =	ssyncset.done $0x0  }
0x5e: {  	s24 =	rddreg [dreg:$0xc];
	[sflag:s18] =	ssyncadd.s32 $0xFFFFF800  }
0x5f: {  	[spmem:s24] =	stream.linear.scatter [tilespmem:s19], [sflag:$0x1], $0x800, $0x38;
	[tilespmem:$0x9780] =	vst v63  }
0x60: {  	_ =	swait.ge [sflag:s18], $0x800  }
0x61: {  	[sflag:s18] =	ssyncset.done $0x0  }
0x62: {  	s25 =	rddreg [dreg:$0xd];
	[sflag:s18] =	ssyncadd.s32 $0xFFFFF800  }
0x63: {  	[spmem:s25] =	stream.linear.scatter [tilespmem:s19], [sflag:$0x1], $0x800, $0x38;
	[tilespmem:$0x9780] =	vst v63  }
0x64: {  	_ =	swait.ge [sflag:s18], $0x800  }
0x65: {  	[sflag:s18] =	ssyncset.done $0x0  }
0x66: {  	s24 =	rddreg [dreg:$0xe];
	[sflag:s18] =	ssyncadd.s32 $0xFFFFF800  }
0x67: {  	[spmem:s24] =	stream.linear.scatter [tilespmem:s19], [sflag:$0x1], $0x800, $0x38;
	[tilespmem:$0x9780] =	vst v63  }
0x68: {  	_ =	swait.ge [sflag:s18], $0x800  }
0x69: {  	[sflag:s18] =	ssyncset.done $0x0  }
0x6a: {  	s25 =	rddreg [dreg:$0xf];
	[sflag:s18] =	ssyncadd.s32 $0xFFFFF800  }
0x6b: {  	[spmem:s25] =	stream.linear.scatter [tilespmem:s19], [sflag:$0x1], $0x800, $0x38;
	[tilespmem:$0x9780] =	vst v63  }
0x6c: {  	_ =	swait.ge [sflag:s18], $0x800  }
0x6d: {  	[sflag:s18] =	ssyncset.done $0x0  }
0x6e: {  	s24 =	rddreg [dreg:$0x10];
	[sflag:s18] =	ssyncadd.s32 $0xFFFFF800  }
0x6f: {  	[spmem:s24] =	stream.linear.scatter [tilespmem:s19], [sflag:$0x1], $0x800, $0x38;
	[tilespmem:$0x9780] =	vst v63  }
0x70: {  	_ =	swait.ge [sflag:s18], $0x800  }
0x71: {  	[sflag:s18] =	ssyncset.done $0x0  }
0x72: {  	s25 =	rddreg [dreg:$0x11];
	[sflag:s18] =	ssyncadd.s32 $0xFFFFF800  }
0x73: {  	[spmem:s25] =	stream.linear.scatter [tilespmem:s19], [sflag:$0x1], $0x800, $0x38;
	[tilespmem:$0x9780] =	vst v63  }
0x74: {  	_ =	swait.ge [sflag:s18], $0x800  }
0x75: {  	[sflag:s18] =	ssyncset.done $0x0  }
0x76: {  	s24 =	rddreg [dreg:$0x12];
	[sflag:s18] =	ssyncadd.s32 $0xFFFFF800  }
0x77: {  	[spmem:s24] =	stream.linear.scatter [tilespmem:s19], [sflag:$0x1], $0x800, $0x38;
	[tilespmem:$0x9780] =	vst v63  }
0x78: {  	_ =	swait.ge [sflag:s18], $0x800  }
0x79: {  	[sflag:s18] =	ssyncset.done $0x0  }
0x7a: {  	s25 =	rddreg [dreg:$0x13];
	[sflag:s18] =	ssyncadd.s32 $0xFFFFF800  }
0x7b: {  	[spmem:s25] =	stream.linear.scatter [tilespmem:s19], [sflag:$0x1], $0x800, $0x38;
	[tilespmem:$0x9780] =	vst v63  }
0x7c: {  	_ =	swait.ge [sflag:s18], $0x800  }
0x7d: {  	[sflag:s18] =	ssyncset.done $0x0  }
0x7e: {  	s24 =	rddreg [dreg:$0x14];
	[sflag:s18] =	ssyncadd.s32 $0xFFFFF800  }
0x7f: {  	[spmem:s24] =	stream.linear.scatter [tilespmem:s19], [sflag:$0x1], $0x800, $0x38;
	[tilespmem:$0x9780] =	vst v63  }
0x80: {  	_ =	swait.ge [sflag:s18], $0x800  }
0x81: {  	[sflag:s18] =	ssyncset.done $0x0  }
0x82: {  	s25 =	rddreg [dreg:$0x15];
	[sflag:s18] =	ssyncadd.s32 $0xFFFFF800  }
0x83: {  	[spmem:s25] =	stream.linear.scatter [tilespmem:s19], [sflag:$0x1], $0x800, $0x38;
	[tilespmem:$0x9780] =	vst v63  }
0x84: {  	_ =	swait.ge [sflag:s18], $0x800  }
0x85: {  	[sflag:s18] =	ssyncset.done $0x0  }
0x86: {  	s24 =	rddreg [dreg:$0x16];
	[sflag:s18] =	ssyncadd.s32 $0xFFFFF800  }
0x87: {  	[spmem:s24] =	stream.linear.scatter [tilespmem:s19], [sflag:$0x1], $0x800, $0x38;
	[tilespmem:$0x9780] =	vst v63  }
0x88: {  	_ =	swait.ge [sflag:s18], $0x800  }
0x89: {  	[sflag:s18] =	ssyncset.done $0x0  }
0x8a: {  	[sflag:s18] =	ssyncadd.s32 $0xFFFFF800  }
0x8b: {  	[spmem:s26] =	stream.linear.scatter [tilespmem:s19], [sflag:$0x1], $0x800, $0x38;
	[tilespmem:$0x9780] =	vst v63  }
0x8c: {  	_ =	swait.ge [sflag:s18], $0x800  }
0x8d: {  	[sflag:s18] =	ssyncset.done $0x0  }
0x8e: {  	[sflag:s18] =	ssyncadd.s32 $0xFFFFF800  }
0x8f: {  	[spmem:s28] =	stream.linear.scatter [tilespmem:s19], [sflag:$0x1], $0x800, $0x38;
	[tilespmem:$0x9780] =	vst v63  }
0x90: {  	_ =	swait.ge [sflag:s18], $0x800  }
0x91: {  	[sflag:s18] =	ssyncset.done $0x0  }
0x92: {  	[sflag:s18] =	ssyncadd.s32 $0xFFFFF800  }
0x93: {  	[spmem:s29] =	stream.linear.scatter [tilespmem:s19], [sflag:$0x1], $0x800, $0x38;
	[tilespmem:$0x9780] =	vst v63  }
0x94: {  	_ =	swait.ge [sflag:s18], $0x800  }
0x95: {  	[sflag:s18] =	ssyncset.done $0x0  }
0x96: {  	[sflag:s18] =	ssyncadd.s32 $0xFFFFF800  }
0x97: {  	[spmem:s30] =	stream.linear.scatter [tilespmem:s19], [sflag:$0x1], $0x800, $0x38;
	[tilespmem:$0x9780] =	vst v63  }
0x98: {  	_ =	swait.ge [sflag:s18], $0x800  }
0x99: {  	[sflag:s18] =	ssyncset.done $0x0  }
0x9a: {  	[sflag:s18] =	ssyncadd.s32 $0xFFFFF800  }
0x9b: {  	[spmem:s31] =	stream.linear.scatter [tilespmem:s19], [sflag:$0x1], $0x800, $0x38;
	[tilespmem:$0x9780] =	vst v63  }
0x9c: {  	_ =	swait.ge [sflag:s18], $0x800  }
0x9d: {  	[sflag:s18] =	ssyncset.done $0x0  }
0x9e: {  	[sflag:s18] =	ssyncadd.s32 $0xFFFFF800  }
0x9f: {  	[spmem:s0] =	stream.linear.scatter [tilespmem:s19], [sflag:$0x1], $0x800, $0x38;
	[tilespmem:$0x9780] =	vst v63  }
0xa0: {  	_ =	swait.ge [sflag:s18], $0x800  }
0xa1: {  	[sflag:s18] =	ssyncset.done $0x0  }
0xa2: {  	[sflag:s18] =	ssyncadd.s32 $0xFFFFF800  }
0xa3: {  	[spmem:s3] =	stream.linear.scatter [tilespmem:s19], [sflag:$0x1], $0x800, $0x38;
	[tilespmem:$0x9780] =	vst v63  }
0xa4: {  	_ =	swait.ge [sflag:s18], $0x800  }
0xa5: {  	[sflag:s18] =	ssyncset.done $0x0  }
0xa6: {  	[sflag:s18] =	ssyncadd.s32 $0xFFFFF800  }
0xa7: {  	[spmem:s1] =	stream.linear.scatter [tilespmem:s19], [sflag:$0x1], $0x800, $0x38;
	[tilespmem:$0x9780] =	vst v63  }
0xa8: {  	_ =	swait.ge [sflag:s18], $0x800  }
0xa9: {  	[sflag:s18] =	ssyncset.done $0x0  }
0xaa: {  	[sflag:s18] =	ssyncadd.s32 $0xFFFFF800  }
0xab: {  	[spmem:s5] =	stream.linear.scatter [tilespmem:s19], [sflag:$0x1], $0x800, $0x38;
	[tilespmem:$0x9780] =	vst v63  }
0xac: {  	_ =	swait.ge [sflag:s18], $0x800  }
0xad: {  	[sflag:s18] =	ssyncset.done $0x0  }
0xae: {  	[sflag:s18] =	ssyncadd.s32 $0xFFFFF800  }
0xaf: {  	[spmem:s6] =	stream.linear.scatter [tilespmem:s19], [sflag:$0x1], $0x800, $0x38;
	[tilespmem:$0x9780] =	vst v63  }
0xb0: {  	_ =	swait.ge [sflag:s18], $0x800  }
0xb1: {  	[sflag:s18] =	ssyncset.done $0x0  }
0xb2: {  	[sflag:s18] =	ssyncadd.s32 $0xFFFFF800  }
0xb3: {  	[spmem:s7] =	stream.linear.scatter [tilespmem:s19], [sflag:$0x1], $0x800, $0x38;
	[tilespmem:$0x9780] =	vst v63  }
0xb4: {  	_ =	swait.ge [sflag:s18], $0x800  }
0xb5: {  	[sflag:s18] =	ssyncset.done $0x0  }
0xb6: {  	[sflag:s18] =	ssyncadd.s32 $0xFFFFF800  }
0xb7: {  	[spmem:s8] =	stream.linear.scatter [tilespmem:s19], [sflag:$0x1], $0x800, $0x38;
	[tilespmem:$0x9780] =	vst v63  }
0xb8: {  	_ =	swait.ge [sflag:s18], $0x800  }
0xb9: {  	[sflag:s18] =	ssyncset.done $0x0  }
0xba: {  	[sflag:s18] =	ssyncadd.s32 $0xFFFFF800  }
0xbb: {  	[spmem:s9] =	stream.linear.scatter [tilespmem:s19], [sflag:$0x1], $0x800, $0x38;
	[tilespmem:$0x9780] =	vst v63  }
0xbc: {  	_ =	swait.ge [sflag:s18], $0x800  }
0xbd: {  	[sflag:s18] =	ssyncset.done $0x0  }
0xbe: {  	[sflag:s18] =	ssyncadd.s32 $0xFFFFF800  }
0xbf: {  	[spmem:s10] =	stream.linear.scatter [tilespmem:s19], [sflag:$0x1], $0x800, $0x38;
	[tilespmem:$0x9780] =	vst v63  }
0xc0: {  	_ =	swait.ge [sflag:s18], $0x800  }
0xc1: {  	[sflag:s18] =	ssyncset.done $0x0  }
0xc2: {  	[sflag:s18] =	ssyncadd.s32 $0xFFFFF800  }
0xc3: {  	[spmem:s11] =	stream.linear.scatter [tilespmem:s19], [sflag:$0x1], $0x800, $0x38;
	[tilespmem:$0x9780] =	vst v63  }
0xc4: {  	_ =	swait.ge [sflag:s18], $0x800  }
0xc5: {  	[sflag:s18] =	ssyncset.done $0x0  }
0xc6: {  	[sflag:s18] =	ssyncadd.s32 $0xFFFFF800  }
0xc7: {  	[spmem:s12] =	stream.linear.scatter [tilespmem:s19], [sflag:$0x1], $0x800, $0x38;
	[tilespmem:$0x9780] =	vst v63  }
0xc8: {  	_ =	swait.ge [sflag:s18], $0x800  }
0xc9: {  	[sflag:s18] =	ssyncset.done $0x0  }
0xca: {  	[sflag:s18] =	ssyncadd.s32 $0xFFFFF800  }
0xcb: {  	[spmem:s13] =	stream.linear.scatter [tilespmem:s19], [sflag:$0x1], $0x800, $0x38;
	[tilespmem:$0x9780] =	vst v63  }
0xcc: {  	_ =	swait.ge [sflag:s18], $0x800  }
0xcd: {  	[sflag:s18] =	ssyncset.done $0x0  }
0xce: {  	[sflag:s18] =	ssyncadd.s32 $0xFFFFF800  }
0xcf: {  	[spmem:s14] =	stream.linear.scatter [tilespmem:s19], [sflag:$0x1], $0x800, $0x38;
	[tilespmem:$0x9780] =	vst v63  }
0xd0: {  	_ =	swait.ge [sflag:s18], $0x800  }
0xd1: {  	[sflag:s18] =	ssyncset.done $0x0  }
0xd2: {  	[sflag:s18] =	ssyncadd.s32 $0xFFFFF800  }
0xd3: {  	[spmem:s15] =	stream.linear.scatter [tilespmem:s19], [sflag:$0x1], $0x800, $0x38;
	[tilespmem:$0x9780] =	vst v63  }
0xd4: {  	_ =	swait.ge [sflag:s18], $0x800  }
0xd5: {  	[sflag:s18] =	ssyncset.done $0x0  }
0xd6: {  	[sflag:s18] =	ssyncadd.s32 $0xFFFFF800  }
0xd7: {  	[spmem:s16] =	stream.linear.scatter [tilespmem:s19], [sflag:$0x1], $0x800, $0x38;
	[tilespmem:$0x9780] =	vst v63  }
0xd8: {  	_ =	swait.ge [sflag:s18], $0x800  }
0xd9: {  	[sflag:s18] =	ssyncset.done $0x0  }
0xda: {  	[sflag:s18] =	ssyncadd.s32 $0xFFFFF800  }
0xdb: {  	[spmem:s17] =	stream.linear.scatter [tilespmem:s19], [sflag:$0x1], $0x400, $0x38;
	[tilespmem:$0x9780] =	vst v63  }
0xdc: {  	_ =	swait.ge [sflag:s18], $0x400  }
0xdd: {  	[sflag:s18] =	ssyncset.done $0x0  }
0xde: {  	[sflag:s18] =	ssyncadd.s32 $0xFFFFFC00  }
0xdf: {  	s25 =	simm.s32 $0x0;
	[bflag:$0x0] =	sbarrier.arrive $0xFFFF  }
0xe0: {  	[spmem:s2] =	stream.indirect.scatter.add.f32 [tilespmem:s21], [sflag:$0x1], $0x10, s25, s20, $0xb8;
	[tilespmem:$0x9780] =	vst v63  }
0xe1: {  	_ =	swait.ge [sflag:s18], $0x800  }
0xe2: {  	s23 =	simm.s32 $0x200;
	[sflag:s18] =	ssyncset.done $0x0  }
.LBB2_4:
0xe3: {  	s24 =	sshra.s32 s23, $0x2;
	[sflag:s18] =	ssyncadd.s32 $0xFFFFF800;
	p0 =	sne.s32 s23, $0x9E00  }
0xe4: {  	[spmem:s2] =	stream.indirect.scatter.add.f32 [tilespmem:s21], [sflag:$0x1], $0x10, s24, s20, $0xb8;
	[tilespmem:$0x9780] =	vst v63  }
.Ltmp1:
0xe5: {  	_ = 	snop;
	(pc) =	sbr.rel @p0 .LBB2_4-.Ltmp1, $4  }
0xe6: {  	_ = 	snop  }
0xe7: {  	s23 =	sadd.s32 $0x200, s23  }
0xe8: {  	_ =	swait.ge [sflag:s18], $0x800  }
0xe9: {  	[sflag:s18] =	ssyncset.done $0x0  }
0xea: {  	[sflag:s18] =	ssyncadd.s32 $0xFFFFF800;
	s23 =	stileid.u32  }
0xeb: {  	s23 =	sshll.u32 s23, $0x6;
	[bflag:$0x0] =	sbarrier.arrive $0xFFFF  }
0xec: {  	s24 =	sshrl.u32 s4, $0x3;
	s23 =	sor.u32 $0x1C01, s23;
	s25 =	rddreg [dreg:$0x17]  }
0xed: {  	[hbm:s25], [sflag:s23] =	dma.local [spmem:s24], $0x2780  }
0xee: {  	_ =	swait.ge [sflag:s18], $0x2780  }
0xef: {  	s22 =	sadd.s32 $0x1, s22;
	s25 =	rddreg [dreg:$0x18]  }
0xf0: {  	p0 =	sne.s32 s22, s25  }
.Ltmp2:
0xf1: {  	_ = 	snop;
	(pc) =	sbr.rel @p0 .LBB2_1-.Ltmp2, $3  }
0xf2: {  	_ =	sdelay $0x1  }
0xf3: {  	[sflag:s18] =	ssyncset.done $0x0  }
0xf4: {  	[sflag:s18] =	ssyncadd.s32 $0xFFFFD880  }
0xf5: {  	_ =	sfence.sel $0x180000  }
0xf6: {  	[bflag:$0x0] =	sbarrier.arrive $0xFFFF  }
0xf7: {  	_ =	strace $0x90000047  }
0xf8: {  	s0 =	stileid.u32;
	[bflag:$0x2] =	sbarrier.arrive $0xFFFF  }
0xf9: {  	p0 =	sne.s32 s0, $0x0;
	s0 =	rddreg [dreg:$0x3]  }
0xfa: {  	s0 =	sadd.s32 @!p0 $0x100000, s0  }
0xfb: {  	[sflag:s0] =	ssyncadd.tile.s32 @!p0 $0x1;
	_ =	shalt  }
.Lfunc_end2:
_tile_overlayer_lowered:
.L_overlay_start_2:
0xfc: {  	(tag) =	ssettag $0x2  }
0xfd: {  	s0 =	rddreg [dreg:$0x0];
	s2 =	stileid.u32  }
0xfe: {  	s1 =	rddreg [dreg:$0x1];
	p0 =	sne.s32 s2, $0x0  }
0xff: {  	s3 =	rddreg [dreg:$0x2];
	[bflag:$0x3] =	sbarrier.arrive $0xFFFF;
	s2 =	simm.s32 @!p0 $0x1C01  }
0x100: {  	[timem:s3], [sflag:s2] =	dma.local @!p0 [hbm:s0], s1  }
0x101: {  	s0 =	simm.s32 @!p0 $0x1  }
0x102: {  	_ =	swait.ge @!p0 [sflag:s0], s1  }
0x103: {  	s1 =	ssub.s32 @!p0 $0x0, s1;
	[sflag:s0] =	ssyncset.done @!p0 $0x0  }
0x104: {  	[sflag:s0] =	ssyncadd.s32 @!p0 s1  }
0x105: {  	[bflag:$0x3] =	sbarrier.arrive $0xFFFF  }
0x106: {  	_ =	shalt  }

// kernel: kernel.13.cloned.1.call-start
scs
__scs_entry_jumppad:
0x0: {  	(pc) =	sbr.rel $0x88, $3  }
0x1: {  	(tag) =	ssettag $0x0;
	lr =	simm.s32 $0x1  }
0x2: {  	[smem:$0x3F97] =	sst lr;
	_ =	strace $0xD0000000  }
0x3: {  	_ = 	snop  }
0x4: {  	_ = 	snop  }
0x5: {  	_ = 	snop  }
0x6: {  	_ = 	snop  }
0x7: {  	_ = 	snop  }
__scs_overlays_trampoline_lowered:
0x8: {  	[smem:$0x3FA6] =	sst s0  }
0x9: {  	[smem:$0x3FA7] =	sst s1  }
0xa: {  	[smem:$0x3FA8] =	sst s2  }
0xb: {  	[smem:$0x3FA9] =	sst s3  }
0xc: {  	[smem:$0x3FAA] =	sst s4  }
0xd: {  	[smem:$0x3FAB] =	sst s5  }
0xe: {  	[smem:$0x3FAC] =	sst s6  }
0xf: {  	[smem:$0x3FAD] =	sst s7  }
0x10: {  	[smem:$0x3FAE] =	sst s8  }
0x11: {  	[smem:$0x3FAF] =	sst s9;
	s0 =	simm.s32 @!p0 $0x0  }
0x12: {  	s1 =	sld [smem:$0x3F95];
	s0 =	simm.s32 @p0 $0x1  }
0x13: {  	[smem:$0x3FB0] =	sst s0;
	s0 =	simm.s32 @!p1 $0x0  }
0x14: {  	s2 =	sld [smem:$0x3F94];
	s0 =	simm.s32 @p1 $0x1  }
0x15: {  	[smem:$0x3FB1] =	sst s0;
	s0 =	simm.s32 @!p2 $0x0  }
0x16: {  	s3 =	sld [smem:$0x3FDB];
	s0 =	simm.s32 @p2 $0x1  }
0x17: {  	s4 =	simm.s32 $0x1BF5;
	[smem:$0x3FB3] =	sst s0  }
0x18: {  	s0 =	sld [smem:$0x3F96];
	_ =	swait.ge [sflag:s4], $0x0  }
0x19: {  	s7 =	sld [smem:$0x3F97]  }
0x1a: {  	s8 =	sadd.s32 $0xFFFFE003, lr  }
0x1b: {  	s9 =	sadd.s32 $0xFFFFFEF7, lr;
	s5 =	simm.s32 $0xFFFFFFFF;
	p2 =	slt.u32 s8, $0xFFFFF086  }
0x1c: {  	p1 =	slt.u32 s9, $0xF7A;
	s5 =	simm.s32 @!p2 $0x0  }
0x1d: {  	s5 =	simm.s32 @p1 $0x1;
	p0 =	seq.s32 s7, s2  }
0x1e: {  	s7 =	smul.u32 @!p0 $0xF7A, s2;
	p2 =	seq.s32 @!p0 s5, $0x0  }
0x1f: {  	s9 =	smul.u32 $0xF7A, s1;
	s8 =	simm.s32 @!p0 $0x1BF5;
	p2 =	por !p2, p0  }
0x20: {  	[sflag:s8] =	ssyncset.s32 @!p0 $0xFFFFF086;
	s6 =	sadd.s32 @!p0 s3, s7;
	s7 =	simm.s32 @!p0 $0x108  }
0x21: {  	s3 =	sadd.s32 s3, s9;
	s6 =	sadd.s32 @!p0 $0x88, s6;
	s7 =	simm.s32 @p2 $0x1082  }
0x22: {  	[simem:s7], [sflag:s8] =	dma.local @!p0 [hbm:s6], $0xF7A  }
0x23: {  	s9 =	sor.u32 $0xD0000000, s2;
	s6 =	simm.s32 $0x108;
	_ =	swait.ge @!p0 [sflag:s8], $0x0  }
0x24: {  	s3 =	sadd.s32 $0x88, s3;
	s6 =	simm.s32 @!p1 $0x1082;
	[sflag:s4] =	ssyncset.s32 $0xFFFFF086  }
0x25: {  	[simem:s6], [sflag:s4] =	dma.local [hbm:s3], $0xF7A  }
0x26: {  	[smem:$0x3F97] =	sst s1;
	(tag) =	ssettag s2;
	_ =	strace s9  }
0x27: {  	s1 =	sld [smem:$0x3FA7]  }
0x28: {  	s2 =	sld [smem:$0x3FA8]  }
0x29: {  	s4 =	sld [smem:$0x3FAA]  }
0x2a: {  	p0 =	seq.s32 s5, $0x0;
	s5 =	sld [smem:$0x3FAB]  }
0x2b: {  	s6 =	sld [smem:$0x3FAC]  }
0x2c: {  	s7 =	sld [smem:$0x3FAD]  }
0x2d: {  	s3 =	simm.s32 $0x108;
	s8 =	sld [smem:$0x3FAE]  }
0x2e: {  	s3 =	simm.s32 @!p0 $0x1082;
	s9 =	sld [smem:$0x3FAF]  }
0x2f: {  	lr =	sadd.s32 s0, s3;
	s0 =	sld [smem:$0x3FA6]  }
0x30: {  	s3 =	sld [smem:$0x3FA9]  }
0x31: {  	[smem:$0x3FB2] =	sst s10  }
0x32: {  	s10 =	sld [smem:$0x3FB0];
	_ =	sdelay $0x3  }
0x33: {  	p0 =	seq.s32 s10, $0x1;
	s10 =	sld [smem:$0x3FB2];
	_ =	sdelay $0x3  }
0x34: {  	[smem:$0x3FB2] =	sst s10  }
0x35: {  	s10 =	sld [smem:$0x3FB1];
	_ =	sdelay $0x3  }
0x36: {  	p1 =	seq.s32 s10, $0x1;
	s10 =	sld [smem:$0x3FB2];
	_ =	sdelay $0x3  }
0x37: {  	[smem:$0x3FB2] =	sst s10  }
0x38: {  	s10 =	sld [smem:$0x3FB3]  }
0x39: {  	_ = 	snop;
	(pc) =	sbr.ind lr, $3  }
0x3a: {  	_ = 	snop  }
0x3b: {  	_ = 	snop  }
0x3c: {  	p2 =	seq.s32 s10, $0x1;
	s10 =	sld [smem:$0x3FB2]  }
0x3d: {  	_ =	shalt  }
0x3e: {  	_ =	shalt  }
0x3f: {  	_ =	shalt  }
0x40: {  	_ =	shalt  }
0x41: {  	_ =	shalt  }
0x42: {  	_ =	shalt  }
0x43: {  	_ =	shalt  }
0x44: {  	_ =	shalt  }
0x45: {  	_ =	shalt  }
0x46: {  	_ =	shalt  }
0x47: {  	_ =	shalt  }
0x48: {  	_ =	shalt  }
0x49: {  	_ =	shalt  }
0x4a: {  	_ =	shalt  }
0x4b: {  	_ =	shalt  }
0x4c: {  	_ =	shalt  }
0x4d: {  	_ =	shalt  }
0x4e: {  	_ =	shalt  }
0x4f: {  	_ =	shalt  }
0x50: {  	_ =	shalt  }
0x51: {  	_ =	shalt  }
0x52: {  	_ =	shalt  }
0x53: {  	_ =	shalt  }
0x54: {  	_ =	shalt  }
0x55: {  	_ =	shalt  }
0x56: {  	_ =	shalt  }
0x57: {  	_ =	shalt  }
0x58: {  	_ =	shalt  }
0x59: {  	_ =	shalt  }
0x5a: {  	_ =	shalt  }
0x5b: {  	_ =	shalt  }
0x5c: {  	_ =	shalt  }
0x5d: {  	_ =	shalt  }
0x5e: {  	_ =	shalt  }
0x5f: {  	_ =	shalt  }
0x60: {  	_ =	shalt  }
0x61: {  	_ =	shalt  }
0x62: {  	_ =	shalt  }
0x63: {  	_ =	shalt  }
0x64: {  	_ =	shalt  }
0x65: {  	_ =	shalt  }
0x66: {  	_ =	shalt  }
0x67: {  	_ =	shalt  }
0x68: {  	_ =	shalt  }
0x69: {  	_ =	shalt  }
0x6a: {  	_ =	shalt  }
0x6b: {  	_ =	shalt  }
0x6c: {  	_ =	shalt  }
0x6d: {  	_ =	shalt  }
0x6e: {  	_ =	shalt  }
0x6f: {  	_ =	shalt  }
0x70: {  	_ =	shalt  }
0x71: {  	_ =	shalt  }
0x72: {  	_ =	shalt  }
0x73: {  	_ =	shalt  }
0x74: {  	_ =	shalt  }
0x75: {  	_ =	shalt  }
0x76: {  	_ =	shalt  }
0x77: {  	_ =	shalt  }
0x78: {  	_ =	shalt  }
0x79: {  	_ =	shalt  }
0x7a: {  	_ =	shalt  }
0x7b: {  	_ =	shalt  }
0x7c: {  	_ =	shalt  }
0x7d: {  	_ =	shalt  }
0x7e: {  	_ =	shalt  }
0x7f: {  	_ =	shalt  }
0x80: {  	_ =	shalt  }
0x81: {  	_ =	shalt  }
0x82: {  	_ =	shalt  }
0x83: {  	_ =	shalt  }
0x84: {  	_ =	shalt  }
0x85: {  	_ =	shalt  }
0x86: {  	_ =	shalt  }
0x87: {  	_ =	shalt  }
.Lfunc_end0:
.L_simem_size_0:
called_computation.1_lowered:
.L_overlay_start_0:
0x88: {  	s2 =	sld [smem:$0x3FD9]  }
0x89: {  	s3 =	sld [smem:$0x3FFE];
	_ =	sdelay $0x1  }
0x8a: {  	s1 =	srdreg.scid  }
0x8b: {  	s0 =	sand.u32 $0x1, s1  }
0x8c: {  	s17 =	sshll.u32 s0, $0xA;
	s2 =	sadd.s32 s3, s2  }
0x8d: {  	s2 =	sadd.s32 s2, s17  }
0x8e: {  	[smem:$0x3FBE] =	sst s2  }
0x8f: {  	_ = 	snop  }
0x90: {  	s2 =	sld [smem:$0x3FD0];
	(tm) =	ssettm $0x1  }
0x91: {  	s18 =	sld [smem:$0x3FFB];
	_ =	sdelay $0x3  }
0x92: {  	_ =	strace s18  }
0x93: {  	s3 =	sld [smem:$0x3FFC];
	_ =	sdelay $0x3  }
0x94: {  	_ =	strace s3  }
0x95: {  	s3 =	sld [smem:$0x3FFD];
	_ =	sdelay $0x3  }
0x96: {  	_ =	strace s3  }
0x97: {  	_ =	strace $0x8FFFFFFF  }
0x98: {  	s19 =	sld [smem:$0x3FDB];
	_ =	sdelay $0x1  }
0x99: {  	s4 =	simm.s32 $_scs_section_size  }
0x9a: {  	s5 =	simm.s32 $_size__tile_overlayer_lowered;
	s6 =	simm.s32 $_tile_overlayer_lowered  }
0x9b: {  	s22 =	simm.s32 $0x1BFF;
	s21 =	sshll.u32 s6, $0x1;
	s3 =	sadd.s32 s4, s19  }
0x9c: {  	s7 =	simm.s32 $0x0;
	s20 =	sshll.u32 s5, $0x1;
	s5 =	sadd.s32 s21, s3  }
0x9d: {  	[timem:s7], [sflag:s22] =	dma.local [hbm:s5], s20  }
0x9e: {  	_ =	swait.ge [sflag:s22], s20  }
0x9f: {  	s4 =	ssub.s32 $0x0, s20;
	[sflag:s22] =	ssyncset.done $0x0  }
0xa0: {  	[sflag:s22] =	ssyncadd.s32 s4;
	_ =	sdelay $0x1  }
0xa1: {  	s23 =	simm.s32 $0x1B8B  }
0xa2: {  	_ =	swait.ge [sflag:s23], $0x1  }
0xa3: {  	[sflag:s23] =	ssyncset.done $0x0  }
0xa4: {  	s25 =	simm.s32 $0x1B8E;
	s24 =	sld [smem:$0x3FFE];
	[sflag:s23] =	ssyncadd.s32 $0xFFFFFFFF  }
0xa5: {  	s26 =	simm.s32 $execute0_lowered;
	[smem:$0x3FD2] =	sst s25  }
0xa6: {  	s5 =	sshll.u32 s26, $0x1;
	_ =	strace $0x80000049;
	[dreg:$0x1] =	wrdreg $0xFFFFFFFF  }
0xa7: {  	s28 =	simm.s32 $_size_execute0_lowered;
	s3 =	sadd.s32 s3, s5;
	[dreg:$0x0] =	wrdreg $0x0  }
0xa8: {  	s5 =	sshll.u32 s28, $0x1;
	[dreg:$0x2] =	wrdreg s3  }
0xa9: {  	[dreg:$0x3] =	wrdreg s5  }
0xaa: {  	[dreg:$0x4] =	wrdreg $0xC0  }
0xab: {  	_ =	task [dreg:s7], $0x5FFFF  }
0xac: {  	[dreg:$0x1] =	wrdreg $0xFFFFFFFF  }
0xad: {  	[dreg:$0x0] =	wrdreg $0x60  }
0xae: {  	[dreg:$0x2] =	wrdreg s2  }
0xaf: {  	[dreg:$0x3] =	wrdreg s24  }
0xb0: {  	[dreg:$0x4] =	wrdreg $0x84000  }
0xb1: {  	[dreg:$0x5] =	wrdreg $0x9  }
0xb2: {  	_ =	task.clear_ibuf [dreg:s7], $0x6FFFF;
	_ =	strace $0x90000049  }
0xb3: {  	s29 =	simm.s32 $0x9;
	_ =	strace $0x8000004B  }
0xb4: {  	_ =	swait.ge [sflag:s29], $0x1  }
0xb5: {  	[sflag:s29] =	ssyncadd.s32 $0xFFFFFFFF  }
0xb6: {  	_ =	strace $0x9000004B  }
0xb7: {  	_ =	sfence  }
0xb8: {  	s30 =	sld [smem:$0x0];
	_ =	sdelay $0x2  }
0xb9: {  	s31 =	sshll.u32 s1, $0xD;
	s1 =	sshrl.u32 s1, $0x2  }
0xba: {  	s3 =	sand.u32 $0x4000, s31;
	s1 =	sadd.s32 s1, s30  }
0xbb: {  	s0 =	sor.u32 s3, s0;
	s1 =	sshll.u32 s1, $0x11  }
0xbc: {  	s0 =	sor.u32 s1, s0  }
0xbd: {  	s0 =	sadd.s32 $0x8F2B, s0  }
0xbe: {  	[sflag:s0] =	ssyncadd.remote.s32 $0x1  }
0xbf: {  	_ =	sfence.sel $0xFFFF  }
0xc0: {  	[dreg:$0x0] =	wrdreg $0xFFFFFFFF;
	(pc) =	sbr.abs _section_cstart, $3  }
0xc1: {  	[dreg:$0x1] =	wrdreg $0xFFFFFFFF  }
0xc2: {  	_ =	task.clear_ibuf [dreg:s7], $0x2FFFF;
	_ =	strace $0x9FFFFFFF  }
0xc3: {  	(tm) =	ssettm $0x7FFFFFFF  }
tec
execute0_lowered:
.L_overlay_start_1:
0x0: {  	(tag) =	ssettag $0x1  }
0x1: {  	s0 =	rddreg [dreg:$0x0]  }
0x2: {  	s1 =	rddreg [dreg:$0x1];
	s2 =	srdreg.scid  }
0x3: {  	s3 =	rddreg [dreg:$0x2];
	s11 =	stileid.u32  }
0x4: {  	s4 =	simm.s32 $0x0;
	s28 =	simm.s32 $0x200;
	s6 =	smul.u32 $0x13C00, s11  }
0x5: {  	s29 =	simm.s32 $0x300;
	s30 =	simm.s32 $0x1;
	s8 =	smul.u32 $0x4F000, s11  }
0x6: {  	s31 =	simm.s32 $0x5;
	s2 =	sand.u32 $0x1, s2;
	s15 =	smul.u32 $0x5000, s11  }
0x7: {  	[smem:$0x7FF] =	sst s4;
	s7 =	sadd.s32 $0x53200, s1;
	s5 =	smul.u32 $0x13C000, s2  }
0x8: {  	_ =	strace $0x8000004A;
	s13 =	sshll.u32 s2, $0x4;
	s14 =	ssub.s32 $0x2, s2  }
0x9: {  	s2 =	smul.u32 $0x50000, s2;
	s9 =	sshrl.u32 s14, $0x1;
	s8 =	sshrl.u32 s8, $0x2  }
0xa: {  	s5 =	sadd.s32 s6, s5;
	s6 =	sor.u32 s11, s13;
	s10 =	ssub.s32 s14, s9  }
0xb: {  	s2 =	sadd.s32 s15, s2;
	s5 =	sshrl.u32 s5, $0x3;
	s6 =	smul.u32 $0x5000, s6  }
0xc: {  	s22 =	sor.u32 $0x700, s2;
	s15 =	smax.u32 s10, $0x1;
	s24 =	sor.u32 $0x600, s2  }
0xd: {  	s25 =	sor.u32 $0x500, s2;
	s2 =	sor.u32 $0x400, s2;
	s10 =	simm.s32 $0x0  }
0xe: {  	s1 =	sadd.s32 s5, s1;
	s5 =	sadd.s32 s8, s3;
	s23 =	sshrl.u32 s22, $0x3  }
0xf: {  	s26 =	sshrl.u32 s2, $0x3;
	s22 =	simm.s32 $0x100;
	s2 =	simm.s32 $0x180  }
0x10: {  	s8 =	sadd.s32 $0x4000, s5;
	s6 =	sshrl.u32 s6, $0x3;
	s16 =	sadd.s32 $0x8000, s5  }
0x11: {  	s17 =	sadd.s32 $0xC000, s5;
	s18 =	sadd.s32 $0x10000, s5;
	[dreg:$0x4] =	wrdreg s8  }
0x12: {  	s14 =	sadd.s32 $0x67200, s1;
	s1 =	sshrl.u32 s24, $0x3;
	[dreg:$0x5] =	wrdreg s16  }
0x13: {  	s24 =	simm.s32 $0x80;
	[dreg:$0x6] =	wrdreg s17;
	s9 =	sadd.s32 s7, s6  }
0x14: {  	[dreg:$0x7] =	wrdreg s18;
	s16 =	sadd.s32 s23, s7;
	s6 =	sshrl.u32 s25, $0x3  }
0x15: {  	s17 =	sadd.s32 s1, s7;
	s23 =	simm.s32 $0x3;
	s25 =	simm.s32 $0x4  }
0x16: {  	s1 =	simm.s32 $0x2;
	s8 =	simm.s32 $0x380;
	s19 =	sadd.s32 $0x20, s9  }
0x17: {  	s20 =	sadd.s32 $0x40, s9;
	s21 =	sadd.s32 $0x60, s9;
	[dreg:$0x8] =	wrdreg s19  }
0x18: {  	s18 =	sadd.s32 s6, s7;
	s6 =	simm.s32 $0x6;
	[dreg:$0x9] =	wrdreg s20  }
0x19: {  	[dreg:$0xa] =	wrdreg s21;
	s19 =	sadd.s32 s26, s7;
	s20 =	simm.s32 $0x400  }
0x1a: {  	v0 =	vimm.f32 $0.0e+00;
	s21 =	simm.s32 $0x7;
	s26 =	simm.s32 $0x4400;
	s7 =	simm.s32 $0x280  }
.LBB2_1:
0x1b: {  	s11 =	simm.s32 $0x0;
	s12 =	simm.s32 $0x200  }
.LBB2_2:
0x1c: {  	p0 =	sne.s32 s12, $0xFE00;
	[tilespmem:s11+$0x470] =	vst v0  }
0x1d: {  	[tilespmem:s11+$0x400] =	vst v0  }
0x1e: {  	[tilespmem:s11+$0x410] =	vst v0  }
.Ltmp0:
0x1f: {  	[tilespmem:s11+$0x420] =	vst v0;
	(pc) =	sbr.rel @p0 .LBB2_2-.Ltmp0, $4  }
0x20: {  	[tilespmem:s11+$0x430] =	vst v0  }
0x21: {  	[tilespmem:s11+$0x440] =	vst v0  }
0x22: {  	[tilespmem:s11+$0x450] =	vst v0  }
0x23: {  	[tilespmem:s11+$0x460] =	vst v0;
	s11 =	sshra.s32 s12, $0x2;
	s12 =	sadd.s32 $0x200, s12  }
0x24: {  	[tilespmem:s11+$0x470] =	vst v0  }
0x25: {  	[tilespmem:s11+$0x400] =	vst v0  }
0x26: {  	[tilespmem:s11+$0x410] =	vst v0  }
0x27: {  	[tilespmem:s11+$0x420] =	vst v0  }
0x28: {  	[tilespmem:s11+$0x430] =	vst v0  }
0x29: {  	[tilespmem:s11+$0x440] =	vst v0  }
0x2a: {  	[tilespmem:s11+$0x450] =	vst v0  }
0x2b: {  	[tilespmem:s11+$0x460] =	vst v0  }
0x2c: {  	[spmem:s5] =	stream.linear.scatter [tilespmem:s20], [sflag:$0x7], $0x4000, $0x38;
	[tilespmem:$0x1C000] =	vst v63  }
0x2d: {  	_ =	swait.ge [sflag:s21], $0x4000  }
0x2e: {  	[sflag:s21] =	ssyncset.done $0x0  }
0x2f: {  	s13 =	rddreg [dreg:$0x4];
	[sflag:s21] =	ssyncadd.s32 $0xFFFFC000  }
0x30: {  	[spmem:s13] =	stream.linear.scatter [tilespmem:s20], [sflag:$0x7], $0x4000, $0x38;
	[tilespmem:$0x1C000] =	vst v63  }
0x31: {  	_ =	swait.ge [sflag:s21], $0x4000  }
0x32: {  	[sflag:s21] =	ssyncset.done $0x0  }
0x33: {  	s12 =	rddreg [dreg:$0x5];
	[sflag:s21] =	ssyncadd.s32 $0xFFFFC000  }
0x34: {  	[spmem:s12] =	stream.linear.scatter [tilespmem:s20], [sflag:$0x7], $0x4000, $0x38;
	[tilespmem:$0x1C000] =	vst v63  }
0x35: {  	_ =	swait.ge [sflag:s21], $0x4000  }
0x36: {  	[sflag:s21] =	ssyncset.done $0x0  }
0x37: {  	s13 =	rddreg [dreg:$0x6];
	[sflag:s21] =	ssyncadd.s32 $0xFFFFC000  }
0x38: {  	[spmem:s13] =	stream.linear.scatter [tilespmem:s20], [sflag:$0x7], $0x4000, $0x38;
	[tilespmem:$0x1C000] =	vst v63  }
0x39: {  	_ =	swait.ge [sflag:s21], $0x4000  }
0x3a: {  	[sflag:s21] =	ssyncset.done $0x0  }
0x3b: {  	s12 =	rddreg [dreg:$0x7];
	[sflag:s21] =	ssyncadd.s32 $0xFFFFC000  }
0x3c: {  	[spmem:s12] =	stream.linear.scatter [tilespmem:s20], [sflag:$0x7], $0x3C00, $0x38;
	[tilespmem:$0x1C000] =	vst v63  }
0x3d: {  	_ =	swait.ge [sflag:s21], $0x3C00  }
0x3e: {  	[sflag:s21] =	ssyncset.done $0x0  }
0x3f: {  	[sflag:s21] =	ssyncadd.s32 $0xFFFFC400  }
0x40: {  	s11 =	simm.s32 $0x0;
	[bflag:$0x0] =	sbarrier.arrive $0xFFFF  }
0x41: {  	[tilespmem:s11], [sflag:$0x3] =	stream.linear.gather [hbm4b:s9+s11], $0x100, $0x38;
	[tilespmem:$0x1C000] =	vst v63  }
0x42: {  	s12 =	rddreg [dreg:$0x8]  }
0x43: {  	[tilespmem:s22], [sflag:$0x4] =	stream.linear.gather [hbm4b:s12+s11], $0x100, $0x38;
	[tilespmem:$0x1C000] =	vst v63  }
0x44: {  	_ =	swait.ge [sflag:s23], $0x100  }
0x45: {  	[sflag:s23] =	ssyncset.done $0x0  }
0x46: {  	[sflag:s23] =	ssyncadd.s32 $0xFFFFFF00  }
0x47: {  	[tilespmem:s20], [sflag:$0x1] =	stream.indirect.gather [hbm4b:s0+s24], $0x80, s11, s24, $0xb8;
	[tilespmem:$0x1C000] =	vst v63  }
0x48: {  	_ =	swait.ge [sflag:s25], $0x100  }
0x49: {  	[sflag:s25] =	ssyncset.done $0x0  }
0x4a: {  	[sflag:s25] =	ssyncadd.s32 $0xFFFFFF00  }
0x4b: {  	[tilespmem:s26], [sflag:$0x2] =	stream.indirect.gather [hbm4b:s0+s24], $0x80, s22, s24, $0xb8;
	[tilespmem:$0x1C000] =	vst v63  }
0x4c: {  	s13 =	rddreg [dreg:$0x9]  }
0x4d: {  	[tilespmem:s28], [sflag:$0x5] =	stream.linear.gather [hbm4b:s13+s11], $0x100, $0x38;
	[tilespmem:$0x1C000] =	vst v63  }
0x4e: {  	s13 =	rddreg [dreg:$0xa]  }
0x4f: {  	[tilespmem:s29], [sflag:$0x6] =	stream.linear.gather [hbm4b:s13+s11], $0x100, $0x38;
	[tilespmem:$0x1C000] =	vst v63  }
0x50: {  	_ =	swait.ge [sflag:s30], $0x4000  }
0x51: {  	[sflag:s30] =	ssyncset.done $0x0  }
0x52: {  	[sflag:s30] =	ssyncadd.s32 $0xFFFFC000  }
0x53: {  	[spmem:s3] =	stream.indirect.scatter.add.f32 [tilespmem:s20], [sflag:$0x7], $0x80, s24, s24, $0xb8;
	[tilespmem:$0x1C000] =	vst v63  }
0x54: {  	_ =	swait.ge [sflag:s21], $0x4000  }
0x55: {  	[sflag:s21] =	ssyncset.done $0x0  }
0x56: {  	s12 =	sadd.s32 $0x0, s19;
	[sflag:s21] =	ssyncadd.s32 $0xFFFFC000  }
0x57: {  	[tilespmem:s4], [sflag:$0x3] =	stream.linear.gather [hbm4b:s12+s4], $0x100, $0x38;
	[tilespmem:$0x1C000] =	vst v63  }
0x58: {  	_ =	swait.ge [sflag:s31], $0x100  }
0x59: {  	[sflag:s31] =	ssyncset.done $0x0  }
0x5a: {  	[sflag:s31] =	ssyncadd.s32 $0xFFFFFF00  }
0x5b: {  	[tilespmem:s20], [sflag:$0x1] =	stream.indirect.gather [hbm4b:s0+s24], $0x80, s28, s24, $0xb8;
	[tilespmem:$0x1C000] =	vst v63  }
0x5c: {  	_ =	swait.ge [sflag:s1], $0x4000  }
0x5d: {  	[sflag:s1] =	ssyncset.done $0x0  }
0x5e: {  	[sflag:s1] =	ssyncadd.s32 $0xFFFFC000  }
0x5f: {  	[spmem:s3] =	stream.indirect.scatter.add.f32 [tilespmem:s26], [sflag:$0x7], $0x80, s2, s24, $0xb8;
	[tilespmem:$0x1C000] =	vst v63  }
0x60: {  	_ =	swait.ge [sflag:s21], $0x4000  }
0x61: {  	[sflag:s21] =	ssyncset.done $0x0  }
0x62: {  	s13 =	sadd.s32 $0x0, s18;
	[sflag:s21] =	ssyncadd.s32 $0xFFFFC000  }
0x63: {  	[tilespmem:s22], [sflag:$0x4] =	stream.linear.gather [hbm4b:s13+s4], $0x100, $0x38;
	[tilespmem:$0x1C000] =	vst v63  }
0x64: {  	_ =	swait.ge [sflag:s6], $0x100  }
0x65: {  	[sflag:s6] =	ssyncset.done $0x0  }
0x66: {  	[sflag:s6] =	ssyncadd.s32 $0xFFFFFF00  }
0x67: {  	[tilespmem:s26], [sflag:$0x2] =	stream.indirect.gather [hbm4b:s0+s24], $0x80, s29, s24, $0xb8;
	[tilespmem:$0x1C000] =	vst v63  }
0x68: {  	_ =	swait.ge [sflag:s30], $0x4000  }
0x69: {  	[sflag:s30] =	ssyncset.done $0x0  }
0x6a: {  	[sflag:s30] =	ssyncadd.s32 $0xFFFFC000  }
0x6b: {  	[spmem:s3] =	stream.indirect.scatter.add.f32 [tilespmem:s20], [sflag:$0x7], $0x80, s7, s24, $0xb8;
	[tilespmem:$0x1C000] =	vst v63  }
0x6c: {  	_ =	swait.ge [sflag:s21], $0x4000  }
0x6d: {  	[sflag:s21] =	ssyncset.done $0x0  }
0x6e: {  	s12 =	sadd.s32 $0x0, s17;
	[sflag:s21] =	ssyncadd.s32 $0xFFFFC000  }
0x6f: {  	[tilespmem:s28], [sflag:$0x5] =	stream.linear.gather [hbm4b:s12+s4], $0x100, $0x38;
	[tilespmem:$0x1C000] =	vst v63  }
0x70: {  	_ =	swait.ge [sflag:s23], $0x100  }
0x71: {  	[sflag:s23] =	ssyncset.done $0x0  }
0x72: {  	[sflag:s23] =	ssyncadd.s32 $0xFFFFFF00  }
0x73: {  	[tilespmem:s20], [sflag:$0x1] =	stream.indirect.gather [hbm4b:s0+s24], $0x80, s4, s24, $0xb8;
	[tilespmem:$0x1C000] =	vst v63  }
0x74: {  	_ =	swait.ge [sflag:s1], $0x4000  }
0x75: {  	[sflag:s1] =	ssyncset.done $0x0  }
0x76: {  	[sflag:s1] =	ssyncadd.s32 $0xFFFFC000  }
0x77: {  	[spmem:s3] =	stream.indirect.scatter.add.f32 [tilespmem:s26], [sflag:$0x7], $0x80, s8, s24, $0xb8;
	[tilespmem:$0x1C000] =	vst v63  }
0x78: {  	_ =	swait.ge [sflag:s21], $0x4000  }
0x79: {  	[sflag:s21] =	ssyncset.done $0x0  }
0x7a: {  	s13 =	sadd.s32 $0x0, s16;
	[sflag:s21] =	ssyncadd.s32 $0xFFFFC000  }
0x7b: {  	[tilespmem:s29], [sflag:$0x6] =	stream.linear.gather [hbm4b:s13+s4], $0x100, $0x38;
	[tilespmem:$0x1C000] =	vst v63  }
0x7c: {  	_ =	swait.ge [sflag:s25], $0x100  }
0x7d: {  	[sflag:s25] =	ssyncset.done $0x0  }
0x7e: {  	s11 =	simm.s32 $0x80;
	[sflag:s25] =	ssyncadd.s32 $0xFFFFFF00  }
.LBB2_4:
0x7f: {  	[tilespmem:s26], [sflag:$0x2] =	stream.indirect.gather [hbm4b:s0+s24], $0x80, s22, s24, $0xb8;
	[tilespmem:$0x1C000] =	vst v63  }
0x80: {  	s12 =	smov.u32 s11  }
0x81: {  	p0 =	sne.s32 s11, $0x900;
	s11 =	sadd.s32 $0x80, s11;
	_ =	swait.ge [sflag:s30], $0x4000  }
0x82: {  	[sflag:s30] =	ssyncset.done $0x0  }
0x83: {  	[sflag:s30] =	ssyncadd.s32 $0xFFFFC000  }
0x84: {  	[spmem:s3] =	stream.indirect.scatter.add.f32 [tilespmem:s20], [sflag:$0x7], $0x80, s24, s24, $0xb8;
	[tilespmem:$0x1C000] =	vst v63  }
0x85: {  	_ =	swait.ge [sflag:s21], $0x4000  }
0x86: {  	[sflag:s21] =	ssyncset.done $0x0  }
0x87: {  	s13 =	sadd.s32 s12, s19;
	[sflag:s21] =	ssyncadd.s32 $0xFFFFC000  }
0x88: {  	[tilespmem:s4], [sflag:$0x3] =	stream.linear.gather [hbm4b:s13+s4], $0x100, $0x38;
	[tilespmem:$0x1C000] =	vst v63  }
0x89: {  	_ =	swait.ge [sflag:s31], $0x100  }
0x8a: {  	[sflag:s31] =	ssyncset.done $0x0  }
0x8b: {  	[sflag:s31] =	ssyncadd.s32 $0xFFFFFF00  }
0x8c: {  	[tilespmem:s20], [sflag:$0x1] =	stream.indirect.gather [hbm4b:s0+s24], $0x80, s28, s24, $0xb8;
	[tilespmem:$0x1C000] =	vst v63  }
0x8d: {  	_ =	swait.ge [sflag:s1], $0x4000  }
0x8e: {  	[sflag:s1] =	ssyncset.done $0x0  }
0x8f: {  	[sflag:s1] =	ssyncadd.s32 $0xFFFFC000  }
0x90: {  	[spmem:s3] =	stream.indirect.scatter.add.f32 [tilespmem:s26], [sflag:$0x7], $0x80, s2, s24, $0xb8;
	[tilespmem:$0x1C000] =	vst v63  }
0x91: {  	_ =	swait.ge [sflag:s21], $0x4000  }
0x92: {  	[sflag:s21] =	ssyncset.done $0x0  }
0x93: {  	s13 =	sadd.s32 s12, s18;
	[sflag:s21] =	ssyncadd.s32 $0xFFFFC000  }
0x94: {  	[tilespmem:s22], [sflag:$0x4] =	stream.linear.gather [hbm4b:s13+s4], $0x100, $0x38;
	[tilespmem:$0x1C000] =	vst v63  }
0x95: {  	_ =	swait.ge [sflag:s6], $0x100  }
0x96: {  	[sflag:s6] =	ssyncset.done $0x0  }
0x97: {  	[sflag:s6] =	ssyncadd.s32 $0xFFFFFF00  }
0x98: {  	[tilespmem:s26], [sflag:$0x2] =	stream.indirect.gather [hbm4b:s0+s24], $0x80, s29, s24, $0xb8;
	[tilespmem:$0x1C000] =	vst v63  }
0x99: {  	_ =	swait.ge [sflag:s30], $0x4000  }
0x9a: {  	[sflag:s30] =	ssyncset.done $0x0  }
0x9b: {  	[sflag:s30] =	ssyncadd.s32 $0xFFFFC000  }
0x9c: {  	[spmem:s3] =	stream.indirect.scatter.add.f32 [tilespmem:s20], [sflag:$0x7], $0x80, s7, s24, $0xb8;
	[tilespmem:$0x1C000] =	vst v63  }
0x9d: {  	_ =	swait.ge [sflag:s21], $0x4000  }
0x9e: {  	[sflag:s21] =	ssyncset.done $0x0  }
0x9f: {  	s13 =	sadd.s32 s12, s17;
	[sflag:s21] =	ssyncadd.s32 $0xFFFFC000  }
0xa0: {  	[tilespmem:s28], [sflag:$0x5] =	stream.linear.gather [hbm4b:s13+s4], $0x100, $0x38;
	[tilespmem:$0x1C000] =	vst v63  }
0xa1: {  	_ =	swait.ge [sflag:s23], $0x100  }
0xa2: {  	[sflag:s23] =	ssyncset.done $0x0  }
0xa3: {  	[sflag:s23] =	ssyncadd.s32 $0xFFFFFF00  }
0xa4: {  	[tilespmem:s20], [sflag:$0x1] =	stream.indirect.gather [hbm4b:s0+s24], $0x80, s4, s24, $0xb8;
	[tilespmem:$0x1C000] =	vst v63  }
0xa5: {  	_ =	swait.ge [sflag:s1], $0x4000  }
0xa6: {  	[sflag:s1] =	ssyncset.done $0x0  }
0xa7: {  	[sflag:s1] =	ssyncadd.s32 $0xFFFFC000  }
0xa8: {  	[spmem:s3] =	stream.indirect.scatter.add.f32 [tilespmem:s26], [sflag:$0x7], $0x80, s8, s24, $0xb8;
	[tilespmem:$0x1C000] =	vst v63  }
0xa9: {  	_ =	swait.ge [sflag:s21], $0x4000  }
0xaa: {  	[sflag:s21] =	ssyncset.done $0x0  }
.Ltmp1:
0xab: {  	s12 =	sadd.s32 s12, s16;
	[sflag:s21] =	ssyncadd.s32 $0xFFFFC000;
	(pc) =	sbr.rel @p0 .LBB2_4-.Ltmp1, $4  }
0xac: {  	[tilespmem:s29], [sflag:$0x6] =	stream.linear.gather [hbm4b:s12+s4], $0x100, $0x38;
	[tilespmem:$0x1C000] =	vst v63  }
0xad: {  	_ =	swait.ge [sflag:s25], $0x100  }
0xae: {  	[sflag:s25] =	ssyncset.done $0x0  }
0xaf: {  	[sflag:s25] =	ssyncadd.s32 $0xFFFFFF00  }
0xb0: {  	[tilespmem:s26], [sflag:$0x2] =	stream.indirect.gather [hbm4b:s0+s24], $0x80, s22, s24, $0xb8;
	[tilespmem:$0x1C000] =	vst v63  }
0xb1: {  	_ =	swait.ge [sflag:s30], $0x4000  }
0xb2: {  	[sflag:s30] =	ssyncset.done $0x0  }
0xb3: {  	[sflag:s30] =	ssyncadd.s32 $0xFFFFC000  }
0xb4: {  	[spmem:s3] =	stream.indirect.scatter.add.f32 [tilespmem:s20], [sflag:$0x7], $0x80, s24, s24, $0xb8;
	[tilespmem:$0x1C000] =	vst v63  }
0xb5: {  	_ =	swait.ge [sflag:s21], $0x4000  }
0xb6: {  	[sflag:s21] =	ssyncset.done $0x0  }
0xb7: {  	[sflag:s21] =	ssyncadd.s32 $0xFFFFC000  }
0xb8: {  	_ =	swait.ge [sflag:s31], $0x100  }
0xb9: {  	[sflag:s31] =	ssyncset.done $0x0  }
0xba: {  	[sflag:s31] =	ssyncadd.s32 $0xFFFFFF00  }
0xbb: {  	[tilespmem:s20], [sflag:$0x1] =	stream.indirect.gather [hbm4b:s0+s24], $0x80, s28, s24, $0xb8;
	[tilespmem:$0x1C000] =	vst v63  }
0xbc: {  	_ =	swait.ge [sflag:s1], $0x4000  }
0xbd: {  	[sflag:s1] =	ssyncset.done $0x0  }
0xbe: {  	[sflag:s1] =	ssyncadd.s32 $0xFFFFC000  }
0xbf: {  	[spmem:s3] =	stream.indirect.scatter.add.f32 [tilespmem:s26], [sflag:$0x7], $0x80, s2, s24, $0xb8;
	[tilespmem:$0x1C000] =	vst v63  }
0xc0: {  	_ =	swait.ge [sflag:s21], $0x4000  }
0xc1: {  	[sflag:s21] =	ssyncset.done $0x0  }
0xc2: {  	[sflag:s21] =	ssyncadd.s32 $0xFFFFC000  }
0xc3: {  	_ =	swait.ge [sflag:s6], $0x100  }
0xc4: {  	[sflag:s6] =	ssyncset.done $0x0  }
0xc5: {  	[sflag:s6] =	ssyncadd.s32 $0xFFFFFF00  }
0xc6: {  	[tilespmem:s26], [sflag:$0x2] =	stream.indirect.gather [hbm4b:s0+s24], $0x80, s29, s24, $0xb8;
	[tilespmem:$0x1C000] =	vst v63  }
0xc7: {  	_ =	swait.ge [sflag:s30], $0x4000  }
0xc8: {  	[sflag:s30] =	ssyncset.done $0x0  }
0xc9: {  	[sflag:s30] =	ssyncadd.s32 $0xFFFFC000  }
0xca: {  	[spmem:s3] =	stream.indirect.scatter.add.f32 [tilespmem:s20], [sflag:$0x7], $0x80, s7, s24, $0xb8;
	[tilespmem:$0x1C000] =	vst v63  }
0xcb: {  	_ =	swait.ge [sflag:s21], $0x4000  }
0xcc: {  	[sflag:s21] =	ssyncset.done $0x0  }
0xcd: {  	[sflag:s21] =	ssyncadd.s32 $0xFFFFC000  }
0xce: {  	_ =	swait.ge [sflag:s1], $0x4000  }
0xcf: {  	[sflag:s1] =	ssyncset.done $0x0  }
0xd0: {  	[sflag:s1] =	ssyncadd.s32 $0xFFFFC000  }
0xd1: {  	[spmem:s3] =	stream.indirect.scatter.add.f32 [tilespmem:s26], [sflag:$0x7], $0x80, s8, s24, $0xb8;
	[tilespmem:$0x1C000] =	vst v63  }
0xd2: {  	s11 =	stileid.u32;
	_ =	swait.ge [sflag:s21], $0x4000  }
0xd3: {  	s12 =	sshrl.u32 s5, $0x3;
	s10 =	sadd.s32 $0x1, s10;
	[sflag:s21] =	ssyncset.done $0x0  }
0xd4: {  	s11 =	sshll.u32 s11, $0x6;
	p0 =	sne.s32 s10, s15;
	[sflag:s21] =	ssyncadd.s32 $0xFFFFC000  }
.Ltmp2:
0xd5: {  	s11 =	sor.u32 $0x1C07, s11;
	[bflag:$0x0] =	sbarrier.arrive $0xFFFF;
	(pc) =	sbr.rel @p0 .LBB2_1-.Ltmp2, $4  }
0xd6: {  	[hbm:s14], [sflag:s11] =	dma.local [spmem:s12], $0x2780  }
0xd7: {  	_ =	swait.ge [sflag:s21], $0x2780  }
0xd8: {  	[sflag:s21] =	ssyncset.done $0x0  }
0xd9: {  	[sflag:s21] =	ssyncadd.s32 $0xFFFFD880  }
0xda: {  	_ =	sfence.sel $0x180000  }
0xdb: {  	[bflag:$0x0] =	sbarrier.arrive $0xFFFF  }
0xdc: {  	_ =	strace $0x9000004A  }
0xdd: {  	s0 =	stileid.u32;
	[bflag:$0x2] =	sbarrier.arrive $0xFFFF  }
0xde: {  	p0 =	sne.s32 s0, $0x0;
	s0 =	rddreg [dreg:$0x3]  }
0xdf: {  	s0 =	sadd.s32 @!p0 $0x100000, s0  }
0xe0: {  	[sflag:s0] =	ssyncadd.tile.s32 @!p0 $0x1;
	_ =	shalt  }
.Lfunc_end2:
_tile_overlayer_lowered:
.L_overlay_start_2:
0xe1: {  	(tag) =	ssettag $0x2  }
0xe2: {  	s0 =	rddreg [dreg:$0x0];
	s2 =	stileid.u32  }
0xe3: {  	s1 =	rddreg [dreg:$0x1];
	p0 =	sne.s32 s2, $0x0  }
0xe4: {  	s3 =	rddreg [dreg:$0x2];
	[bflag:$0x3] =	sbarrier.arrive $0xFFFF;
	s2 =	simm.s32 @!p0 $0x1C07  }
0xe5: {  	[timem:s3], [sflag:s2] =	dma.local @!p0 [hbm:s0], s1  }
0xe6: {  	s0 =	simm.s32 @!p0 $0x7  }
0xe7: {  	_ =	swait.ge @!p0 [sflag:s0], s1  }
0xe8: {  	s1 =	ssub.s32 @!p0 $0x0, s1;
	[sflag:s0] =	ssyncset.done @!p0 $0x0  }
0xe9: {  	[sflag:s0] =	ssyncadd.s32 @!p0 s1  }
0xea: {  	[bflag:$0x3] =	sbarrier.arrive $0xFFFF  }
0xeb: {  	_ =	shalt  }

// kernel: kernel.16.cloned.1.call-start
scs
__scs_entry_jumppad:
0x0: {  	(pc) =	sbr.rel $0x88, $3  }
0x1: {  	(tag) =	ssettag $0x0;
	lr =	simm.s32 $0x1  }
0x2: {  	[smem:$0x3F97] =	sst lr;
	_ =	strace $0xD0000000  }
0x3: {  	_ = 	snop  }
0x4: {  	_ = 	snop  }
0x5: {  	_ = 	snop  }
0x6: {  	_ = 	snop  }
0x7: {  	_ = 	snop  }
__scs_overlays_trampoline_lowered:
0x8: {  	[smem:$0x3FA6] =	sst s0  }
0x9: {  	[smem:$0x3FA7] =	sst s1  }
0xa: {  	[smem:$0x3FA8] =	sst s2  }
0xb: {  	[smem:$0x3FA9] =	sst s3  }
0xc: {  	[smem:$0x3FAA] =	sst s4  }
0xd: {  	[smem:$0x3FAB] =	sst s5  }
0xe: {  	[smem:$0x3FAC] =	sst s6  }
0xf: {  	[smem:$0x3FAD] =	sst s7  }
0x10: {  	[smem:$0x3FAE] =	sst s8  }
0x11: {  	[smem:$0x3FAF] =	sst s9;
	s0 =	simm.s32 @!p0 $0x0  }
0x12: {  	s1 =	sld [smem:$0x3F95];
	s0 =	simm.s32 @p0 $0x1  }
0x13: {  	[smem:$0x3FB0] =	sst s0;
	s0 =	simm.s32 @!p1 $0x0  }
0x14: {  	s2 =	sld [smem:$0x3F94];
	s0 =	simm.s32 @p1 $0x1  }
0x15: {  	[smem:$0x3FB1] =	sst s0;
	s0 =	simm.s32 @!p2 $0x0  }
0x16: {  	s3 =	sld [smem:$0x3FDB];
	s0 =	simm.s32 @p2 $0x1  }
0x17: {  	s4 =	simm.s32 $0x1BF5;
	[smem:$0x3FB3] =	sst s0  }
0x18: {  	s0 =	sld [smem:$0x3F96];
	_ =	swait.ge [sflag:s4], $0x0  }
0x19: {  	s7 =	sld [smem:$0x3F97]  }
0x1a: {  	s8 =	sadd.s32 $0xFFFFE003, lr  }
0x1b: {  	s9 =	sadd.s32 $0xFFFFFEF7, lr;
	s5 =	simm.s32 $0xFFFFFFFF;
	p2 =	slt.u32 s8, $0xFFFFF086  }
0x1c: {  	p1 =	slt.u32 s9, $0xF7A;
	s5 =	simm.s32 @!p2 $0x0  }
0x1d: {  	s5 =	simm.s32 @p1 $0x1;
	p0 =	seq.s32 s7, s2  }
0x1e: {  	s7 =	smul.u32 @!p0 $0xF7A, s2;
	p2 =	seq.s32 @!p0 s5, $0x0  }
0x1f: {  	s9 =	smul.u32 $0xF7A, s1;
	s8 =	simm.s32 @!p0 $0x1BF5;
	p2 =	por !p2, p0  }
0x20: {  	[sflag:s8] =	ssyncset.s32 @!p0 $0xFFFFF086;
	s6 =	sadd.s32 @!p0 s3, s7;
	s7 =	simm.s32 @!p0 $0x108  }
0x21: {  	s3 =	sadd.s32 s3, s9;
	s6 =	sadd.s32 @!p0 $0x88, s6;
	s7 =	simm.s32 @p2 $0x1082  }
0x22: {  	[simem:s7], [sflag:s8] =	dma.local @!p0 [hbm:s6], $0xF7A  }
0x23: {  	s9 =	sor.u32 $0xD0000000, s2;
	s6 =	simm.s32 $0x108;
	_ =	swait.ge @!p0 [sflag:s8], $0x0  }
0x24: {  	s3 =	sadd.s32 $0x88, s3;
	s6 =	simm.s32 @!p1 $0x1082;
	[sflag:s4] =	ssyncset.s32 $0xFFFFF086  }
0x25: {  	[simem:s6], [sflag:s4] =	dma.local [hbm:s3], $0xF7A  }
0x26: {  	[smem:$0x3F97] =	sst s1;
	(tag) =	ssettag s2;
	_ =	strace s9  }
0x27: {  	s1 =	sld [smem:$0x3FA7]  }
0x28: {  	s2 =	sld [smem:$0x3FA8]  }
0x29: {  	s4 =	sld [smem:$0x3FAA]  }
0x2a: {  	p0 =	seq.s32 s5, $0x0;
	s5 =	sld [smem:$0x3FAB]  }
0x2b: {  	s6 =	sld [smem:$0x3FAC]  }
0x2c: {  	s7 =	sld [smem:$0x3FAD]  }
0x2d: {  	s3 =	simm.s32 $0x108;
	s8 =	sld [smem:$0x3FAE]  }
0x2e: {  	s3 =	simm.s32 @!p0 $0x1082;
	s9 =	sld [smem:$0x3FAF]  }
0x2f: {  	lr =	sadd.s32 s0, s3;
	s0 =	sld [smem:$0x3FA6]  }
0x30: {  	s3 =	sld [smem:$0x3FA9]  }
0x31: {  	[smem:$0x3FB2] =	sst s10  }
0x32: {  	s10 =	sld [smem:$0x3FB0];
	_ =	sdelay $0x3  }
0x33: {  	p0 =	seq.s32 s10, $0x1;
	s10 =	sld [smem:$0x3FB2];
	_ =	sdelay $0x3  }
0x34: {  	[smem:$0x3FB2] =	sst s10  }
0x35: {  	s10 =	sld [smem:$0x3FB1];
	_ =	sdelay $0x3  }
0x36: {  	p1 =	seq.s32 s10, $0x1;
	s10 =	sld [smem:$0x3FB2];
	_ =	sdelay $0x3  }
0x37: {  	[smem:$0x3FB2] =	sst s10  }
0x38: {  	s10 =	sld [smem:$0x3FB3]  }
0x39: {  	_ = 	snop;
	(pc) =	sbr.ind lr, $3  }
0x3a: {  	_ = 	snop  }
0x3b: {  	_ = 	snop  }
0x3c: {  	p2 =	seq.s32 s10, $0x1;
	s10 =	sld [smem:$0x3FB2]  }
0x3d: {  	_ =	shalt  }
0x3e: {  	_ =	shalt  }
0x3f: {  	_ =	shalt  }
0x40: {  	_ =	shalt  }
0x41: {  	_ =	shalt  }
0x42: {  	_ =	shalt  }
0x43: {  	_ =	shalt  }
0x44: {  	_ =	shalt  }
0x45: {  	_ =	shalt  }
0x46: {  	_ =	shalt  }
0x47: {  	_ =	shalt  }
0x48: {  	_ =	shalt  }
0x49: {  	_ =	shalt  }
0x4a: {  	_ =	shalt  }
0x4b: {  	_ =	shalt  }
0x4c: {  	_ =	shalt  }
0x4d: {  	_ =	shalt  }
0x4e: {  	_ =	shalt  }
0x4f: {  	_ =	shalt  }
0x50: {  	_ =	shalt  }
0x51: {  	_ =	shalt  }
0x52: {  	_ =	shalt  }
0x53: {  	_ =	shalt  }
0x54: {  	_ =	shalt  }
0x55: {  	_ =	shalt  }
0x56: {  	_ =	shalt  }
0x57: {  	_ =	shalt  }
0x58: {  	_ =	shalt  }
0x59: {  	_ =	shalt  }
0x5a: {  	_ =	shalt  }
0x5b: {  	_ =	shalt  }
0x5c: {  	_ =	shalt  }
0x5d: {  	_ =	shalt  }
0x5e: {  	_ =	shalt  }
0x5f: {  	_ =	shalt  }
0x60: {  	_ =	shalt  }
0x61: {  	_ =	shalt  }
0x62: {  	_ =	shalt  }
0x63: {  	_ =	shalt  }
0x64: {  	_ =	shalt  }
0x65: {  	_ =	shalt  }
0x66: {  	_ =	shalt  }
0x67: {  	_ =	shalt  }
0x68: {  	_ =	shalt  }
0x69: {  	_ =	shalt  }
0x6a: {  	_ =	shalt  }
0x6b: {  	_ =	shalt  }
0x6c: {  	_ =	shalt  }
0x6d: {  	_ =	shalt  }
0x6e: {  	_ =	shalt  }
0x6f: {  	_ =	shalt  }
0x70: {  	_ =	shalt  }
0x71: {  	_ =	shalt  }
0x72: {  	_ =	shalt  }
0x73: {  	_ =	shalt  }
0x74: {  	_ =	shalt  }
0x75: {  	_ =	shalt  }
0x76: {  	_ =	shalt  }
0x77: {  	_ =	shalt  }
0x78: {  	_ =	shalt  }
0x79: {  	_ =	shalt  }
0x7a: {  	_ =	shalt  }
0x7b: {  	_ =	shalt  }
0x7c: {  	_ =	shalt  }
0x7d: {  	_ =	shalt  }
0x7e: {  	_ =	shalt  }
0x7f: {  	_ =	shalt  }
0x80: {  	_ =	shalt  }
0x81: {  	_ =	shalt  }
0x82: {  	_ =	shalt  }
0x83: {  	_ =	shalt  }
0x84: {  	_ =	shalt  }
0x85: {  	_ =	shalt  }
0x86: {  	_ =	shalt  }
0x87: {  	_ =	shalt  }
.Lfunc_end0:
.L_simem_size_0:
called_computation.2_lowered:
.L_overlay_start_0:
0x88: {  	s2 =	sld [smem:$0x3FD9]  }
0x89: {  	s3 =	sld [smem:$0x3FFE];
	_ =	sdelay $0x1  }
0x8a: {  	s1 =	srdreg.scid  }
0x8b: {  	s0 =	sand.u32 $0x1, s1  }
0x8c: {  	s17 =	sshll.u32 s0, $0xA;
	s2 =	sadd.s32 s3, s2  }
0x8d: {  	s2 =	sadd.s32 s2, s17  }
0x8e: {  	[smem:$0x3FBE] =	sst s2  }
0x8f: {  	_ = 	snop  }
0x90: {  	s2 =	sld [smem:$0x3FD0];
	(tm) =	ssettm $0x1  }
0x91: {  	s18 =	sld [smem:$0x3FFB];
	_ =	sdelay $0x3  }
0x92: {  	_ =	strace s18  }
0x93: {  	s3 =	sld [smem:$0x3FFC];
	_ =	sdelay $0x3  }
0x94: {  	_ =	strace s3  }
0x95: {  	s3 =	sld [smem:$0x3FFD];
	_ =	sdelay $0x3  }
0x96: {  	_ =	strace s3  }
0x97: {  	_ =	strace $0x8FFFFFFF  }
0x98: {  	s19 =	sld [smem:$0x3FDB];
	_ =	sdelay $0x1  }
0x99: {  	s4 =	simm.s32 $_scs_section_size  }
0x9a: {  	s5 =	simm.s32 $_size__tile_overlayer_lowered;
	s6 =	simm.s32 $_tile_overlayer_lowered  }
0x9b: {  	s22 =	simm.s32 $0x1BFF;
	s21 =	sshll.u32 s6, $0x1;
	s3 =	sadd.s32 s4, s19  }
0x9c: {  	s7 =	simm.s32 $0x0;
	s20 =	sshll.u32 s5, $0x1;
	s5 =	sadd.s32 s21, s3  }
0x9d: {  	[timem:s7], [sflag:s22] =	dma.local [hbm:s5], s20  }
0x9e: {  	_ =	swait.ge [sflag:s22], s20  }
0x9f: {  	s4 =	ssub.s32 $0x0, s20;
	[sflag:s22] =	ssyncset.done $0x0  }
0xa0: {  	[sflag:s22] =	ssyncadd.s32 s4;
	_ =	sdelay $0x1  }
0xa1: {  	s23 =	simm.s32 $0x1B8B  }
0xa2: {  	_ =	swait.ge [sflag:s23], $0x1  }
0xa3: {  	[sflag:s23] =	ssyncset.done $0x0  }
0xa4: {  	s25 =	simm.s32 $0x1B8E;
	s24 =	sld [smem:$0x3FFE];
	[sflag:s23] =	ssyncadd.s32 $0xFFFFFFFF  }
0xa5: {  	s26 =	simm.s32 $execute0_lowered;
	[smem:$0x3FD2] =	sst s25  }
0xa6: {  	s5 =	sshll.u32 s26, $0x1;
	_ =	strace $0x8000004C;
	[dreg:$0x1] =	wrdreg $0xFFFFFFFF  }
0xa7: {  	s28 =	simm.s32 $_size_execute0_lowered;
	s3 =	sadd.s32 s3, s5;
	[dreg:$0x0] =	wrdreg $0x0  }
0xa8: {  	s5 =	sshll.u32 s28, $0x1;
	[dreg:$0x2] =	wrdreg s3  }
0xa9: {  	[dreg:$0x3] =	wrdreg s5  }
0xaa: {  	[dreg:$0x4] =	wrdreg $0xC0  }
0xab: {  	_ =	task [dreg:s7], $0x5FFFF  }
0xac: {  	[dreg:$0x1] =	wrdreg $0xFFFFFFFF  }
0xad: {  	[dreg:$0x0] =	wrdreg $0x60  }
0xae: {  	[dreg:$0x2] =	wrdreg s2  }
0xaf: {  	[dreg:$0x3] =	wrdreg s24  }
0xb0: {  	[dreg:$0x4] =	wrdreg $0x84000  }
0xb1: {  	[dreg:$0x5] =	wrdreg $0x9  }
0xb2: {  	_ =	task.clear_ibuf [dreg:s7], $0x6FFFF;
	_ =	strace $0x9000004C  }
0xb3: {  	s29 =	simm.s32 $0x9;
	_ =	strace $0x8000004E  }
0xb4: {  	_ =	swait.ge [sflag:s29], $0x1  }
0xb5: {  	[sflag:s29] =	ssyncadd.s32 $0xFFFFFFFF  }
0xb6: {  	_ =	strace $0x9000004E  }
0xb7: {  	_ =	sfence  }
0xb8: {  	s30 =	sld [smem:$0x0];
	_ =	sdelay $0x2  }
0xb9: {  	s31 =	sshll.u32 s1, $0xD;
	s1 =	sshrl.u32 s1, $0x2  }
0xba: {  	s3 =	sand.u32 $0x4000, s31;
	s1 =	sadd.s32 s1, s30  }
0xbb: {  	s0 =	sor.u32 s3, s0;
	s1 =	sshll.u32 s1, $0x11  }
0xbc: {  	s0 =	sor.u32 s1, s0  }
0xbd: {  	s0 =	sadd.s32 $0x8F2B, s0  }
0xbe: {  	[sflag:s0] =	ssyncadd.remote.s32 $0x1  }
0xbf: {  	_ =	sfence.sel $0xFFFF  }
0xc0: {  	[dreg:$0x0] =	wrdreg $0xFFFFFFFF;
	(pc) =	sbr.abs _section_cstart, $3  }
0xc1: {  	[dreg:$0x1] =	wrdreg $0xFFFFFFFF  }
0xc2: {  	_ =	task.clear_ibuf [dreg:s7], $0x2FFFF;
	_ =	strace $0x9FFFFFFF  }
0xc3: {  	(tm) =	ssettm $0x7FFFFFFF  }
tec
execute0_lowered:
.L_overlay_start_1:
0x0: {  	(tag) =	ssettag $0x1  }
0x1: {  	s0 =	rddreg [dreg:$0x0]  }
0x2: {  	s1 =	rddreg [dreg:$0x1];
	s2 =	srdreg.scid  }
0x3: {  	s3 =	rddreg [dreg:$0x2];
	s11 =	stileid.u32  }
0x4: {  	s4 =	simm.s32 $0x0;
	s28 =	simm.s32 $0x200;
	s6 =	smul.u32 $0x13C00, s11  }
0x5: {  	s29 =	simm.s32 $0x300;
	s30 =	simm.s32 $0x1;
	s8 =	smul.u32 $0x4F000, s11  }
0x6: {  	s31 =	simm.s32 $0x5;
	s2 =	sand.u32 $0x1, s2;
	s15 =	smul.u32 $0x5000, s11  }
0x7: {  	[smem:$0x7FF] =	sst s4;
	s7 =	sadd.s32 $0x53200, s1;
	s5 =	smul.u32 $0x13C000, s2  }
0x8: {  	_ =	strace $0x8000004D;
	s13 =	sshll.u32 s2, $0x4;
	s14 =	ssub.s32 $0x2, s2  }
0x9: {  	s2 =	smul.u32 $0x50000, s2;
	s9 =	sshrl.u32 s14, $0x1;
	s8 =	sshrl.u32 s8, $0x2  }
0xa: {  	s5 =	sadd.s32 s6, s5;
	s6 =	sor.u32 s11, s13;
	s10 =	ssub.s32 s14, s9  }
0xb: {  	s2 =	sadd.s32 s15, s2;
	s5 =	sshrl.u32 s5, $0x3;
	s6 =	smul.u32 $0x5000, s6  }
0xc: {  	s22 =	sor.u32 $0x700, s2;
	s15 =	smax.u32 s10, $0x1;
	s24 =	sor.u32 $0x600, s2  }
0xd: {  	s25 =	sor.u32 $0x500, s2;
	s2 =	sor.u32 $0x400, s2;
	s10 =	simm.s32 $0x0  }
0xe: {  	s1 =	sadd.s32 s5, s1;
	s5 =	sadd.s32 s8, s3;
	s23 =	sshrl.u32 s22, $0x3  }
0xf: {  	s26 =	sshrl.u32 s2, $0x3;
	s22 =	simm.s32 $0x100;
	s2 =	simm.s32 $0x180  }
0x10: {  	s8 =	sadd.s32 $0x4000, s5;
	s6 =	sshrl.u32 s6, $0x3;
	s16 =	sadd.s32 $0x8000, s5  }
0x11: {  	s17 =	sadd.s32 $0xC000, s5;
	s18 =	sadd.s32 $0x10000, s5;
	[dreg:$0x4] =	wrdreg s8  }
0x12: {  	s14 =	sadd.s32 $0x67200, s1;
	s1 =	sshrl.u32 s24, $0x3;
	[dreg:$0x5] =	wrdreg s16  }
0x13: {  	s24 =	simm.s32 $0x80;
	[dreg:$0x6] =	wrdreg s17;
	s9 =	sadd.s32 s7, s6  }
0x14: {  	[dreg:$0x7] =	wrdreg s18;
	s16 =	sadd.s32 s23, s7;
	s6 =	sshrl.u32 s25, $0x3  }
0x15: {  	s17 =	sadd.s32 s1, s7;
	s23 =	simm.s32 $0x3;
	s25 =	simm.s32 $0x4  }
0x16: {  	s1 =	simm.s32 $0x2;
	s8 =	simm.s32 $0x380;
	s19 =	sadd.s32 $0x20, s9  }
0x17: {  	s20 =	sadd.s32 $0x40, s9;
	s21 =	sadd.s32 $0x60, s9;
	[dreg:$0x8] =	wrdreg s19  }
0x18: {  	s18 =	sadd.s32 s6, s7;
	s6 =	simm.s32 $0x6;
	[dreg:$0x9] =	wrdreg s20  }
0x19: {  	[dreg:$0xa] =	wrdreg s21;
	s19 =	sadd.s32 s26, s7;
	s20 =	simm.s32 $0x400  }
0x1a: {  	v0 =	vimm.f32 $0.0e+00;
	s21 =	simm.s32 $0x7;
	s26 =	simm.s32 $0x4400;
	s7 =	simm.s32 $0x280  }
.LBB2_1:
0x1b: {  	s11 =	simm.s32 $0x0;
	s12 =	simm.s32 $0x200  }
.LBB2_2:
0x1c: {  	p0 =	sne.s32 s12, $0xFE00;
	[tilespmem:s11+$0x470] =	vst v0  }
0x1d: {  	[tilespmem:s11+$0x400] =	vst v0  }
0x1e: {  	[tilespmem:s11+$0x410] =	vst v0  }
.Ltmp0:
0x1f: {  	[tilespmem:s11+$0x420] =	vst v0;
	(pc) =	sbr.rel @p0 .LBB2_2-.Ltmp0, $4  }
0x20: {  	[tilespmem:s11+$0x430] =	vst v0  }
0x21: {  	[tilespmem:s11+$0x440] =	vst v0  }
0x22: {  	[tilespmem:s11+$0x450] =	vst v0  }
0x23: {  	[tilespmem:s11+$0x460] =	vst v0;
	s11 =	sshra.s32 s12, $0x2;
	s12 =	sadd.s32 $0x200, s12  }
0x24: {  	[tilespmem:s11+$0x470] =	vst v0  }
0x25: {  	[tilespmem:s11+$0x400] =	vst v0  }
0x26: {  	[tilespmem:s11+$0x410] =	vst v0  }
0x27: {  	[tilespmem:s11+$0x420] =	vst v0  }
0x28: {  	[tilespmem:s11+$0x430] =	vst v0  }
0x29: {  	[tilespmem:s11+$0x440] =	vst v0  }
0x2a: {  	[tilespmem:s11+$0x450] =	vst v0  }
0x2b: {  	[tilespmem:s11+$0x460] =	vst v0  }
0x2c: {  	[spmem:s5] =	stream.linear.scatter [tilespmem:s20], [sflag:$0x7], $0x4000, $0x38;
	[tilespmem:$0x1C000] =	vst v63  }
0x2d: {  	_ =	swait.ge [sflag:s21], $0x4000  }
0x2e: {  	[sflag:s21] =	ssyncset.done $0x0  }
0x2f: {  	s13 =	rddreg [dreg:$0x4];
	[sflag:s21] =	ssyncadd.s32 $0xFFFFC000  }
0x30: {  	[spmem:s13] =	stream.linear.scatter [tilespmem:s20], [sflag:$0x7], $0x4000, $0x38;
	[tilespmem:$0x1C000] =	vst v63  }
0x31: {  	_ =	swait.ge [sflag:s21], $0x4000  }
0x32: {  	[sflag:s21] =	ssyncset.done $0x0  }
0x33: {  	s12 =	rddreg [dreg:$0x5];
	[sflag:s21] =	ssyncadd.s32 $0xFFFFC000  }
0x34: {  	[spmem:s12] =	stream.linear.scatter [tilespmem:s20], [sflag:$0x7], $0x4000, $0x38;
	[tilespmem:$0x1C000] =	vst v63  }
0x35: {  	_ =	swait.ge [sflag:s21], $0x4000  }
0x36: {  	[sflag:s21] =	ssyncset.done $0x0  }
0x37: {  	s13 =	rddreg [dreg:$0x6];
	[sflag:s21] =	ssyncadd.s32 $0xFFFFC000  }
0x38: {  	[spmem:s13] =	stream.linear.scatter [tilespmem:s20], [sflag:$0x7], $0x4000, $0x38;
	[tilespmem:$0x1C000] =	vst v63  }
0x39: {  	_ =	swait.ge [sflag:s21], $0x4000  }
0x3a: {  	[sflag:s21] =	ssyncset.done $0x0  }
0x3b: {  	s12 =	rddreg [dreg:$0x7];
	[sflag:s21] =	ssyncadd.s32 $0xFFFFC000  }
0x3c: {  	[spmem:s12] =	stream.linear.scatter [tilespmem:s20], [sflag:$0x7], $0x3C00, $0x38;
	[tilespmem:$0x1C000] =	vst v63  }
0x3d: {  	_ =	swait.ge [sflag:s21], $0x3C00  }
0x3e: {  	[sflag:s21] =	ssyncset.done $0x0  }
0x3f: {  	[sflag:s21] =	ssyncadd.s32 $0xFFFFC400  }
0x40: {  	s11 =	simm.s32 $0x0;
	[bflag:$0x0] =	sbarrier.arrive $0xFFFF  }
0x41: {  	[tilespmem:s11], [sflag:$0x3] =	stream.linear.gather [hbm4b:s9+s11], $0x100, $0x38;
	[tilespmem:$0x1C000] =	vst v63  }
0x42: {  	s12 =	rddreg [dreg:$0x8]  }
0x43: {  	[tilespmem:s22], [sflag:$0x4] =	stream.linear.gather [hbm4b:s12+s11], $0x100, $0x38;
	[tilespmem:$0x1C000] =	vst v63  }
0x44: {  	_ =	swait.ge [sflag:s23], $0x100  }
0x45: {  	[sflag:s23] =	ssyncset.done $0x0  }
0x46: {  	[sflag:s23] =	ssyncadd.s32 $0xFFFFFF00  }
0x47: {  	[tilespmem:s20], [sflag:$0x1] =	stream.indirect.gather [hbm4b:s0+s24], $0x80, s11, s24, $0xb8;
	[tilespmem:$0x1C000] =	vst v63  }
0x48: {  	_ =	swait.ge [sflag:s25], $0x100  }
0x49: {  	[sflag:s25] =	ssyncset.done $0x0  }
0x4a: {  	[sflag:s25] =	ssyncadd.s32 $0xFFFFFF00  }
0x4b: {  	[tilespmem:s26], [sflag:$0x2] =	stream.indirect.gather [hbm4b:s0+s24], $0x80, s22, s24, $0xb8;
	[tilespmem:$0x1C000] =	vst v63  }
0x4c: {  	s13 =	rddreg [dreg:$0x9]  }
0x4d: {  	[tilespmem:s28], [sflag:$0x5] =	stream.linear.gather [hbm4b:s13+s11], $0x100, $0x38;
	[tilespmem:$0x1C000] =	vst v63  }
0x4e: {  	s13 =	rddreg [dreg:$0xa]  }
0x4f: {  	[tilespmem:s29], [sflag:$0x6] =	stream.linear.gather [hbm4b:s13+s11], $0x100, $0x38;
	[tilespmem:$0x1C000] =	vst v63  }
0x50: {  	_ =	swait.ge [sflag:s30], $0x4000  }
0x51: {  	[sflag:s30] =	ssyncset.done $0x0  }
0x52: {  	[sflag:s30] =	ssyncadd.s32 $0xFFFFC000  }
0x53: {  	[spmem:s3] =	stream.indirect.scatter.add.f32 [tilespmem:s20], [sflag:$0x7], $0x80, s24, s24, $0xb8;
	[tilespmem:$0x1C000] =	vst v63  }
0x54: {  	_ =	swait.ge [sflag:s21], $0x4000  }
0x55: {  	[sflag:s21] =	ssyncset.done $0x0  }
0x56: {  	s12 =	sadd.s32 $0x0, s19;
	[sflag:s21] =	ssyncadd.s32 $0xFFFFC000  }
0x57: {  	[tilespmem:s4], [sflag:$0x3] =	stream.linear.gather [hbm4b:s12+s4], $0x100, $0x38;
	[tilespmem:$0x1C000] =	vst v63  }
0x58: {  	_ =	swait.ge [sflag:s31], $0x100  }
0x59: {  	[sflag:s31] =	ssyncset.done $0x0  }
0x5a: {  	[sflag:s31] =	ssyncadd.s32 $0xFFFFFF00  }
0x5b: {  	[tilespmem:s20], [sflag:$0x1] =	stream.indirect.gather [hbm4b:s0+s24], $0x80, s28, s24, $0xb8;
	[tilespmem:$0x1C000] =	vst v63  }
0x5c: {  	_ =	swait.ge [sflag:s1], $0x4000  }
0x5d: {  	[sflag:s1] =	ssyncset.done $0x0  }
0x5e: {  	[sflag:s1] =	ssyncadd.s32 $0xFFFFC000  }
0x5f: {  	[spmem:s3] =	stream.indirect.scatter.add.f32 [tilespmem:s26], [sflag:$0x7], $0x80, s2, s24, $0xb8;
	[tilespmem:$0x1C000] =	vst v63  }
0x60: {  	_ =	swait.ge [sflag:s21], $0x4000  }
0x61: {  	[sflag:s21] =	ssyncset.done $0x0  }
0x62: {  	s13 =	sadd.s32 $0x0, s18;
	[sflag:s21] =	ssyncadd.s32 $0xFFFFC000  }
0x63: {  	[tilespmem:s22], [sflag:$0x4] =	stream.linear.gather [hbm4b:s13+s4], $0x100, $0x38;
	[tilespmem:$0x1C000] =	vst v63  }
0x64: {  	_ =	swait.ge [sflag:s6], $0x100  }
0x65: {  	[sflag:s6] =	ssyncset.done $0x0  }
0x66: {  	[sflag:s6] =	ssyncadd.s32 $0xFFFFFF00  }
0x67: {  	[tilespmem:s26], [sflag:$0x2] =	stream.indirect.gather [hbm4b:s0+s24], $0x80, s29, s24, $0xb8;
	[tilespmem:$0x1C000] =	vst v63  }
0x68: {  	_ =	swait.ge [sflag:s30], $0x4000  }
0x69: {  	[sflag:s30] =	ssyncset.done $0x0  }
0x6a: {  	[sflag:s30] =	ssyncadd.s32 $0xFFFFC000  }
0x6b: {  	[spmem:s3] =	stream.indirect.scatter.add.f32 [tilespmem:s20], [sflag:$0x7], $0x80, s7, s24, $0xb8;
	[tilespmem:$0x1C000] =	vst v63  }
0x6c: {  	_ =	swait.ge [sflag:s21], $0x4000  }
0x6d: {  	[sflag:s21] =	ssyncset.done $0x0  }
0x6e: {  	s12 =	sadd.s32 $0x0, s17;
	[sflag:s21] =	ssyncadd.s32 $0xFFFFC000  }
0x6f: {  	[tilespmem:s28], [sflag:$0x5] =	stream.linear.gather [hbm4b:s12+s4], $0x100, $0x38;
	[tilespmem:$0x1C000] =	vst v63  }
0x70: {  	_ =	swait.ge [sflag:s23], $0x100  }
0x71: {  	[sflag:s23] =	ssyncset.done $0x0  }
0x72: {  	[sflag:s23] =	ssyncadd.s32 $0xFFFFFF00  }
0x73: {  	[tilespmem:s20], [sflag:$0x1] =	stream.indirect.gather [hbm4b:s0+s24], $0x80, s4, s24, $0xb8;
	[tilespmem:$0x1C000] =	vst v63  }
0x74: {  	_ =	swait.ge [sflag:s1], $0x4000  }
0x75: {  	[sflag:s1] =	ssyncset.done $0x0  }
0x76: {  	[sflag:s1] =	ssyncadd.s32 $0xFFFFC000  }
0x77: {  	[spmem:s3] =	stream.indirect.scatter.add.f32 [tilespmem:s26], [sflag:$0x7], $0x80, s8, s24, $0xb8;
	[tilespmem:$0x1C000] =	vst v63  }
0x78: {  	_ =	swait.ge [sflag:s21], $0x4000  }
0x79: {  	[sflag:s21] =	ssyncset.done $0x0  }
0x7a: {  	s13 =	sadd.s32 $0x0, s16;
	[sflag:s21] =	ssyncadd.s32 $0xFFFFC000  }
0x7b: {  	[tilespmem:s29], [sflag:$0x6] =	stream.linear.gather [hbm4b:s13+s4], $0x100, $0x38;
	[tilespmem:$0x1C000] =	vst v63  }
0x7c: {  	_ =	swait.ge [sflag:s25], $0x100  }
0x7d: {  	[sflag:s25] =	ssyncset.done $0x0  }
0x7e: {  	s11 =	simm.s32 $0x80;
	[sflag:s25] =	ssyncadd.s32 $0xFFFFFF00  }
.LBB2_4:
0x7f: {  	[tilespmem:s26], [sflag:$0x2] =	stream.indirect.gather [hbm4b:s0+s24], $0x80, s22, s24, $0xb8;
	[tilespmem:$0x1C000] =	vst v63  }
0x80: {  	s12 =	smov.u32 s11  }
0x81: {  	p0 =	sne.s32 s11, $0x900;
	s11 =	sadd.s32 $0x80, s11;
	_ =	swait.ge [sflag:s30], $0x4000  }
0x82: {  	[sflag:s30] =	ssyncset.done $0x0  }
0x83: {  	[sflag:s30] =	ssyncadd.s32 $0xFFFFC000  }
0x84: {  	[spmem:s3] =	stream.indirect.scatter.add.f32 [tilespmem:s20], [sflag:$0x7], $0x80, s24, s24, $0xb8;
	[tilespmem:$0x1C000] =	vst v63  }
0x85: {  	_ =	swait.ge [sflag:s21], $0x4000  }
0x86: {  	[sflag:s21] =	ssyncset.done $0x0  }
0x87: {  	s13 =	sadd.s32 s12, s19;
	[sflag:s21] =	ssyncadd.s32 $0xFFFFC000  }
0x88: {  	[tilespmem:s4], [sflag:$0x3] =	stream.linear.gather [hbm4b:s13+s4], $0x100, $0x38;
	[tilespmem:$0x1C000] =	vst v63  }
0x89: {  	_ =	swait.ge [sflag:s31], $0x100  }
0x8a: {  	[sflag:s31] =	ssyncset.done $0x0  }
0x8b: {  	[sflag:s31] =	ssyncadd.s32 $0xFFFFFF00  }
0x8c: {  	[tilespmem:s20], [sflag:$0x1] =	stream.indirect.gather [hbm4b:s0+s24], $0x80, s28, s24, $0xb8;
	[tilespmem:$0x1C000] =	vst v63  }
0x8d: {  	_ =	swait.ge [sflag:s1], $0x4000  }
0x8e: {  	[sflag:s1] =	ssyncset.done $0x0  }
0x8f: {  	[sflag:s1] =	ssyncadd.s32 $0xFFFFC000  }
0x90: {  	[spmem:s3] =	stream.indirect.scatter.add.f32 [tilespmem:s26], [sflag:$0x7], $0x80, s2, s24, $0xb8;
	[tilespmem:$0x1C000] =	vst v63  }
0x91: {  	_ =	swait.ge [sflag:s21], $0x4000  }
0x92: {  	[sflag:s21] =	ssyncset.done $0x0  }
0x93: {  	s13 =	sadd.s32 s12, s18;
	[sflag:s21] =	ssyncadd.s32 $0xFFFFC000  }
0x94: {  	[tilespmem:s22], [sflag:$0x4] =	stream.linear.gather [hbm4b:s13+s4], $0x100, $0x38;
	[tilespmem:$0x1C000] =	vst v63  }
0x95: {  	_ =	swait.ge [sflag:s6], $0x100  }
0x96: {  	[sflag:s6] =	ssyncset.done $0x0  }
0x97: {  	[sflag:s6] =	ssyncadd.s32 $0xFFFFFF00  }
0x98: {  	[tilespmem:s26], [sflag:$0x2] =	stream.indirect.gather [hbm4b:s0+s24], $0x80, s29, s24, $0xb8;
	[tilespmem:$0x1C000] =	vst v63  }
0x99: {  	_ =	swait.ge [sflag:s30], $0x4000  }
0x9a: {  	[sflag:s30] =	ssyncset.done $0x0  }
0x9b: {  	[sflag:s30] =	ssyncadd.s32 $0xFFFFC000  }
0x9c: {  	[spmem:s3] =	stream.indirect.scatter.add.f32 [tilespmem:s20], [sflag:$0x7], $0x80, s7, s24, $0xb8;
	[tilespmem:$0x1C000] =	vst v63  }
0x9d: {  	_ =	swait.ge [sflag:s21], $0x4000  }
0x9e: {  	[sflag:s21] =	ssyncset.done $0x0  }
0x9f: {  	s13 =	sadd.s32 s12, s17;
	[sflag:s21] =	ssyncadd.s32 $0xFFFFC000  }
0xa0: {  	[tilespmem:s28], [sflag:$0x5] =	stream.linear.gather [hbm4b:s13+s4], $0x100, $0x38;
	[tilespmem:$0x1C000] =	vst v63  }
0xa1: {  	_ =	swait.ge [sflag:s23], $0x100  }
0xa2: {  	[sflag:s23] =	ssyncset.done $0x0  }
0xa3: {  	[sflag:s23] =	ssyncadd.s32 $0xFFFFFF00  }
0xa4: {  	[tilespmem:s20], [sflag:$0x1] =	stream.indirect.gather [hbm4b:s0+s24], $0x80, s4, s24, $0xb8;
	[tilespmem:$0x1C000] =	vst v63  }
0xa5: {  	_ =	swait.ge [sflag:s1], $0x4000  }
0xa6: {  	[sflag:s1] =	ssyncset.done $0x0  }
0xa7: {  	[sflag:s1] =	ssyncadd.s32 $0xFFFFC000  }
0xa8: {  	[spmem:s3] =	stream.indirect.scatter.add.f32 [tilespmem:s26], [sflag:$0x7], $0x80, s8, s24, $0xb8;
	[tilespmem:$0x1C000] =	vst v63  }
0xa9: {  	_ =	swait.ge [sflag:s21], $0x4000  }
0xaa: {  	[sflag:s21] =	ssyncset.done $0x0  }
.Ltmp1:
0xab: {  	s12 =	sadd.s32 s12, s16;
	[sflag:s21] =	ssyncadd.s32 $0xFFFFC000;
	(pc) =	sbr.rel @p0 .LBB2_4-.Ltmp1, $4  }
0xac: {  	[tilespmem:s29], [sflag:$0x6] =	stream.linear.gather [hbm4b:s12+s4], $0x100, $0x38;
	[tilespmem:$0x1C000] =	vst v63  }
0xad: {  	_ =	swait.ge [sflag:s25], $0x100  }
0xae: {  	[sflag:s25] =	ssyncset.done $0x0  }
0xaf: {  	[sflag:s25] =	ssyncadd.s32 $0xFFFFFF00  }
0xb0: {  	[tilespmem:s26], [sflag:$0x2] =	stream.indirect.gather [hbm4b:s0+s24], $0x80, s22, s24, $0xb8;
	[tilespmem:$0x1C000] =	vst v63  }
0xb1: {  	_ =	swait.ge [sflag:s30], $0x4000  }
0xb2: {  	[sflag:s30] =	ssyncset.done $0x0  }
0xb3: {  	[sflag:s30] =	ssyncadd.s32 $0xFFFFC000  }
0xb4: {  	[spmem:s3] =	stream.indirect.scatter.add.f32 [tilespmem:s20], [sflag:$0x7], $0x80, s24, s24, $0xb8;
	[tilespmem:$0x1C000] =	vst v63  }
0xb5: {  	_ =	swait.ge [sflag:s21], $0x4000  }
0xb6: {  	[sflag:s21] =	ssyncset.done $0x0  }
0xb7: {  	[sflag:s21] =	ssyncadd.s32 $0xFFFFC000  }
0xb8: {  	_ =	swait.ge [sflag:s31], $0x100  }
0xb9: {  	[sflag:s31] =	ssyncset.done $0x0  }
0xba: {  	[sflag:s31] =	ssyncadd.s32 $0xFFFFFF00  }
0xbb: {  	[tilespmem:s20], [sflag:$0x1] =	stream.indirect.gather [hbm4b:s0+s24], $0x80, s28, s24, $0xb8;
	[tilespmem:$0x1C000] =	vst v63  }
0xbc: {  	_ =	swait.ge [sflag:s1], $0x4000  }
0xbd: {  	[sflag:s1] =	ssyncset.done $0x0  }
0xbe: {  	[sflag:s1] =	ssyncadd.s32 $0xFFFFC000  }
0xbf: {  	[spmem:s3] =	stream.indirect.scatter.add.f32 [tilespmem:s26], [sflag:$0x7], $0x80, s2, s24, $0xb8;
	[tilespmem:$0x1C000] =	vst v63  }
0xc0: {  	_ =	swait.ge [sflag:s21], $0x4000  }
0xc1: {  	[sflag:s21] =	ssyncset.done $0x0  }
0xc2: {  	[sflag:s21] =	ssyncadd.s32 $0xFFFFC000  }
0xc3: {  	_ =	swait.ge [sflag:s6], $0x100  }
0xc4: {  	[sflag:s6] =	ssyncset.done $0x0  }
0xc5: {  	[sflag:s6] =	ssyncadd.s32 $0xFFFFFF00  }
0xc6: {  	[tilespmem:s26], [sflag:$0x2] =	stream.indirect.gather [hbm4b:s0+s24], $0x80, s29, s24, $0xb8;
	[tilespmem:$0x1C000] =	vst v63  }
0xc7: {  	_ =	swait.ge [sflag:s30], $0x4000  }
0xc8: {  	[sflag:s30] =	ssyncset.done $0x0  }
0xc9: {  	[sflag:s30] =	ssyncadd.s32 $0xFFFFC000  }
0xca: {  	[spmem:s3] =	stream.indirect.scatter.add.f32 [tilespmem:s20], [sflag:$0x7], $0x80, s7, s24, $0xb8;
	[tilespmem:$0x1C000] =	vst v63  }
0xcb: {  	_ =	swait.ge [sflag:s21], $0x4000  }
0xcc: {  	[sflag:s21] =	ssyncset.done $0x0  }
0xcd: {  	[sflag:s21] =	ssyncadd.s32 $0xFFFFC000  }
0xce: {  	_ =	swait.ge [sflag:s1], $0x4000  }
0xcf: {  	[sflag:s1] =	ssyncset.done $0x0  }
0xd0: {  	[sflag:s1] =	ssyncadd.s32 $0xFFFFC000  }
0xd1: {  	[spmem:s3] =	stream.indirect.scatter.add.f32 [tilespmem:s26], [sflag:$0x7], $0x80, s8, s24, $0xb8;
	[tilespmem:$0x1C000] =	vst v63  }
0xd2: {  	s11 =	stileid.u32;
	_ =	swait.ge [sflag:s21], $0x4000  }
0xd3: {  	s12 =	sshrl.u32 s5, $0x3;
	s10 =	sadd.s32 $0x1, s10;
	[sflag:s21] =	ssyncset.done $0x0  }
0xd4: {  	s11 =	sshll.u32 s11, $0x6;
	p0 =	sne.s32 s10, s15;
	[sflag:s21] =	ssyncadd.s32 $0xFFFFC000  }
.Ltmp2:
0xd5: {  	s11 =	sor.u32 $0x1C07, s11;
	[bflag:$0x0] =	sbarrier.arrive $0xFFFF;
	(pc) =	sbr.rel @p0 .LBB2_1-.Ltmp2, $4  }
0xd6: {  	[hbm:s14], [sflag:s11] =	dma.local [spmem:s12], $0x2780  }
0xd7: {  	_ =	swait.ge [sflag:s21], $0x2780  }
0xd8: {  	[sflag:s21] =	ssyncset.done $0x0  }
0xd9: {  	[sflag:s21] =	ssyncadd.s32 $0xFFFFD880  }
0xda: {  	_ =	sfence.sel $0x180000  }
0xdb: {  	[bflag:$0x0] =	sbarrier.arrive $0xFFFF  }
0xdc: {  	_ =	strace $0x9000004D  }
0xdd: {  	s0 =	stileid.u32;
	[bflag:$0x2] =	sbarrier.arrive $0xFFFF  }
0xde: {  	p0 =	sne.s32 s0, $0x0;
	s0 =	rddreg [dreg:$0x3]  }
0xdf: {  	s0 =	sadd.s32 @!p0 $0x100000, s0  }
0xe0: {  	[sflag:s0] =	ssyncadd.tile.s32 @!p0 $0x1;
	_ =	shalt  }
.Lfunc_end2:
_tile_overlayer_lowered:
.L_overlay_start_2:
0xe1: {  	(tag) =	ssettag $0x2  }
0xe2: {  	s0 =	rddreg [dreg:$0x0];
	s2 =	stileid.u32  }
0xe3: {  	s1 =	rddreg [dreg:$0x1];
	p0 =	sne.s32 s2, $0x0  }
0xe4: {  	s3 =	rddreg [dreg:$0x2];
	[bflag:$0x3] =	sbarrier.arrive $0xFFFF;
	s2 =	simm.s32 @!p0 $0x1C07  }
0xe5: {  	[timem:s3], [sflag:s2] =	dma.local @!p0 [hbm:s0], s1  }
0xe6: {  	s0 =	simm.s32 @!p0 $0x7  }
0xe7: {  	_ =	swait.ge @!p0 [sflag:s0], s1  }
0xe8: {  	s1 =	ssub.s32 @!p0 $0x0, s1;
	[sflag:s0] =	ssyncset.done @!p0 $0x0  }
0xe9: {  	[sflag:s0] =	ssyncadd.s32 @!p0 s1  }
0xea: {  	[bflag:$0x3] =	sbarrier.arrive $0xFFFF  }
0xeb: {  	_ =	shalt  }

// kernel: kernel.19.cloned.1.call-start
scs
__scs_entry_jumppad:
0x0: {  	(pc) =	sbr.rel $0x88, $3  }
0x1: {  	(tag) =	ssettag $0x0;
	lr =	simm.s32 $0x1  }
0x2: {  	[smem:$0x3F97] =	sst lr;
	_ =	strace $0xD0000000  }
0x3: {  	_ = 	snop  }
0x4: {  	_ = 	snop  }
0x5: {  	_ = 	snop  }
0x6: {  	_ = 	snop  }
0x7: {  	_ = 	snop  }
__scs_overlays_trampoline_lowered:
0x8: {  	[smem:$0x3FA6] =	sst s0  }
0x9: {  	[smem:$0x3FA7] =	sst s1  }
0xa: {  	[smem:$0x3FA8] =	sst s2  }
0xb: {  	[smem:$0x3FA9] =	sst s3  }
0xc: {  	[smem:$0x3FAA] =	sst s4  }
0xd: {  	[smem:$0x3FAB] =	sst s5  }
0xe: {  	[smem:$0x3FAC] =	sst s6  }
0xf: {  	[smem:$0x3FAD] =	sst s7  }
0x10: {  	[smem:$0x3FAE] =	sst s8  }
0x11: {  	[smem:$0x3FAF] =	sst s9;
	s0 =	simm.s32 @!p0 $0x0  }
0x12: {  	s1 =	sld [smem:$0x3F95];
	s0 =	simm.s32 @p0 $0x1  }
0x13: {  	[smem:$0x3FB0] =	sst s0;
	s0 =	simm.s32 @!p1 $0x0  }
0x14: {  	s2 =	sld [smem:$0x3F94];
	s0 =	simm.s32 @p1 $0x1  }
0x15: {  	[smem:$0x3FB1] =	sst s0;
	s0 =	simm.s32 @!p2 $0x0  }
0x16: {  	s3 =	sld [smem:$0x3FDB];
	s0 =	simm.s32 @p2 $0x1  }
0x17: {  	s4 =	simm.s32 $0x1BF5;
	[smem:$0x3FB3] =	sst s0  }
0x18: {  	s0 =	sld [smem:$0x3F96];
	_ =	swait.ge [sflag:s4], $0x0  }
0x19: {  	s7 =	sld [smem:$0x3F97]  }
0x1a: {  	s8 =	sadd.s32 $0xFFFFE003, lr  }
0x1b: {  	s9 =	sadd.s32 $0xFFFFFEF7, lr;
	s5 =	simm.s32 $0xFFFFFFFF;
	p2 =	slt.u32 s8, $0xFFFFF086  }
0x1c: {  	p1 =	slt.u32 s9, $0xF7A;
	s5 =	simm.s32 @!p2 $0x0  }
0x1d: {  	s5 =	simm.s32 @p1 $0x1;
	p0 =	seq.s32 s7, s2  }
0x1e: {  	s7 =	smul.u32 @!p0 $0xF7A, s2;
	p2 =	seq.s32 @!p0 s5, $0x0  }
0x1f: {  	s9 =	smul.u32 $0xF7A, s1;
	s8 =	simm.s32 @!p0 $0x1BF5;
	p2 =	por !p2, p0  }
0x20: {  	[sflag:s8] =	ssyncset.s32 @!p0 $0xFFFFF086;
	s6 =	sadd.s32 @!p0 s3, s7;
	s7 =	simm.s32 @!p0 $0x108  }
0x21: {  	s3 =	sadd.s32 s3, s9;
	s6 =	sadd.s32 @!p0 $0x88, s6;
	s7 =	simm.s32 @p2 $0x1082  }
0x22: {  	[simem:s7], [sflag:s8] =	dma.local @!p0 [hbm:s6], $0xF7A  }
0x23: {  	s9 =	sor.u32 $0xD0000000, s2;
	s6 =	simm.s32 $0x108;
	_ =	swait.ge @!p0 [sflag:s8], $0x0  }
0x24: {  	s3 =	sadd.s32 $0x88, s3;
	s6 =	simm.s32 @!p1 $0x1082;
	[sflag:s4] =	ssyncset.s32 $0xFFFFF086  }
0x25: {  	[simem:s6], [sflag:s4] =	dma.local [hbm:s3], $0xF7A  }
0x26: {  	[smem:$0x3F97] =	sst s1;
	(tag) =	ssettag s2;
	_ =	strace s9  }
0x27: {  	s1 =	sld [smem:$0x3FA7]  }
0x28: {  	s2 =	sld [smem:$0x3FA8]  }
0x29: {  	s4 =	sld [smem:$0x3FAA]  }
0x2a: {  	p0 =	seq.s32 s5, $0x0;
	s5 =	sld [smem:$0x3FAB]  }
0x2b: {  	s6 =	sld [smem:$0x3FAC]  }
0x2c: {  	s7 =	sld [smem:$0x3FAD]  }
0x2d: {  	s3 =	simm.s32 $0x108;
	s8 =	sld [smem:$0x3FAE]  }
0x2e: {  	s3 =	simm.s32 @!p0 $0x1082;
	s9 =	sld [smem:$0x3FAF]  }
0x2f: {  	lr =	sadd.s32 s0, s3;
	s0 =	sld [smem:$0x3FA6]  }
0x30: {  	s3 =	sld [smem:$0x3FA9]  }
0x31: {  	[smem:$0x3FB2] =	sst s10  }
0x32: {  	s10 =	sld [smem:$0x3FB0];
	_ =	sdelay $0x3  }
0x33: {  	p0 =	seq.s32 s10, $0x1;
	s10 =	sld [smem:$0x3FB2];
	_ =	sdelay $0x3  }
0x34: {  	[smem:$0x3FB2] =	sst s10  }
0x35: {  	s10 =	sld [smem:$0x3FB1];
	_ =	sdelay $0x3  }
0x36: {  	p1 =	seq.s32 s10, $0x1;
	s10 =	sld [smem:$0x3FB2];
	_ =	sdelay $0x3  }
0x37: {  	[smem:$0x3FB2] =	sst s10  }
0x38: {  	s10 =	sld [smem:$0x3FB3]  }
0x39: {  	_ = 	snop;
	(pc) =	sbr.ind lr, $3  }
0x3a: {  	_ = 	snop  }
0x3b: {  	_ = 	snop  }
0x3c: {  	p2 =	seq.s32 s10, $0x1;
	s10 =	sld [smem:$0x3FB2]  }
0x3d: {  	_ =	shalt  }
0x3e: {  	_ =	shalt  }
0x3f: {  	_ =	shalt  }
0x40: {  	_ =	shalt  }
0x41: {  	_ =	shalt  }
0x42: {  	_ =	shalt  }
0x43: {  	_ =	shalt  }
0x44: {  	_ =	shalt  }
0x45: {  	_ =	shalt  }
0x46: {  	_ =	shalt  }
0x47: {  	_ =	shalt  }
0x48: {  	_ =	shalt  }
0x49: {  	_ =	shalt  }
0x4a: {  	_ =	shalt  }
0x4b: {  	_ =	shalt  }
0x4c: {  	_ =	shalt  }
0x4d: {  	_ =	shalt  }
0x4e: {  	_ =	shalt  }
0x4f: {  	_ =	shalt  }
0x50: {  	_ =	shalt  }
0x51: {  	_ =	shalt  }
0x52: {  	_ =	shalt  }
0x53: {  	_ =	shalt  }
0x54: {  	_ =	shalt  }
0x55: {  	_ =	shalt  }
0x56: {  	_ =	shalt  }
0x57: {  	_ =	shalt  }
0x58: {  	_ =	shalt  }
0x59: {  	_ =	shalt  }
0x5a: {  	_ =	shalt  }
0x5b: {  	_ =	shalt  }
0x5c: {  	_ =	shalt  }
0x5d: {  	_ =	shalt  }
0x5e: {  	_ =	shalt  }
0x5f: {  	_ =	shalt  }
0x60: {  	_ =	shalt  }
0x61: {  	_ =	shalt  }
0x62: {  	_ =	shalt  }
0x63: {  	_ =	shalt  }
0x64: {  	_ =	shalt  }
0x65: {  	_ =	shalt  }
0x66: {  	_ =	shalt  }
0x67: {  	_ =	shalt  }
0x68: {  	_ =	shalt  }
0x69: {  	_ =	shalt  }
0x6a: {  	_ =	shalt  }
0x6b: {  	_ =	shalt  }
0x6c: {  	_ =	shalt  }
0x6d: {  	_ =	shalt  }
0x6e: {  	_ =	shalt  }
0x6f: {  	_ =	shalt  }
0x70: {  	_ =	shalt  }
0x71: {  	_ =	shalt  }
0x72: {  	_ =	shalt  }
0x73: {  	_ =	shalt  }
0x74: {  	_ =	shalt  }
0x75: {  	_ =	shalt  }
0x76: {  	_ =	shalt  }
0x77: {  	_ =	shalt  }
0x78: {  	_ =	shalt  }
0x79: {  	_ =	shalt  }
0x7a: {  	_ =	shalt  }
0x7b: {  	_ =	shalt  }
0x7c: {  	_ =	shalt  }
0x7d: {  	_ =	shalt  }
0x7e: {  	_ =	shalt  }
0x7f: {  	_ =	shalt  }
0x80: {  	_ =	shalt  }
0x81: {  	_ =	shalt  }
0x82: {  	_ =	shalt  }
0x83: {  	_ =	shalt  }
0x84: {  	_ =	shalt  }
0x85: {  	_ =	shalt  }
0x86: {  	_ =	shalt  }
0x87: {  	_ =	shalt  }
.Lfunc_end0:
.L_simem_size_0:
called_computation.3_lowered:
.L_overlay_start_0:
0x88: {  	s2 =	sld [smem:$0x3FD9]  }
0x89: {  	s3 =	sld [smem:$0x3FFE];
	_ =	sdelay $0x1  }
0x8a: {  	s1 =	srdreg.scid  }
0x8b: {  	s0 =	sand.u32 $0x1, s1  }
0x8c: {  	s17 =	sshll.u32 s0, $0xA;
	s2 =	sadd.s32 s3, s2  }
0x8d: {  	s2 =	sadd.s32 s2, s17  }
0x8e: {  	[smem:$0x3FBE] =	sst s2  }
0x8f: {  	_ = 	snop  }
0x90: {  	s2 =	sld [smem:$0x3FD0];
	(tm) =	ssettm $0x1  }
0x91: {  	s18 =	sld [smem:$0x3FFB];
	_ =	sdelay $0x3  }
0x92: {  	_ =	strace s18  }
0x93: {  	s3 =	sld [smem:$0x3FFC];
	_ =	sdelay $0x3  }
0x94: {  	_ =	strace s3  }
0x95: {  	s3 =	sld [smem:$0x3FFD];
	_ =	sdelay $0x3  }
0x96: {  	_ =	strace s3  }
0x97: {  	_ =	strace $0x8FFFFFFF  }
0x98: {  	s19 =	sld [smem:$0x3FDB];
	_ =	sdelay $0x1  }
0x99: {  	s4 =	simm.s32 $_scs_section_size  }
0x9a: {  	s5 =	simm.s32 $_size__tile_overlayer_lowered;
	s6 =	simm.s32 $_tile_overlayer_lowered  }
0x9b: {  	s22 =	simm.s32 $0x1BFF;
	s21 =	sshll.u32 s6, $0x1;
	s3 =	sadd.s32 s4, s19  }
0x9c: {  	s7 =	simm.s32 $0x0;
	s20 =	sshll.u32 s5, $0x1;
	s5 =	sadd.s32 s21, s3  }
0x9d: {  	[timem:s7], [sflag:s22] =	dma.local [hbm:s5], s20  }
0x9e: {  	_ =	swait.ge [sflag:s22], s20  }
0x9f: {  	s4 =	ssub.s32 $0x0, s20;
	[sflag:s22] =	ssyncset.done $0x0  }
0xa0: {  	[sflag:s22] =	ssyncadd.s32 s4;
	_ =	sdelay $0x1  }
0xa1: {  	s23 =	simm.s32 $0x1B8B  }
0xa2: {  	_ =	swait.ge [sflag:s23], $0x1  }
0xa3: {  	[sflag:s23] =	ssyncset.done $0x0  }
0xa4: {  	s25 =	simm.s32 $0x1B8E;
	s24 =	sld [smem:$0x3FFE];
	[sflag:s23] =	ssyncadd.s32 $0xFFFFFFFF  }
0xa5: {  	s26 =	simm.s32 $execute0_lowered;
	[smem:$0x3FD2] =	sst s25  }
0xa6: {  	s5 =	sshll.u32 s26, $0x1;
	_ =	strace $0x8000004F;
	[dreg:$0x1] =	wrdreg $0xFFFFFFFF  }
0xa7: {  	s28 =	simm.s32 $_size_execute0_lowered;
	s3 =	sadd.s32 s3, s5;
	[dreg:$0x0] =	wrdreg $0x0  }
0xa8: {  	s5 =	sshll.u32 s28, $0x1;
	[dreg:$0x2] =	wrdreg s3  }
0xa9: {  	[dreg:$0x3] =	wrdreg s5  }
0xaa: {  	[dreg:$0x4] =	wrdreg $0xC0  }
0xab: {  	_ =	task [dreg:s7], $0x5FFFF  }
0xac: {  	[dreg:$0x1] =	wrdreg $0xFFFFFFFF  }
0xad: {  	[dreg:$0x0] =	wrdreg $0x60  }
0xae: {  	[dreg:$0x2] =	wrdreg s2  }
0xaf: {  	[dreg:$0x3] =	wrdreg s24  }
0xb0: {  	[dreg:$0x4] =	wrdreg $0x84000  }
0xb1: {  	[dreg:$0x5] =	wrdreg $0x9  }
0xb2: {  	_ =	task.clear_ibuf [dreg:s7], $0x6FFFF;
	_ =	strace $0x9000004F  }
0xb3: {  	s29 =	simm.s32 $0x9;
	_ =	strace $0x80000051  }
0xb4: {  	_ =	swait.ge [sflag:s29], $0x1  }
0xb5: {  	[sflag:s29] =	ssyncadd.s32 $0xFFFFFFFF  }
0xb6: {  	_ =	strace $0x90000051  }
0xb7: {  	_ =	sfence  }
0xb8: {  	s30 =	sld [smem:$0x0];
	_ =	sdelay $0x2  }
0xb9: {  	s31 =	sshll.u32 s1, $0xD;
	s1 =	sshrl.u32 s1, $0x2  }
0xba: {  	s3 =	sand.u32 $0x4000, s31;
	s1 =	sadd.s32 s1, s30  }
0xbb: {  	s0 =	sor.u32 s3, s0;
	s1 =	sshll.u32 s1, $0x11  }
0xbc: {  	s0 =	sor.u32 s1, s0  }
0xbd: {  	s0 =	sadd.s32 $0x8F2B, s0  }
0xbe: {  	[sflag:s0] =	ssyncadd.remote.s32 $0x1  }
0xbf: {  	_ =	sfence.sel $0xFFFF  }
0xc0: {  	[dreg:$0x0] =	wrdreg $0xFFFFFFFF;
	(pc) =	sbr.abs _section_cstart, $3  }
0xc1: {  	[dreg:$0x1] =	wrdreg $0xFFFFFFFF  }
0xc2: {  	_ =	task.clear_ibuf [dreg:s7], $0x2FFFF;
	_ =	strace $0x9FFFFFFF  }
0xc3: {  	(tm) =	ssettm $0x7FFFFFFF  }
tec
execute0_lowered:
.L_overlay_start_1:
0x0: {  	(tag) =	ssettag $0x1  }
0x1: {  	s0 =	rddreg [dreg:$0x0]  }
0x2: {  	s1 =	rddreg [dreg:$0x1];
	s2 =	srdreg.scid  }
0x3: {  	s3 =	rddreg [dreg:$0x2];
	s11 =	stileid.u32  }
0x4: {  	s4 =	simm.s32 $0x0;
	s28 =	simm.s32 $0x200;
	s6 =	smul.u32 $0x13C00, s11  }
0x5: {  	s29 =	simm.s32 $0x300;
	s30 =	simm.s32 $0x1;
	s8 =	smul.u32 $0x4F000, s11  }
0x6: {  	s31 =	simm.s32 $0x5;
	s2 =	sand.u32 $0x1, s2;
	s15 =	smul.u32 $0x5000, s11  }
0x7: {  	[smem:$0x7FF] =	sst s4;
	s7 =	sadd.s32 $0x53200, s1;
	s5 =	smul.u32 $0x13C000, s2  }
0x8: {  	_ =	strace $0x80000050;
	s13 =	sshll.u32 s2, $0x4;
	s14 =	ssub.s32 $0x2, s2  }
0x9: {  	s2 =	smul.u32 $0x50000, s2;
	s9 =	sshrl.u32 s14, $0x1;
	s8 =	sshrl.u32 s8, $0x2  }
0xa: {  	s5 =	sadd.s32 s6, s5;
	s6 =	sor.u32 s11, s13;
	s10 =	ssub.s32 s14, s9  }
0xb: {  	s2 =	sadd.s32 s15, s2;
	s5 =	sshrl.u32 s5, $0x3;
	s6 =	smul.u32 $0x5000, s6  }
0xc: {  	s22 =	sor.u32 $0x700, s2;
	s15 =	smax.u32 s10, $0x1;
	s24 =	sor.u32 $0x600, s2  }
0xd: {  	s25 =	sor.u32 $0x500, s2;
	s2 =	sor.u32 $0x400, s2;
	s10 =	simm.s32 $0x0  }
0xe: {  	s1 =	sadd.s32 s5, s1;
	s5 =	sadd.s32 s8, s3;
	s23 =	sshrl.u32 s22, $0x3  }
0xf: {  	s26 =	sshrl.u32 s2, $0x3;
	s22 =	simm.s32 $0x100;
	s2 =	simm.s32 $0x180  }
0x10: {  	s8 =	sadd.s32 $0x4000, s5;
	s6 =	sshrl.u32 s6, $0x3;
	s16 =	sadd.s32 $0x8000, s5  }
0x11: {  	s17 =	sadd.s32 $0xC000, s5;
	s18 =	sadd.s32 $0x10000, s5;
	[dreg:$0x4] =	wrdreg s8  }
0x12: {  	s14 =	sadd.s32 $0x67200, s1;
	s1 =	sshrl.u32 s24, $0x3;
	[dreg:$0x5] =	wrdreg s16  }
0x13: {  	s24 =	simm.s32 $0x80;
	[dreg:$0x6] =	wrdreg s17;
	s9 =	sadd.s32 s7, s6  }
0x14: {  	[dreg:$0x7] =	wrdreg s18;
	s16 =	sadd.s32 s23, s7;
	s6 =	sshrl.u32 s25, $0x3  }
0x15: {  	s17 =	sadd.s32 s1, s7;
	s23 =	simm.s32 $0x3;
	s25 =	simm.s32 $0x4  }
0x16: {  	s1 =	simm.s32 $0x2;
	s8 =	simm.s32 $0x380;
	s19 =	sadd.s32 $0x20, s9  }
0x17: {  	s20 =	sadd.s32 $0x40, s9;
	s21 =	sadd.s32 $0x60, s9;
	[dreg:$0x8] =	wrdreg s19  }
0x18: {  	s18 =	sadd.s32 s6, s7;
	s6 =	simm.s32 $0x6;
	[dreg:$0x9] =	wrdreg s20  }
0x19: {  	[dreg:$0xa] =	wrdreg s21;
	s19 =	sadd.s32 s26, s7;
	s20 =	simm.s32 $0x400  }
0x1a: {  	v0 =	vimm.f32 $0.0e+00;
	s21 =	simm.s32 $0x7;
	s26 =	simm.s32 $0x4400;
	s7 =	simm.s32 $0x280  }
.LBB2_1:
0x1b: {  	s11 =	simm.s32 $0x0;
	s12 =	simm.s32 $0x200  }
.LBB2_2:
0x1c: {  	p0 =	sne.s32 s12, $0xFE00;
	[tilespmem:s11+$0x470] =	vst v0  }
0x1d: {  	[tilespmem:s11+$0x400] =	vst v0  }
0x1e: {  	[tilespmem:s11+$0x410] =	vst v0  }
.Ltmp0:
0x1f: {  	[tilespmem:s11+$0x420] =	vst v0;
	(pc) =	sbr.rel @p0 .LBB2_2-.Ltmp0, $4  }
0x20: {  	[tilespmem:s11+$0x430] =	vst v0  }
0x21: {  	[tilespmem:s11+$0x440] =	vst v0  }
0x22: {  	[tilespmem:s11+$0x450] =	vst v0  }
0x23: {  	[tilespmem:s11+$0x460] =	vst v0;
	s11 =	sshra.s32 s12, $0x2;
	s12 =	sadd.s32 $0x200, s12  }
0x24: {  	[tilespmem:s11+$0x470] =	vst v0  }
0x25: {  	[tilespmem:s11+$0x400] =	vst v0  }
0x26: {  	[tilespmem:s11+$0x410] =	vst v0  }
0x27: {  	[tilespmem:s11+$0x420] =	vst v0  }
0x28: {  	[tilespmem:s11+$0x430] =	vst v0  }
0x29: {  	[tilespmem:s11+$0x440] =	vst v0  }
0x2a: {  	[tilespmem:s11+$0x450] =	vst v0  }
0x2b: {  	[tilespmem:s11+$0x460] =	vst v0  }
0x2c: {  	[spmem:s5] =	stream.linear.scatter [tilespmem:s20], [sflag:$0x7], $0x4000, $0x38;
	[tilespmem:$0x1C000] =	vst v63  }
0x2d: {  	_ =	swait.ge [sflag:s21], $0x4000  }
0x2e: {  	[sflag:s21] =	ssyncset.done $0x0  }
0x2f: {  	s13 =	rddreg [dreg:$0x4];
	[sflag:s21] =	ssyncadd.s32 $0xFFFFC000  }
0x30: {  	[spmem:s13] =	stream.linear.scatter [tilespmem:s20], [sflag:$0x7], $0x4000, $0x38;
	[tilespmem:$0x1C000] =	vst v63  }
0x31: {  	_ =	swait.ge [sflag:s21], $0x4000  }
0x32: {  	[sflag:s21] =	ssyncset.done $0x0  }
0x33: {  	s12 =	rddreg [dreg:$0x5];
	[sflag:s21] =	ssyncadd.s32 $0xFFFFC000  }
0x34: {  	[spmem:s12] =	stream.linear.scatter [tilespmem:s20], [sflag:$0x7], $0x4000, $0x38;
	[tilespmem:$0x1C000] =	vst v63  }
0x35: {  	_ =	swait.ge [sflag:s21], $0x4000  }
0x36: {  	[sflag:s21] =	ssyncset.done $0x0  }
0x37: {  	s13 =	rddreg [dreg:$0x6];
	[sflag:s21] =	ssyncadd.s32 $0xFFFFC000  }
0x38: {  	[spmem:s13] =	stream.linear.scatter [tilespmem:s20], [sflag:$0x7], $0x4000, $0x38;
	[tilespmem:$0x1C000] =	vst v63  }
0x39: {  	_ =	swait.ge [sflag:s21], $0x4000  }
0x3a: {  	[sflag:s21] =	ssyncset.done $0x0  }
0x3b: {  	s12 =	rddreg [dreg:$0x7];
	[sflag:s21] =	ssyncadd.s32 $0xFFFFC000  }
0x3c: {  	[spmem:s12] =	stream.linear.scatter [tilespmem:s20], [sflag:$0x7], $0x3C00, $0x38;
	[tilespmem:$0x1C000] =	vst v63  }
0x3d: {  	_ =	swait.ge [sflag:s21], $0x3C00  }
0x3e: {  	[sflag:s21] =	ssyncset.done $0x0  }
0x3f: {  	[sflag:s21] =	ssyncadd.s32 $0xFFFFC400  }
0x40: {  	s11 =	simm.s32 $0x0;
	[bflag:$0x0] =	sbarrier.arrive $0xFFFF  }
0x41: {  	[tilespmem:s11], [sflag:$0x3] =	stream.linear.gather [hbm4b:s9+s11], $0x100, $0x38;
	[tilespmem:$0x1C000] =	vst v63  }
0x42: {  	s12 =	rddreg [dreg:$0x8]  }
0x43: {  	[tilespmem:s22], [sflag:$0x4] =	stream.linear.gather [hbm4b:s12+s11], $0x100, $0x38;
	[tilespmem:$0x1C000] =	vst v63  }
0x44: {  	_ =	swait.ge [sflag:s23], $0x100  }
0x45: {  	[sflag:s23] =	ssyncset.done $0x0  }
0x46: {  	[sflag:s23] =	ssyncadd.s32 $0xFFFFFF00  }
0x47: {  	[tilespmem:s20], [sflag:$0x1] =	stream.indirect.gather [hbm4b:s0+s24], $0x80, s11, s24, $0xb8;
	[tilespmem:$0x1C000] =	vst v63  }
0x48: {  	_ =	swait.ge [sflag:s25], $0x100  }
0x49: {  	[sflag:s25] =	ssyncset.done $0x0  }
0x4a: {  	[sflag:s25] =	ssyncadd.s32 $0xFFFFFF00  }
0x4b: {  	[tilespmem:s26], [sflag:$0x2] =	stream.indirect.gather [hbm4b:s0+s24], $0x80, s22, s24, $0xb8;
	[tilespmem:$0x1C000] =	vst v63  }
0x4c: {  	s13 =	rddreg [dreg:$0x9]  }
0x4d: {  	[tilespmem:s28], [sflag:$0x5] =	stream.linear.gather [hbm4b:s13+s11], $0x100, $0x38;
	[tilespmem:$0x1C000] =	vst v63  }
0x4e: {  	s13 =	rddreg [dreg:$0xa]  }
0x4f: {  	[tilespmem:s29], [sflag:$0x6] =	stream.linear.gather [hbm4b:s13+s11], $0x100, $0x38;
	[tilespmem:$0x1C000] =	vst v63  }
0x50: {  	_ =	swait.ge [sflag:s30], $0x4000  }
0x51: {  	[sflag:s30] =	ssyncset.done $0x0  }
0x52: {  	[sflag:s30] =	ssyncadd.s32 $0xFFFFC000  }
0x53: {  	[spmem:s3] =	stream.indirect.scatter.add.f32 [tilespmem:s20], [sflag:$0x7], $0x80, s24, s24, $0xb8;
	[tilespmem:$0x1C000] =	vst v63  }
0x54: {  	_ =	swait.ge [sflag:s21], $0x4000  }
0x55: {  	[sflag:s21] =	ssyncset.done $0x0  }
0x56: {  	s12 =	sadd.s32 $0x0, s19;
	[sflag:s21] =	ssyncadd.s32 $0xFFFFC000  }
0x57: {  	[tilespmem:s4], [sflag:$0x3] =	stream.linear.gather [hbm4b:s12+s4], $0x100, $0x38;
	[tilespmem:$0x1C000] =	vst v63  }
0x58: {  	_ =	swait.ge [sflag:s31], $0x100  }
0x59: {  	[sflag:s31] =	ssyncset.done $0x0  }
0x5a: {  	[sflag:s31] =	ssyncadd.s32 $0xFFFFFF00  }
0x5b: {  	[tilespmem:s20], [sflag:$0x1] =	stream.indirect.gather [hbm4b:s0+s24], $0x80, s28, s24, $0xb8;
	[tilespmem:$0x1C000] =	vst v63  }
0x5c: {  	_ =	swait.ge [sflag:s1], $0x4000  }
0x5d: {  	[sflag:s1] =	ssyncset.done $0x0  }
0x5e: {  	[sflag:s1] =	ssyncadd.s32 $0xFFFFC000  }
0x5f: {  	[spmem:s3] =	stream.indirect.scatter.add.f32 [tilespmem:s26], [sflag:$0x7], $0x80, s2, s24, $0xb8;
	[tilespmem:$0x1C000] =	vst v63  }
0x60: {  	_ =	swait.ge [sflag:s21], $0x4000  }
0x61: {  	[sflag:s21] =	ssyncset.done $0x0  }
0x62: {  	s13 =	sadd.s32 $0x0, s18;
	[sflag:s21] =	ssyncadd.s32 $0xFFFFC000  }
0x63: {  	[tilespmem:s22], [sflag:$0x4] =	stream.linear.gather [hbm4b:s13+s4], $0x100, $0x38;
	[tilespmem:$0x1C000] =	vst v63  }
0x64: {  	_ =	swait.ge [sflag:s6], $0x100  }
0x65: {  	[sflag:s6] =	ssyncset.done $0x0  }
0x66: {  	[sflag:s6] =	ssyncadd.s32 $0xFFFFFF00  }
0x67: {  	[tilespmem:s26], [sflag:$0x2] =	stream.indirect.gather [hbm4b:s0+s24], $0x80, s29, s24, $0xb8;
	[tilespmem:$0x1C000] =	vst v63  }
0x68: {  	_ =	swait.ge [sflag:s30], $0x4000  }
0x69: {  	[sflag:s30] =	ssyncset.done $0x0  }
0x6a: {  	[sflag:s30] =	ssyncadd.s32 $0xFFFFC000  }
0x6b: {  	[spmem:s3] =	stream.indirect.scatter.add.f32 [tilespmem:s20], [sflag:$0x7], $0x80, s7, s24, $0xb8;
	[tilespmem:$0x1C000] =	vst v63  }
0x6c: {  	_ =	swait.ge [sflag:s21], $0x4000  }
0x6d: {  	[sflag:s21] =	ssyncset.done $0x0  }
0x6e: {  	s12 =	sadd.s32 $0x0, s17;
	[sflag:s21] =	ssyncadd.s32 $0xFFFFC000  }
0x6f: {  	[tilespmem:s28], [sflag:$0x5] =	stream.linear.gather [hbm4b:s12+s4], $0x100, $0x38;
	[tilespmem:$0x1C000] =	vst v63  }
0x70: {  	_ =	swait.ge [sflag:s23], $0x100  }
0x71: {  	[sflag:s23] =	ssyncset.done $0x0  }
0x72: {  	[sflag:s23] =	ssyncadd.s32 $0xFFFFFF00  }
0x73: {  	[tilespmem:s20], [sflag:$0x1] =	stream.indirect.gather [hbm4b:s0+s24], $0x80, s4, s24, $0xb8;
	[tilespmem:$0x1C000] =	vst v63  }
0x74: {  	_ =	swait.ge [sflag:s1], $0x4000  }
0x75: {  	[sflag:s1] =	ssyncset.done $0x0  }
0x76: {  	[sflag:s1] =	ssyncadd.s32 $0xFFFFC000  }
0x77: {  	[spmem:s3] =	stream.indirect.scatter.add.f32 [tilespmem:s26], [sflag:$0x7], $0x80, s8, s24, $0xb8;
	[tilespmem:$0x1C000] =	vst v63  }
0x78: {  	_ =	swait.ge [sflag:s21], $0x4000  }
0x79: {  	[sflag:s21] =	ssyncset.done $0x0  }
0x7a: {  	s13 =	sadd.s32 $0x0, s16;
	[sflag:s21] =	ssyncadd.s32 $0xFFFFC000  }
0x7b: {  	[tilespmem:s29], [sflag:$0x6] =	stream.linear.gather [hbm4b:s13+s4], $0x100, $0x38;
	[tilespmem:$0x1C000] =	vst v63  }
0x7c: {  	_ =	swait.ge [sflag:s25], $0x100  }
0x7d: {  	[sflag:s25] =	ssyncset.done $0x0  }
0x7e: {  	s11 =	simm.s32 $0x80;
	[sflag:s25] =	ssyncadd.s32 $0xFFFFFF00  }
.LBB2_4:
0x7f: {  	[tilespmem:s26], [sflag:$0x2] =	stream.indirect.gather [hbm4b:s0+s24], $0x80, s22, s24, $0xb8;
	[tilespmem:$0x1C000] =	vst v63  }
0x80: {  	s12 =	smov.u32 s11  }
0x81: {  	p0 =	sne.s32 s11, $0x900;
	s11 =	sadd.s32 $0x80, s11;
	_ =	swait.ge [sflag:s30], $0x4000  }
0x82: {  	[sflag:s30] =	ssyncset.done $0x0  }
0x83: {  	[sflag:s30] =	ssyncadd.s32 $0xFFFFC000  }
0x84: {  	[spmem:s3] =	stream.indirect.scatter.add.f32 [tilespmem:s20], [sflag:$0x7], $0x80, s24, s24, $0xb8;
	[tilespmem:$0x1C000] =	vst v63  }
0x85: {  	_ =	swait.ge [sflag:s21], $0x4000  }
0x86: {  	[sflag:s21] =	ssyncset.done $0x0  }
0x87: {  	s13 =	sadd.s32 s12, s19;
	[sflag:s21] =	ssyncadd.s32 $0xFFFFC000  }
0x88: {  	[tilespmem:s4], [sflag:$0x3] =	stream.linear.gather [hbm4b:s13+s4], $0x100, $0x38;
	[tilespmem:$0x1C000] =	vst v63  }
0x89: {  	_ =	swait.ge [sflag:s31], $0x100  }
0x8a: {  	[sflag:s31] =	ssyncset.done $0x0  }
0x8b: {  	[sflag:s31] =	ssyncadd.s32 $0xFFFFFF00  }
0x8c: {  	[tilespmem:s20], [sflag:$0x1] =	stream.indirect.gather [hbm4b:s0+s24], $0x80, s28, s24, $0xb8;
	[tilespmem:$0x1C000] =	vst v63  }
0x8d: {  	_ =	swait.ge [sflag:s1], $0x4000  }
0x8e: {  	[sflag:s1] =	ssyncset.done $0x0  }
0x8f: {  	[sflag:s1] =	ssyncadd.s32 $0xFFFFC000  }
0x90: {  	[spmem:s3] =	stream.indirect.scatter.add.f32 [tilespmem:s26], [sflag:$0x7], $0x80, s2, s24, $0xb8;
	[tilespmem:$0x1C000] =	vst v63  }
0x91: {  	_ =	swait.ge [sflag:s21], $0x4000  }
0x92: {  	[sflag:s21] =	ssyncset.done $0x0  }
0x93: {  	s13 =	sadd.s32 s12, s18;
	[sflag:s21] =	ssyncadd.s32 $0xFFFFC000  }
0x94: {  	[tilespmem:s22], [sflag:$0x4] =	stream.linear.gather [hbm4b:s13+s4], $0x100, $0x38;
	[tilespmem:$0x1C000] =	vst v63  }
0x95: {  	_ =	swait.ge [sflag:s6], $0x100  }
0x96: {  	[sflag:s6] =	ssyncset.done $0x0  }
0x97: {  	[sflag:s6] =	ssyncadd.s32 $0xFFFFFF00  }
0x98: {  	[tilespmem:s26], [sflag:$0x2] =	stream.indirect.gather [hbm4b:s0+s24], $0x80, s29, s24, $0xb8;
	[tilespmem:$0x1C000] =	vst v63  }
0x99: {  	_ =	swait.ge [sflag:s30], $0x4000  }
0x9a: {  	[sflag:s30] =	ssyncset.done $0x0  }
0x9b: {  	[sflag:s30] =	ssyncadd.s32 $0xFFFFC000  }
0x9c: {  	[spmem:s3] =	stream.indirect.scatter.add.f32 [tilespmem:s20], [sflag:$0x7], $0x80, s7, s24, $0xb8;
	[tilespmem:$0x1C000] =	vst v63  }
0x9d: {  	_ =	swait.ge [sflag:s21], $0x4000  }
0x9e: {  	[sflag:s21] =	ssyncset.done $0x0  }
0x9f: {  	s13 =	sadd.s32 s12, s17;
	[sflag:s21] =	ssyncadd.s32 $0xFFFFC000  }
0xa0: {  	[tilespmem:s28], [sflag:$0x5] =	stream.linear.gather [hbm4b:s13+s4], $0x100, $0x38;
	[tilespmem:$0x1C000] =	vst v63  }
0xa1: {  	_ =	swait.ge [sflag:s23], $0x100  }
0xa2: {  	[sflag:s23] =	ssyncset.done $0x0  }
0xa3: {  	[sflag:s23] =	ssyncadd.s32 $0xFFFFFF00  }
0xa4: {  	[tilespmem:s20], [sflag:$0x1] =	stream.indirect.gather [hbm4b:s0+s24], $0x80, s4, s24, $0xb8;
	[tilespmem:$0x1C000] =	vst v63  }
0xa5: {  	_ =	swait.ge [sflag:s1], $0x4000  }
0xa6: {  	[sflag:s1] =	ssyncset.done $0x0  }
0xa7: {  	[sflag:s1] =	ssyncadd.s32 $0xFFFFC000  }
0xa8: {  	[spmem:s3] =	stream.indirect.scatter.add.f32 [tilespmem:s26], [sflag:$0x7], $0x80, s8, s24, $0xb8;
	[tilespmem:$0x1C000] =	vst v63  }
0xa9: {  	_ =	swait.ge [sflag:s21], $0x4000  }
0xaa: {  	[sflag:s21] =	ssyncset.done $0x0  }
.Ltmp1:
0xab: {  	s12 =	sadd.s32 s12, s16;
	[sflag:s21] =	ssyncadd.s32 $0xFFFFC000;
	(pc) =	sbr.rel @p0 .LBB2_4-.Ltmp1, $4  }
0xac: {  	[tilespmem:s29], [sflag:$0x6] =	stream.linear.gather [hbm4b:s12+s4], $0x100, $0x38;
	[tilespmem:$0x1C000] =	vst v63  }
0xad: {  	_ =	swait.ge [sflag:s25], $0x100  }
0xae: {  	[sflag:s25] =	ssyncset.done $0x0  }
0xaf: {  	[sflag:s25] =	ssyncadd.s32 $0xFFFFFF00  }
0xb0: {  	[tilespmem:s26], [sflag:$0x2] =	stream.indirect.gather [hbm4b:s0+s24], $0x80, s22, s24, $0xb8;
	[tilespmem:$0x1C000] =	vst v63  }
0xb1: {  	_ =	swait.ge [sflag:s30], $0x4000  }
0xb2: {  	[sflag:s30] =	ssyncset.done $0x0  }
0xb3: {  	[sflag:s30] =	ssyncadd.s32 $0xFFFFC000  }
0xb4: {  	[spmem:s3] =	stream.indirect.scatter.add.f32 [tilespmem:s20], [sflag:$0x7], $0x80, s24, s24, $0xb8;
	[tilespmem:$0x1C000] =	vst v63  }
0xb5: {  	_ =	swait.ge [sflag:s21], $0x4000  }
0xb6: {  	[sflag:s21] =	ssyncset.done $0x0  }
0xb7: {  	[sflag:s21] =	ssyncadd.s32 $0xFFFFC000  }
0xb8: {  	_ =	swait.ge [sflag:s31], $0x100  }
0xb9: {  	[sflag:s31] =	ssyncset.done $0x0  }
0xba: {  	[sflag:s31] =	ssyncadd.s32 $0xFFFFFF00  }
0xbb: {  	[tilespmem:s20], [sflag:$0x1] =	stream.indirect.gather [hbm4b:s0+s24], $0x80, s28, s24, $0xb8;
	[tilespmem:$0x1C000] =	vst v63  }
0xbc: {  	_ =	swait.ge [sflag:s1], $0x4000  }
0xbd: {  	[sflag:s1] =	ssyncset.done $0x0  }
0xbe: {  	[sflag:s1] =	ssyncadd.s32 $0xFFFFC000  }
0xbf: {  	[spmem:s3] =	stream.indirect.scatter.add.f32 [tilespmem:s26], [sflag:$0x7], $0x80, s2, s24, $0xb8;
	[tilespmem:$0x1C000] =	vst v63  }
0xc0: {  	_ =	swait.ge [sflag:s21], $0x4000  }
0xc1: {  	[sflag:s21] =	ssyncset.done $0x0  }
0xc2: {  	[sflag:s21] =	ssyncadd.s32 $0xFFFFC000  }
0xc3: {  	_ =	swait.ge [sflag:s6], $0x100  }
0xc4: {  	[sflag:s6] =	ssyncset.done $0x0  }
0xc5: {  	[sflag:s6] =	ssyncadd.s32 $0xFFFFFF00  }
0xc6: {  	[tilespmem:s26], [sflag:$0x2] =	stream.indirect.gather [hbm4b:s0+s24], $0x80, s29, s24, $0xb8;
	[tilespmem:$0x1C000] =	vst v63  }
0xc7: {  	_ =	swait.ge [sflag:s30], $0x4000  }
0xc8: {  	[sflag:s30] =	ssyncset.done $0x0  }
0xc9: {  	[sflag:s30] =	ssyncadd.s32 $0xFFFFC000  }
0xca: {  	[spmem:s3] =	stream.indirect.scatter.add.f32 [tilespmem:s20], [sflag:$0x7], $0x80, s7, s24, $0xb8;
	[tilespmem:$0x1C000] =	vst v63  }
0xcb: {  	_ =	swait.ge [sflag:s21], $0x4000  }
0xcc: {  	[sflag:s21] =	ssyncset.done $0x0  }
0xcd: {  	[sflag:s21] =	ssyncadd.s32 $0xFFFFC000  }
0xce: {  	_ =	swait.ge [sflag:s1], $0x4000  }
0xcf: {  	[sflag:s1] =	ssyncset.done $0x0  }
0xd0: {  	[sflag:s1] =	ssyncadd.s32 $0xFFFFC000  }
0xd1: {  	[spmem:s3] =	stream.indirect.scatter.add.f32 [tilespmem:s26], [sflag:$0x7], $0x80, s8, s24, $0xb8;
	[tilespmem:$0x1C000] =	vst v63  }
0xd2: {  	s11 =	stileid.u32;
	_ =	swait.ge [sflag:s21], $0x4000  }
0xd3: {  	s12 =	sshrl.u32 s5, $0x3;
	s10 =	sadd.s32 $0x1, s10;
	[sflag:s21] =	ssyncset.done $0x0  }
0xd4: {  	s11 =	sshll.u32 s11, $0x6;
	p0 =	sne.s32 s10, s15;
	[sflag:s21] =	ssyncadd.s32 $0xFFFFC000  }
.Ltmp2:
0xd5: {  	s11 =	sor.u32 $0x1C07, s11;
	[bflag:$0x0] =	sbarrier.arrive $0xFFFF;
	(pc) =	sbr.rel @p0 .LBB2_1-.Ltmp2, $4  }
0xd6: {  	[hbm:s14], [sflag:s11] =	dma.local [spmem:s12], $0x2780  }
0xd7: {  	_ =	swait.ge [sflag:s21], $0x2780  }
0xd8: {  	[sflag:s21] =	ssyncset.done $0x0  }
0xd9: {  	[sflag:s21] =	ssyncadd.s32 $0xFFFFD880  }
0xda: {  	_ =	sfence.sel $0x180000  }
0xdb: {  	[bflag:$0x0] =	sbarrier.arrive $0xFFFF  }
0xdc: {  	_ =	strace $0x90000050  }
0xdd: {  	s0 =	stileid.u32;
	[bflag:$0x2] =	sbarrier.arrive $0xFFFF  }
0xde: {  	p0 =	sne.s32 s0, $0x0;
	s0 =	rddreg [dreg:$0x3]  }
0xdf: {  	s0 =	sadd.s32 @!p0 $0x100000, s0  }
0xe0: {  	[sflag:s0] =	ssyncadd.tile.s32 @!p0 $0x1;
	_ =	shalt  }
.Lfunc_end2:
_tile_overlayer_lowered:
.L_overlay_start_2:
0xe1: {  	(tag) =	ssettag $0x2  }
0xe2: {  	s0 =	rddreg [dreg:$0x0];
	s2 =	stileid.u32  }
0xe3: {  	s1 =	rddreg [dreg:$0x1];
	p0 =	sne.s32 s2, $0x0  }
0xe4: {  	s3 =	rddreg [dreg:$0x2];
	[bflag:$0x3] =	sbarrier.arrive $0xFFFF;
	s2 =	simm.s32 @!p0 $0x1C07  }
0xe5: {  	[timem:s3], [sflag:s2] =	dma.local @!p0 [hbm:s0], s1  }
0xe6: {  	s0 =	simm.s32 @!p0 $0x7  }
0xe7: {  	_ =	swait.ge @!p0 [sflag:s0], s1  }
0xe8: {  	s1 =	ssub.s32 @!p0 $0x0, s1;
	[sflag:s0] =	ssyncset.done @!p0 $0x0  }
0xe9: {  	[sflag:s0] =	ssyncadd.s32 @!p0 s1  }
0xea: {  	[bflag:$0x3] =	sbarrier.arrive $0xFFFF  }
0xeb: {  	_ =	shalt  }

</sc_bundles>
